<compile_context>
chip_gen: v7x
topology: tpu7x:2x2x1
jax: 0.10.2.dev20260603
libtpu: 0.0.44.dev20260713+nightly
codegen_flags: <defaults>
</compile_context>

<pallas_src>
import functools

import jax
import jax.numpy as jnp
from jax import lax
from jax.experimental import pallas as pl
from jax.experimental.pallas import tpu as pltpu
from jax.experimental.pallas import tpu_sc as plsc

N = 10000
D = 128
NPAD = 10240
NC = 2
NS = 16
NW = NC * NS
EB = 128
IB = 8
EB5 = 64
IB5 = 32
CHUNK = NPAD // NS
GRID = 4
BLK = NPAD // GRID
F32 = jnp.float32


def _sc_mesh():
    return plsc.VectorSubcoreMesh(core_axis_name="c", subcore_axis_name="s")


_GD = lax.GatherDimensionNumbers(offset_dims=(), collapsed_slice_dims=(0,),
                                 start_index_map=(0,))


def _lane_pick(v, idx16):
    return lax.gather(v, idx16[:, None], _GD, (1,),
                      mode=lax.GatherScatterMode.PROMISE_IN_BOUNDS)


def _deg_call(nb):
    @functools.partial(
        pl.kernel,
        out_type=jax.ShapeDtypeStruct((NC * NPAD,), F32),
        mesh=_sc_mesh(),
        scratch_types=[
            pltpu.VMEM((nb, EB), jnp.int32),
            pltpu.VMEM((EB,), F32),
            pltpu.VMEM((EB,), F32),
            pltpu.VMEM_SHARED((NPAD,), F32),
        ],
    )
    def deg_kernel(col_hbm, zeros1_hbm, out_hbm, colv, ones_v, zbuf, acc):
        c = lax.axis_index("c")
        s = lax.axis_index("s")
        w = c * NS + s
        pltpu.sync_copy(zeros1_hbm, zbuf)
        for i in range(CHUNK // EB):
            pltpu.sync_copy(zbuf, acc.at[pl.ds(s * CHUNK + i * EB, EB)])
        pltpu.sync_copy(col_hbm.at[w], colv)
        for k in range(EB // 16):
            ones_v[pl.ds(k * 16, 16)] = jnp.full((16,), 1.0, F32)
        plsc.subcore_barrier()

        def body(j, carry):
            pltpu.sync_copy(ones_v, acc.at[colv.at[j]], add=True)
            return carry

        lax.fori_loop(0, nb, body, 0)
        plsc.subcore_barrier()
        for i in range(CHUNK // EB):
            pltpu.sync_copy(acc.at[pl.ds(s * CHUNK + i * EB, EB)], zbuf)
            pltpu.sync_copy(
                zbuf, out_hbm.at[pl.ds(c * NPAD + s * CHUNK + i * EB, EB)])

    return deg_kernel


def _gcn_agg_call(nb):
    @functools.partial(
        pl.kernel,
        out_type=jax.ShapeDtypeStruct((NC, NPAD, D), F32),
        mesh=_sc_mesh(),
        scratch_types=[
            pltpu.VMEM((IB, EB), jnp.int32),
            pltpu.VMEM((IB, EB), jnp.int32),
            pltpu.VMEM((EB, D), F32),
            pltpu.VMEM((EB, D), F32),
            pltpu.SemaphoreType.DMA,
            pltpu.SemaphoreType.DMA,
            pltpu.SemaphoreType.DMA,
            pltpu.SemaphoreType.DMA,
            pltpu.VMEM_SHARED((NPAD, D), F32),
        ],
    )
    def gcn_kernel(y_hbm, row_hbm, col_hbm, zeros2_hbm, out_hbm,
                   rowb, colb, win0, win1, semg0, semg1, sems0, sems1, acc):
        c = lax.axis_index("c")
        s = lax.axis_index("s")
        w = c * NS + s
        pltpu.sync_copy(zeros2_hbm, win0)
        for i in range(CHUNK // EB):
            pltpu.sync_copy(win0, acc.at[pl.ds(s * CHUNK + i * EB, EB)])
        plsc.subcore_barrier()

        def refill(r, carry):
            pltpu.sync_copy(row_hbm.at[w, pl.ds(r * IB, IB)], rowb)
            pltpu.sync_copy(col_hbm.at[w, pl.ds(r * IB, IB)], colb)
            pltpu.async_copy(y_hbm.at[rowb.at[0]], win0, semg0)

            def body(bb, carry2):
                b0 = bb * 2
                b1 = b0 + 1
                pltpu.make_async_copy(y_hbm.at[rowb.at[b0]],
                                      win0, semg0).wait()

                @pl.when(bb > 0)
                def _():
                    pltpu.make_async_copy(win1, acc.at[colb.at[0]],
                                          sems1).wait()

                pltpu.async_copy(y_hbm.at[rowb.at[b1]], win1, semg1)
                pltpu.async_copy(win0, acc.at[colb.at[b0]], sems0, add=True)
                pltpu.make_async_copy(y_hbm.at[rowb.at[b1]],
                                      win1, semg1).wait()
                pltpu.make_async_copy(win0, acc.at[colb.at[0]],
                                      sems0).wait()

                @pl.when(bb < IB // 2 - 1)
                def _():
                    pltpu.async_copy(y_hbm.at[rowb.at[b0 + 2]], win0, semg0)

                pltpu.async_copy(win1, acc.at[colb.at[b1]], sems1, add=True)
                return carry2

            lax.fori_loop(0, IB // 2, body, 0)
            pltpu.make_async_copy(win1, acc.at[colb.at[0]], sems1).wait()
            return carry

        lax.fori_loop(0, nb // IB, refill, 0)
        plsc.subcore_barrier()
        for i in range(CHUNK // EB):
            pltpu.sync_copy(acc.at[pl.ds(s * CHUNK + i * EB, EB)], win0)
            pltpu.sync_copy(win0,
                            out_hbm.at[c, pl.ds(s * CHUNK + i * EB, EB)])

    return gcn_kernel


def _gat_edge_call(nb5):
    @functools.partial(
        pl.kernel,
        out_type=[
            jax.ShapeDtypeStruct((NC, NPAD, D), F32),
            jax.ShapeDtypeStruct((NC * NPAD,), F32),
        ],
        mesh=_sc_mesh(),
        compiler_params=pltpu.CompilerParams(needs_layout_passes=False),
        scratch_types=[
            pltpu.VMEM((IB5, EB5), jnp.int32),
            pltpu.VMEM((IB5, EB5), jnp.int32),
            pltpu.VMEM((EB5, D), F32),
            pltpu.VMEM((EB5, D), F32),
            pltpu.VMEM((EB5, D), F32),
            pltpu.VMEM((EB5, D), F32),
            pltpu.VMEM((EB5,), F32),
            pltpu.VMEM((EB5,), F32),
            pltpu.VMEM((EB5,), F32),
            pltpu.VMEM((EB5,), F32),
            pltpu.VMEM((D,), F32),
            pltpu.SemaphoreType.DMA,
            pltpu.SemaphoreType.DMA,
            pltpu.SemaphoreType.DMA,
            pltpu.SemaphoreType.DMA,
            pltpu.VMEM_SHARED((NPAD, D), F32),
            pltpu.VMEM_SHARED((NPAD,), F32),
        ],
    )
    def gat_kernel(xl_hbm, xr_hbm, sl_hbm, att_hbm, row_hbm, col_hbm,
                   zeros2_hbm, zeros1_hbm, num_hbm, den_hbm,
                   rowb, colb, uw0, uw1, xlw0, xlw1, slw0, slw1, pv0, pv1,
                   attv, semg0, semg1, sems0, sems1, num, den):
        c = lax.axis_index("c")
        s = lax.axis_index("s")
        w = c * NS + s
        pltpu.sync_copy(zeros2_hbm, uw0)
        pltpu.sync_copy(zeros1_hbm, pv0)
        for i in range(CHUNK // EB5):
            pltpu.sync_copy(uw0, num.at[pl.ds(s * CHUNK + i * EB5, EB5)])
            pltpu.sync_copy(pv0, den.at[pl.ds(s * CHUNK + i * EB5, EB5)])
        pltpu.sync_copy(att_hbm, attv)
        plsc.subcore_barrier()

        att_chunks = [attv[pl.ds(k * 16, 16)] for k in range(D // 16)]
        iota = lax.iota(jnp.int32, 16)
        lane0 = iota == 0
        idx15 = jnp.full((16,), 15, jnp.int32)

        sets = ((uw0, xlw0, slw0, pv0, semg0, sems0),
                (uw1, xlw1, slw1, pv1, semg1, sems1))

        def issue_g(b, st):
            uwx, xlwx, slwx, _, gsem, _ = st
            pltpu.async_copy(xl_hbm.at[rowb.at[b]], xlwx, gsem)
            pltpu.async_copy(xr_hbm.at[colb.at[b]], uwx, gsem)
            pltpu.async_copy(sl_hbm.at[colb.at[b]], slwx, gsem)

        def drain_g(st):
            uwx, xlwx, slwx, _, gsem, _ = st
            pltpu.make_async_copy(xl_hbm.at[rowb.at[0]], xlwx, gsem).wait()
            pltpu.make_async_copy(xr_hbm.at[colb.at[0]], uwx, gsem).wait()
            pltpu.make_async_copy(sl_hbm.at[colb.at[0]], slwx, gsem).wait()

        def issue_s(b, st):
            uwx, _, _, pvx, _, ssem = st
            pltpu.async_copy(uwx, num.at[colb.at[b]], ssem, add=True)
            pltpu.async_copy(pvx, den.at[colb.at[b]], ssem, add=True)

        def drain_s(st):
            uwx, _, _, pvx, _, ssem = st
            pltpu.make_async_copy(uwx, num.at[colb.at[0]], ssem).wait()
            pltpu.make_async_copy(pvx, den.at[colb.at[0]], ssem).wait()

        def compute(st):
            uwx, xlwx, slwx, pvx, _, _ = st

            @plsc.parallel_loop(0, EB5, unroll=2)
            def crow(r):
                acc = jnp.zeros((16,), F32)
                a_chunks = []
                for k in range(D // 16):
                    a = xlwx[r, pl.ds(k * 16, 16)]
                    b = uwx[r, pl.ds(k * 16, 16)]
                    a_chunks.append(a)
                    u = a + b
                    lr = jnp.where(u >= 0.0, u, 0.2 * u)
                    acc = acc + lr * att_chunks[k]
                cum = plsc.cumsum(acc)
                sc = _lane_pick(cum, idx15)
                base = (r // 16) * 16
                slchunk = slwx[pl.ds(base, 16)]
                slr = _lane_pick(slchunk,
                                 jnp.full((16,), lax.rem(r, 16), jnp.int32))
                q = jnp.exp(sc - slr)
                for k in range(D // 16):
                    uwx[r, pl.ds(k * 16, 16)] = a_chunks[k] * q
                plsc.store_scatter(pvx, [jnp.full((16,), r, jnp.int32)], q,
                                   mask=lane0)

        def refill(rr, carry):
            pltpu.sync_copy(row_hbm.at[w, pl.ds(rr * IB5, IB5)], rowb)
            pltpu.sync_copy(col_hbm.at[w, pl.ds(rr * IB5, IB5)], colb)
            issue_g(0, sets[0])

            def inner(bb, carry2):
                b0 = bb * 2
                b1 = b0 + 1
                drain_g(sets[0])

                @pl.when(bb > 0)
                def _():
                    drain_s(sets[1])

                issue_g(b1, sets[1])
                compute(sets[0])
                issue_s(b0, sets[0])
                drain_g(sets[1])
                compute(sets[1])
                drain_s(sets[0])

                @pl.when(bb < IB5 // 2 - 1)
                def _():
                    issue_g(b0 + 2, sets[0])

                issue_s(b1, sets[1])
                return carry2

            lax.fori_loop(0, IB5 // 2, inner, 0)
            drain_s(sets[1])
            return carry

        lax.fori_loop(0, nb5 // IB5, refill, 0)
        plsc.subcore_barrier()
        for i in range(CHUNK // EB5):
            pltpu.sync_copy(num.at[pl.ds(s * CHUNK + i * EB5, EB5)], uw0)
            pltpu.sync_copy(uw0,
                            num_hbm.at[c, pl.ds(s * CHUNK + i * EB5, EB5)])
            pltpu.sync_copy(den.at[pl.ds(s * CHUNK + i * EB5, EB5)], pv0)
            pltpu.sync_copy(
                pv0, den_hbm.at[pl.ds(c * NPAD + s * CHUNK + i * EB5, EB5)])

    return gat_kernel


def _tc_prep(xp, W, d0, d1):
    def body(x_ref, w_ref, d0_ref, d1_ref, y_ref, dis_ref):
        deg = d0_ref[...] + d1_ref[...] + 1.0
        dis = lax.rsqrt(deg)
        xw = jnp.dot(x_ref[...], w_ref[...], preferred_element_type=F32)
        y_ref[...] = xw * dis
        dis_ref[...] = dis

    return pl.pallas_call(
        body,
        grid=(GRID,),
        in_specs=[
            pl.BlockSpec((BLK, D), lambda i: (i, 0)),
            pl.BlockSpec((D, D), lambda i: (0, 0)),
            pl.BlockSpec((BLK, 1), lambda i: (i, 0)),
            pl.BlockSpec((BLK, 1), lambda i: (i, 0)),
        ],
        out_specs=[
            pl.BlockSpec((BLK, D), lambda i: (i, 0)),
            pl.BlockSpec((BLK, 1), lambda i: (i, 0)),
        ],
        out_shape=[
            jax.ShapeDtypeStruct((NPAD, D), F32),
            jax.ShapeDtypeStruct((NPAD, 1), F32),
        ],
    )(xp, W, d0, d1)


def _tc_mid(acc0, acc1, y, dis, b_gcn, ln_g, ln_b, Wl, Wr, att):
    def body(a0, a1, y_ref, dis_ref, bg, lg, lb, wl, wr, at,
             xl_ref, xr_ref, sl_ref):
        pre = (a0[...] + a1[...] + y_ref[...]) * dis_ref[...] + bg[...]
        hr = jnp.maximum(pre, 0.0)
        mu = jnp.mean(hr, axis=1, keepdims=True)
        xc = hr - mu
        var = jnp.mean(xc * xc, axis=1, keepdims=True)
        h = xc * lax.rsqrt(var + 1e-5) * lg[...] + lb[...]
        xl = jnp.dot(h, wl[...], preferred_element_type=F32)
        xr = jnp.dot(h, wr[...], preferred_element_type=F32)
        u = xl + xr
        lr = jnp.where(u >= 0.0, u, 0.2 * u)
        sl_ref[...] = jnp.sum(lr * at[...], axis=1, keepdims=True)
        xl_ref[...] = xl
        xr_ref[...] = xr

    return pl.pallas_call(
        body,
        grid=(GRID,),
        in_specs=[
            pl.BlockSpec((BLK, D), lambda i: (i, 0)),
            pl.BlockSpec((BLK, D), lambda i: (i, 0)),
            pl.BlockSpec((BLK, D), lambda i: (i, 0)),
            pl.BlockSpec((BLK, 1), lambda i: (i, 0)),
            pl.BlockSpec((1, D), lambda i: (0, 0)),
            pl.BlockSpec((1, D), lambda i: (0, 0)),
            pl.BlockSpec((1, D), lambda i: (0, 0)),
            pl.BlockSpec((D, D), lambda i: (0, 0)),
            pl.BlockSpec((D, D), lambda i: (0, 0)),
            pl.BlockSpec((1, D), lambda i: (0, 0)),
        ],
        out_specs=[
            pl.BlockSpec((BLK, D), lambda i: (i, 0)),
            pl.BlockSpec((BLK, D), lambda i: (i, 0)),
            pl.BlockSpec((BLK, 1), lambda i: (i, 0)),
        ],
        out_shape=[
            jax.ShapeDtypeStruct((NPAD, D), F32),
            jax.ShapeDtypeStruct((NPAD, D), F32),
            jax.ShapeDtypeStruct((NPAD, 1), F32),
        ],
    )(acc0, acc1, y, dis, b_gcn, ln_g, ln_b, Wl, Wr, att)


def _tc_out(num0, num1, xl, den0, den1, b_gat):
    def body(n0, n1, xl_ref, d0_ref, d1_ref, bg, out_ref):
        dent = d0_ref[...] + d1_ref[...] + 1.0 + 1e-16
        o = (n0[...] + n1[...] + xl_ref[...]) / dent + bg[...]
        out_ref[...] = jnp.maximum(o, 0.0)

    return pl.pallas_call(
        body,
        grid=(GRID,),
        in_specs=[
            pl.BlockSpec((BLK, D), lambda i: (i, 0)),
            pl.BlockSpec((BLK, D), lambda i: (i, 0)),
            pl.BlockSpec((BLK, D), lambda i: (i, 0)),
            pl.BlockSpec((BLK, 1), lambda i: (i, 0)),
            pl.BlockSpec((BLK, 1), lambda i: (i, 0)),
            pl.BlockSpec((1, D), lambda i: (0, 0)),
        ],
        out_specs=pl.BlockSpec((BLK, D), lambda i: (i, 0)),
        out_shape=jax.ShapeDtypeStruct((NPAD, D), F32),
    )(num0, num1, xl, den0, den1, b_gat)


def kernel(x, edge_index, W_gcn, b_gcn, ln_g, ln_b, Wl, Wr, att, b_gat):
    ei = edge_index.astype(jnp.int32)
    E = ei.shape[1]
    per = NW * EB * 16
    nb = 16 * (-(-E // per))
    Ep = NW * nb * EB
    nb5 = Ep // (NW * EB5)
    pad = Ep - E
    dmy = N + (jnp.arange(pad, dtype=jnp.int32) % (NPAD - N))
    rowf = jnp.concatenate([ei[0], dmy])
    colf = jnp.concatenate([ei[1], dmy])
    row = rowf.reshape(NW, nb, EB)
    col = colf.reshape(NW, nb, EB)
    row5 = rowf.reshape(NW, nb5, EB5)
    col5 = colf.reshape(NW, nb5, EB5)
    zeros2 = jnp.zeros((EB, D), F32)
    zeros1 = jnp.zeros((EB,), F32)
    xp = jnp.zeros((NPAD, D), F32).at[:N].set(x)

    degp = _deg_call(nb)(col, zeros1)
    y, dis = _tc_prep(xp, W_gcn, degp[:NPAD][:, None], degp[NPAD:][:, None])
    accp = _gcn_agg_call(nb)(y, row, col, zeros2)
    xl, xr, sl = _tc_mid(accp[0], accp[1], y, dis,
                         b_gcn.reshape(1, D), ln_g.reshape(1, D),
                         ln_b.reshape(1, D), Wl, Wr, att.reshape(1, D))
    nump, denp = _gat_edge_call(nb5)(xl, xr, sl.reshape(NPAD), att,
                                     row5, col5, zeros2[:EB5], zeros1[:EB5])
    out = _tc_out(nump[0], nump[1], xl,
                  denp[:NPAD][:, None], denp[NPAD:][:, None],
                  b_gat.reshape(1, D))
    return out[:N]

# --- scband reference (transcript-rebuilt; emitter-appended) ---
"""Pipeline reference for scband-gcn-63204738728336 (READ-ONLY COPY).

The authoritative reference and input builder live on the scoring server;
editing this copy changes nothing except your own understanding.
"""

import jax, jax.numpy as jnp
import numpy as np

N_NODES = 10000
N_EDGES = 320000
D_IN = 128
D_H = 128
D_OUT = 128


def setup_inputs(seed: int = 0) -> dict:
    key = jax.random.key(seed)
    ks = jax.random.split(key, 12)
    x = jax.random.normal(ks[0], (N_NODES, D_IN), dtype=jnp.float32)
    edge_index = jax.random.randint(ks[1], (2, N_EDGES), 0, N_NODES, dtype=jnp.int64)
    s = 1.0 / np.sqrt(D_IN)
    W_gcn = jax.random.uniform(ks[2], (D_IN, D_H), minval=-s, maxval=s, dtype=jnp.float32)
    b_gcn = jnp.zeros((D_H,), dtype=jnp.float32)
    ln_g = jnp.ones((D_H,), dtype=jnp.float32)
    ln_b = jnp.zeros((D_H,), dtype=jnp.float32)
    s2 = 1.0 / np.sqrt(D_H)
    Wl = jax.random.uniform(ks[3], (D_H, D_OUT), minval=-s2, maxval=s2, dtype=jnp.float32)
    Wr = jax.random.uniform(ks[4], (D_H, D_OUT), minval=-s2, maxval=s2, dtype=jnp.float32)
    att = jax.random.uniform(ks[5], (D_OUT,), minval=-s2, maxval=s2, dtype=jnp.float32)
    b_gat = jnp.zeros((D_OUT,), dtype=jnp.float32)
    return {"x": x, "edge_index": edge_index, "W_gcn": W_gcn, "b_gcn": b_gcn,
            "ln_g": ln_g, "ln_b": ln_b, "Wl": Wl, "Wr": Wr, "att": att, "b_gat": b_gat}


def _add_self_loops(edge_index, n):
    loops = jnp.arange(n, dtype=edge_index.dtype)
    return jnp.concatenate([edge_index, jnp.stack([loops, loops])], axis=1)


def _gcn_conv(x, edge_index, W, b, n):
    ei = _add_self_loops(edge_index, n)
    row, col = ei[0], ei[1]
    xw = x @ W
    deg = jax.ops.segment_sum(jnp.ones(row.shape[0], dtype=xw.dtype), col, num_segments=n)
    dis = jnp.where(deg > 0, 1.0 / jnp.sqrt(jnp.where(deg > 0, deg, 1.0)), 0.0)
    norm = dis[row] * dis[col]
    out = jax.ops.segment_sum(norm[:, None] * xw[row], col, num_segments=n)
    return out + b


def _layer_norm(h, g, b, eps=1e-5):
    mu = jnp.mean(h, axis=-1, keepdims=True)
    var = jnp.mean((h - mu) ** 2, axis=-1, keepdims=True)
    return (h - mu) / jnp.sqrt(var + eps) * g + b


def _gatv2_conv(x, edge_index, Wl, Wr, att, b, n):
    ei = _add_self_loops(edge_index, n)
    row, col = ei[0], ei[1]
    xl = x @ Wl
    xr = x @ Wr
    e = jax.nn.leaky_relu(xl[row] + xr[col], negative_slope=0.2)
    score = e @ att
    m = jax.ops.segment_max(score, col, num_segments=n)
    m = jnp.where(jnp.isfinite(m), m, 0.0)
    ex = jnp.exp(score - m[col])
    denom = jax.ops.segment_sum(ex, col, num_segments=n)
    alpha = ex / (denom[col] + 1e-16)
    out = jax.ops.segment_sum(alpha[:, None] * xl[row], col, num_segments=n)
    return out + b


def reference(x, edge_index, W_gcn, b_gcn, ln_g, ln_b, Wl, Wr, att, b_gat):
    n = x.shape[0]
    h = jax.nn.relu(_gcn_conv(x, edge_index, W_gcn, b_gcn, n))
    h = _layer_norm(h, ln_g, ln_b)
    out = jax.nn.relu(_gatv2_conv(h, edge_index, Wl, Wr, att, b_gat, n))
    return out

if __name__ == "__main__":
    import jax
    _d = setup_inputs()
    print(jax.jit(kernel)(*tuple(_d.values())))

</pallas_src>

<mosaic_0001>
#map = affine_map<(d0, d1) -> (0, 0)>
#map1 = affine_map<(d0, d1) -> (0, 0, 0)>
module attributes {stable_mosaic.version = 14 : i64} {
  func.func @gcn_kernel(%arg0: i32, %arg1: i32, %arg2: memref<10240x128xf32, #tpu.memory_space<hbm>>, %arg3: memref<32x80x128xi32, #tpu.memory_space<hbm>>, %arg4: memref<32x80x128xi32, #tpu.memory_space<hbm>>, %arg5: memref<128x128xf32, #tpu.memory_space<hbm>>, %arg6: memref<2x10240x128xf32, #tpu.memory_space<hbm>>, %arg7: memref<8x128xi32, #tpu.memory_space<vmem>>, %arg8: memref<8x128xi32, #tpu.memory_space<vmem>>, %arg9: memref<128x128xf32, #tpu.memory_space<vmem>>, %arg10: memref<128x128xf32, #tpu.memory_space<vmem>>, %arg11: memref<!tpu.dma_semaphore, #tpu.memory_space<semaphore_mem>>, %arg12: memref<!tpu.dma_semaphore, #tpu.memory_space<semaphore_mem>>, %arg13: memref<!tpu.dma_semaphore, #tpu.memory_space<semaphore_mem>>, %arg14: memref<!tpu.dma_semaphore, #tpu.memory_space<semaphore_mem>>, %arg15: memref<10240x128xf32, #tpu.memory_space<vmem_shared>>) attributes {dimension_semantics = [#tpu.dimension_semantics<core_parallel>, #tpu.dimension_semantics<subcore_parallel>], iteration_bounds = array<i64: 2, 16>, scalar_prefetch = 0 : i64, scratch_operands = 9 : i64, tpu.core_type = #tpu.core_type<sc_vector_subcore>, window_params = [{transform_indices = #map}, {transform_indices = #map1}, {transform_indices = #map1}, {transform_indices = #map}, {transform_indices = #map1}]} {
    %mul3A = arith.constant 16 : i32
    %mul3A_0 = arith.muli %arg0, %mul3A : i32
    %add3A = arith.addi %mul3A_0, %arg1 : i32
    "tpu.region"() ({
      %run_scoped3A = tpu.sem_alloc : memref<!tpu.dma_semaphore, #tpu.memory_space<semaphore_mem>>
      tpu.enqueue_dma source(%arg5 : memref<128x128xf32, #tpu.memory_space<hbm>>) target(%arg9 : memref<128x128xf32, #tpu.memory_space<vmem>>) target_semaphore(%run_scoped3A : memref<!tpu.dma_semaphore, #tpu.memory_space<semaphore_mem>>)
      tpu.wait_dma2 semaphore(%run_scoped3A : memref<!tpu.dma_semaphore, #tpu.memory_space<semaphore_mem>>) src(%arg5 : memref<128x128xf32, #tpu.memory_space<hbm>>) dst(%arg9 : memref<128x128xf32, #tpu.memory_space<vmem>>)
      tpu.yield
    }) : () -> ()
    %mul3A_1 = arith.constant 640 : i32
    %mul3A_2 = arith.muli %arg1, %mul3A_1 : i32
    %add3A_3 = arith.constant 0 : i32
    %add3A_4 = arith.addi %mul3A_2, %add3A_3 : i32
    "tpu.region"() ({
      %run_scoped3A = tpu.sem_alloc : memref<!tpu.dma_semaphore, #tpu.memory_space<semaphore_mem>>
      %dma_start3A = arith.constant 0 : i32
      %dma_start3A_67 = tpu.memref_slice %arg15[%add3A_4, %dma_start3A] : memref<10240x128xf32, #tpu.memory_space<vmem_shared>> -> memref<128x128xf32, #tpu.memory_space<vmem_shared>>
      %dma_start3A_68 = arith.constant 0 : i32
      %dma_start3A_69 = tpu.memref_slice %arg15[%add3A_4, %dma_start3A_68] : memref<10240x128xf32, #tpu.memory_space<vmem_shared>> -> memref<128x128xf32, #tpu.memory_space<vmem_shared>>
      tpu.enqueue_dma source(%arg9 : memref<128x128xf32, #tpu.memory_space<vmem>>) target(%dma_start3A_69 : memref<128x128xf32, #tpu.memory_space<vmem_shared>>) target_semaphore(%run_scoped3A : memref<!tpu.dma_semaphore, #tpu.memory_space<semaphore_mem>>)
      %dma_wait3A = arith.constant 0 : i32
      %dma_wait3A_70 = tpu.memref_slice %arg15[%add3A_4, %dma_wait3A] : memref<10240x128xf32, #tpu.memory_space<vmem_shared>> -> memref<128x128xf32, #tpu.memory_space<vmem_shared>>
      %dma_wait3A_71 = arith.constant 0 : i32
      %dma_wait3A_72 = tpu.memref_slice %arg15[%add3A_4, %dma_wait3A_71] : memref<10240x128xf32, #tpu.memory_space<vmem_shared>> -> memref<128x128xf32, #tpu.memory_space<vmem_shared>>
      tpu.wait_dma2 semaphore(%run_scoped3A : memref<!tpu.dma_semaphore, #tpu.memory_space<semaphore_mem>>) src(%arg9 : memref<128x128xf32, #tpu.memory_space<vmem>>) dst(%dma_wait3A_72 : memref<128x128xf32, #tpu.memory_space<vmem_shared>>)
      tpu.yield
    }) : () -> ()
    %mul3A_5 = arith.constant 640 : i32
    %mul3A_6 = arith.muli %arg1, %mul3A_5 : i32
    %add3A_7 = arith.constant 128 : i32
    %add3A_8 = arith.addi %mul3A_6, %add3A_7 : i32
    "tpu.region"() ({
      %run_scoped3A = tpu.sem_alloc : memref<!tpu.dma_semaphore, #tpu.memory_space<semaphore_mem>>
      %dma_start3A = arith.constant 0 : i32
      %dma_start3A_67 = tpu.memref_slice %arg15[%add3A_8, %dma_start3A] : memref<10240x128xf32, #tpu.memory_space<vmem_shared>> -> memref<128x128xf32, #tpu.memory_space<vmem_shared>>
      %dma_start3A_68 = arith.constant 0 : i32
      %dma_start3A_69 = tpu.memref_slice %arg15[%add3A_8, %dma_start3A_68] : memref<10240x128xf32, #tpu.memory_space<vmem_shared>> -> memref<128x128xf32, #tpu.memory_space<vmem_shared>>
      tpu.enqueue_dma source(%arg9 : memref<128x128xf32, #tpu.memory_space<vmem>>) target(%dma_start3A_69 : memref<128x128xf32, #tpu.memory_space<vmem_shared>>) target_semaphore(%run_scoped3A : memref<!tpu.dma_semaphore, #tpu.memory_space<semaphore_mem>>)
      %dma_wait3A = arith.constant 0 : i32
      %dma_wait3A_70 = tpu.memref_slice %arg15[%add3A_8, %dma_wait3A] : memref<10240x128xf32, #tpu.memory_space<vmem_shared>> -> memref<128x128xf32, #tpu.memory_space<vmem_shared>>
      %dma_wait3A_71 = arith.constant 0 : i32
      %dma_wait3A_72 = tpu.memref_slice %arg15[%add3A_8, %dma_wait3A_71] : memref<10240x128xf32, #tpu.memory_space<vmem_shared>> -> memref<128x128xf32, #tpu.memory_space<vmem_shared>>
      tpu.wait_dma2 semaphore(%run_scoped3A : memref<!tpu.dma_semaphore, #tpu.memory_space<semaphore_mem>>) src(%arg9 : memref<128x128xf32, #tpu.memory_space<vmem>>) dst(%dma_wait3A_72 : memref<128x128xf32, #tpu.memory_space<vmem_shared>>)
      tpu.yield
    }) : () -> ()
    %mul3A_9 = arith.constant 640 : i32
    %mul3A_10 = arith.muli %arg1, %mul3A_9 : i32
    %add3A_11 = arith.constant 256 : i32
    %add3A_12 = arith.addi %mul3A_10, %add3A_11 : i32
    "tpu.region"() ({
      %run_scoped3A = tpu.sem_alloc : memref<!tpu.dma_semaphore, #tpu.memory_space<semaphore_mem>>
      %dma_start3A = arith.constant 0 : i32
      %dma_start3A_67 = tpu.memref_slice %arg15[%add3A_12, %dma_start3A] : memref<10240x128xf32, #tpu.memory_space<vmem_shared>> -> memref<128x128xf32, #tpu.memory_space<vmem_shared>>
      %dma_start3A_68 = arith.constant 0 : i32
      %dma_start3A_69 = tpu.memref_slice %arg15[%add3A_12, %dma_start3A_68] : memref<10240x128xf32, #tpu.memory_space<vmem_shared>> -> memref<128x128xf32, #tpu.memory_space<vmem_shared>>
      tpu.enqueue_dma source(%arg9 : memref<128x128xf32, #tpu.memory_space<vmem>>) target(%dma_start3A_69 : memref<128x128xf32, #tpu.memory_space<vmem_shared>>) target_semaphore(%run_scoped3A : memref<!tpu.dma_semaphore, #tpu.memory_space<semaphore_mem>>)
      %dma_wait3A = arith.constant 0 : i32
      %dma_wait3A_70 = tpu.memref_slice %arg15[%add3A_12, %dma_wait3A] : memref<10240x128xf32, #tpu.memory_space<vmem_shared>> -> memref<128x128xf32, #tpu.memory_space<vmem_shared>>
      %dma_wait3A_71 = arith.constant 0 : i32
      %dma_wait3A_72 = tpu.memref_slice %arg15[%add3A_12, %dma_wait3A_71] : memref<10240x128xf32, #tpu.memory_space<vmem_shared>> -> memref<128x128xf32, #tpu.memory_space<vmem_shared>>
      tpu.wait_dma2 semaphore(%run_scoped3A : memref<!tpu.dma_semaphore, #tpu.memory_space<semaphore_mem>>) src(%arg9 : memref<128x128xf32, #tpu.memory_space<vmem>>) dst(%dma_wait3A_72 : memref<128x128xf32, #tpu.memory_space<vmem_shared>>)
      tpu.yield
    }) : () -> ()
    %mul3A_13 = arith.constant 640 : i32
    %mul3A_14 = arith.muli %arg1, %mul3A_13 : i32
    %add3A_15 = arith.constant 384 : i32
    %add3A_16 = arith.addi %mul3A_14, %add3A_15 : i32
    "tpu.region"() ({
      %run_scoped3A = tpu.sem_alloc : memref<!tpu.dma_semaphore, #tpu.memory_space<semaphore_mem>>
      %dma_start3A = arith.constant 0 : i32
      %dma_start3A_67 = tpu.memref_slice %arg15[%add3A_16, %dma_start3A] : memref<10240x128xf32, #tpu.memory_space<vmem_shared>> -> memref<128x128xf32, #tpu.memory_space<vmem_shared>>
      %dma_start3A_68 = arith.constant 0 : i32
      %dma_start3A_69 = tpu.memref_slice %arg15[%add3A_16, %dma_start3A_68] : memref<10240x128xf32, #tpu.memory_space<vmem_shared>> -> memref<128x128xf32, #tpu.memory_space<vmem_shared>>
      tpu.enqueue_dma source(%arg9 : memref<128x128xf32, #tpu.memory_space<vmem>>) target(%dma_start3A_69 : memref<128x128xf32, #tpu.memory_space<vmem_shared>>) target_semaphore(%run_scoped3A : memref<!tpu.dma_semaphore, #tpu.memory_space<semaphore_mem>>)
      %dma_wait3A = arith.constant 0 : i32
      %dma_wait3A_70 = tpu.memref_slice %arg15[%add3A_16, %dma_wait3A] : memref<10240x128xf32, #tpu.memory_space<vmem_shared>> -> memref<128x128xf32, #tpu.memory_space<vmem_shared>>
      %dma_wait3A_71 = arith.constant 0 : i32
      %dma_wait3A_72 = tpu.memref_slice %arg15[%add3A_16, %dma_wait3A_71] : memref<10240x128xf32, #tpu.memory_space<vmem_shared>> -> memref<128x128xf32, #tpu.memory_space<vmem_shared>>
      tpu.wait_dma2 semaphore(%run_scoped3A : memref<!tpu.dma_semaphore, #tpu.memory_space<semaphore_mem>>) src(%arg9 : memref<128x128xf32, #tpu.memory_space<vmem>>) dst(%dma_wait3A_72 : memref<128x128xf32, #tpu.memory_space<vmem_shared>>)
      tpu.yield
    }) : () -> ()
    %mul3A_17 = arith.constant 640 : i32
    %mul3A_18 = arith.muli %arg1, %mul3A_17 : i32
    %add3A_19 = arith.constant 512 : i32
    %add3A_20 = arith.addi %mul3A_18, %add3A_19 : i32
    "tpu.region"() ({
      %run_scoped3A = tpu.sem_alloc : memref<!tpu.dma_semaphore, #tpu.memory_space<semaphore_mem>>
      %dma_start3A = arith.constant 0 : i32
      %dma_start3A_67 = tpu.memref_slice %arg15[%add3A_20, %dma_start3A] : memref<10240x128xf32, #tpu.memory_space<vmem_shared>> -> memref<128x128xf32, #tpu.memory_space<vmem_shared>>
      %dma_start3A_68 = arith.constant 0 : i32
      %dma_start3A_69 = tpu.memref_slice %arg15[%add3A_20, %dma_start3A_68] : memref<10240x128xf32, #tpu.memory_space<vmem_shared>> -> memref<128x128xf32, #tpu.memory_space<vmem_shared>>
      tpu.enqueue_dma source(%arg9 : memref<128x128xf32, #tpu.memory_space<vmem>>) target(%dma_start3A_69 : memref<128x128xf32, #tpu.memory_space<vmem_shared>>) target_semaphore(%run_scoped3A : memref<!tpu.dma_semaphore, #tpu.memory_space<semaphore_mem>>)
      %dma_wait3A = arith.constant 0 : i32
      %dma_wait3A_70 = tpu.memref_slice %arg15[%add3A_20, %dma_wait3A] : memref<10240x128xf32, #tpu.memory_space<vmem_shared>> -> memref<128x128xf32, #tpu.memory_space<vmem_shared>>
      %dma_wait3A_71 = arith.constant 0 : i32
      %dma_wait3A_72 = tpu.memref_slice %arg15[%add3A_20, %dma_wait3A_71] : memref<10240x128xf32, #tpu.memory_space<vmem_shared>> -> memref<128x128xf32, #tpu.memory_space<vmem_shared>>
      tpu.wait_dma2 semaphore(%run_scoped3A : memref<!tpu.dma_semaphore, #tpu.memory_space<semaphore_mem>>) src(%arg9 : memref<128x128xf32, #tpu.memory_space<vmem>>) dst(%dma_wait3A_72 : memref<128x128xf32, #tpu.memory_space<vmem_shared>>)
      tpu.yield
    }) : () -> ()
    %barrier3A = arith.constant 0 : index
    tpu.barrier barrier_id(%barrier3A)
    %scan3A = arith.constant 0 : i32
    %scan3A_21 = arith.constant 0 : i32
    %scan3A_22 = arith.constant 10 : i32
    %scan3A_23 = arith.addi %scan3A_21, %scan3A_22 : i32
    %scan3A_24 = arith.constant 1 : i32
    scf.for %scan3A_67 = %scan3A_21 to %scan3A_23 step %scan3A_24  : i32 {
      %mul3A_68 = arith.constant 8 : i32
      %mul3A_69 = arith.muli %scan3A_67, %mul3A_68 : i32
      "tpu.region"() ({
        %run_scoped3A = tpu.sem_alloc : memref<!tpu.dma_semaphore, #tpu.memory_space<semaphore_mem>>
        %dma_start3A_90 = arith.constant 0 : i32
        %dma_start3A_91 = tpu.memref_slice %arg3[%add3A, %mul3A_69, %dma_start3A_90] : memref<32x80x128xi32, #tpu.memory_space<hbm>> -> memref<1x8x128xi32, #tpu.memory_space<hbm>>
        %dma_start3A_92 = tpu.memref_squeeze %dma_start3A_91 : memref<1x8x128xi32, #tpu.memory_space<hbm>> -> memref<8x128xi32, #tpu.memory_space<hbm>>
        %dma_start3A_93 = arith.constant 0 : i32
        %dma_start3A_94 = tpu.memref_slice %arg3[%add3A, %mul3A_69, %dma_start3A_93] : memref<32x80x128xi32, #tpu.memory_space<hbm>> -> memref<1x8x128xi32, #tpu.memory_space<hbm>>
        %dma_start3A_95 = tpu.memref_squeeze %dma_start3A_94 : memref<1x8x128xi32, #tpu.memory_space<hbm>> -> memref<8x128xi32, #tpu.memory_space<hbm>>
        tpu.enqueue_dma source(%dma_start3A_95 : memref<8x128xi32, #tpu.memory_space<hbm>>) target(%arg7 : memref<8x128xi32, #tpu.memory_space<vmem>>) target_semaphore(%run_scoped3A : memref<!tpu.dma_semaphore, #tpu.memory_space<semaphore_mem>>)
        %dma_wait3A_96 = arith.constant 0 : i32
        %dma_wait3A_97 = tpu.memref_slice %arg3[%add3A, %mul3A_69, %dma_wait3A_96] : memref<32x80x128xi32, #tpu.memory_space<hbm>> -> memref<1x8x128xi32, #tpu.memory_space<hbm>>
        %dma_wait3A_98 = tpu.memref_squeeze %dma_wait3A_97 : memref<1x8x128xi32, #tpu.memory_space<hbm>> -> memref<8x128xi32, #tpu.memory_space<hbm>>
        %dma_wait3A_99 = arith.constant 0 : i32
        %dma_wait3A_100 = tpu.memref_slice %arg3[%add3A, %mul3A_69, %dma_wait3A_99] : memref<32x80x128xi32, #tpu.memory_space<hbm>> -> memref<1x8x128xi32, #tpu.memory_space<hbm>>
        %dma_wait3A_101 = tpu.memref_squeeze %dma_wait3A_100 : memref<1x8x128xi32, #tpu.memory_space<hbm>> -> memref<8x128xi32, #tpu.memory_space<hbm>>
        tpu.wait_dma2 semaphore(%run_scoped3A : memref<!tpu.dma_semaphore, #tpu.memory_space<semaphore_mem>>) src(%dma_wait3A_101 : memref<8x128xi32, #tpu.memory_space<hbm>>) dst(%arg7 : memref<8x128xi32, #tpu.memory_space<vmem>>)
        tpu.yield
      }) : () -> ()
      %mul3A_70 = arith.constant 8 : i32
      %mul3A_71 = arith.muli %scan3A_67, %mul3A_70 : i32
      "tpu.region"() ({
        %run_scoped3A = tpu.sem_alloc : memref<!tpu.dma_semaphore, #tpu.memory_space<semaphore_mem>>
        %dma_start3A_90 = arith.constant 0 : i32
        %dma_start3A_91 = tpu.memref_slice %arg4[%add3A, %mul3A_71, %dma_start3A_90] : memref<32x80x128xi32, #tpu.memory_space<hbm>> -> memref<1x8x128xi32, #tpu.memory_space<hbm>>
        %dma_start3A_92 = tpu.memref_squeeze %dma_start3A_91 : memref<1x8x128xi32, #tpu.memory_space<hbm>> -> memref<8x128xi32, #tpu.memory_space<hbm>>
        %dma_start3A_93 = arith.constant 0 : i32
        %dma_start3A_94 = tpu.memref_slice %arg4[%add3A, %mul3A_71, %dma_start3A_93] : memref<32x80x128xi32, #tpu.memory_space<hbm>> -> memref<1x8x128xi32, #tpu.memory_space<hbm>>
        %dma_start3A_95 = tpu.memref_squeeze %dma_start3A_94 : memref<1x8x128xi32, #tpu.memory_space<hbm>> -> memref<8x128xi32, #tpu.memory_space<hbm>>
        tpu.enqueue_dma source(%dma_start3A_95 : memref<8x128xi32, #tpu.memory_space<hbm>>) target(%arg8 : memref<8x128xi32, #tpu.memory_space<vmem>>) target_semaphore(%run_scoped3A : memref<!tpu.dma_semaphore, #tpu.memory_space<semaphore_mem>>)
        %dma_wait3A_96 = arith.constant 0 : i32
        %dma_wait3A_97 = tpu.memref_slice %arg4[%add3A, %mul3A_71, %dma_wait3A_96] : memref<32x80x128xi32, #tpu.memory_space<hbm>> -> memref<1x8x128xi32, #tpu.memory_space<hbm>>
        %dma_wait3A_98 = tpu.memref_squeeze %dma_wait3A_97 : memref<1x8x128xi32, #tpu.memory_space<hbm>> -> memref<8x128xi32, #tpu.memory_space<hbm>>
        %dma_wait3A_99 = arith.constant 0 : i32
        %dma_wait3A_100 = tpu.memref_slice %arg4[%add3A, %mul3A_71, %dma_wait3A_99] : memref<32x80x128xi32, #tpu.memory_space<hbm>> -> memref<1x8x128xi32, #tpu.memory_space<hbm>>
        %dma_wait3A_101 = tpu.memref_squeeze %dma_wait3A_100 : memref<1x8x128xi32, #tpu.memory_space<hbm>> -> memref<8x128xi32, #tpu.memory_space<hbm>>
        tpu.wait_dma2 semaphore(%run_scoped3A : memref<!tpu.dma_semaphore, #tpu.memory_space<semaphore_mem>>) src(%dma_wait3A_101 : memref<8x128xi32, #tpu.memory_space<hbm>>) dst(%arg8 : memref<8x128xi32, #tpu.memory_space<vmem>>)
        tpu.yield
      }) : () -> ()
      %dma_start3A = arith.constant 0 : i32
      %dma_start3A_72 = arith.constant 0 : i32
      %dma_start3A_73 = tpu.memref_slice %arg7[%dma_start3A, %dma_start3A_72] : memref<8x128xi32, #tpu.memory_space<vmem>> -> memref<1x128xi32, #tpu.memory_space<vmem>>
      %dma_start3A_74 = tpu.memref_squeeze %dma_start3A_73 : memref<1x128xi32, #tpu.memory_space<vmem>> -> memref<128xi32, #tpu.memory_space<vmem>>
      %dma_start3A_75 = arith.constant 0 : i32
      %dma_start3A_76 = arith.constant 0 : i32
      %dma_start3A_77 = tpu.memref_slice %arg2[%dma_start3A_75, %dma_start3A_76] : memref<10240x128xf32, #tpu.memory_space<hbm>> -> memref<10240x128xf32, #tpu.memory_space<hbm>>
      tpu.enqueue_indirect_dma source(%dma_start3A_77 : memref<10240x128xf32, #tpu.memory_space<hbm>>) target(%arg9 : memref<128x128xf32, #tpu.memory_space<vmem>>) offsets(%dma_start3A_74 : memref<128xi32, #tpu.memory_space<vmem>>) semaphore(%arg11 : memref<!tpu.dma_semaphore, #tpu.memory_space<semaphore_mem>>)
      %scan3A_78 = arith.constant 0 : i32
      %scan3A_79 = arith.constant 0 : i32
      %scan3A_80 = arith.constant 4 : i32
      %scan3A_81 = arith.addi %scan3A_79, %scan3A_80 : i32
      %scan3A_82 = arith.constant 1 : i32
      scf.for %scan3A_90 = %scan3A_79 to %scan3A_81 step %scan3A_82  : i32 {
        %mul3A_91 = arith.constant 2 : i32
        %mul3A_92 = arith.muli %scan3A_90, %mul3A_91 : i32
        %add3A_93 = arith.constant 1 : i32
        %add3A_94 = arith.addi %mul3A_92, %add3A_93 : i32
        %dma_wait3A_95 = arith.constant 0 : i32
        %dma_wait3A_96 = tpu.memref_slice %arg7[%mul3A_92, %dma_wait3A_95] : memref<8x128xi32, #tpu.memory_space<vmem>> -> memref<1x128xi32, #tpu.memory_space<vmem>>
        %dma_wait3A_97 = tpu.memref_squeeze %dma_wait3A_96 : memref<1x128xi32, #tpu.memory_space<vmem>> -> memref<128xi32, #tpu.memory_space<vmem>>
        %dma_wait3A_98 = arith.constant 0 : i32
        %dma_wait3A_99 = arith.constant 0 : i32
        %dma_wait3A_100 = tpu.memref_slice %arg2[%dma_wait3A_98, %dma_wait3A_99] : memref<10240x128xf32, #tpu.memory_space<hbm>> -> memref<10240x128xf32, #tpu.memory_space<hbm>>
        tpu.wait_indirect_dma semaphore(%arg11 : memref<!tpu.dma_semaphore, #tpu.memory_space<semaphore_mem>>) src(%dma_wait3A_100 : memref<10240x128xf32, #tpu.memory_space<hbm>>) dst(%arg9 : memref<128x128xf32, #tpu.memory_space<vmem>>)
        %gt3A = arith.constant 0 : i32
        %gt3A_101 = arith.cmpi sgt, %scan3A_90, %gt3A : i32
        %convert_element_type3A = arith.extui %gt3A_101 : i1 to i32
        %cond3A = arith.constant 0 : i32
        %cond3A_102 = arith.cmpi ne, %convert_element_type3A, %cond3A : i32
        scf.if %cond3A_102 {
          %dma_wait3A_138 = arith.constant 0 : i32
          %dma_wait3A_139 = arith.constant 0 : i32
          %dma_wait3A_140 = tpu.memref_slice %arg8[%dma_wait3A_138, %dma_wait3A_139] : memref<8x128xi32, #tpu.memory_space<vmem>> -> memref<1x128xi32, #tpu.memory_space<vmem>>
          %dma_wait3A_141 = tpu.memref_squeeze %dma_wait3A_140 : memref<1x128xi32, #tpu.memory_space<vmem>> -> memref<128xi32, #tpu.memory_space<vmem>>
          %dma_wait3A_142 = arith.constant 0 : i32
          %dma_wait3A_143 = arith.constant 0 : i32
          %dma_wait3A_144 = tpu.memref_slice %arg15[%dma_wait3A_142, %dma_wait3A_143] : memref<10240x128xf32, #tpu.memory_space<vmem_shared>> -> memref<10240x128xf32, #tpu.memory_space<vmem_shared>>
          tpu.wait_indirect_dma semaphore(%arg14 : memref<!tpu.dma_semaphore, #tpu.memory_space<semaphore_mem>>) src(%arg10 : memref<128x128xf32, #tpu.memory_space<vmem>>) dst(%dma_wait3A_144 : memref<10240x128xf32, #tpu.memory_space<vmem_shared>>)
        } else {
        }
        %dma_start3A_103 = arith.constant 0 : i32
        %dma_start3A_104 = tpu.memref_slice %arg7[%add3A_94, %dma_start3A_103] : memref<8x128xi32, #tpu.memory_space<vmem>> -> memref<1x128xi32, #tpu.memory_space<vmem>>
        %dma_start3A_105 = tpu.memref_squeeze %dma_start3A_104 : memref<1x128xi32, #tpu.memory_space<vmem>> -> memref<128xi32, #tpu.memory_space<vmem>>
        %dma_start3A_106 = arith.constant 0 : i32
        %dma_start3A_107 = arith.constant 0 : i32
        %dma_start3A_108 = tpu.memref_slice %arg2[%dma_start3A_106, %dma_start3A_107] : memref<10240x128xf32, #tpu.memory_space<hbm>> -> memref<10240x128xf32, #tpu.memory_space<hbm>>
        tpu.enqueue_indirect_dma source(%dma_start3A_108 : memref<10240x128xf32, #tpu.memory_space<hbm>>) target(%arg10 : memref<128x128xf32, #tpu.memory_space<vmem>>) offsets(%dma_start3A_105 : memref<128xi32, #tpu.memory_space<vmem>>) semaphore(%arg12 : memref<!tpu.dma_semaphore, #tpu.memory_space<semaphore_mem>>)
        %dma_start3A_109 = arith.constant 0 : i32
        %dma_start3A_110 = tpu.memref_slice %arg8[%mul3A_92, %dma_start3A_109] : memref<8x128xi32, #tpu.memory_space<vmem>> -> memref<1x128xi32, #tpu.memory_space<vmem>>
        %dma_start3A_111 = tpu.memref_squeeze %dma_start3A_110 : memref<1x128xi32, #tpu.memory_space<vmem>> -> memref<128xi32, #tpu.memory_space<vmem>>
        %dma_start3A_112 = arith.constant 0 : i32
        %dma_start3A_113 = arith.constant 0 : i32
        %dma_start3A_114 = tpu.memref_slice %arg15[%dma_start3A_112, %dma_start3A_113] : memref<10240x128xf32, #tpu.memory_space<vmem_shared>> -> memref<10240x128xf32, #tpu.memory_space<vmem_shared>>
        tpu.enqueue_indirect_dma source(%arg9 : memref<128x128xf32, #tpu.memory_space<vmem>>) target(%dma_start3A_114 : memref<10240x128xf32, #tpu.memory_space<vmem_shared>>) offsets(%dma_start3A_111 : memref<128xi32, #tpu.memory_space<vmem>>) semaphore(%arg13 : memref<!tpu.dma_semaphore, #tpu.memory_space<semaphore_mem>>) {add = true}
        %dma_wait3A_115 = arith.constant 0 : i32
        %dma_wait3A_116 = tpu.memref_slice %arg7[%add3A_94, %dma_wait3A_115] : memref<8x128xi32, #tpu.memory_space<vmem>> -> memref<1x128xi32, #tpu.memory_space<vmem>>
        %dma_wait3A_117 = tpu.memref_squeeze %dma_wait3A_116 : memref<1x128xi32, #tpu.memory_space<vmem>> -> memref<128xi32, #tpu.memory_space<vmem>>
        %dma_wait3A_118 = arith.constant 0 : i32
        %dma_wait3A_119 = arith.constant 0 : i32
        %dma_wait3A_120 = tpu.memref_slice %arg2[%dma_wait3A_118, %dma_wait3A_119] : memref<10240x128xf32, #tpu.memory_space<hbm>> -> memref<10240x128xf32, #tpu.memory_space<hbm>>
        tpu.wait_indirect_dma semaphore(%arg12 : memref<!tpu.dma_semaphore, #tpu.memory_space<semaphore_mem>>) src(%dma_wait3A_120 : memref<10240x128xf32, #tpu.memory_space<hbm>>) dst(%arg10 : memref<128x128xf32, #tpu.memory_space<vmem>>)
        %dma_wait3A_121 = arith.constant 0 : i32
        %dma_wait3A_122 = arith.constant 0 : i32
        %dma_wait3A_123 = tpu.memref_slice %arg8[%dma_wait3A_121, %dma_wait3A_122] : memref<8x128xi32, #tpu.memory_space<vmem>> -> memref<1x128xi32, #tpu.memory_space<vmem>>
        %dma_wait3A_124 = tpu.memref_squeeze %dma_wait3A_123 : memref<1x128xi32, #tpu.memory_space<vmem>> -> memref<128xi32, #tpu.memory_space<vmem>>
        %dma_wait3A_125 = arith.constant 0 : i32
        %dma_wait3A_126 = arith.constant 0 : i32
        %dma_wait3A_127 = tpu.memref_slice %arg15[%dma_wait3A_125, %dma_wait3A_126] : memref<10240x128xf32, #tpu.memory_space<vmem_shared>> -> memref<10240x128xf32, #tpu.memory_space<vmem_shared>>
        tpu.wait_indirect_dma semaphore(%arg13 : memref<!tpu.dma_semaphore, #tpu.memory_space<semaphore_mem>>) src(%arg9 : memref<128x128xf32, #tpu.memory_space<vmem>>) dst(%dma_wait3A_127 : memref<10240x128xf32, #tpu.memory_space<vmem_shared>>)
        %lt3A = arith.constant 3 : i32
        %lt3A_128 = arith.cmpi slt, %scan3A_90, %lt3A : i32
        %convert_element_type3A_129 = arith.extui %lt3A_128 : i1 to i32
        %cond3A_130 = arith.constant 0 : i32
        %cond3A_131 = arith.cmpi ne, %convert_element_type3A_129, %cond3A_130 : i32
        scf.if %cond3A_131 {
          %add3A_138 = arith.constant 2 : i32
          %add3A_139 = arith.addi %mul3A_92, %add3A_138 : i32
          %dma_start3A_140 = arith.constant 0 : i32
          %dma_start3A_141 = tpu.memref_slice %arg7[%add3A_139, %dma_start3A_140] : memref<8x128xi32, #tpu.memory_space<vmem>> -> memref<1x128xi32, #tpu.memory_space<vmem>>
          %dma_start3A_142 = tpu.memref_squeeze %dma_start3A_141 : memref<1x128xi32, #tpu.memory_space<vmem>> -> memref<128xi32, #tpu.memory_space<vmem>>
          %dma_start3A_143 = arith.constant 0 : i32
          %dma_start3A_144 = arith.constant 0 : i32
          %dma_start3A_145 = tpu.memref_slice %arg2[%dma_start3A_143, %dma_start3A_144] : memref<10240x128xf32, #tpu.memory_space<hbm>> -> memref<10240x128xf32, #tpu.memory_space<hbm>>
          tpu.enqueue_indirect_dma source(%dma_start3A_145 : memref<10240x128xf32, #tpu.memory_space<hbm>>) target(%arg9 : memref<128x128xf32, #tpu.memory_space<vmem>>) offsets(%dma_start3A_142 : memref<128xi32, #tpu.memory_space<vmem>>) semaphore(%arg11 : memref<!tpu.dma_semaphore, #tpu.memory_space<semaphore_mem>>)
        } else {
        }
        %dma_start3A_132 = arith.constant 0 : i32
        %dma_start3A_133 = tpu.memref_slice %arg8[%add3A_94, %dma_start3A_132] : memref<8x128xi32, #tpu.memory_space<vmem>> -> memref<1x128xi32, #tpu.memory_space<vmem>>
        %dma_start3A_134 = tpu.memref_squeeze %dma_start3A_133 : memref<1x128xi32, #tpu.memory_space<vmem>> -> memref<128xi32, #tpu.memory_space<vmem>>
        %dma_start3A_135 = arith.constant 0 : i32
        %dma_start3A_136 = arith.constant 0 : i32
        %dma_start3A_137 = tpu.memref_slice %arg15[%dma_start3A_135, %dma_start3A_136] : memref<10240x128xf32, #tpu.memory_space<vmem_shared>> -> memref<10240x128xf32, #tpu.memory_space<vmem_shared>>
        tpu.enqueue_indirect_dma source(%arg10 : memref<128x128xf32, #tpu.memory_space<vmem>>) target(%dma_start3A_137 : memref<10240x128xf32, #tpu.memory_space<vmem_shared>>) offsets(%dma_start3A_134 : memref<128xi32, #tpu.memory_space<vmem>>) semaphore(%arg14 : memref<!tpu.dma_semaphore, #tpu.memory_space<semaphore_mem>>) {add = true}
      }
      %scan3A_83 = arith.constant 4 : i32
      %dma_wait3A = arith.constant 0 : i32
      %dma_wait3A_84 = arith.constant 0 : i32
      %dma_wait3A_85 = tpu.memref_slice %arg8[%dma_wait3A, %dma_wait3A_84] : memref<8x128xi32, #tpu.memory_space<vmem>> -> memref<1x128xi32, #tpu.memory_space<vmem>>
      %dma_wait3A_86 = tpu.memref_squeeze %dma_wait3A_85 : memref<1x128xi32, #tpu.memory_space<vmem>> -> memref<128xi32, #tpu.memory_space<vmem>>
      %dma_wait3A_87 = arith.constant 0 : i32
      %dma_wait3A_88 = arith.constant 0 : i32
      %dma_wait3A_89 = tpu.memref_slice %arg15[%dma_wait3A_87, %dma_wait3A_88] : memref<10240x128xf32, #tpu.memory_space<vmem_shared>> -> memref<10240x128xf32, #tpu.memory_space<vmem_shared>>
      tpu.wait_indirect_dma semaphore(%arg14 : memref<!tpu.dma_semaphore, #tpu.memory_space<semaphore_mem>>) src(%arg10 : memref<128x128xf32, #tpu.memory_space<vmem>>) dst(%dma_wait3A_89 : memref<10240x128xf32, #tpu.memory_space<vmem_shared>>)
    }
    %scan3A_25 = arith.constant 10 : i32
    %barrier3A_26 = arith.constant 0 : index
    tpu.barrier barrier_id(%barrier3A_26)
    %mul3A_27 = arith.constant 640 : i32
    %mul3A_28 = arith.muli %arg1, %mul3A_27 : i32
    %add3A_29 = arith.constant 0 : i32
    %add3A_30 = arith.addi %mul3A_28, %add3A_29 : i32
    "tpu.region"() ({
      %run_scoped3A = tpu.sem_alloc : memref<!tpu.dma_semaphore, #tpu.memory_space<semaphore_mem>>
      %dma_start3A = arith.constant 0 : i32
      %dma_start3A_67 = tpu.memref_slice %arg15[%add3A_30, %dma_start3A] : memref<10240x128xf32, #tpu.memory_space<vmem_shared>> -> memref<128x128xf32, #tpu.memory_space<vmem_shared>>
      %dma_start3A_68 = arith.constant 0 : i32
      %dma_start3A_69 = tpu.memref_slice %arg15[%add3A_30, %dma_start3A_68] : memref<10240x128xf32, #tpu.memory_space<vmem_shared>> -> memref<128x128xf32, #tpu.memory_space<vmem_shared>>
      tpu.enqueue_dma source(%dma_start3A_69 : memref<128x128xf32, #tpu.memory_space<vmem_shared>>) target(%arg9 : memref<128x128xf32, #tpu.memory_space<vmem>>) target_semaphore(%run_scoped3A : memref<!tpu.dma_semaphore, #tpu.memory_space<semaphore_mem>>)
      %dma_wait3A = arith.constant 0 : i32
      %dma_wait3A_70 = tpu.memref_slice %arg15[%add3A_30, %dma_wait3A] : memref<10240x128xf32, #tpu.memory_space<vmem_shared>> -> memref<128x128xf32, #tpu.memory_space<vmem_shared>>
      %dma_wait3A_71 = arith.constant 0 : i32
      %dma_wait3A_72 = tpu.memref_slice %arg15[%add3A_30, %dma_wait3A_71] : memref<10240x128xf32, #tpu.memory_space<vmem_shared>> -> memref<128x128xf32, #tpu.memory_space<vmem_shared>>
      tpu.wait_dma2 semaphore(%run_scoped3A : memref<!tpu.dma_semaphore, #tpu.memory_space<semaphore_mem>>) src(%dma_wait3A_72 : memref<128x128xf32, #tpu.memory_space<vmem_shared>>) dst(%arg9 : memref<128x128xf32, #tpu.memory_space<vmem>>)
      tpu.yield
    }) : () -> ()
    %mul3A_31 = arith.constant 640 : i32
    %mul3A_32 = arith.muli %arg1, %mul3A_31 : i32
    %add3A_33 = arith.constant 0 : i32
    %add3A_34 = arith.addi %mul3A_32, %add3A_33 : i32
    "tpu.region"() ({
      %run_scoped3A = tpu.sem_alloc : memref<!tpu.dma_semaphore, #tpu.memory_space<semaphore_mem>>
      %dma_start3A = arith.constant 0 : i32
      %dma_start3A_67 = tpu.memref_slice %arg6[%arg0, %add3A_34, %dma_start3A] : memref<2x10240x128xf32, #tpu.memory_space<hbm>> -> memref<1x128x128xf32, #tpu.memory_space<hbm>>
      %dma_start3A_68 = tpu.memref_squeeze %dma_start3A_67 : memref<1x128x128xf32, #tpu.memory_space<hbm>> -> memref<128x128xf32, #tpu.memory_space<hbm>>
      %dma_start3A_69 = arith.constant 0 : i32
      %dma_start3A_70 = tpu.memref_slice %arg6[%arg0, %add3A_34, %dma_start3A_69] : memref<2x10240x128xf32, #tpu.memory_space<hbm>> -> memref<1x128x128xf32, #tpu.memory_space<hbm>>
      %dma_start3A_71 = tpu.memref_squeeze %dma_start3A_70 : memref<1x128x128xf32, #tpu.memory_space<hbm>> -> memref<128x128xf32, #tpu.memory_space<hbm>>
      tpu.enqueue_dma source(%arg9 : memref<128x128xf32, #tpu.memory_space<vmem>>) target(%dma_start3A_71 : memref<128x128xf32, #tpu.memory_space<hbm>>) target_semaphore(%run_scoped3A : memref<!tpu.dma_semaphore, #tpu.memory_space<semaphore_mem>>)
      %dma_wait3A = arith.constant 0 : i32
      %dma_wait3A_72 = tpu.memref_slice %arg6[%arg0, %add3A_34, %dma_wait3A] : memref<2x10240x128xf32, #tpu.memory_space<hbm>> -> memref<1x128x128xf32, #tpu.memory_space<hbm>>
      %dma_wait3A_73 = tpu.memref_squeeze %dma_wait3A_72 : memref<1x128x128xf32, #tpu.memory_space<hbm>> -> memref<128x128xf32, #tpu.memory_space<hbm>>
      %dma_wait3A_74 = arith.constant 0 : i32
      %dma_wait3A_75 = tpu.memref_slice %arg6[%arg0, %add3A_34, %dma_wait3A_74] : memref<2x10240x128xf32, #tpu.memory_space<hbm>> -> memref<1x128x128xf32, #tpu.memory_space<hbm>>
      %dma_wait3A_76 = tpu.memref_squeeze %dma_wait3A_75 : memref<1x128x128xf32, #tpu.memory_space<hbm>> -> memref<128x128xf32, #tpu.memory_space<hbm>>
      tpu.wait_dma2 semaphore(%run_scoped3A : memref<!tpu.dma_semaphore, #tpu.memory_space<semaphore_mem>>) src(%arg9 : memref<128x128xf32, #tpu.memory_space<vmem>>) dst(%dma_wait3A_76 : memref<128x128xf32, #tpu.memory_space<hbm>>)
      tpu.yield
    }) : () -> ()
    %mul3A_35 = arith.constant 640 : i32
    %mul3A_36 = arith.muli %arg1, %mul3A_35 : i32
    %add3A_37 = arith.constant 128 : i32
    %add3A_38 = arith.addi %mul3A_36, %add3A_37 : i32
    "tpu.region"() ({
      %run_scoped3A = tpu.sem_alloc : memref<!tpu.dma_semaphore, #tpu.memory_space<semaphore_mem>>
      %dma_start3A = arith.constant 0 : i32
      %dma_start3A_67 = tpu.memref_slice %arg15[%add3A_38, %dma_start3A] : memref<10240x128xf32, #tpu.memory_space<vmem_shared>> -> memref<128x128xf32, #tpu.memory_space<vmem_shared>>
      %dma_start3A_68 = arith.constant 0 : i32
      %dma_start3A_69 = tpu.memref_slice %arg15[%add3A_38, %dma_start3A_68] : memref<10240x128xf32, #tpu.memory_space<vmem_shared>> -> memref<128x128xf32, #tpu.memory_space<vmem_shared>>
      tpu.enqueue_dma source(%dma_start3A_69 : memref<128x128xf32, #tpu.memory_space<vmem_shared>>) target(%arg9 : memref<128x128xf32, #tpu.memory_space<vmem>>) target_semaphore(%run_scoped3A : memref<!tpu.dma_semaphore, #tpu.memory_space<semaphore_mem>>)
      %dma_wait3A = arith.constant 0 : i32
      %dma_wait3A_70 = tpu.memref_slice %arg15[%add3A_38, %dma_wait3A] : memref<10240x128xf32, #tpu.memory_space<vmem_shared>> -> memref<128x128xf32, #tpu.memory_space<vmem_shared>>
      %dma_wait3A_71 = arith.constant 0 : i32
      %dma_wait3A_72 = tpu.memref_slice %arg15[%add3A_38, %dma_wait3A_71] : memref<10240x128xf32, #tpu.memory_space<vmem_shared>> -> memref<128x128xf32, #tpu.memory_space<vmem_shared>>
      tpu.wait_dma2 semaphore(%run_scoped3A : memref<!tpu.dma_semaphore, #tpu.memory_space<semaphore_mem>>) src(%dma_wait3A_72 : memref<128x128xf32, #tpu.memory_space<vmem_shared>>) dst(%arg9 : memref<128x128xf32, #tpu.memory_space<vmem>>)
      tpu.yield
    }) : () -> ()
    %mul3A_39 = arith.constant 640 : i32
    %mul3A_40 = arith.muli %arg1, %mul3A_39 : i32
    %add3A_41 = arith.constant 128 : i32
    %add3A_42 = arith.addi %mul3A_40, %add3A_41 : i32
    "tpu.region"() ({
      %run_scoped3A = tpu.sem_alloc : memref<!tpu.dma_semaphore, #tpu.memory_space<semaphore_mem>>
      %dma_start3A = arith.constant 0 : i32
      %dma_start3A_67 = tpu.memref_slice %arg6[%arg0, %add3A_42, %dma_start3A] : memref<2x10240x128xf32, #tpu.memory_space<hbm>> -> memref<1x128x128xf32, #tpu.memory_space<hbm>>
      %dma_start3A_68 = tpu.memref_squeeze %dma_start3A_67 : memref<1x128x128xf32, #tpu.memory_space<hbm>> -> memref<128x128xf32, #tpu.memory_space<hbm>>
      %dma_start3A_69 = arith.constant 0 : i32
      %dma_start3A_70 = tpu.memref_slice %arg6[%arg0, %add3A_42, %dma_start3A_69] : memref<2x10240x128xf32, #tpu.memory_space<hbm>> -> memref<1x128x128xf32, #tpu.memory_space<hbm>>
      %dma_start3A_71 = tpu.memref_squeeze %dma_start3A_70 : memref<1x128x128xf32, #tpu.memory_space<hbm>> -> memref<128x128xf32, #tpu.memory_space<hbm>>
      tpu.enqueue_dma source(%arg9 : memref<128x128xf32, #tpu.memory_space<vmem>>) target(%dma_start3A_71 : memref<128x128xf32, #tpu.memory_space<hbm>>) target_semaphore(%run_scoped3A : memref<!tpu.dma_semaphore, #tpu.memory_space<semaphore_mem>>)
      %dma_wait3A = arith.constant 0 : i32
      %dma_wait3A_72 = tpu.memref_slice %arg6[%arg0, %add3A_42, %dma_wait3A] : memref<2x10240x128xf32, #tpu.memory_space<hbm>> -> memref<1x128x128xf32, #tpu.memory_space<hbm>>
      %dma_wait3A_73 = tpu.memref_squeeze %dma_wait3A_72 : memref<1x128x128xf32, #tpu.memory_space<hbm>> -> memref<128x128xf32, #tpu.memory_space<hbm>>
      %dma_wait3A_74 = arith.constant 0 : i32
      %dma_wait3A_75 = tpu.memref_slice %arg6[%arg0, %add3A_42, %dma_wait3A_74] : memref<2x10240x128xf32, #tpu.memory_space<hbm>> -> memref<1x128x128xf32, #tpu.memory_space<hbm>>
      %dma_wait3A_76 = tpu.memref_squeeze %dma_wait3A_75 : memref<1x128x128xf32, #tpu.memory_space<hbm>> -> memref<128x128xf32, #tpu.memory_space<hbm>>
      tpu.wait_dma2 semaphore(%run_scoped3A : memref<!tpu.dma_semaphore, #tpu.memory_space<semaphore_mem>>) src(%arg9 : memref<128x128xf32, #tpu.memory_space<vmem>>) dst(%dma_wait3A_76 : memref<128x128xf32, #tpu.memory_space<hbm>>)
      tpu.yield
    }) : () -> ()
    %mul3A_43 = arith.constant 640 : i32
    %mul3A_44 = arith.muli %arg1, %mul3A_43 : i32
    %add3A_45 = arith.constant 256 : i32
    %add3A_46 = arith.addi %mul3A_44, %add3A_45 : i32
    "tpu.region"() ({
      %run_scoped3A = tpu.sem_alloc : memref<!tpu.dma_semaphore, #tpu.memory_space<semaphore_mem>>
      %dma_start3A = arith.constant 0 : i32
      %dma_start3A_67 = tpu.memref_slice %arg15[%add3A_46, %dma_start3A] : memref<10240x128xf32, #tpu.memory_space<vmem_shared>> -> memref<128x128xf32, #tpu.memory_space<vmem_shared>>
      %dma_start3A_68 = arith.constant 0 : i32
      %dma_start3A_69 = tpu.memref_slice %arg15[%add3A_46, %dma_start3A_68] : memref<10240x128xf32, #tpu.memory_space<vmem_shared>> -> memref<128x128xf32, #tpu.memory_space<vmem_shared>>
      tpu.enqueue_dma source(%dma_start3A_69 : memref<128x128xf32, #tpu.memory_space<vmem_shared>>) target(%arg9 : memref<128x128xf32, #tpu.memory_space<vmem>>) target_semaphore(%run_scoped3A : memref<!tpu.dma_semaphore, #tpu.memory_space<semaphore_mem>>)
      %dma_wait3A = arith.constant 0 : i32
      %dma_wait3A_70 = tpu.memref_slice %arg15[%add3A_46, %dma_wait3A] : memref<10240x128xf32, #tpu.memory_space<vmem_shared>> -> memref<128x128xf32, #tpu.memory_space<vmem_shared>>
      %dma_wait3A_71 = arith.constant 0 : i32
      %dma_wait3A_72 = tpu.memref_slice %arg15[%add3A_46, %dma_wait3A_71] : memref<10240x128xf32, #tpu.memory_space<vmem_shared>> -> memref<128x128xf32, #tpu.memory_space<vmem_shared>>
      tpu.wait_dma2 semaphore(%run_scoped3A : memref<!tpu.dma_semaphore, #tpu.memory_space<semaphore_mem>>) src(%dma_wait3A_72 : memref<128x128xf32, #tpu.memory_space<vmem_shared>>) dst(%arg9 : memref<128x128xf32, #tpu.memory_space<vmem>>)
      tpu.yield
    }) : () -> ()
    %mul3A_47 = arith.constant 640 : i32
    %mul3A_48 = arith.muli %arg1, %mul3A_47 : i32
    %add3A_49 = arith.constant 256 : i32
    %add3A_50 = arith.addi %mul3A_48, %add3A_49 : i32
    "tpu.region"() ({
      %run_scoped3A = tpu.sem_alloc : memref<!tpu.dma_semaphore, #tpu.memory_space<semaphore_mem>>
      %dma_start3A = arith.constant 0 : i32
      %dma_start3A_67 = tpu.memref_slice %arg6[%arg0, %add3A_50, %dma_start3A] : memref<2x10240x128xf32, #tpu.memory_space<hbm>> -> memref<1x128x128xf32, #tpu.memory_space<hbm>>
      %dma_start3A_68 = tpu.memref_squeeze %dma_start3A_67 : memref<1x128x128xf32, #tpu.memory_space<hbm>> -> memref<128x128xf32, #tpu.memory_space<hbm>>
      %dma_start3A_69 = arith.constant 0 : i32
      %dma_start3A_70 = tpu.memref_slice %arg6[%arg0, %add3A_50, %dma_start3A_69] : memref<2x10240x128xf32, #tpu.memory_space<hbm>> -> memref<1x128x128xf32, #tpu.memory_space<hbm>>
      %dma_start3A_71 = tpu.memref_squeeze %dma_start3A_70 : memref<1x128x128xf32, #tpu.memory_space<hbm>> -> memref<128x128xf32, #tpu.memory_space<hbm>>
      tpu.enqueue_dma source(%arg9 : memref<128x128xf32, #tpu.memory_space<vmem>>) target(%dma_start3A_71 : memref<128x128xf32, #tpu.memory_space<hbm>>) target_semaphore(%run_scoped3A : memref<!tpu.dma_semaphore, #tpu.memory_space<semaphore_mem>>)
      %dma_wait3A = arith.constant 0 : i32
      %dma_wait3A_72 = tpu.memref_slice %arg6[%arg0, %add3A_50, %dma_wait3A] : memref<2x10240x128xf32, #tpu.memory_space<hbm>> -> memref<1x128x128xf32, #tpu.memory_space<hbm>>
      %dma_wait3A_73 = tpu.memref_squeeze %dma_wait3A_72 : memref<1x128x128xf32, #tpu.memory_space<hbm>> -> memref<128x128xf32, #tpu.memory_space<hbm>>
      %dma_wait3A_74 = arith.constant 0 : i32
      %dma_wait3A_75 = tpu.memref_slice %arg6[%arg0, %add3A_50, %dma_wait3A_74] : memref<2x10240x128xf32, #tpu.memory_space<hbm>> -> memref<1x128x128xf32, #tpu.memory_space<hbm>>
      %dma_wait3A_76 = tpu.memref_squeeze %dma_wait3A_75 : memref<1x128x128xf32, #tpu.memory_space<hbm>> -> memref<128x128xf32, #tpu.memory_space<hbm>>
      tpu.wait_dma2 semaphore(%run_scoped3A : memref<!tpu.dma_semaphore, #tpu.memory_space<semaphore_mem>>) src(%arg9 : memref<128x128xf32, #tpu.memory_space<vmem>>) dst(%dma_wait3A_76 : memref<128x128xf32, #tpu.memory_space<hbm>>)
      tpu.yield
    }) : () -> ()
    %mul3A_51 = arith.constant 640 : i32
    %mul3A_52 = arith.muli %arg1, %mul3A_51 : i32
    %add3A_53 = arith.constant 384 : i32
    %add3A_54 = arith.addi %mul3A_52, %add3A_53 : i32
    "tpu.region"() ({
      %run_scoped3A = tpu.sem_alloc : memref<!tpu.dma_semaphore, #tpu.memory_space<semaphore_mem>>
      %dma_start3A = arith.constant 0 : i32
      %dma_start3A_67 = tpu.memref_slice %arg15[%add3A_54, %dma_start3A] : memref<10240x128xf32, #tpu.memory_space<vmem_shared>> -> memref<128x128xf32, #tpu.memory_space<vmem_shared>>
      %dma_start3A_68 = arith.constant 0 : i32
      %dma_start3A_69 = tpu.memref_slice %arg15[%add3A_54, %dma_start3A_68] : memref<10240x128xf32, #tpu.memory_space<vmem_shared>> -> memref<128x128xf32, #tpu.memory_space<vmem_shared>>
      tpu.enqueue_dma source(%dma_start3A_69 : memref<128x128xf32, #tpu.memory_space<vmem_shared>>) target(%arg9 : memref<128x128xf32, #tpu.memory_space<vmem>>) target_semaphore(%run_scoped3A : memref<!tpu.dma_semaphore, #tpu.memory_space<semaphore_mem>>)
      %dma_wait3A = arith.constant 0 : i32
      %dma_wait3A_70 = tpu.memref_slice %arg15[%add3A_54, %dma_wait3A] : memref<10240x128xf32, #tpu.memory_space<vmem_shared>> -> memref<128x128xf32, #tpu.memory_space<vmem_shared>>
      %dma_wait3A_71 = arith.constant 0 : i32
      %dma_wait3A_72 = tpu.memref_slice %arg15[%add3A_54, %dma_wait3A_71] : memref<10240x128xf32, #tpu.memory_space<vmem_shared>> -> memref<128x128xf32, #tpu.memory_space<vmem_shared>>
      tpu.wait_dma2 semaphore(%run_scoped3A : memref<!tpu.dma_semaphore, #tpu.memory_space<semaphore_mem>>) src(%dma_wait3A_72 : memref<128x128xf32, #tpu.memory_space<vmem_shared>>) dst(%arg9 : memref<128x128xf32, #tpu.memory_space<vmem>>)
      tpu.yield
    }) : () -> ()
    %mul3A_55 = arith.constant 640 : i32
    %mul3A_56 = arith.muli %arg1, %mul3A_55 : i32
    %add3A_57 = arith.constant 384 : i32
    %add3A_58 = arith.addi %mul3A_56, %add3A_57 : i32
    "tpu.region"() ({
      %run_scoped3A = tpu.sem_alloc : memref<!tpu.dma_semaphore, #tpu.memory_space<semaphore_mem>>
      %dma_start3A = arith.constant 0 : i32
      %dma_start3A_67 = tpu.memref_slice %arg6[%arg0, %add3A_58, %dma_start3A] : memref<2x10240x128xf32, #tpu.memory_space<hbm>> -> memref<1x128x128xf32, #tpu.memory_space<hbm>>
      %dma_start3A_68 = tpu.memref_squeeze %dma_start3A_67 : memref<1x128x128xf32, #tpu.memory_space<hbm>> -> memref<128x128xf32, #tpu.memory_space<hbm>>
      %dma_start3A_69 = arith.constant 0 : i32
      %dma_start3A_70 = tpu.memref_slice %arg6[%arg0, %add3A_58, %dma_start3A_69] : memref<2x10240x128xf32, #tpu.memory_space<hbm>> -> memref<1x128x128xf32, #tpu.memory_space<hbm>>
      %dma_start3A_71 = tpu.memref_squeeze %dma_start3A_70 : memref<1x128x128xf32, #tpu.memory_space<hbm>> -> memref<128x128xf32, #tpu.memory_space<hbm>>
      tpu.enqueue_dma source(%arg9 : memref<128x128xf32, #tpu.memory_space<vmem>>) target(%dma_start3A_71 : memref<128x128xf32, #tpu.memory_space<hbm>>) target_semaphore(%run_scoped3A : memref<!tpu.dma_semaphore, #tpu.memory_space<semaphore_mem>>)
      %dma_wait3A = arith.constant 0 : i32
      %dma_wait3A_72 = tpu.memref_slice %arg6[%arg0, %add3A_58, %dma_wait3A] : memref<2x10240x128xf32, #tpu.memory_space<hbm>> -> memref<1x128x128xf32, #tpu.memory_space<hbm>>
      %dma_wait3A_73 = tpu.memref_squeeze %dma_wait3A_72 : memref<1x128x128xf32, #tpu.memory_space<hbm>> -> memref<128x128xf32, #tpu.memory_space<hbm>>
      %dma_wait3A_74 = arith.constant 0 : i32
      %dma_wait3A_75 = tpu.memref_slice %arg6[%arg0, %add3A_58, %dma_wait3A_74] : memref<2x10240x128xf32, #tpu.memory_space<hbm>> -> memref<1x128x128xf32, #tpu.memory_space<hbm>>
      %dma_wait3A_76 = tpu.memref_squeeze %dma_wait3A_75 : memref<1x128x128xf32, #tpu.memory_space<hbm>> -> memref<128x128xf32, #tpu.memory_space<hbm>>
      tpu.wait_dma2 semaphore(%run_scoped3A : memref<!tpu.dma_semaphore, #tpu.memory_space<semaphore_mem>>) src(%arg9 : memref<128x128xf32, #tpu.memory_space<vmem>>) dst(%dma_wait3A_76 : memref<128x128xf32, #tpu.memory_space<hbm>>)
      tpu.yield
    }) : () -> ()
    %mul3A_59 = arith.constant 640 : i32
    %mul3A_60 = arith.muli %arg1, %mul3A_59 : i32
    %add3A_61 = arith.constant 512 : i32
    %add3A_62 = arith.addi %mul3A_60, %add3A_61 : i32
    "tpu.region"() ({
      %run_scoped3A = tpu.sem_alloc : memref<!tpu.dma_semaphore, #tpu.memory_space<semaphore_mem>>
      %dma_start3A = arith.constant 0 : i32
      %dma_start3A_67 = tpu.memref_slice %arg15[%add3A_62, %dma_start3A] : memref<10240x128xf32, #tpu.memory_space<vmem_shared>> -> memref<128x128xf32, #tpu.memory_space<vmem_shared>>
      %dma_start3A_68 = arith.constant 0 : i32
      %dma_start3A_69 = tpu.memref_slice %arg15[%add3A_62, %dma_start3A_68] : memref<10240x128xf32, #tpu.memory_space<vmem_shared>> -> memref<128x128xf32, #tpu.memory_space<vmem_shared>>
      tpu.enqueue_dma source(%dma_start3A_69 : memref<128x128xf32, #tpu.memory_space<vmem_shared>>) target(%arg9 : memref<128x128xf32, #tpu.memory_space<vmem>>) target_semaphore(%run_scoped3A : memref<!tpu.dma_semaphore, #tpu.memory_space<semaphore_mem>>)
      %dma_wait3A = arith.constant 0 : i32
      %dma_wait3A_70 = tpu.memref_slice %arg15[%add3A_62, %dma_wait3A] : memref<10240x128xf32, #tpu.memory_space<vmem_shared>> -> memref<128x128xf32, #tpu.memory_space<vmem_shared>>
      %dma_wait3A_71 = arith.constant 0 : i32
      %dma_wait3A_72 = tpu.memref_slice %arg15[%add3A_62, %dma_wait3A_71] : memref<10240x128xf32, #tpu.memory_space<vmem_shared>> -> memref<128x128xf32, #tpu.memory_space<vmem_shared>>
      tpu.wait_dma2 semaphore(%run_scoped3A : memref<!tpu.dma_semaphore, #tpu.memory_space<semaphore_mem>>) src(%dma_wait3A_72 : memref<128x128xf32, #tpu.memory_space<vmem_shared>>) dst(%arg9 : memref<128x128xf32, #tpu.memory_space<vmem>>)
      tpu.yield
    }) : () -> ()
    %mul3A_63 = arith.constant 640 : i32
    %mul3A_64 = arith.muli %arg1, %mul3A_63 : i32
    %add3A_65 = arith.constant 512 : i32
    %add3A_66 = arith.addi %mul3A_64, %add3A_65 : i32
    "tpu.region"() ({
      %run_scoped3A = tpu.sem_alloc : memref<!tpu.dma_semaphore, #tpu.memory_space<semaphore_mem>>
      %dma_start3A = arith.constant 0 : i32
      %dma_start3A_67 = tpu.memref_slice %arg6[%arg0, %add3A_66, %dma_start3A] : memref<2x10240x128xf32, #tpu.memory_space<hbm>> -> memref<1x128x128xf32, #tpu.memory_space<hbm>>
      %dma_start3A_68 = tpu.memref_squeeze %dma_start3A_67 : memref<1x128x128xf32, #tpu.memory_space<hbm>> -> memref<128x128xf32, #tpu.memory_space<hbm>>
      %dma_start3A_69 = arith.constant 0 : i32
      %dma_start3A_70 = tpu.memref_slice %arg6[%arg0, %add3A_66, %dma_start3A_69] : memref<2x10240x128xf32, #tpu.memory_space<hbm>> -> memref<1x128x128xf32, #tpu.memory_space<hbm>>
      %dma_start3A_71 = tpu.memref_squeeze %dma_start3A_70 : memref<1x128x128xf32, #tpu.memory_space<hbm>> -> memref<128x128xf32, #tpu.memory_space<hbm>>
      tpu.enqueue_dma source(%arg9 : memref<128x128xf32, #tpu.memory_space<vmem>>) target(%dma_start3A_71 : memref<128x128xf32, #tpu.memory_space<hbm>>) target_semaphore(%run_scoped3A : memref<!tpu.dma_semaphore, #tpu.memory_space<semaphore_mem>>)
      %dma_wait3A = arith.constant 0 : i32
      %dma_wait3A_72 = tpu.memref_slice %arg6[%arg0, %add3A_66, %dma_wait3A] : memref<2x10240x128xf32, #tpu.memory_space<hbm>> -> memref<1x128x128xf32, #tpu.memory_space<hbm>>
      %dma_wait3A_73 = tpu.memref_squeeze %dma_wait3A_72 : memref<1x128x128xf32, #tpu.memory_space<hbm>> -> memref<128x128xf32, #tpu.memory_space<hbm>>
      %dma_wait3A_74 = arith.constant 0 : i32
      %dma_wait3A_75 = tpu.memref_slice %arg6[%arg0, %add3A_66, %dma_wait3A_74] : memref<2x10240x128xf32, #tpu.memory_space<hbm>> -> memref<1x128x128xf32, #tpu.memory_space<hbm>>
      %dma_wait3A_76 = tpu.memref_squeeze %dma_wait3A_75 : memref<1x128x128xf32, #tpu.memory_space<hbm>> -> memref<128x128xf32, #tpu.memory_space<hbm>>
      tpu.wait_dma2 semaphore(%run_scoped3A : memref<!tpu.dma_semaphore, #tpu.memory_space<semaphore_mem>>) src(%arg9 : memref<128x128xf32, #tpu.memory_space<vmem>>) dst(%dma_wait3A_76 : memref<128x128xf32, #tpu.memory_space<hbm>>)
      tpu.yield
    }) : () -> ()
    return
  }
}

#map = affine_map<(d0, d1) -> (0, 0)>
#map1 = affine_map<(d0, d1) -> (0)>
#map2 = affine_map<(d0, d1) -> (0, 0, 0)>
module attributes {stable_mosaic.version = 14 : i64} {
  func.func @gat_kernel(%arg0: i32, %arg1: i32, %arg2: memref<10240x128xf32, #tpu.memory_space<hbm>>, %arg3: memref<10240x128xf32, #tpu.memory_space<hbm>>, %arg4: memref<10240xf32, #tpu.memory_space<hbm>>, %arg5: memref<128xf32, #tpu.memory_space<hbm>>, %arg6: memref<32x160x64xi32, #tpu.memory_space<hbm>>, %arg7: memref<32x160x64xi32, #tpu.memory_space<hbm>>, %arg8: memref<64x128xf32, #tpu.memory_space<hbm>>, %arg9: memref<64xf32, #tpu.memory_space<hbm>>, %arg10: memref<2x10240x128xf32, #tpu.memory_space<hbm>>, %arg11: memref<20480xf32, #tpu.memory_space<hbm>>, %arg12: memref<32x64xi32, #tpu.memory_space<vmem>>, %arg13: memref<32x64xi32, #tpu.memory_space<vmem>>, %arg14: memref<64x128xf32, #tpu.memory_space<vmem>>, %arg15: memref<64x128xf32, #tpu.memory_space<vmem>>, %arg16: memref<64x128xf32, #tpu.memory_space<vmem>>, %arg17: memref<64x128xf32, #tpu.memory_space<vmem>>, %arg18: memref<64xf32, #tpu.memory_space<vmem>>, %arg19: memref<64xf32, #tpu.memory_space<vmem>>, %arg20: memref<64xf32, #tpu.memory_space<vmem>>, %arg21: memref<64xf32, #tpu.memory_space<vmem>>, %arg22: memref<128xf32, #tpu.memory_space<vmem>>, %arg23: memref<!tpu.dma_semaphore, #tpu.memory_space<semaphore_mem>>, %arg24: memref<!tpu.dma_semaphore, #tpu.memory_space<semaphore_mem>>, %arg25: memref<!tpu.dma_semaphore, #tpu.memory_space<semaphore_mem>>, %arg26: memref<!tpu.dma_semaphore, #tpu.memory_space<semaphore_mem>>, %arg27: memref<10240x128xf32, #tpu.memory_space<vmem_shared>>, %arg28: memref<10240xf32, #tpu.memory_space<vmem_shared>>) attributes {dimension_semantics = [#tpu.dimension_semantics<core_parallel>, #tpu.dimension_semantics<subcore_parallel>], iteration_bounds = array<i64: 2, 16>, scalar_prefetch = 0 : i64, scratch_operands = 17 : i64, tpu.core_type = #tpu.core_type<sc_vector_subcore>, window_params = [{transform_indices = #map}, {transform_indices = #map}, {transform_indices = #map1}, {transform_indices = #map1}, {transform_indices = #map2}, {transform_indices = #map2}, {transform_indices = #map}, {transform_indices = #map1}, {transform_indices = #map2}, {transform_indices = #map1}]} {
    %mul3A = arith.constant 16 : i32
    %mul3A_0 = arith.muli %arg0, %mul3A : i32
    %add3A = arith.addi %mul3A_0, %arg1 : i32
    "tpu.region"() ({
      %run_scoped3A = tpu.sem_alloc : memref<!tpu.dma_semaphore, #tpu.memory_space<semaphore_mem>>
      tpu.enqueue_dma source(%arg8 : memref<64x128xf32, #tpu.memory_space<hbm>>) target(%arg14 : memref<64x128xf32, #tpu.memory_space<vmem>>) target_semaphore(%run_scoped3A : memref<!tpu.dma_semaphore, #tpu.memory_space<semaphore_mem>>)
      tpu.wait_dma2 semaphore(%run_scoped3A : memref<!tpu.dma_semaphore, #tpu.memory_space<semaphore_mem>>) src(%arg8 : memref<64x128xf32, #tpu.memory_space<hbm>>) dst(%arg14 : memref<64x128xf32, #tpu.memory_space<vmem>>)
      tpu.yield
    }) : () -> ()
    "tpu.region"() ({
      %run_scoped3A = tpu.sem_alloc : memref<!tpu.dma_semaphore, #tpu.memory_space<semaphore_mem>>
      tpu.enqueue_dma source(%arg9 : memref<64xf32, #tpu.memory_space<hbm>>) target(%arg20 : memref<64xf32, #tpu.memory_space<vmem>>) target_semaphore(%run_scoped3A : memref<!tpu.dma_semaphore, #tpu.memory_space<semaphore_mem>>)
      tpu.wait_dma2 semaphore(%run_scoped3A : memref<!tpu.dma_semaphore, #tpu.memory_space<semaphore_mem>>) src(%arg9 : memref<64xf32, #tpu.memory_space<hbm>>) dst(%arg20 : memref<64xf32, #tpu.memory_space<vmem>>)
      tpu.yield
    }) : () -> ()
    %mul3A_1 = arith.constant 640 : i32
    %mul3A_2 = arith.muli %arg1, %mul3A_1 : i32
    %add3A_3 = arith.constant 0 : i32
    %add3A_4 = arith.addi %mul3A_2, %add3A_3 : i32
    "tpu.region"() ({
      %run_scoped3A = tpu.sem_alloc : memref<!tpu.dma_semaphore, #tpu.memory_space<semaphore_mem>>
      %dma_start3A = arith.constant 0 : i32
      %dma_start3A_295 = tpu.memref_slice %arg27[%add3A_4, %dma_start3A] : memref<10240x128xf32, #tpu.memory_space<vmem_shared>> -> memref<64x128xf32, #tpu.memory_space<vmem_shared>>
      %dma_start3A_296 = arith.constant 0 : i32
      %dma_start3A_297 = tpu.memref_slice %arg27[%add3A_4, %dma_start3A_296] : memref<10240x128xf32, #tpu.memory_space<vmem_shared>> -> memref<64x128xf32, #tpu.memory_space<vmem_shared>>
      tpu.enqueue_dma source(%arg14 : memref<64x128xf32, #tpu.memory_space<vmem>>) target(%dma_start3A_297 : memref<64x128xf32, #tpu.memory_space<vmem_shared>>) target_semaphore(%run_scoped3A : memref<!tpu.dma_semaphore, #tpu.memory_space<semaphore_mem>>)
      %dma_wait3A = arith.constant 0 : i32
      %dma_wait3A_298 = tpu.memref_slice %arg27[%add3A_4, %dma_wait3A] : memref<10240x128xf32, #tpu.memory_space<vmem_shared>> -> memref<64x128xf32, #tpu.memory_space<vmem_shared>>
      %dma_wait3A_299 = arith.constant 0 : i32
      %dma_wait3A_300 = tpu.memref_slice %arg27[%add3A_4, %dma_wait3A_299] : memref<10240x128xf32, #tpu.memory_space<vmem_shared>> -> memref<64x128xf32, #tpu.memory_space<vmem_shared>>
      tpu.wait_dma2 semaphore(%run_scoped3A : memref<!tpu.dma_semaphore, #tpu.memory_space<semaphore_mem>>) src(%arg14 : memref<64x128xf32, #tpu.memory_space<vmem>>) dst(%dma_wait3A_300 : memref<64x128xf32, #tpu.memory_space<vmem_shared>>)
      tpu.yield
    }) : () -> ()
    %mul3A_5 = arith.constant 640 : i32
    %mul3A_6 = arith.muli %arg1, %mul3A_5 : i32
    %add3A_7 = arith.constant 0 : i32
    %add3A_8 = arith.addi %mul3A_6, %add3A_7 : i32
    "tpu.region"() ({
      %run_scoped3A = tpu.sem_alloc : memref<!tpu.dma_semaphore, #tpu.memory_space<semaphore_mem>>
      %dma_start3A = tpu.memref_slice %arg28[%add3A_8] : memref<10240xf32, #tpu.memory_space<vmem_shared>> -> memref<64xf32, #tpu.memory_space<vmem_shared>>
      %dma_start3A_295 = tpu.memref_slice %arg28[%add3A_8] : memref<10240xf32, #tpu.memory_space<vmem_shared>> -> memref<64xf32, #tpu.memory_space<vmem_shared>>
      tpu.enqueue_dma source(%arg20 : memref<64xf32, #tpu.memory_space<vmem>>) target(%dma_start3A_295 : memref<64xf32, #tpu.memory_space<vmem_shared>>) target_semaphore(%run_scoped3A : memref<!tpu.dma_semaphore, #tpu.memory_space<semaphore_mem>>)
      %dma_wait3A = tpu.memref_slice %arg28[%add3A_8] : memref<10240xf32, #tpu.memory_space<vmem_shared>> -> memref<64xf32, #tpu.memory_space<vmem_shared>>
      %dma_wait3A_296 = tpu.memref_slice %arg28[%add3A_8] : memref<10240xf32, #tpu.memory_space<vmem_shared>> -> memref<64xf32, #tpu.memory_space<vmem_shared>>
      tpu.wait_dma2 semaphore(%run_scoped3A : memref<!tpu.dma_semaphore, #tpu.memory_space<semaphore_mem>>) src(%arg20 : memref<64xf32, #tpu.memory_space<vmem>>) dst(%dma_wait3A_296 : memref<64xf32, #tpu.memory_space<vmem_shared>>)
      tpu.yield
    }) : () -> ()
    %mul3A_9 = arith.constant 640 : i32
    %mul3A_10 = arith.muli %arg1, %mul3A_9 : i32
    %add3A_11 = arith.constant 64 : i32
    %add3A_12 = arith.addi %mul3A_10, %add3A_11 : i32
    "tpu.region"() ({
      %run_scoped3A = tpu.sem_alloc : memref<!tpu.dma_semaphore, #tpu.memory_space<semaphore_mem>>
      %dma_start3A = arith.constant 0 : i32
      %dma_start3A_295 = tpu.memref_slice %arg27[%add3A_12, %dma_start3A] : memref<10240x128xf32, #tpu.memory_space<vmem_shared>> -> memref<64x128xf32, #tpu.memory_space<vmem_shared>>
      %dma_start3A_296 = arith.constant 0 : i32
      %dma_start3A_297 = tpu.memref_slice %arg27[%add3A_12, %dma_start3A_296] : memref<10240x128xf32, #tpu.memory_space<vmem_shared>> -> memref<64x128xf32, #tpu.memory_space<vmem_shared>>
      tpu.enqueue_dma source(%arg14 : memref<64x128xf32, #tpu.memory_space<vmem>>) target(%dma_start3A_297 : memref<64x128xf32, #tpu.memory_space<vmem_shared>>) target_semaphore(%run_scoped3A : memref<!tpu.dma_semaphore, #tpu.memory_space<semaphore_mem>>)
      %dma_wait3A = arith.constant 0 : i32
      %dma_wait3A_298 = tpu.memref_slice %arg27[%add3A_12, %dma_wait3A] : memref<10240x128xf32, #tpu.memory_space<vmem_shared>> -> memref<64x128xf32, #tpu.memory_space<vmem_shared>>
      %dma_wait3A_299 = arith.constant 0 : i32
      %dma_wait3A_300 = tpu.memref_slice %arg27[%add3A_12, %dma_wait3A_299] : memref<10240x128xf32, #tpu.memory_space<vmem_shared>> -> memref<64x128xf32, #tpu.memory_space<vmem_shared>>
      tpu.wait_dma2 semaphore(%run_scoped3A : memref<!tpu.dma_semaphore, #tpu.memory_space<semaphore_mem>>) src(%arg14 : memref<64x128xf32, #tpu.memory_space<vmem>>) dst(%dma_wait3A_300 : memref<64x128xf32, #tpu.memory_space<vmem_shared>>)
      tpu.yield
    }) : () -> ()
    %mul3A_13 = arith.constant 640 : i32
    %mul3A_14 = arith.muli %arg1, %mul3A_13 : i32
    %add3A_15 = arith.constant 64 : i32
    %add3A_16 = arith.addi %mul3A_14, %add3A_15 : i32
    "tpu.region"() ({
      %run_scoped3A = tpu.sem_alloc : memref<!tpu.dma_semaphore, #tpu.memory_space<semaphore_mem>>
      %dma_start3A = tpu.memref_slice %arg28[%add3A_16] : memref<10240xf32, #tpu.memory_space<vmem_shared>> -> memref<64xf32, #tpu.memory_space<vmem_shared>>
      %dma_start3A_295 = tpu.memref_slice %arg28[%add3A_16] : memref<10240xf32, #tpu.memory_space<vmem_shared>> -> memref<64xf32, #tpu.memory_space<vmem_shared>>
      tpu.enqueue_dma source(%arg20 : memref<64xf32, #tpu.memory_space<vmem>>) target(%dma_start3A_295 : memref<64xf32, #tpu.memory_space<vmem_shared>>) target_semaphore(%run_scoped3A : memref<!tpu.dma_semaphore, #tpu.memory_space<semaphore_mem>>)
      %dma_wait3A = tpu.memref_slice %arg28[%add3A_16] : memref<10240xf32, #tpu.memory_space<vmem_shared>> -> memref<64xf32, #tpu.memory_space<vmem_shared>>
      %dma_wait3A_296 = tpu.memref_slice %arg28[%add3A_16] : memref<10240xf32, #tpu.memory_space<vmem_shared>> -> memref<64xf32, #tpu.memory_space<vmem_shared>>
      tpu.wait_dma2 semaphore(%run_scoped3A : memref<!tpu.dma_semaphore, #tpu.memory_space<semaphore_mem>>) src(%arg20 : memref<64xf32, #tpu.memory_space<vmem>>) dst(%dma_wait3A_296 : memref<64xf32, #tpu.memory_space<vmem_shared>>)
      tpu.yield
    }) : () -> ()
    %mul3A_17 = arith.constant 640 : i32
    %mul3A_18 = arith.muli %arg1, %mul3A_17 : i32
    %add3A_19 = arith.constant 128 : i32
    %add3A_20 = arith.addi %mul3A_18, %add3A_19 : i32
    "tpu.region"() ({
      %run_scoped3A = tpu.sem_alloc : memref<!tpu.dma_semaphore, #tpu.memory_space<semaphore_mem>>
      %dma_start3A = arith.constant 0 : i32
      %dma_start3A_295 = tpu.memref_slice %arg27[%add3A_20, %dma_start3A] : memref<10240x128xf32, #tpu.memory_space<vmem_shared>> -> memref<64x128xf32, #tpu.memory_space<vmem_shared>>
      %dma_start3A_296 = arith.constant 0 : i32
      %dma_start3A_297 = tpu.memref_slice %arg27[%add3A_20, %dma_start3A_296] : memref<10240x128xf32, #tpu.memory_space<vmem_shared>> -> memref<64x128xf32, #tpu.memory_space<vmem_shared>>
      tpu.enqueue_dma source(%arg14 : memref<64x128xf32, #tpu.memory_space<vmem>>) target(%dma_start3A_297 : memref<64x128xf32, #tpu.memory_space<vmem_shared>>) target_semaphore(%run_scoped3A : memref<!tpu.dma_semaphore, #tpu.memory_space<semaphore_mem>>)
      %dma_wait3A = arith.constant 0 : i32
      %dma_wait3A_298 = tpu.memref_slice %arg27[%add3A_20, %dma_wait3A] : memref<10240x128xf32, #tpu.memory_space<vmem_shared>> -> memref<64x128xf32, #tpu.memory_space<vmem_shared>>
      %dma_wait3A_299 = arith.constant 0 : i32
      %dma_wait3A_300 = tpu.memref_slice %arg27[%add3A_20, %dma_wait3A_299] : memref<10240x128xf32, #tpu.memory_space<vmem_shared>> -> memref<64x128xf32, #tpu.memory_space<vmem_shared>>
      tpu.wait_dma2 semaphore(%run_scoped3A : memref<!tpu.dma_semaphore, #tpu.memory_space<semaphore_mem>>) src(%arg14 : memref<64x128xf32, #tpu.memory_space<vmem>>) dst(%dma_wait3A_300 : memref<64x128xf32, #tpu.memory_space<vmem_shared>>)
      tpu.yield
    }) : () -> ()
    %mul3A_21 = arith.constant 640 : i32
    %mul3A_22 = arith.muli %arg1, %mul3A_21 : i32
    %add3A_23 = arith.constant 128 : i32
    %add3A_24 = arith.addi %mul3A_22, %add3A_23 : i32
    "tpu.region"() ({
      %run_scoped3A = tpu.sem_alloc : memref<!tpu.dma_semaphore, #tpu.memory_space<semaphore_mem>>
      %dma_start3A = tpu.memref_slice %arg28[%add3A_24] : memref<10240xf32, #tpu.memory_space<vmem_shared>> -> memref<64xf32, #tpu.memory_space<vmem_shared>>
      %dma_start3A_295 = tpu.memref_slice %arg28[%add3A_24] : memref<10240xf32, #tpu.memory_space<vmem_shared>> -> memref<64xf32, #tpu.memory_space<vmem_shared>>
      tpu.enqueue_dma source(%arg20 : memref<64xf32, #tpu.memory_space<vmem>>) target(%dma_start3A_295 : memref<64xf32, #tpu.memory_space<vmem_shared>>) target_semaphore(%run_scoped3A : memref<!tpu.dma_semaphore, #tpu.memory_space<semaphore_mem>>)
      %dma_wait3A = tpu.memref_slice %arg28[%add3A_24] : memref<10240xf32, #tpu.memory_space<vmem_shared>> -> memref<64xf32, #tpu.memory_space<vmem_shared>>
      %dma_wait3A_296 = tpu.memref_slice %arg28[%add3A_24] : memref<10240xf32, #tpu.memory_space<vmem_shared>> -> memref<64xf32, #tpu.memory_space<vmem_shared>>
      tpu.wait_dma2 semaphore(%run_scoped3A : memref<!tpu.dma_semaphore, #tpu.memory_space<semaphore_mem>>) src(%arg20 : memref<64xf32, #tpu.memory_space<vmem>>) dst(%dma_wait3A_296 : memref<64xf32, #tpu.memory_space<vmem_shared>>)
      tpu.yield
    }) : () -> ()
    %mul3A_25 = arith.constant 640 : i32
    %mul3A_26 = arith.muli %arg1, %mul3A_25 : i32
    %add3A_27 = arith.constant 192 : i32
    %add3A_28 = arith.addi %mul3A_26, %add3A_27 : i32
    "tpu.region"() ({
      %run_scoped3A = tpu.sem_alloc : memref<!tpu.dma_semaphore, #tpu.memory_space<semaphore_mem>>
      %dma_start3A = arith.constant 0 : i32
      %dma_start3A_295 = tpu.memref_slice %arg27[%add3A_28, %dma_start3A] : memref<10240x128xf32, #tpu.memory_space<vmem_shared>> -> memref<64x128xf32, #tpu.memory_space<vmem_shared>>
      %dma_start3A_296 = arith.constant 0 : i32
      %dma_start3A_297 = tpu.memref_slice %arg27[%add3A_28, %dma_start3A_296] : memref<10240x128xf32, #tpu.memory_space<vmem_shared>> -> memref<64x128xf32, #tpu.memory_space<vmem_shared>>
      tpu.enqueue_dma source(%arg14 : memref<64x128xf32, #tpu.memory_space<vmem>>) target(%dma_start3A_297 : memref<64x128xf32, #tpu.memory_space<vmem_shared>>) target_semaphore(%run_scoped3A : memref<!tpu.dma_semaphore, #tpu.memory_space<semaphore_mem>>)
      %dma_wait3A = arith.constant 0 : i32
      %dma_wait3A_298 = tpu.memref_slice %arg27[%add3A_28, %dma_wait3A] : memref<10240x128xf32, #tpu.memory_space<vmem_shared>> -> memref<64x128xf32, #tpu.memory_space<vmem_shared>>
      %dma_wait3A_299 = arith.constant 0 : i32
      %dma_wait3A_300 = tpu.memref_slice %arg27[%add3A_28, %dma_wait3A_299] : memref<10240x128xf32, #tpu.memory_space<vmem_shared>> -> memref<64x128xf32, #tpu.memory_space<vmem_shared>>
      tpu.wait_dma2 semaphore(%run_scoped3A : memref<!tpu.dma_semaphore, #tpu.memory_space<semaphore_mem>>) src(%arg14 : memref<64x128xf32, #tpu.memory_space<vmem>>) dst(%dma_wait3A_300 : memref<64x128xf32, #tpu.memory_space<vmem_shared>>)
      tpu.yield
    }) : () -> ()
    %mul3A_29 = arith.constant 640 : i32
    %mul3A_30 = arith.muli %arg1, %mul3A_29 : i32
    %add3A_31 = arith.constant 192 : i32
    %add3A_32 = arith.addi %mul3A_30, %add3A_31 : i32
    "tpu.region"() ({
      %run_scoped3A = tpu.sem_alloc : memref<!tpu.dma_semaphore, #tpu.memory_space<semaphore_mem>>
      %dma_start3A = tpu.memref_slice %arg28[%add3A_32] : memref<10240xf32, #tpu.memory_space<vmem_shared>> -> memref<64xf32, #tpu.memory_space<vmem_shared>>
      %dma_start3A_295 = tpu.memref_slice %arg28[%add3A_32] : memref<10240xf32, #tpu.memory_space<vmem_shared>> -> memref<64xf32, #tpu.memory_space<vmem_shared>>
      tpu.enqueue_dma source(%arg20 : memref<64xf32, #tpu.memory_space<vmem>>) target(%dma_start3A_295 : memref<64xf32, #tpu.memory_space<vmem_shared>>) target_semaphore(%run_scoped3A : memref<!tpu.dma_semaphore, #tpu.memory_space<semaphore_mem>>)
      %dma_wait3A = tpu.memref_slice %arg28[%add3A_32] : memref<10240xf32, #tpu.memory_space<vmem_shared>> -> memref<64xf32, #tpu.memory_space<vmem_shared>>
      %dma_wait3A_296 = tpu.memref_slice %arg28[%add3A_32] : memref<10240xf32, #tpu.memory_space<vmem_shared>> -> memref<64xf32, #tpu.memory_space<vmem_shared>>
      tpu.wait_dma2 semaphore(%run_scoped3A : memref<!tpu.dma_semaphore, #tpu.memory_space<semaphore_mem>>) src(%arg20 : memref<64xf32, #tpu.memory_space<vmem>>) dst(%dma_wait3A_296 : memref<64xf32, #tpu.memory_space<vmem_shared>>)
      tpu.yield
    }) : () -> ()
    %mul3A_33 = arith.constant 640 : i32
    %mul3A_34 = arith.muli %arg1, %mul3A_33 : i32
    %add3A_35 = arith.constant 256 : i32
    %add3A_36 = arith.addi %mul3A_34, %add3A_35 : i32
    "tpu.region"() ({
      %run_scoped3A = tpu.sem_alloc : memref<!tpu.dma_semaphore, #tpu.memory_space<semaphore_mem>>
      %dma_start3A = arith.constant 0 : i32
      %dma_start3A_295 = tpu.memref_slice %arg27[%add3A_36, %dma_start3A] : memref<10240x128xf32, #tpu.memory_space<vmem_shared>> -> memref<64x128xf32, #tpu.memory_space<vmem_shared>>
      %dma_start3A_296 = arith.constant 0 : i32
      %dma_start3A_297 = tpu.memref_slice %arg27[%add3A_36, %dma_start3A_296] : memref<10240x128xf32, #tpu.memory_space<vmem_shared>> -> memref<64x128xf32, #tpu.memory_space<vmem_shared>>
      tpu.enqueue_dma source(%arg14 : memref<64x128xf32, #tpu.memory_space<vmem>>) target(%dma_start3A_297 : memref<64x128xf32, #tpu.memory_space<vmem_shared>>) target_semaphore(%run_scoped3A : memref<!tpu.dma_semaphore, #tpu.memory_space<semaphore_mem>>)
      %dma_wait3A = arith.constant 0 : i32
      %dma_wait3A_298 = tpu.memref_slice %arg27[%add3A_36, %dma_wait3A] : memref<10240x128xf32, #tpu.memory_space<vmem_shared>> -> memref<64x128xf32, #tpu.memory_space<vmem_shared>>
      %dma_wait3A_299 = arith.constant 0 : i32
      %dma_wait3A_300 = tpu.memref_slice %arg27[%add3A_36, %dma_wait3A_299] : memref<10240x128xf32, #tpu.memory_space<vmem_shared>> -> memref<64x128xf32, #tpu.memory_space<vmem_shared>>
      tpu.wait_dma2 semaphore(%run_scoped3A : memref<!tpu.dma_semaphore, #tpu.memory_space<semaphore_mem>>) src(%arg14 : memref<64x128xf32, #tpu.memory_space<vmem>>) dst(%dma_wait3A_300 : memref<64x128xf32, #tpu.memory_space<vmem_shared>>)
      tpu.yield
    }) : () -> ()
    %mul3A_37 = arith.constant 640 : i32
    %mul3A_38 = arith.muli %arg1, %mul3A_37 : i32
    %add3A_39 = arith.constant 256 : i32
    %add3A_40 = arith.addi %mul3A_38, %add3A_39 : i32
    "tpu.region"() ({
      %run_scoped3A = tpu.sem_alloc : memref<!tpu.dma_semaphore, #tpu.memory_space<semaphore_mem>>
      %dma_start3A = tpu.memref_slice %arg28[%add3A_40] : memref<10240xf32, #tpu.memory_space<vmem_shared>> -> memref<64xf32, #tpu.memory_space<vmem_shared>>
      %dma_start3A_295 = tpu.memref_slice %arg28[%add3A_40] : memref<10240xf32, #tpu.memory_space<vmem_shared>> -> memref<64xf32, #tpu.memory_space<vmem_shared>>
      tpu.enqueue_dma source(%arg20 : memref<64xf32, #tpu.memory_space<vmem>>) target(%dma_start3A_295 : memref<64xf32, #tpu.memory_space<vmem_shared>>) target_semaphore(%run_scoped3A : memref<!tpu.dma_semaphore, #tpu.memory_space<semaphore_mem>>)
      %dma_wait3A = tpu.memref_slice %arg28[%add3A_40] : memref<10240xf32, #tpu.memory_space<vmem_shared>> -> memref<64xf32, #tpu.memory_space<vmem_shared>>
      %dma_wait3A_296 = tpu.memref_slice %arg28[%add3A_40] : memref<10240xf32, #tpu.memory_space<vmem_shared>> -> memref<64xf32, #tpu.memory_space<vmem_shared>>
      tpu.wait_dma2 semaphore(%run_scoped3A : memref<!tpu.dma_semaphore, #tpu.memory_space<semaphore_mem>>) src(%arg20 : memref<64xf32, #tpu.memory_space<vmem>>) dst(%dma_wait3A_296 : memref<64xf32, #tpu.memory_space<vmem_shared>>)
      tpu.yield
    }) : () -> ()
    %mul3A_41 = arith.constant 640 : i32
    %mul3A_42 = arith.muli %arg1, %mul3A_41 : i32
    %add3A_43 = arith.constant 320 : i32
    %add3A_44 = arith.addi %mul3A_42, %add3A_43 : i32
    "tpu.region"() ({
      %run_scoped3A = tpu.sem_alloc : memref<!tpu.dma_semaphore, #tpu.memory_space<semaphore_mem>>
      %dma_start3A = arith.constant 0 : i32
      %dma_start3A_295 = tpu.memref_slice %arg27[%add3A_44, %dma_start3A] : memref<10240x128xf32, #tpu.memory_space<vmem_shared>> -> memref<64x128xf32, #tpu.memory_space<vmem_shared>>
      %dma_start3A_296 = arith.constant 0 : i32
      %dma_start3A_297 = tpu.memref_slice %arg27[%add3A_44, %dma_start3A_296] : memref<10240x128xf32, #tpu.memory_space<vmem_shared>> -> memref<64x128xf32, #tpu.memory_space<vmem_shared>>
      tpu.enqueue_dma source(%arg14 : memref<64x128xf32, #tpu.memory_space<vmem>>) target(%dma_start3A_297 : memref<64x128xf32, #tpu.memory_space<vmem_shared>>) target_semaphore(%run_scoped3A : memref<!tpu.dma_semaphore, #tpu.memory_space<semaphore_mem>>)
      %dma_wait3A = arith.constant 0 : i32
      %dma_wait3A_298 = tpu.memref_slice %arg27[%add3A_44, %dma_wait3A] : memref<10240x128xf32, #tpu.memory_space<vmem_shared>> -> memref<64x128xf32, #tpu.memory_space<vmem_shared>>
      %dma_wait3A_299 = arith.constant 0 : i32
      %dma_wait3A_300 = tpu.memref_slice %arg27[%add3A_44, %dma_wait3A_299] : memref<10240x128xf32, #tpu.memory_space<vmem_shared>> -> memref<64x128xf32, #tpu.memory_space<vmem_shared>>
      tpu.wait_dma2 semaphore(%run_scoped3A : memref<!tpu.dma_semaphore, #tpu.memory_space<semaphore_mem>>) src(%arg14 : memref<64x128xf32, #tpu.memory_space<vmem>>) dst(%dma_wait3A_300 : memref<64x128xf32, #tpu.memory_space<vmem_shared>>)
      tpu.yield
    }) : () -> ()
    %mul3A_45 = arith.constant 640 : i32
    %mul3A_46 = arith.muli %arg1, %mul3A_45 : i32
    %add3A_47 = arith.constant 320 : i32
    %add3A_48 = arith.addi %mul3A_46, %add3A_47 : i32
    "tpu.region"() ({
      %run_scoped3A = tpu.sem_alloc : memref<!tpu.dma_semaphore, #tpu.memory_space<semaphore_mem>>
      %dma_start3A = tpu.memref_slice %arg28[%add3A_48] : memref<10240xf32, #tpu.memory_space<vmem_shared>> -> memref<64xf32, #tpu.memory_space<vmem_shared>>
      %dma_start3A_295 = tpu.memref_slice %arg28[%add3A_48] : memref<10240xf32, #tpu.memory_space<vmem_shared>> -> memref<64xf32, #tpu.memory_space<vmem_shared>>
      tpu.enqueue_dma source(%arg20 : memref<64xf32, #tpu.memory_space<vmem>>) target(%dma_start3A_295 : memref<64xf32, #tpu.memory_space<vmem_shared>>) target_semaphore(%run_scoped3A : memref<!tpu.dma_semaphore, #tpu.memory_space<semaphore_mem>>)
      %dma_wait3A = tpu.memref_slice %arg28[%add3A_48] : memref<10240xf32, #tpu.memory_space<vmem_shared>> -> memref<64xf32, #tpu.memory_space<vmem_shared>>
      %dma_wait3A_296 = tpu.memref_slice %arg28[%add3A_48] : memref<10240xf32, #tpu.memory_space<vmem_shared>> -> memref<64xf32, #tpu.memory_space<vmem_shared>>
      tpu.wait_dma2 semaphore(%run_scoped3A : memref<!tpu.dma_semaphore, #tpu.memory_space<semaphore_mem>>) src(%arg20 : memref<64xf32, #tpu.memory_space<vmem>>) dst(%dma_wait3A_296 : memref<64xf32, #tpu.memory_space<vmem_shared>>)
      tpu.yield
    }) : () -> ()
    %mul3A_49 = arith.constant 640 : i32
    %mul3A_50 = arith.muli %arg1, %mul3A_49 : i32
    %add3A_51 = arith.constant 384 : i32
    %add3A_52 = arith.addi %mul3A_50, %add3A_51 : i32
    "tpu.region"() ({
      %run_scoped3A = tpu.sem_alloc : memref<!tpu.dma_semaphore, #tpu.memory_space<semaphore_mem>>
      %dma_start3A = arith.constant 0 : i32
      %dma_start3A_295 = tpu.memref_slice %arg27[%add3A_52, %dma_start3A] : memref<10240x128xf32, #tpu.memory_space<vmem_shared>> -> memref<64x128xf32, #tpu.memory_space<vmem_shared>>
      %dma_start3A_296 = arith.constant 0 : i32
      %dma_start3A_297 = tpu.memref_slice %arg27[%add3A_52, %dma_start3A_296] : memref<10240x128xf32, #tpu.memory_space<vmem_shared>> -> memref<64x128xf32, #tpu.memory_space<vmem_shared>>
      tpu.enqueue_dma source(%arg14 : memref<64x128xf32, #tpu.memory_space<vmem>>) target(%dma_start3A_297 : memref<64x128xf32, #tpu.memory_space<vmem_shared>>) target_semaphore(%run_scoped3A : memref<!tpu.dma_semaphore, #tpu.memory_space<semaphore_mem>>)
      %dma_wait3A = arith.constant 0 : i32
      %dma_wait3A_298 = tpu.memref_slice %arg27[%add3A_52, %dma_wait3A] : memref<10240x128xf32, #tpu.memory_space<vmem_shared>> -> memref<64x128xf32, #tpu.memory_space<vmem_shared>>
      %dma_wait3A_299 = arith.constant 0 : i32
      %dma_wait3A_300 = tpu.memref_slice %arg27[%add3A_52, %dma_wait3A_299] : memref<10240x128xf32, #tpu.memory_space<vmem_shared>> -> memref<64x128xf32, #tpu.memory_space<vmem_shared>>
      tpu.wait_dma2 semaphore(%run_scoped3A : memref<!tpu.dma_semaphore, #tpu.memory_space<semaphore_mem>>) src(%arg14 : memref<64x128xf32, #tpu.memory_space<vmem>>) dst(%dma_wait3A_300 : memref<64x128xf32, #tpu.memory_space<vmem_shared>>)
      tpu.yield
    }) : () -> ()
    %mul3A_53 = arith.constant 640 : i32
    %mul3A_54 = arith.muli %arg1, %mul3A_53 : i32
    %add3A_55 = arith.constant 384 : i32
    %add3A_56 = arith.addi %mul3A_54, %add3A_55 : i32
    "tpu.region"() ({
      %run_scoped3A = tpu.sem_alloc : memref<!tpu.dma_semaphore, #tpu.memory_space<semaphore_mem>>
      %dma_start3A = tpu.memref_slice %arg28[%add3A_56] : memref<10240xf32, #tpu.memory_space<vmem_shared>> -> memref<64xf32, #tpu.memory_space<vmem_shared>>
      %dma_start3A_295 = tpu.memref_slice %arg28[%add3A_56] : memref<10240xf32, #tpu.memory_space<vmem_shared>> -> memref<64xf32, #tpu.memory_space<vmem_shared>>
      tpu.enqueue_dma source(%arg20 : memref<64xf32, #tpu.memory_space<vmem>>) target(%dma_start3A_295 : memref<64xf32, #tpu.memory_space<vmem_shared>>) target_semaphore(%run_scoped3A : memref<!tpu.dma_semaphore, #tpu.memory_space<semaphore_mem>>)
      %dma_wait3A = tpu.memref_slice %arg28[%add3A_56] : memref<10240xf32, #tpu.memory_space<vmem_shared>> -> memref<64xf32, #tpu.memory_space<vmem_shared>>
      %dma_wait3A_296 = tpu.memref_slice %arg28[%add3A_56] : memref<10240xf32, #tpu.memory_space<vmem_shared>> -> memref<64xf32, #tpu.memory_space<vmem_shared>>
      tpu.wait_dma2 semaphore(%run_scoped3A : memref<!tpu.dma_semaphore, #tpu.memory_space<semaphore_mem>>) src(%arg20 : memref<64xf32, #tpu.memory_space<vmem>>) dst(%dma_wait3A_296 : memref<64xf32, #tpu.memory_space<vmem_shared>>)
      tpu.yield
    }) : () -> ()
    %mul3A_57 = arith.constant 640 : i32
    %mul3A_58 = arith.muli %arg1, %mul3A_57 : i32
    %add3A_59 = arith.constant 448 : i32
    %add3A_60 = arith.addi %mul3A_58, %add3A_59 : i32
    "tpu.region"() ({
      %run_scoped3A = tpu.sem_alloc : memref<!tpu.dma_semaphore, #tpu.memory_space<semaphore_mem>>
      %dma_start3A = arith.constant 0 : i32
      %dma_start3A_295 = tpu.memref_slice %arg27[%add3A_60, %dma_start3A] : memref<10240x128xf32, #tpu.memory_space<vmem_shared>> -> memref<64x128xf32, #tpu.memory_space<vmem_shared>>
      %dma_start3A_296 = arith.constant 0 : i32
      %dma_start3A_297 = tpu.memref_slice %arg27[%add3A_60, %dma_start3A_296] : memref<10240x128xf32, #tpu.memory_space<vmem_shared>> -> memref<64x128xf32, #tpu.memory_space<vmem_shared>>
      tpu.enqueue_dma source(%arg14 : memref<64x128xf32, #tpu.memory_space<vmem>>) target(%dma_start3A_297 : memref<64x128xf32, #tpu.memory_space<vmem_shared>>) target_semaphore(%run_scoped3A : memref<!tpu.dma_semaphore, #tpu.memory_space<semaphore_mem>>)
      %dma_wait3A = arith.constant 0 : i32
      %dma_wait3A_298 = tpu.memref_slice %arg27[%add3A_60, %dma_wait3A] : memref<10240x128xf32, #tpu.memory_space<vmem_shared>> -> memref<64x128xf32, #tpu.memory_space<vmem_shared>>
      %dma_wait3A_299 = arith.constant 0 : i32
      %dma_wait3A_300 = tpu.memref_slice %arg27[%add3A_60, %dma_wait3A_299] : memref<10240x128xf32, #tpu.memory_space<vmem_shared>> -> memref<64x128xf32, #tpu.memory_space<vmem_shared>>
      tpu.wait_dma2 semaphore(%run_scoped3A : memref<!tpu.dma_semaphore, #tpu.memory_space<semaphore_mem>>) src(%arg14 : memref<64x128xf32, #tpu.memory_space<vmem>>) dst(%dma_wait3A_300 : memref<64x128xf32, #tpu.memory_space<vmem_shared>>)
      tpu.yield
    }) : () -> ()
    %mul3A_61 = arith.constant 640 : i32
    %mul3A_62 = arith.muli %arg1, %mul3A_61 : i32
    %add3A_63 = arith.constant 448 : i32
    %add3A_64 = arith.addi %mul3A_62, %add3A_63 : i32
    "tpu.region"() ({
      %run_scoped3A = tpu.sem_alloc : memref<!tpu.dma_semaphore, #tpu.memory_space<semaphore_mem>>
      %dma_start3A = tpu.memref_slice %arg28[%add3A_64] : memref<10240xf32, #tpu.memory_space<vmem_shared>> -> memref<64xf32, #tpu.memory_space<vmem_shared>>
      %dma_start3A_295 = tpu.memref_slice %arg28[%add3A_64] : memref<10240xf32, #tpu.memory_space<vmem_shared>> -> memref<64xf32, #tpu.memory_space<vmem_shared>>
      tpu.enqueue_dma source(%arg20 : memref<64xf32, #tpu.memory_space<vmem>>) target(%dma_start3A_295 : memref<64xf32, #tpu.memory_space<vmem_shared>>) target_semaphore(%run_scoped3A : memref<!tpu.dma_semaphore, #tpu.memory_space<semaphore_mem>>)
      %dma_wait3A = tpu.memref_slice %arg28[%add3A_64] : memref<10240xf32, #tpu.memory_space<vmem_shared>> -> memref<64xf32, #tpu.memory_space<vmem_shared>>
      %dma_wait3A_296 = tpu.memref_slice %arg28[%add3A_64] : memref<10240xf32, #tpu.memory_space<vmem_shared>> -> memref<64xf32, #tpu.memory_space<vmem_shared>>
      tpu.wait_dma2 semaphore(%run_scoped3A : memref<!tpu.dma_semaphore, #tpu.memory_space<semaphore_mem>>) src(%arg20 : memref<64xf32, #tpu.memory_space<vmem>>) dst(%dma_wait3A_296 : memref<64xf32, #tpu.memory_space<vmem_shared>>)
      tpu.yield
    }) : () -> ()
    %mul3A_65 = arith.constant 640 : i32
    %mul3A_66 = arith.muli %arg1, %mul3A_65 : i32
    %add3A_67 = arith.constant 512 : i32
    %add3A_68 = arith.addi %mul3A_66, %add3A_67 : i32
    "tpu.region"() ({
      %run_scoped3A = tpu.sem_alloc : memref<!tpu.dma_semaphore, #tpu.memory_space<semaphore_mem>>
      %dma_start3A = arith.constant 0 : i32
      %dma_start3A_295 = tpu.memref_slice %arg27[%add3A_68, %dma_start3A] : memref<10240x128xf32, #tpu.memory_space<vmem_shared>> -> memref<64x128xf32, #tpu.memory_space<vmem_shared>>
      %dma_start3A_296 = arith.constant 0 : i32
      %dma_start3A_297 = tpu.memref_slice %arg27[%add3A_68, %dma_start3A_296] : memref<10240x128xf32, #tpu.memory_space<vmem_shared>> -> memref<64x128xf32, #tpu.memory_space<vmem_shared>>
      tpu.enqueue_dma source(%arg14 : memref<64x128xf32, #tpu.memory_space<vmem>>) target(%dma_start3A_297 : memref<64x128xf32, #tpu.memory_space<vmem_shared>>) target_semaphore(%run_scoped3A : memref<!tpu.dma_semaphore, #tpu.memory_space<semaphore_mem>>)
      %dma_wait3A = arith.constant 0 : i32
      %dma_wait3A_298 = tpu.memref_slice %arg27[%add3A_68, %dma_wait3A] : memref<10240x128xf32, #tpu.memory_space<vmem_shared>> -> memref<64x128xf32, #tpu.memory_space<vmem_shared>>
      %dma_wait3A_299 = arith.constant 0 : i32
      %dma_wait3A_300 = tpu.memref_slice %arg27[%add3A_68, %dma_wait3A_299] : memref<10240x128xf32, #tpu.memory_space<vmem_shared>> -> memref<64x128xf32, #tpu.memory_space<vmem_shared>>
      tpu.wait_dma2 semaphore(%run_scoped3A : memref<!tpu.dma_semaphore, #tpu.memory_space<semaphore_mem>>) src(%arg14 : memref<64x128xf32, #tpu.memory_space<vmem>>) dst(%dma_wait3A_300 : memref<64x128xf32, #tpu.memory_space<vmem_shared>>)
      tpu.yield
    }) : () -> ()
    %mul3A_69 = arith.constant 640 : i32
    %mul3A_70 = arith.muli %arg1, %mul3A_69 : i32
    %add3A_71 = arith.constant 512 : i32
    %add3A_72 = arith.addi %mul3A_70, %add3A_71 : i32
    "tpu.region"() ({
      %run_scoped3A = tpu.sem_alloc : memref<!tpu.dma_semaphore, #tpu.memory_space<semaphore_mem>>
      %dma_start3A = tpu.memref_slice %arg28[%add3A_72] : memref<10240xf32, #tpu.memory_space<vmem_shared>> -> memref<64xf32, #tpu.memory_space<vmem_shared>>
      %dma_start3A_295 = tpu.memref_slice %arg28[%add3A_72] : memref<10240xf32, #tpu.memory_space<vmem_shared>> -> memref<64xf32, #tpu.memory_space<vmem_shared>>
      tpu.enqueue_dma source(%arg20 : memref<64xf32, #tpu.memory_space<vmem>>) target(%dma_start3A_295 : memref<64xf32, #tpu.memory_space<vmem_shared>>) target_semaphore(%run_scoped3A : memref<!tpu.dma_semaphore, #tpu.memory_space<semaphore_mem>>)
      %dma_wait3A = tpu.memref_slice %arg28[%add3A_72] : memref<10240xf32, #tpu.memory_space<vmem_shared>> -> memref<64xf32, #tpu.memory_space<vmem_shared>>
      %dma_wait3A_296 = tpu.memref_slice %arg28[%add3A_72] : memref<10240xf32, #tpu.memory_space<vmem_shared>> -> memref<64xf32, #tpu.memory_space<vmem_shared>>
      tpu.wait_dma2 semaphore(%run_scoped3A : memref<!tpu.dma_semaphore, #tpu.memory_space<semaphore_mem>>) src(%arg20 : memref<64xf32, #tpu.memory_space<vmem>>) dst(%dma_wait3A_296 : memref<64xf32, #tpu.memory_space<vmem_shared>>)
      tpu.yield
    }) : () -> ()
    %mul3A_73 = arith.constant 640 : i32
    %mul3A_74 = arith.muli %arg1, %mul3A_73 : i32
    %add3A_75 = arith.constant 576 : i32
    %add3A_76 = arith.addi %mul3A_74, %add3A_75 : i32
    "tpu.region"() ({
      %run_scoped3A = tpu.sem_alloc : memref<!tpu.dma_semaphore, #tpu.memory_space<semaphore_mem>>
      %dma_start3A = arith.constant 0 : i32
      %dma_start3A_295 = tpu.memref_slice %arg27[%add3A_76, %dma_start3A] : memref<10240x128xf32, #tpu.memory_space<vmem_shared>> -> memref<64x128xf32, #tpu.memory_space<vmem_shared>>
      %dma_start3A_296 = arith.constant 0 : i32
      %dma_start3A_297 = tpu.memref_slice %arg27[%add3A_76, %dma_start3A_296] : memref<10240x128xf32, #tpu.memory_space<vmem_shared>> -> memref<64x128xf32, #tpu.memory_space<vmem_shared>>
      tpu.enqueue_dma source(%arg14 : memref<64x128xf32, #tpu.memory_space<vmem>>) target(%dma_start3A_297 : memref<64x128xf32, #tpu.memory_space<vmem_shared>>) target_semaphore(%run_scoped3A : memref<!tpu.dma_semaphore, #tpu.memory_space<semaphore_mem>>)
      %dma_wait3A = arith.constant 0 : i32
      %dma_wait3A_298 = tpu.memref_slice %arg27[%add3A_76, %dma_wait3A] : memref<10240x128xf32, #tpu.memory_space<vmem_shared>> -> memref<64x128xf32, #tpu.memory_space<vmem_shared>>
      %dma_wait3A_299 = arith.constant 0 : i32
      %dma_wait3A_300 = tpu.memref_slice %arg27[%add3A_76, %dma_wait3A_299] : memref<10240x128xf32, #tpu.memory_space<vmem_shared>> -> memref<64x128xf32, #tpu.memory_space<vmem_shared>>
      tpu.wait_dma2 semaphore(%run_scoped3A : memref<!tpu.dma_semaphore, #tpu.memory_space<semaphore_mem>>) src(%arg14 : memref<64x128xf32, #tpu.memory_space<vmem>>) dst(%dma_wait3A_300 : memref<64x128xf32, #tpu.memory_space<vmem_shared>>)
      tpu.yield
    }) : () -> ()
    %mul3A_77 = arith.constant 640 : i32
    %mul3A_78 = arith.muli %arg1, %mul3A_77 : i32
    %add3A_79 = arith.constant 576 : i32
    %add3A_80 = arith.addi %mul3A_78, %add3A_79 : i32
    "tpu.region"() ({
      %run_scoped3A = tpu.sem_alloc : memref<!tpu.dma_semaphore, #tpu.memory_space<semaphore_mem>>
      %dma_start3A = tpu.memref_slice %arg28[%add3A_80] : memref<10240xf32, #tpu.memory_space<vmem_shared>> -> memref<64xf32, #tpu.memory_space<vmem_shared>>
      %dma_start3A_295 = tpu.memref_slice %arg28[%add3A_80] : memref<10240xf32, #tpu.memory_space<vmem_shared>> -> memref<64xf32, #tpu.memory_space<vmem_shared>>
      tpu.enqueue_dma source(%arg20 : memref<64xf32, #tpu.memory_space<vmem>>) target(%dma_start3A_295 : memref<64xf32, #tpu.memory_space<vmem_shared>>) target_semaphore(%run_scoped3A : memref<!tpu.dma_semaphore, #tpu.memory_space<semaphore_mem>>)
      %dma_wait3A = tpu.memref_slice %arg28[%add3A_80] : memref<10240xf32, #tpu.memory_space<vmem_shared>> -> memref<64xf32, #tpu.memory_space<vmem_shared>>
      %dma_wait3A_296 = tpu.memref_slice %arg28[%add3A_80] : memref<10240xf32, #tpu.memory_space<vmem_shared>> -> memref<64xf32, #tpu.memory_space<vmem_shared>>
      tpu.wait_dma2 semaphore(%run_scoped3A : memref<!tpu.dma_semaphore, #tpu.memory_space<semaphore_mem>>) src(%arg20 : memref<64xf32, #tpu.memory_space<vmem>>) dst(%dma_wait3A_296 : memref<64xf32, #tpu.memory_space<vmem_shared>>)
      tpu.yield
    }) : () -> ()
    "tpu.region"() ({
      %run_scoped3A = tpu.sem_alloc : memref<!tpu.dma_semaphore, #tpu.memory_space<semaphore_mem>>
      tpu.enqueue_dma source(%arg5 : memref<128xf32, #tpu.memory_space<hbm>>) target(%arg22 : memref<128xf32, #tpu.memory_space<vmem>>) target_semaphore(%run_scoped3A : memref<!tpu.dma_semaphore, #tpu.memory_space<semaphore_mem>>)
      tpu.wait_dma2 semaphore(%run_scoped3A : memref<!tpu.dma_semaphore, #tpu.memory_space<semaphore_mem>>) src(%arg5 : memref<128xf32, #tpu.memory_space<hbm>>) dst(%arg22 : memref<128xf32, #tpu.memory_space<vmem>>)
      tpu.yield
    }) : () -> ()
    %barrier3A = arith.constant 0 : index
    tpu.barrier barrier_id(%barrier3A)
    %get3A = arith.constant 0 : index
    %get3A_81 = tpu.vector_load %arg22[%get3A] {strides = array<i32>} : memref<128xf32, #tpu.memory_space<vmem>>, vector<16xf32>,
    %get3A_82 = arith.constant 16 : index
    %get3A_83 = tpu.vector_load %arg22[%get3A_82] {strides = array<i32>} : memref<128xf32, #tpu.memory_space<vmem>>, vector<16xf32>,
    %get3A_84 = arith.constant 32 : index
    %get3A_85 = tpu.vector_load %arg22[%get3A_84] {strides = array<i32>} : memref<128xf32, #tpu.memory_space<vmem>>, vector<16xf32>,
    %get3A_86 = arith.constant 48 : index
    %get3A_87 = tpu.vector_load %arg22[%get3A_86] {strides = array<i32>} : memref<128xf32, #tpu.memory_space<vmem>>, vector<16xf32>,
    %get3A_88 = arith.constant 64 : index
    %get3A_89 = tpu.vector_load %arg22[%get3A_88] {strides = array<i32>} : memref<128xf32, #tpu.memory_space<vmem>>, vector<16xf32>,
    %get3A_90 = arith.constant 80 : index
    %get3A_91 = tpu.vector_load %arg22[%get3A_90] {strides = array<i32>} : memref<128xf32, #tpu.memory_space<vmem>>, vector<16xf32>,
    %get3A_92 = arith.constant 96 : index
    %get3A_93 = tpu.vector_load %arg22[%get3A_92] {strides = array<i32>} : memref<128xf32, #tpu.memory_space<vmem>>, vector<16xf32>,
    %get3A_94 = arith.constant 112 : index
    %get3A_95 = tpu.vector_load %arg22[%get3A_94] {strides = array<i32>} : memref<128xf32, #tpu.memory_space<vmem>>, vector<16xf32>,
    %iota3A = tpu.iota {dimensions = array<i32: 0>} : vector<16xi32>
    %eq3A = arith.constant 0 : i32
    %eq3A_96 = vector.broadcast %eq3A : i32 to vector<16xi32>
    %eq3A_97 = arith.cmpi eq, %iota3A, %eq3A_96 : vector<16xi32>
    %broadcast_in_dim3A = arith.constant 15 : i32
    %broadcast_in_dim3A_98 = vector.broadcast %broadcast_in_dim3A : i32 to vector<16xi32>
    %scan3A = arith.constant 0 : i32
    %scan3A_99 = arith.constant 0 : i32
    %scan3A_100 = arith.constant 5 : i32
    %scan3A_101 = arith.addi %scan3A_99, %scan3A_100 : i32
    %scan3A_102 = arith.constant 1 : i32
    scf.for %scan3A_295 = %scan3A_99 to %scan3A_101 step %scan3A_102  : i32 {
      %mul3A_296 = arith.constant 32 : i32
      %mul3A_297 = arith.muli %scan3A_295, %mul3A_296 : i32
      "tpu.region"() ({
        %run_scoped3A = tpu.sem_alloc : memref<!tpu.dma_semaphore, #tpu.memory_space<semaphore_mem>>
        %dma_start3A_337 = arith.constant 0 : i32
        %dma_start3A_338 = tpu.memref_slice %arg6[%add3A, %mul3A_297, %dma_start3A_337] : memref<32x160x64xi32, #tpu.memory_space<hbm>> -> memref<1x32x64xi32, #tpu.memory_space<hbm>>
        %dma_start3A_339 = tpu.memref_squeeze %dma_start3A_338 : memref<1x32x64xi32, #tpu.memory_space<hbm>> -> memref<32x64xi32, #tpu.memory_space<hbm>>
        %dma_start3A_340 = arith.constant 0 : i32
        %dma_start3A_341 = tpu.memref_slice %arg6[%add3A, %mul3A_297, %dma_start3A_340] : memref<32x160x64xi32, #tpu.memory_space<hbm>> -> memref<1x32x64xi32, #tpu.memory_space<hbm>>
        %dma_start3A_342 = tpu.memref_squeeze %dma_start3A_341 : memref<1x32x64xi32, #tpu.memory_space<hbm>> -> memref<32x64xi32, #tpu.memory_space<hbm>>
        tpu.enqueue_dma source(%dma_start3A_342 : memref<32x64xi32, #tpu.memory_space<hbm>>) target(%arg12 : memref<32x64xi32, #tpu.memory_space<vmem>>) target_semaphore(%run_scoped3A : memref<!tpu.dma_semaphore, #tpu.memory_space<semaphore_mem>>)
        %dma_wait3A_343 = arith.constant 0 : i32
        %dma_wait3A_344 = tpu.memref_slice %arg6[%add3A, %mul3A_297, %dma_wait3A_343] : memref<32x160x64xi32, #tpu.memory_space<hbm>> -> memref<1x32x64xi32, #tpu.memory_space<hbm>>
        %dma_wait3A_345 = tpu.memref_squeeze %dma_wait3A_344 : memref<1x32x64xi32, #tpu.memory_space<hbm>> -> memref<32x64xi32, #tpu.memory_space<hbm>>
        %dma_wait3A_346 = arith.constant 0 : i32
        %dma_wait3A_347 = tpu.memref_slice %arg6[%add3A, %mul3A_297, %dma_wait3A_346] : memref<32x160x64xi32, #tpu.memory_space<hbm>> -> memref<1x32x64xi32, #tpu.memory_space<hbm>>
        %dma_wait3A_348 = tpu.memref_squeeze %dma_wait3A_347 : memref<1x32x64xi32, #tpu.memory_space<hbm>> -> memref<32x64xi32, #tpu.memory_space<hbm>>
        tpu.wait_dma2 semaphore(%run_scoped3A : memref<!tpu.dma_semaphore, #tpu.memory_space<semaphore_mem>>) src(%dma_wait3A_348 : memref<32x64xi32, #tpu.memory_space<hbm>>) dst(%arg12 : memref<32x64xi32, #tpu.memory_space<vmem>>)
        tpu.yield
      }) : () -> ()
      %mul3A_298 = arith.constant 32 : i32
      %mul3A_299 = arith.muli %scan3A_295, %mul3A_298 : i32
      "tpu.region"() ({
        %run_scoped3A = tpu.sem_alloc : memref<!tpu.dma_semaphore, #tpu.memory_space<semaphore_mem>>
        %dma_start3A_337 = arith.constant 0 : i32
        %dma_start3A_338 = tpu.memref_slice %arg7[%add3A, %mul3A_299, %dma_start3A_337] : memref<32x160x64xi32, #tpu.memory_space<hbm>> -> memref<1x32x64xi32, #tpu.memory_space<hbm>>
        %dma_start3A_339 = tpu.memref_squeeze %dma_start3A_338 : memref<1x32x64xi32, #tpu.memory_space<hbm>> -> memref<32x64xi32, #tpu.memory_space<hbm>>
        %dma_start3A_340 = arith.constant 0 : i32
        %dma_start3A_341 = tpu.memref_slice %arg7[%add3A, %mul3A_299, %dma_start3A_340] : memref<32x160x64xi32, #tpu.memory_space<hbm>> -> memref<1x32x64xi32, #tpu.memory_space<hbm>>
        %dma_start3A_342 = tpu.memref_squeeze %dma_start3A_341 : memref<1x32x64xi32, #tpu.memory_space<hbm>> -> memref<32x64xi32, #tpu.memory_space<hbm>>
        tpu.enqueue_dma source(%dma_start3A_342 : memref<32x64xi32, #tpu.memory_space<hbm>>) target(%arg13 : memref<32x64xi32, #tpu.memory_space<vmem>>) target_semaphore(%run_scoped3A : memref<!tpu.dma_semaphore, #tpu.memory_space<semaphore_mem>>)
        %dma_wait3A_343 = arith.constant 0 : i32
        %dma_wait3A_344 = tpu.memref_slice %arg7[%add3A, %mul3A_299, %dma_wait3A_343] : memref<32x160x64xi32, #tpu.memory_space<hbm>> -> memref<1x32x64xi32, #tpu.memory_space<hbm>>
        %dma_wait3A_345 = tpu.memref_squeeze %dma_wait3A_344 : memref<1x32x64xi32, #tpu.memory_space<hbm>> -> memref<32x64xi32, #tpu.memory_space<hbm>>
        %dma_wait3A_346 = arith.constant 0 : i32
        %dma_wait3A_347 = tpu.memref_slice %arg7[%add3A, %mul3A_299, %dma_wait3A_346] : memref<32x160x64xi32, #tpu.memory_space<hbm>> -> memref<1x32x64xi32, #tpu.memory_space<hbm>>
        %dma_wait3A_348 = tpu.memref_squeeze %dma_wait3A_347 : memref<1x32x64xi32, #tpu.memory_space<hbm>> -> memref<32x64xi32, #tpu.memory_space<hbm>>
        tpu.wait_dma2 semaphore(%run_scoped3A : memref<!tpu.dma_semaphore, #tpu.memory_space<semaphore_mem>>) src(%dma_wait3A_348 : memref<32x64xi32, #tpu.memory_space<hbm>>) dst(%arg13 : memref<32x64xi32, #tpu.memory_space<vmem>>)
        tpu.yield
      }) : () -> ()
      %dma_start3A = arith.constant 0 : i32
      %dma_start3A_300 = arith.constant 0 : i32
      %dma_start3A_301 = tpu.memref_slice %arg12[%dma_start3A, %dma_start3A_300] : memref<32x64xi32, #tpu.memory_space<vmem>> -> memref<1x64xi32, #tpu.memory_space<vmem>>
      %dma_start3A_302 = tpu.memref_squeeze %dma_start3A_301 : memref<1x64xi32, #tpu.memory_space<vmem>> -> memref<64xi32, #tpu.memory_space<vmem>>
      %dma_start3A_303 = arith.constant 0 : i32
      %dma_start3A_304 = arith.constant 0 : i32
      %dma_start3A_305 = tpu.memref_slice %arg2[%dma_start3A_303, %dma_start3A_304] : memref<10240x128xf32, #tpu.memory_space<hbm>> -> memref<10240x128xf32, #tpu.memory_space<hbm>>
      tpu.enqueue_indirect_dma source(%dma_start3A_305 : memref<10240x128xf32, #tpu.memory_space<hbm>>) target(%arg16 : memref<64x128xf32, #tpu.memory_space<vmem>>) offsets(%dma_start3A_302 : memref<64xi32, #tpu.memory_space<vmem>>) semaphore(%arg23 : memref<!tpu.dma_semaphore, #tpu.memory_space<semaphore_mem>>)
      %dma_start3A_306 = arith.constant 0 : i32
      %dma_start3A_307 = arith.constant 0 : i32
      %dma_start3A_308 = tpu.memref_slice %arg13[%dma_start3A_306, %dma_start3A_307] : memref<32x64xi32, #tpu.memory_space<vmem>> -> memref<1x64xi32, #tpu.memory_space<vmem>>
      %dma_start3A_309 = tpu.memref_squeeze %dma_start3A_308 : memref<1x64xi32, #tpu.memory_space<vmem>> -> memref<64xi32, #tpu.memory_space<vmem>>
      %dma_start3A_310 = arith.constant 0 : i32
      %dma_start3A_311 = arith.constant 0 : i32
      %dma_start3A_312 = tpu.memref_slice %arg3[%dma_start3A_310, %dma_start3A_311] : memref<10240x128xf32, #tpu.memory_space<hbm>> -> memref<10240x128xf32, #tpu.memory_space<hbm>>
      tpu.enqueue_indirect_dma source(%dma_start3A_312 : memref<10240x128xf32, #tpu.memory_space<hbm>>) target(%arg14 : memref<64x128xf32, #tpu.memory_space<vmem>>) offsets(%dma_start3A_309 : memref<64xi32, #tpu.memory_space<vmem>>) semaphore(%arg23 : memref<!tpu.dma_semaphore, #tpu.memory_space<semaphore_mem>>)
      %dma_start3A_313 = arith.constant 0 : i32
      %dma_start3A_314 = arith.constant 0 : i32
      %dma_start3A_315 = tpu.memref_slice %arg13[%dma_start3A_313, %dma_start3A_314] : memref<32x64xi32, #tpu.memory_space<vmem>> -> memref<1x64xi32, #tpu.memory_space<vmem>>
      %dma_start3A_316 = tpu.memref_squeeze %dma_start3A_315 : memref<1x64xi32, #tpu.memory_space<vmem>> -> memref<64xi32, #tpu.memory_space<vmem>>
      %dma_start3A_317 = arith.constant 0 : i32
      %dma_start3A_318 = tpu.memref_slice %arg4[%dma_start3A_317] : memref<10240xf32, #tpu.memory_space<hbm>> -> memref<10240xf32, #tpu.memory_space<hbm>>
      tpu.enqueue_indirect_dma source(%dma_start3A_318 : memref<10240xf32, #tpu.memory_space<hbm>>) target(%arg18 : memref<64xf32, #tpu.memory_space<vmem>>) offsets(%dma_start3A_316 : memref<64xi32, #tpu.memory_space<vmem>>) semaphore(%arg23 : memref<!tpu.dma_semaphore, #tpu.memory_space<semaphore_mem>>)
      %scan3A_319 = arith.constant 0 : i32
      %scan3A_320 = arith.constant 0 : i32
      %scan3A_321 = arith.constant 16 : i32
      %scan3A_322 = arith.addi %scan3A_320, %scan3A_321 : i32
      %scan3A_323 = arith.constant 1 : i32
      scf.for %scan3A_337 = %scan3A_320 to %scan3A_322 step %scan3A_323  : i32 {
        %mul3A_338 = arith.constant 2 : i32
        %mul3A_339 = arith.muli %scan3A_337, %mul3A_338 : i32
        %add3A_340 = arith.constant 1 : i32
        %add3A_341 = arith.addi %mul3A_339, %add3A_340 : i32
        %dma_wait3A_342 = arith.constant 0 : i32
        %dma_wait3A_343 = arith.constant 0 : i32
        %dma_wait3A_344 = tpu.memref_slice %arg12[%dma_wait3A_342, %dma_wait3A_343] : memref<32x64xi32, #tpu.memory_space<vmem>> -> memref<1x64xi32, #tpu.memory_space<vmem>>
        %dma_wait3A_345 = tpu.memref_squeeze %dma_wait3A_344 : memref<1x64xi32, #tpu.memory_space<vmem>> -> memref<64xi32, #tpu.memory_space<vmem>>
        %dma_wait3A_346 = arith.constant 0 : i32
        %dma_wait3A_347 = arith.constant 0 : i32
        %dma_wait3A_348 = tpu.memref_slice %arg2[%dma_wait3A_346, %dma_wait3A_347] : memref<10240x128xf32, #tpu.memory_space<hbm>> -> memref<10240x128xf32, #tpu.memory_space<hbm>>
        tpu.wait_indirect_dma semaphore(%arg23 : memref<!tpu.dma_semaphore, #tpu.memory_space<semaphore_mem>>) src(%dma_wait3A_348 : memref<10240x128xf32, #tpu.memory_space<hbm>>) dst(%arg16 : memref<64x128xf32, #tpu.memory_space<vmem>>)
        %dma_wait3A_349 = arith.constant 0 : i32
        %dma_wait3A_350 = arith.constant 0 : i32
        %dma_wait3A_351 = tpu.memref_slice %arg13[%dma_wait3A_349, %dma_wait3A_350] : memref<32x64xi32, #tpu.memory_space<vmem>> -> memref<1x64xi32, #tpu.memory_space<vmem>>
        %dma_wait3A_352 = tpu.memref_squeeze %dma_wait3A_351 : memref<1x64xi32, #tpu.memory_space<vmem>> -> memref<64xi32, #tpu.memory_space<vmem>>
        %dma_wait3A_353 = arith.constant 0 : i32
        %dma_wait3A_354 = arith.constant 0 : i32
        %dma_wait3A_355 = tpu.memref_slice %arg3[%dma_wait3A_353, %dma_wait3A_354] : memref<10240x128xf32, #tpu.memory_space<hbm>> -> memref<10240x128xf32, #tpu.memory_space<hbm>>
        tpu.wait_indirect_dma semaphore(%arg23 : memref<!tpu.dma_semaphore, #tpu.memory_space<semaphore_mem>>) src(%dma_wait3A_355 : memref<10240x128xf32, #tpu.memory_space<hbm>>) dst(%arg14 : memref<64x128xf32, #tpu.memory_space<vmem>>)
        %dma_wait3A_356 = arith.constant 0 : i32
        %dma_wait3A_357 = arith.constant 0 : i32
        %dma_wait3A_358 = tpu.memref_slice %arg13[%dma_wait3A_356, %dma_wait3A_357] : memref<32x64xi32, #tpu.memory_space<vmem>> -> memref<1x64xi32, #tpu.memory_space<vmem>>
        %dma_wait3A_359 = tpu.memref_squeeze %dma_wait3A_358 : memref<1x64xi32, #tpu.memory_space<vmem>> -> memref<64xi32, #tpu.memory_space<vmem>>
        %dma_wait3A_360 = arith.constant 0 : i32
        %dma_wait3A_361 = tpu.memref_slice %arg4[%dma_wait3A_360] : memref<10240xf32, #tpu.memory_space<hbm>> -> memref<10240xf32, #tpu.memory_space<hbm>>
        tpu.wait_indirect_dma semaphore(%arg23 : memref<!tpu.dma_semaphore, #tpu.memory_space<semaphore_mem>>) src(%dma_wait3A_361 : memref<10240xf32, #tpu.memory_space<hbm>>) dst(%arg18 : memref<64xf32, #tpu.memory_space<vmem>>)
        %gt3A = arith.constant 0 : i32
        %gt3A_362 = arith.cmpi sgt, %scan3A_337, %gt3A : i32
        %convert_element_type3A = arith.extui %gt3A_362 : i1 to i32
        %cond3A = arith.constant 0 : i32
        %cond3A_363 = arith.cmpi ne, %convert_element_type3A, %cond3A : i32
        scf.if %cond3A_363 {
          %dma_wait3A_445 = arith.constant 0 : i32
          %dma_wait3A_446 = arith.constant 0 : i32
          %dma_wait3A_447 = tpu.memref_slice %arg13[%dma_wait3A_445, %dma_wait3A_446] : memref<32x64xi32, #tpu.memory_space<vmem>> -> memref<1x64xi32, #tpu.memory_space<vmem>>
          %dma_wait3A_448 = tpu.memref_squeeze %dma_wait3A_447 : memref<1x64xi32, #tpu.memory_space<vmem>> -> memref<64xi32, #tpu.memory_space<vmem>>
          %dma_wait3A_449 = arith.constant 0 : i32
          %dma_wait3A_450 = arith.constant 0 : i32
          %dma_wait3A_451 = tpu.memref_slice %arg27[%dma_wait3A_449, %dma_wait3A_450] : memref<10240x128xf32, #tpu.memory_space<vmem_shared>> -> memref<10240x128xf32, #tpu.memory_space<vmem_shared>>
          tpu.wait_indirect_dma semaphore(%arg26 : memref<!tpu.dma_semaphore, #tpu.memory_space<semaphore_mem>>) src(%arg15 : memref<64x128xf32, #tpu.memory_space<vmem>>) dst(%dma_wait3A_451 : memref<10240x128xf32, #tpu.memory_space<vmem_shared>>)
          %dma_wait3A_452 = arith.constant 0 : i32
          %dma_wait3A_453 = arith.constant 0 : i32
          %dma_wait3A_454 = tpu.memref_slice %arg13[%dma_wait3A_452, %dma_wait3A_453] : memref<32x64xi32, #tpu.memory_space<vmem>> -> memref<1x64xi32, #tpu.memory_space<vmem>>
          %dma_wait3A_455 = tpu.memref_squeeze %dma_wait3A_454 : memref<1x64xi32, #tpu.memory_space<vmem>> -> memref<64xi32, #tpu.memory_space<vmem>>
          %dma_wait3A_456 = arith.constant 0 : i32
          %dma_wait3A_457 = tpu.memref_slice %arg28[%dma_wait3A_456] : memref<10240xf32, #tpu.memory_space<vmem_shared>> -> memref<10240xf32, #tpu.memory_space<vmem_shared>>
          tpu.wait_indirect_dma semaphore(%arg26 : memref<!tpu.dma_semaphore, #tpu.memory_space<semaphore_mem>>) src(%arg21 : memref<64xf32, #tpu.memory_space<vmem>>) dst(%dma_wait3A_457 : memref<10240xf32, #tpu.memory_space<vmem_shared>>)
        } else {
        }
        %dma_start3A_364 = arith.constant 0 : i32
        %dma_start3A_365 = tpu.memref_slice %arg12[%add3A_341, %dma_start3A_364] : memref<32x64xi32, #tpu.memory_space<vmem>> -> memref<1x64xi32, #tpu.memory_space<vmem>>
        %dma_start3A_366 = tpu.memref_squeeze %dma_start3A_365 : memref<1x64xi32, #tpu.memory_space<vmem>> -> memref<64xi32, #tpu.memory_space<vmem>>
        %dma_start3A_367 = arith.constant 0 : i32
        %dma_start3A_368 = arith.constant 0 : i32
        %dma_start3A_369 = tpu.memref_slice %arg2[%dma_start3A_367, %dma_start3A_368] : memref<10240x128xf32, #tpu.memory_space<hbm>> -> memref<10240x128xf32, #tpu.memory_space<hbm>>
        tpu.enqueue_indirect_dma source(%dma_start3A_369 : memref<10240x128xf32, #tpu.memory_space<hbm>>) target(%arg17 : memref<64x128xf32, #tpu.memory_space<vmem>>) offsets(%dma_start3A_366 : memref<64xi32, #tpu.memory_space<vmem>>) semaphore(%arg24 : memref<!tpu.dma_semaphore, #tpu.memory_space<semaphore_mem>>)
        %dma_start3A_370 = arith.constant 0 : i32
        %dma_start3A_371 = tpu.memref_slice %arg13[%add3A_341, %dma_start3A_370] : memref<32x64xi32, #tpu.memory_space<vmem>> -> memref<1x64xi32, #tpu.memory_space<vmem>>
        %dma_start3A_372 = tpu.memref_squeeze %dma_start3A_371 : memref<1x64xi32, #tpu.memory_space<vmem>> -> memref<64xi32, #tpu.memory_space<vmem>>
        %dma_start3A_373 = arith.constant 0 : i32
        %dma_start3A_374 = arith.constant 0 : i32
        %dma_start3A_375 = tpu.memref_slice %arg3[%dma_start3A_373, %dma_start3A_374] : memref<10240x128xf32, #tpu.memory_space<hbm>> -> memref<10240x128xf32, #tpu.memory_space<hbm>>
        tpu.enqueue_indirect_dma source(%dma_start3A_375 : memref<10240x128xf32, #tpu.memory_space<hbm>>) target(%arg15 : memref<64x128xf32, #tpu.memory_space<vmem>>) offsets(%dma_start3A_372 : memref<64xi32, #tpu.memory_space<vmem>>) semaphore(%arg24 : memref<!tpu.dma_semaphore, #tpu.memory_space<semaphore_mem>>)
        %dma_start3A_376 = arith.constant 0 : i32
        %dma_start3A_377 = tpu.memref_slice %arg13[%add3A_341, %dma_start3A_376] : memref<32x64xi32, #tpu.memory_space<vmem>> -> memref<1x64xi32, #tpu.memory_space<vmem>>
        %dma_start3A_378 = tpu.memref_squeeze %dma_start3A_377 : memref<1x64xi32, #tpu.memory_space<vmem>> -> memref<64xi32, #tpu.memory_space<vmem>>
        %dma_start3A_379 = arith.constant 0 : i32
        %dma_start3A_380 = tpu.memref_slice %arg4[%dma_start3A_379] : memref<10240xf32, #tpu.memory_space<hbm>> -> memref<10240xf32, #tpu.memory_space<hbm>>
        tpu.enqueue_indirect_dma source(%dma_start3A_380 : memref<10240xf32, #tpu.memory_space<hbm>>) target(%arg19 : memref<64xf32, #tpu.memory_space<vmem>>) offsets(%dma_start3A_378 : memref<64xi32, #tpu.memory_space<vmem>>) semaphore(%arg24 : memref<!tpu.dma_semaphore, #tpu.memory_space<semaphore_mem>>)
        %parallel_loop3A = arith.constant 0 : i32
        %parallel_loop3A_381 = arith.constant 64 : i32
        %parallel_loop3A_382 = arith.constant 1 : i32
        scf.for %parallel_loop3A_445 = %parallel_loop3A to %parallel_loop3A_381 step %parallel_loop3A_382  : i32 {
          %parallel_loop3A_446 = arith.constant 0.000000e+00 : f32
          %parallel_loop3A_447 = vector.broadcast %parallel_loop3A_446 : f32 to vector<16xf32>
          %parallel_loop3A_448 = arith.index_cast %parallel_loop3A_445 : i32 to index
          %parallel_loop3A_449 = arith.constant 0 : index
          %parallel_loop3A_450 = tpu.vector_load %arg16[%parallel_loop3A_448, %parallel_loop3A_449] {strides = array<i32>} : memref<64x128xf32, #tpu.memory_space<vmem>>, vector<16xf32>,
          %parallel_loop3A_451 = arith.index_cast %parallel_loop3A_445 : i32 to index
          %parallel_loop3A_452 = arith.constant 0 : index
          %parallel_loop3A_453 = tpu.vector_load %arg14[%parallel_loop3A_451, %parallel_loop3A_452] {strides = array<i32>} : memref<64x128xf32, #tpu.memory_space<vmem>>, vector<16xf32>,
          %parallel_loop3A_454 = arith.addf %parallel_loop3A_450, %parallel_loop3A_453 : vector<16xf32>
          %parallel_loop3A_455 = arith.constant 0.000000e+00 : f32
          %parallel_loop3A_456 = vector.broadcast %parallel_loop3A_455 : f32 to vector<16xf32>
          %parallel_loop3A_457 = arith.cmpf oge, %parallel_loop3A_454, %parallel_loop3A_456 : vector<16xf32>
          %parallel_loop3A_458 = arith.constant 2.000000e-01 : f32
          %parallel_loop3A_459 = vector.broadcast %parallel_loop3A_458 : f32 to vector<16xf32>
          %parallel_loop3A_460 = arith.mulf %parallel_loop3A_459, %parallel_loop3A_454 : vector<16xf32>
          %parallel_loop3A_461 = arith.select %parallel_loop3A_457, %parallel_loop3A_454, %parallel_loop3A_460 : vector<16xi1>, vector<16xf32>
          %parallel_loop3A_462 = arith.mulf %parallel_loop3A_461, %get3A_81 : vector<16xf32>
          %parallel_loop3A_463 = arith.addf %parallel_loop3A_447, %parallel_loop3A_462 : vector<16xf32>
          %parallel_loop3A_464 = arith.index_cast %parallel_loop3A_445 : i32 to index
          %parallel_loop3A_465 = arith.constant 16 : index
          %parallel_loop3A_466 = tpu.vector_load %arg16[%parallel_loop3A_464, %parallel_loop3A_465] {strides = array<i32>} : memref<64x128xf32, #tpu.memory_space<vmem>>, vector<16xf32>,
          %parallel_loop3A_467 = arith.index_cast %parallel_loop3A_445 : i32 to index
          %parallel_loop3A_468 = arith.constant 16 : index
          %parallel_loop3A_469 = tpu.vector_load %arg14[%parallel_loop3A_467, %parallel_loop3A_468] {strides = array<i32>} : memref<64x128xf32, #tpu.memory_space<vmem>>, vector<16xf32>,
          %parallel_loop3A_470 = arith.addf %parallel_loop3A_466, %parallel_loop3A_469 : vector<16xf32>
          %parallel_loop3A_471 = arith.constant 0.000000e+00 : f32
          %parallel_loop3A_472 = vector.broadcast %parallel_loop3A_471 : f32 to vector<16xf32>
          %parallel_loop3A_473 = arith.cmpf oge, %parallel_loop3A_470, %parallel_loop3A_472 : vector<16xf32>
          %parallel_loop3A_474 = arith.constant 2.000000e-01 : f32
          %parallel_loop3A_475 = vector.broadcast %parallel_loop3A_474 : f32 to vector<16xf32>
          %parallel_loop3A_476 = arith.mulf %parallel_loop3A_475, %parallel_loop3A_470 : vector<16xf32>
          %parallel_loop3A_477 = arith.select %parallel_loop3A_473, %parallel_loop3A_470, %parallel_loop3A_476 : vector<16xi1>, vector<16xf32>
          %parallel_loop3A_478 = arith.mulf %parallel_loop3A_477, %get3A_83 : vector<16xf32>
          %parallel_loop3A_479 = arith.addf %parallel_loop3A_463, %parallel_loop3A_478 : vector<16xf32>
          %parallel_loop3A_480 = arith.index_cast %parallel_loop3A_445 : i32 to index
          %parallel_loop3A_481 = arith.constant 32 : index
          %parallel_loop3A_482 = tpu.vector_load %arg16[%parallel_loop3A_480, %parallel_loop3A_481] {strides = array<i32>} : memref<64x128xf32, #tpu.memory_space<vmem>>, vector<16xf32>,
          %parallel_loop3A_483 = arith.index_cast %parallel_loop3A_445 : i32 to index
          %parallel_loop3A_484 = arith.constant 32 : index
          %parallel_loop3A_485 = tpu.vector_load %arg14[%parallel_loop3A_483, %parallel_loop3A_484] {strides = array<i32>} : memref<64x128xf32, #tpu.memory_space<vmem>>, vector<16xf32>,
          %parallel_loop3A_486 = arith.addf %parallel_loop3A_482, %parallel_loop3A_485 : vector<16xf32>
          %parallel_loop3A_487 = arith.constant 0.000000e+00 : f32
          %parallel_loop3A_488 = vector.broadcast %parallel_loop3A_487 : f32 to vector<16xf32>
          %parallel_loop3A_489 = arith.cmpf oge, %parallel_loop3A_486, %parallel_loop3A_488 : vector<16xf32>
          %parallel_loop3A_490 = arith.constant 2.000000e-01 : f32
          %parallel_loop3A_491 = vector.broadcast %parallel_loop3A_490 : f32 to vector<16xf32>
          %parallel_loop3A_492 = arith.mulf %parallel_loop3A_491, %parallel_loop3A_486 : vector<16xf32>
          %parallel_loop3A_493 = arith.select %parallel_loop3A_489, %parallel_loop3A_486, %parallel_loop3A_492 : vector<16xi1>, vector<16xf32>
          %parallel_loop3A_494 = arith.mulf %parallel_loop3A_493, %get3A_85 : vector<16xf32>
          %parallel_loop3A_495 = arith.addf %parallel_loop3A_479, %parallel_loop3A_494 : vector<16xf32>
          %parallel_loop3A_496 = arith.index_cast %parallel_loop3A_445 : i32 to index
          %parallel_loop3A_497 = arith.constant 48 : index
          %parallel_loop3A_498 = tpu.vector_load %arg16[%parallel_loop3A_496, %parallel_loop3A_497] {strides = array<i32>} : memref<64x128xf32, #tpu.memory_space<vmem>>, vector<16xf32>,
          %parallel_loop3A_499 = arith.index_cast %parallel_loop3A_445 : i32 to index
          %parallel_loop3A_500 = arith.constant 48 : index
          %parallel_loop3A_501 = tpu.vector_load %arg14[%parallel_loop3A_499, %parallel_loop3A_500] {strides = array<i32>} : memref<64x128xf32, #tpu.memory_space<vmem>>, vector<16xf32>,
          %parallel_loop3A_502 = arith.addf %parallel_loop3A_498, %parallel_loop3A_501 : vector<16xf32>
          %parallel_loop3A_503 = arith.constant 0.000000e+00 : f32
          %parallel_loop3A_504 = vector.broadcast %parallel_loop3A_503 : f32 to vector<16xf32>
          %parallel_loop3A_505 = arith.cmpf oge, %parallel_loop3A_502, %parallel_loop3A_504 : vector<16xf32>
          %parallel_loop3A_506 = arith.constant 2.000000e-01 : f32
          %parallel_loop3A_507 = vector.broadcast %parallel_loop3A_506 : f32 to vector<16xf32>
          %parallel_loop3A_508 = arith.mulf %parallel_loop3A_507, %parallel_loop3A_502 : vector<16xf32>
          %parallel_loop3A_509 = arith.select %parallel_loop3A_505, %parallel_loop3A_502, %parallel_loop3A_508 : vector<16xi1>, vector<16xf32>
          %parallel_loop3A_510 = arith.mulf %parallel_loop3A_509, %get3A_87 : vector<16xf32>
          %parallel_loop3A_511 = arith.addf %parallel_loop3A_495, %parallel_loop3A_510 : vector<16xf32>
          %parallel_loop3A_512 = arith.index_cast %parallel_loop3A_445 : i32 to index
          %parallel_loop3A_513 = arith.constant 64 : index
          %parallel_loop3A_514 = tpu.vector_load %arg16[%parallel_loop3A_512, %parallel_loop3A_513] {strides = array<i32>} : memref<64x128xf32, #tpu.memory_space<vmem>>, vector<16xf32>,
          %parallel_loop3A_515 = arith.index_cast %parallel_loop3A_445 : i32 to index
          %parallel_loop3A_516 = arith.constant 64 : index
          %parallel_loop3A_517 = tpu.vector_load %arg14[%parallel_loop3A_515, %parallel_loop3A_516] {strides = array<i32>} : memref<64x128xf32, #tpu.memory_space<vmem>>, vector<16xf32>,
          %parallel_loop3A_518 = arith.addf %parallel_loop3A_514, %parallel_loop3A_517 : vector<16xf32>
          %parallel_loop3A_519 = arith.constant 0.000000e+00 : f32
          %parallel_loop3A_520 = vector.broadcast %parallel_loop3A_519 : f32 to vector<16xf32>
          %parallel_loop3A_521 = arith.cmpf oge, %parallel_loop3A_518, %parallel_loop3A_520 : vector<16xf32>
          %parallel_loop3A_522 = arith.constant 2.000000e-01 : f32
          %parallel_loop3A_523 = vector.broadcast %parallel_loop3A_522 : f32 to vector<16xf32>
          %parallel_loop3A_524 = arith.mulf %parallel_loop3A_523, %parallel_loop3A_518 : vector<16xf32>
          %parallel_loop3A_525 = arith.select %parallel_loop3A_521, %parallel_loop3A_518, %parallel_loop3A_524 : vector<16xi1>, vector<16xf32>
          %parallel_loop3A_526 = arith.mulf %parallel_loop3A_525, %get3A_89 : vector<16xf32>
          %parallel_loop3A_527 = arith.addf %parallel_loop3A_511, %parallel_loop3A_526 : vector<16xf32>
          %parallel_loop3A_528 = arith.index_cast %parallel_loop3A_445 : i32 to index
          %parallel_loop3A_529 = arith.constant 80 : index
          %parallel_loop3A_530 = tpu.vector_load %arg16[%parallel_loop3A_528, %parallel_loop3A_529] {strides = array<i32>} : memref<64x128xf32, #tpu.memory_space<vmem>>, vector<16xf32>,
          %parallel_loop3A_531 = arith.index_cast %parallel_loop3A_445 : i32 to index
          %parallel_loop3A_532 = arith.constant 80 : index
          %parallel_loop3A_533 = tpu.vector_load %arg14[%parallel_loop3A_531, %parallel_loop3A_532] {strides = array<i32>} : memref<64x128xf32, #tpu.memory_space<vmem>>, vector<16xf32>,
          %parallel_loop3A_534 = arith.addf %parallel_loop3A_530, %parallel_loop3A_533 : vector<16xf32>
          %parallel_loop3A_535 = arith.constant 0.000000e+00 : f32
          %parallel_loop3A_536 = vector.broadcast %parallel_loop3A_535 : f32 to vector<16xf32>
          %parallel_loop3A_537 = arith.cmpf oge, %parallel_loop3A_534, %parallel_loop3A_536 : vector<16xf32>
          %parallel_loop3A_538 = arith.constant 2.000000e-01 : f32
          %parallel_loop3A_539 = vector.broadcast %parallel_loop3A_538 : f32 to vector<16xf32>
          %parallel_loop3A_540 = arith.mulf %parallel_loop3A_539, %parallel_loop3A_534 : vector<16xf32>
          %parallel_loop3A_541 = arith.select %parallel_loop3A_537, %parallel_loop3A_534, %parallel_loop3A_540 : vector<16xi1>, vector<16xf32>
          %parallel_loop3A_542 = arith.mulf %parallel_loop3A_541, %get3A_91 : vector<16xf32>
          %parallel_loop3A_543 = arith.addf %parallel_loop3A_527, %parallel_loop3A_542 : vector<16xf32>
          %parallel_loop3A_544 = arith.index_cast %parallel_loop3A_445 : i32 to index
          %parallel_loop3A_545 = arith.constant 96 : index
          %parallel_loop3A_546 = tpu.vector_load %arg16[%parallel_loop3A_544, %parallel_loop3A_545] {strides = array<i32>} : memref<64x128xf32, #tpu.memory_space<vmem>>, vector<16xf32>,
          %parallel_loop3A_547 = arith.index_cast %parallel_loop3A_445 : i32 to index
          %parallel_loop3A_548 = arith.constant 96 : index
          %parallel_loop3A_549 = tpu.vector_load %arg14[%parallel_loop3A_547, %parallel_loop3A_548] {strides = array<i32>} : memref<64x128xf32, #tpu.memory_space<vmem>>, vector<16xf32>,
          %parallel_loop3A_550 = arith.addf %parallel_loop3A_546, %parallel_loop3A_549 : vector<16xf32>
          %parallel_loop3A_551 = arith.constant 0.000000e+00 : f32
          %parallel_loop3A_552 = vector.broadcast %parallel_loop3A_551 : f32 to vector<16xf32>
          %parallel_loop3A_553 = arith.cmpf oge, %parallel_loop3A_550, %parallel_loop3A_552 : vector<16xf32>
          %parallel_loop3A_554 = arith.constant 2.000000e-01 : f32
          %parallel_loop3A_555 = vector.broadcast %parallel_loop3A_554 : f32 to vector<16xf32>
          %parallel_loop3A_556 = arith.mulf %parallel_loop3A_555, %parallel_loop3A_550 : vector<16xf32>
          %parallel_loop3A_557 = arith.select %parallel_loop3A_553, %parallel_loop3A_550, %parallel_loop3A_556 : vector<16xi1>, vector<16xf32>
          %parallel_loop3A_558 = arith.mulf %parallel_loop3A_557, %get3A_93 : vector<16xf32>
          %parallel_loop3A_559 = arith.addf %parallel_loop3A_543, %parallel_loop3A_558 : vector<16xf32>
          %parallel_loop3A_560 = arith.index_cast %parallel_loop3A_445 : i32 to index
          %parallel_loop3A_561 = arith.constant 112 : index
          %parallel_loop3A_562 = tpu.vector_load %arg16[%parallel_loop3A_560, %parallel_loop3A_561] {strides = array<i32>} : memref<64x128xf32, #tpu.memory_space<vmem>>, vector<16xf32>,
          %parallel_loop3A_563 = arith.index_cast %parallel_loop3A_445 : i32 to index
          %parallel_loop3A_564 = arith.constant 112 : index
          %parallel_loop3A_565 = tpu.vector_load %arg14[%parallel_loop3A_563, %parallel_loop3A_564] {strides = array<i32>} : memref<64x128xf32, #tpu.memory_space<vmem>>, vector<16xf32>,
          %parallel_loop3A_566 = arith.addf %parallel_loop3A_562, %parallel_loop3A_565 : vector<16xf32>
          %parallel_loop3A_567 = arith.constant 0.000000e+00 : f32
          %parallel_loop3A_568 = vector.broadcast %parallel_loop3A_567 : f32 to vector<16xf32>
          %parallel_loop3A_569 = arith.cmpf oge, %parallel_loop3A_566, %parallel_loop3A_568 : vector<16xf32>
          %parallel_loop3A_570 = arith.constant 2.000000e-01 : f32
          %parallel_loop3A_571 = vector.broadcast %parallel_loop3A_570 : f32 to vector<16xf32>
          %parallel_loop3A_572 = arith.mulf %parallel_loop3A_571, %parallel_loop3A_566 : vector<16xf32>
          %parallel_loop3A_573 = arith.select %parallel_loop3A_569, %parallel_loop3A_566, %parallel_loop3A_572 : vector<16xi1>, vector<16xf32>
          %parallel_loop3A_574 = arith.mulf %parallel_loop3A_573, %get3A_95 : vector<16xf32>
          %parallel_loop3A_575 = arith.addf %parallel_loop3A_559, %parallel_loop3A_574 : vector<16xf32>
          %parallel_loop3A_576 = arith.constant true
          %parallel_loop3A_577 = vector.broadcast %parallel_loop3A_576 : i1 to vector<16xi1>
          %parallel_loop3A_578 = tpu.scan <sum>, %parallel_loop3A_575 masked %parallel_loop3A_577 : vector<16xf32>, vector<16xi1> -> vector<16xf32>
          %parallel_loop3A_579 = vector.shape_cast %broadcast_in_dim3A_98 : vector<16xi32> to vector<16x1xi32>
          %parallel_loop3A_580 = vector.shape_cast %parallel_loop3A_579 : vector<16x1xi32> to vector<16xi32>
          %parallel_loop3A_581 = tpu.dynamic_gather %parallel_loop3A_578[%parallel_loop3A_580] in [0] : vector<16xf32>, vector<16xi32> -> vector<16xf32>
          %parallel_loop3A_582 = arith.constant 16 : i32
          %parallel_loop3A_583 = arith.divsi %parallel_loop3A_445, %parallel_loop3A_582 : i32
          %parallel_loop3A_584 = arith.constant 0 : i32
          %parallel_loop3A_585 = arith.cmpi sgt, %parallel_loop3A_445, %parallel_loop3A_584 : i32
          %parallel_loop3A_586 = arith.extui %parallel_loop3A_585 : i1 to i32
          %parallel_loop3A_587 = arith.constant 0 : i32
          %parallel_loop3A_588 = arith.cmpi slt, %parallel_loop3A_445, %parallel_loop3A_587 : i32
          %parallel_loop3A_589 = arith.extui %parallel_loop3A_588 : i1 to i32
          %parallel_loop3A_590 = arith.subi %parallel_loop3A_586, %parallel_loop3A_589 : i32
          %parallel_loop3A_591 = arith.constant 0 : i32
          %parallel_loop3A_592 = arith.cmpi sgt, %parallel_loop3A_582, %parallel_loop3A_591 : i32
          %parallel_loop3A_593 = arith.extui %parallel_loop3A_592 : i1 to i32
          %parallel_loop3A_594 = arith.constant 0 : i32
          %parallel_loop3A_595 = arith.cmpi slt, %parallel_loop3A_582, %parallel_loop3A_594 : i32
          %parallel_loop3A_596 = arith.extui %parallel_loop3A_595 : i1 to i32
          %parallel_loop3A_597 = arith.subi %parallel_loop3A_593, %parallel_loop3A_596 : i32
          %parallel_loop3A_598 = arith.cmpi ne, %parallel_loop3A_590, %parallel_loop3A_597 : i32
          %parallel_loop3A_599 = arith.remsi %parallel_loop3A_445, %parallel_loop3A_582 : i32
          %parallel_loop3A_600 = arith.constant 0 : i32
          %parallel_loop3A_601 = arith.cmpi ne, %parallel_loop3A_599, %parallel_loop3A_600 : i32
          %parallel_loop3A_602 = arith.andi %parallel_loop3A_598, %parallel_loop3A_601 : i1
          %parallel_loop3A_603 = arith.constant 1 : i32
          %parallel_loop3A_604 = arith.subi %parallel_loop3A_583, %parallel_loop3A_603 : i32
          %parallel_loop3A_605 = arith.select %parallel_loop3A_602, %parallel_loop3A_604, %parallel_loop3A_583 : i32
          %parallel_loop3A_606 = arith.constant 16 : i32
          %parallel_loop3A_607 = arith.muli %parallel_loop3A_605, %parallel_loop3A_606 : i32
          %parallel_loop3A_608 = arith.index_cast %parallel_loop3A_607 : i32 to index
          %parallel_loop3A_609 = tpu.vector_load %arg18[%parallel_loop3A_608] {strides = array<i32>} : memref<64xf32, #tpu.memory_space<vmem>>, vector<16xf32>,
          %parallel_loop3A_610 = arith.constant 16 : i32
          %parallel_loop3A_611 = arith.remsi %parallel_loop3A_445, %parallel_loop3A_610 : i32
          %parallel_loop3A_612 = vector.broadcast %parallel_loop3A_611 : i32 to vector<16xi32>
          %parallel_loop3A_613 = vector.shape_cast %parallel_loop3A_612 : vector<16xi32> to vector<16x1xi32>
          %parallel_loop3A_614 = vector.shape_cast %parallel_loop3A_613 : vector<16x1xi32> to vector<16xi32>
          %parallel_loop3A_615 = tpu.dynamic_gather %parallel_loop3A_609[%parallel_loop3A_614] in [0] : vector<16xf32>, vector<16xi32> -> vector<16xf32>
          %parallel_loop3A_616 = arith.subf %parallel_loop3A_581, %parallel_loop3A_615 : vector<16xf32>
          %parallel_loop3A_617 = math.exp %parallel_loop3A_616 : vector<16xf32>
          %parallel_loop3A_618 = arith.mulf %parallel_loop3A_450, %parallel_loop3A_617 : vector<16xf32>
          %parallel_loop3A_619 = arith.index_cast %parallel_loop3A_445 : i32 to index
          %parallel_loop3A_620 = arith.constant 0 : index
          %parallel_loop3A_621 = tpu.vector_load %arg14[%parallel_loop3A_619, %parallel_loop3A_620] {strides = array<i32>} : memref<64x128xf32, #tpu.memory_space<vmem>>, vector<16xf32>,
          tpu.vector_store %arg14[%parallel_loop3A_619, %parallel_loop3A_620], %parallel_loop3A_618 {strides = array<i32>} : memref<64x128xf32, #tpu.memory_space<vmem>>, vector<16xf32>,
          %parallel_loop3A_622 = arith.mulf %parallel_loop3A_466, %parallel_loop3A_617 : vector<16xf32>
          %parallel_loop3A_623 = arith.index_cast %parallel_loop3A_445 : i32 to index
          %parallel_loop3A_624 = arith.constant 16 : index
          %parallel_loop3A_625 = tpu.vector_load %arg14[%parallel_loop3A_623, %parallel_loop3A_624] {strides = array<i32>} : memref<64x128xf32, #tpu.memory_space<vmem>>, vector<16xf32>,
          tpu.vector_store %arg14[%parallel_loop3A_623, %parallel_loop3A_624], %parallel_loop3A_622 {strides = array<i32>} : memref<64x128xf32, #tpu.memory_space<vmem>>, vector<16xf32>,
          %parallel_loop3A_626 = arith.mulf %parallel_loop3A_482, %parallel_loop3A_617 : vector<16xf32>
          %parallel_loop3A_627 = arith.index_cast %parallel_loop3A_445 : i32 to index
          %parallel_loop3A_628 = arith.constant 32 : index
          %parallel_loop3A_629 = tpu.vector_load %arg14[%parallel_loop3A_627, %parallel_loop3A_628] {strides = array<i32>} : memref<64x128xf32, #tpu.memory_space<vmem>>, vector<16xf32>,
          tpu.vector_store %arg14[%parallel_loop3A_627, %parallel_loop3A_628], %parallel_loop3A_626 {strides = array<i32>} : memref<64x128xf32, #tpu.memory_space<vmem>>, vector<16xf32>,
          %parallel_loop3A_630 = arith.mulf %parallel_loop3A_498, %parallel_loop3A_617 : vector<16xf32>
          %parallel_loop3A_631 = arith.index_cast %parallel_loop3A_445 : i32 to index
          %parallel_loop3A_632 = arith.constant 48 : index
          %parallel_loop3A_633 = tpu.vector_load %arg14[%parallel_loop3A_631, %parallel_loop3A_632] {strides = array<i32>} : memref<64x128xf32, #tpu.memory_space<vmem>>, vector<16xf32>,
          tpu.vector_store %arg14[%parallel_loop3A_631, %parallel_loop3A_632], %parallel_loop3A_630 {strides = array<i32>} : memref<64x128xf32, #tpu.memory_space<vmem>>, vector<16xf32>,
          %parallel_loop3A_634 = arith.mulf %parallel_loop3A_514, %parallel_loop3A_617 : vector<16xf32>
          %parallel_loop3A_635 = arith.index_cast %parallel_loop3A_445 : i32 to index
          %parallel_loop3A_636 = arith.constant 64 : index
          %parallel_loop3A_637 = tpu.vector_load %arg14[%parallel_loop3A_635, %parallel_loop3A_636] {strides = array<i32>} : memref<64x128xf32, #tpu.memory_space<vmem>>, vector<16xf32>,
          tpu.vector_store %arg14[%parallel_loop3A_635, %parallel_loop3A_636], %parallel_loop3A_634 {strides = array<i32>} : memref<64x128xf32, #tpu.memory_space<vmem>>, vector<16xf32>,
          %parallel_loop3A_638 = arith.mulf %parallel_loop3A_530, %parallel_loop3A_617 : vector<16xf32>
          %parallel_loop3A_639 = arith.index_cast %parallel_loop3A_445 : i32 to index
          %parallel_loop3A_640 = arith.constant 80 : index
          %parallel_loop3A_641 = tpu.vector_load %arg14[%parallel_loop3A_639, %parallel_loop3A_640] {strides = array<i32>} : memref<64x128xf32, #tpu.memory_space<vmem>>, vector<16xf32>,
          tpu.vector_store %arg14[%parallel_loop3A_639, %parallel_loop3A_640], %parallel_loop3A_638 {strides = array<i32>} : memref<64x128xf32, #tpu.memory_space<vmem>>, vector<16xf32>,
          %parallel_loop3A_642 = arith.mulf %parallel_loop3A_546, %parallel_loop3A_617 : vector<16xf32>
          %parallel_loop3A_643 = arith.index_cast %parallel_loop3A_445 : i32 to index
          %parallel_loop3A_644 = arith.constant 96 : index
          %parallel_loop3A_645 = tpu.vector_load %arg14[%parallel_loop3A_643, %parallel_loop3A_644] {strides = array<i32>} : memref<64x128xf32, #tpu.memory_space<vmem>>, vector<16xf32>,
          tpu.vector_store %arg14[%parallel_loop3A_643, %parallel_loop3A_644], %parallel_loop3A_642 {strides = array<i32>} : memref<64x128xf32, #tpu.memory_space<vmem>>, vector<16xf32>,
          %parallel_loop3A_646 = arith.mulf %parallel_loop3A_562, %parallel_loop3A_617 : vector<16xf32>
          %parallel_loop3A_647 = arith.index_cast %parallel_loop3A_445 : i32 to index
          %parallel_loop3A_648 = arith.constant 112 : index
          %parallel_loop3A_649 = tpu.vector_load %arg14[%parallel_loop3A_647, %parallel_loop3A_648] {strides = array<i32>} : memref<64x128xf32, #tpu.memory_space<vmem>>, vector<16xf32>,
          tpu.vector_store %arg14[%parallel_loop3A_647, %parallel_loop3A_648], %parallel_loop3A_646 {strides = array<i32>} : memref<64x128xf32, #tpu.memory_space<vmem>>, vector<16xf32>,
          %parallel_loop3A_650 = vector.broadcast %parallel_loop3A_445 : i32 to vector<16xi32>
          tpu.vector_store_idx %arg20[%parallel_loop3A_650], %parallel_loop3A_617 masked %eq3A_97 : memref<64xf32, #tpu.memory_space<vmem>>[vector<16xi32>], vector<16xf32>, vector<16xi1>
        } {sc.loop_unroll_factor = 2 : i64, sc.parallel_access}
        %dma_start3A_383 = arith.constant 0 : i32
        %dma_start3A_384 = tpu.memref_slice %arg13[%mul3A_339, %dma_start3A_383] : memref<32x64xi32, #tpu.memory_space<vmem>> -> memref<1x64xi32, #tpu.memory_space<vmem>>
        %dma_start3A_385 = tpu.memref_squeeze %dma_start3A_384 : memref<1x64xi32, #tpu.memory_space<vmem>> -> memref<64xi32, #tpu.memory_space<vmem>>
        %dma_start3A_386 = arith.constant 0 : i32
        %dma_start3A_387 = arith.constant 0 : i32
        %dma_start3A_388 = tpu.memref_slice %arg27[%dma_start3A_386, %dma_start3A_387] : memref<10240x128xf32, #tpu.memory_space<vmem_shared>> -> memref<10240x128xf32, #tpu.memory_space<vmem_shared>>
        tpu.enqueue_indirect_dma source(%arg14 : memref<64x128xf32, #tpu.memory_space<vmem>>) target(%dma_start3A_388 : memref<10240x128xf32, #tpu.memory_space<vmem_shared>>) offsets(%dma_start3A_385 : memref<64xi32, #tpu.memory_space<vmem>>) semaphore(%arg25 : memref<!tpu.dma_semaphore, #tpu.memory_space<semaphore_mem>>) {add = true}
        %dma_start3A_389 = arith.constant 0 : i32
        %dma_start3A_390 = tpu.memref_slice %arg13[%mul3A_339, %dma_start3A_389] : memref<32x64xi32, #tpu.memory_space<vmem>> -> memref<1x64xi32, #tpu.memory_space<vmem>>
        %dma_start3A_391 = tpu.memref_squeeze %dma_start3A_390 : memref<1x64xi32, #tpu.memory_space<vmem>> -> memref<64xi32, #tpu.memory_space<vmem>>
        %dma_start3A_392 = arith.constant 0 : i32
        %dma_start3A_393 = tpu.memref_slice %arg28[%dma_start3A_392] : memref<10240xf32, #tpu.memory_space<vmem_shared>> -> memref<10240xf32, #tpu.memory_space<vmem_shared>>
        tpu.enqueue_indirect_dma source(%arg20 : memref<64xf32, #tpu.memory_space<vmem>>) target(%dma_start3A_393 : memref<10240xf32, #tpu.memory_space<vmem_shared>>) offsets(%dma_start3A_391 : memref<64xi32, #tpu.memory_space<vmem>>) semaphore(%arg25 : memref<!tpu.dma_semaphore, #tpu.memory_space<semaphore_mem>>) {add = true}
        %dma_wait3A_394 = arith.constant 0 : i32
        %dma_wait3A_395 = arith.constant 0 : i32
        %dma_wait3A_396 = tpu.memref_slice %arg12[%dma_wait3A_394, %dma_wait3A_395] : memref<32x64xi32, #tpu.memory_space<vmem>> -> memref<1x64xi32, #tpu.memory_space<vmem>>
        %dma_wait3A_397 = tpu.memref_squeeze %dma_wait3A_396 : memref<1x64xi32, #tpu.memory_space<vmem>> -> memref<64xi32, #tpu.memory_space<vmem>>
        %dma_wait3A_398 = arith.constant 0 : i32
        %dma_wait3A_399 = arith.constant 0 : i32
        %dma_wait3A_400 = tpu.memref_slice %arg2[%dma_wait3A_398, %dma_wait3A_399] : memref<10240x128xf32, #tpu.memory_space<hbm>> -> memref<10240x128xf32, #tpu.memory_space<hbm>>
        tpu.wait_indirect_dma semaphore(%arg24 : memref<!tpu.dma_semaphore, #tpu.memory_space<semaphore_mem>>) src(%dma_wait3A_400 : memref<10240x128xf32, #tpu.memory_space<hbm>>) dst(%arg17 : memref<64x128xf32, #tpu.memory_space<vmem>>)
        %dma_wait3A_401 = arith.constant 0 : i32
        %dma_wait3A_402 = arith.constant 0 : i32
        %dma_wait3A_403 = tpu.memref_slice %arg13[%dma_wait3A_401, %dma_wait3A_402] : memref<32x64xi32, #tpu.memory_space<vmem>> -> memref<1x64xi32, #tpu.memory_space<vmem>>
        %dma_wait3A_404 = tpu.memref_squeeze %dma_wait3A_403 : memref<1x64xi32, #tpu.memory_space<vmem>> -> memref<64xi32, #tpu.memory_space<vmem>>
        %dma_wait3A_405 = arith.constant 0 : i32
        %dma_wait3A_406 = arith.constant 0 : i32
        %dma_wait3A_407 = tpu.memref_slice %arg3[%dma_wait3A_405, %dma_wait3A_406] : memref<10240x128xf32, #tpu.memory_space<hbm>> -> memref<10240x128xf32, #tpu.memory_space<hbm>>
        tpu.wait_indirect_dma semaphore(%arg24 : memref<!tpu.dma_semaphore, #tpu.memory_space<semaphore_mem>>) src(%dma_wait3A_407 : memref<10240x128xf32, #tpu.memory_space<hbm>>) dst(%arg15 : memref<64x128xf32, #tpu.memory_space<vmem>>)
        %dma_wait3A_408 = arith.constant 0 : i32
        %dma_wait3A_409 = arith.constant 0 : i32
        %dma_wait3A_410 = tpu.memref_slice %arg13[%dma_wait3A_408, %dma_wait3A_409] : memref<32x64xi32, #tpu.memory_space<vmem>> -> memref<1x64xi32, #tpu.memory_space<vmem>>
        %dma_wait3A_411 = tpu.memref_squeeze %dma_wait3A_410 : memref<1x64xi32, #tpu.memory_space<vmem>> -> memref<64xi32, #tpu.memory_space<vmem>>
        %dma_wait3A_412 = arith.constant 0 : i32
        %dma_wait3A_413 = tpu.memref_slice %arg4[%dma_wait3A_412] : memref<10240xf32, #tpu.memory_space<hbm>> -> memref<10240xf32, #tpu.memory_space<hbm>>
        tpu.wait_indirect_dma semaphore(%arg24 : memref<!tpu.dma_semaphore, #tpu.memory_space<semaphore_mem>>) src(%dma_wait3A_413 : memref<10240xf32, #tpu.memory_space<hbm>>) dst(%arg19 : memref<64xf32, #tpu.memory_space<vmem>>)
        %parallel_loop3A_414 = arith.constant 0 : i32
        %parallel_loop3A_415 = arith.constant 64 : i32
        %parallel_loop3A_416 = arith.constant 1 : i32
        scf.for %parallel_loop3A_445 = %parallel_loop3A_414 to %parallel_loop3A_415 step %parallel_loop3A_416  : i32 {
          %parallel_loop3A_446 = arith.constant 0.000000e+00 : f32
          %parallel_loop3A_447 = vector.broadcast %parallel_loop3A_446 : f32 to vector<16xf32>
          %parallel_loop3A_448 = arith.index_cast %parallel_loop3A_445 : i32 to index
          %parallel_loop3A_449 = arith.constant 0 : index
          %parallel_loop3A_450 = tpu.vector_load %arg17[%parallel_loop3A_448, %parallel_loop3A_449] {strides = array<i32>} : memref<64x128xf32, #tpu.memory_space<vmem>>, vector<16xf32>,
          %parallel_loop3A_451 = arith.index_cast %parallel_loop3A_445 : i32 to index
          %parallel_loop3A_452 = arith.constant 0 : index
          %parallel_loop3A_453 = tpu.vector_load %arg15[%parallel_loop3A_451, %parallel_loop3A_452] {strides = array<i32>} : memref<64x128xf32, #tpu.memory_space<vmem>>, vector<16xf32>,
          %parallel_loop3A_454 = arith.addf %parallel_loop3A_450, %parallel_loop3A_453 : vector<16xf32>
          %parallel_loop3A_455 = arith.constant 0.000000e+00 : f32
          %parallel_loop3A_456 = vector.broadcast %parallel_loop3A_455 : f32 to vector<16xf32>
          %parallel_loop3A_457 = arith.cmpf oge, %parallel_loop3A_454, %parallel_loop3A_456 : vector<16xf32>
          %parallel_loop3A_458 = arith.constant 2.000000e-01 : f32
          %parallel_loop3A_459 = vector.broadcast %parallel_loop3A_458 : f32 to vector<16xf32>
          %parallel_loop3A_460 = arith.mulf %parallel_loop3A_459, %parallel_loop3A_454 : vector<16xf32>
          %parallel_loop3A_461 = arith.select %parallel_loop3A_457, %parallel_loop3A_454, %parallel_loop3A_460 : vector<16xi1>, vector<16xf32>
          %parallel_loop3A_462 = arith.mulf %parallel_loop3A_461, %get3A_81 : vector<16xf32>
          %parallel_loop3A_463 = arith.addf %parallel_loop3A_447, %parallel_loop3A_462 : vector<16xf32>
          %parallel_loop3A_464 = arith.index_cast %parallel_loop3A_445 : i32 to index
          %parallel_loop3A_465 = arith.constant 16 : index
          %parallel_loop3A_466 = tpu.vector_load %arg17[%parallel_loop3A_464, %parallel_loop3A_465] {strides = array<i32>} : memref<64x128xf32, #tpu.memory_space<vmem>>, vector<16xf32>,
          %parallel_loop3A_467 = arith.index_cast %parallel_loop3A_445 : i32 to index
          %parallel_loop3A_468 = arith.constant 16 : index
          %parallel_loop3A_469 = tpu.vector_load %arg15[%parallel_loop3A_467, %parallel_loop3A_468] {strides = array<i32>} : memref<64x128xf32, #tpu.memory_space<vmem>>, vector<16xf32>,
          %parallel_loop3A_470 = arith.addf %parallel_loop3A_466, %parallel_loop3A_469 : vector<16xf32>
          %parallel_loop3A_471 = arith.constant 0.000000e+00 : f32
          %parallel_loop3A_472 = vector.broadcast %parallel_loop3A_471 : f32 to vector<16xf32>
          %parallel_loop3A_473 = arith.cmpf oge, %parallel_loop3A_470, %parallel_loop3A_472 : vector<16xf32>
          %parallel_loop3A_474 = arith.constant 2.000000e-01 : f32
          %parallel_loop3A_475 = vector.broadcast %parallel_loop3A_474 : f32 to vector<16xf32>
          %parallel_loop3A_476 = arith.mulf %parallel_loop3A_475, %parallel_loop3A_470 : vector<16xf32>
          %parallel_loop3A_477 = arith.select %parallel_loop3A_473, %parallel_loop3A_470, %parallel_loop3A_476 : vector<16xi1>, vector<16xf32>
          %parallel_loop3A_478 = arith.mulf %parallel_loop3A_477, %get3A_83 : vector<16xf32>
          %parallel_loop3A_479 = arith.addf %parallel_loop3A_463, %parallel_loop3A_478 : vector<16xf32>
          %parallel_loop3A_480 = arith.index_cast %parallel_loop3A_445 : i32 to index
          %parallel_loop3A_481 = arith.constant 32 : index
          %parallel_loop3A_482 = tpu.vector_load %arg17[%parallel_loop3A_480, %parallel_loop3A_481] {strides = array<i32>} : memref<64x128xf32, #tpu.memory_space<vmem>>, vector<16xf32>,
          %parallel_loop3A_483 = arith.index_cast %parallel_loop3A_445 : i32 to index
          %parallel_loop3A_484 = arith.constant 32 : index
          %parallel_loop3A_485 = tpu.vector_load %arg15[%parallel_loop3A_483, %parallel_loop3A_484] {strides = array<i32>} : memref<64x128xf32, #tpu.memory_space<vmem>>, vector<16xf32>,
          %parallel_loop3A_486 = arith.addf %parallel_loop3A_482, %parallel_loop3A_485 : vector<16xf32>
          %parallel_loop3A_487 = arith.constant 0.000000e+00 : f32
          %parallel_loop3A_488 = vector.broadcast %parallel_loop3A_487 : f32 to vector<16xf32>
          %parallel_loop3A_489 = arith.cmpf oge, %parallel_loop3A_486, %parallel_loop3A_488 : vector<16xf32>
          %parallel_loop3A_490 = arith.constant 2.000000e-01 : f32
          %parallel_loop3A_491 = vector.broadcast %parallel_loop3A_490 : f32 to vector<16xf32>
          %parallel_loop3A_492 = arith.mulf %parallel_loop3A_491, %parallel_loop3A_486 : vector<16xf32>
          %parallel_loop3A_493 = arith.select %parallel_loop3A_489, %parallel_loop3A_486, %parallel_loop3A_492 : vector<16xi1>, vector<16xf32>
          %parallel_loop3A_494 = arith.mulf %parallel_loop3A_493, %get3A_85 : vector<16xf32>
          %parallel_loop3A_495 = arith.addf %parallel_loop3A_479, %parallel_loop3A_494 : vector<16xf32>
          %parallel_loop3A_496 = arith.index_cast %parallel_loop3A_445 : i32 to index
          %parallel_loop3A_497 = arith.constant 48 : index
          %parallel_loop3A_498 = tpu.vector_load %arg17[%parallel_loop3A_496, %parallel_loop3A_497] {strides = array<i32>} : memref<64x128xf32, #tpu.memory_space<vmem>>, vector<16xf32>,
          %parallel_loop3A_499 = arith.index_cast %parallel_loop3A_445 : i32 to index
          %parallel_loop3A_500 = arith.constant 48 : index
          %parallel_loop3A_501 = tpu.vector_load %arg15[%parallel_loop3A_499, %parallel_loop3A_500] {strides = array<i32>} : memref<64x128xf32, #tpu.memory_space<vmem>>, vector<16xf32>,
          %parallel_loop3A_502 = arith.addf %parallel_loop3A_498, %parallel_loop3A_501 : vector<16xf32>
          %parallel_loop3A_503 = arith.constant 0.000000e+00 : f32
          %parallel_loop3A_504 = vector.broadcast %parallel_loop3A_503 : f32 to vector<16xf32>
          %parallel_loop3A_505 = arith.cmpf oge, %parallel_loop3A_502, %parallel_loop3A_504 : vector<16xf32>
          %parallel_loop3A_506 = arith.constant 2.000000e-01 : f32
          %parallel_loop3A_507 = vector.broadcast %parallel_loop3A_506 : f32 to vector<16xf32>
          %parallel_loop3A_508 = arith.mulf %parallel_loop3A_507, %parallel_loop3A_502 : vector<16xf32>
          %parallel_loop3A_509 = arith.select %parallel_loop3A_505, %parallel_loop3A_502, %parallel_loop3A_508 : vector<16xi1>, vector<16xf32>
          %parallel_loop3A_510 = arith.mulf %parallel_loop3A_509, %get3A_87 : vector<16xf32>
          %parallel_loop3A_511 = arith.addf %parallel_loop3A_495, %parallel_loop3A_510 : vector<16xf32>
          %parallel_loop3A_512 = arith.index_cast %parallel_loop3A_445 : i32 to index
          %parallel_loop3A_513 = arith.constant 64 : index
          %parallel_loop3A_514 = tpu.vector_load %arg17[%parallel_loop3A_512, %parallel_loop3A_513] {strides = array<i32>} : memref<64x128xf32, #tpu.memory_space<vmem>>, vector<16xf32>,
          %parallel_loop3A_515 = arith.index_cast %parallel_loop3A_445 : i32 to index
          %parallel_loop3A_516 = arith.constant 64 : index
          %parallel_loop3A_517 = tpu.vector_load %arg15[%parallel_loop3A_515, %parallel_loop3A_516] {strides = array<i32>} : memref<64x128xf32, #tpu.memory_space<vmem>>, vector<16xf32>,
          %parallel_loop3A_518 = arith.addf %parallel_loop3A_514, %parallel_loop3A_517 : vector<16xf32>
          %parallel_loop3A_519 = arith.constant 0.000000e+00 : f32
          %parallel_loop3A_520 = vector.broadcast %parallel_loop3A_519 : f32 to vector<16xf32>
          %parallel_loop3A_521 = arith.cmpf oge, %parallel_loop3A_518, %parallel_loop3A_520 : vector<16xf32>
          %parallel_loop3A_522 = arith.constant 2.000000e-01 : f32
          %parallel_loop3A_523 = vector.broadcast %parallel_loop3A_522 : f32 to vector<16xf32>
          %parallel_loop3A_524 = arith.mulf %parallel_loop3A_523, %parallel_loop3A_518 : vector<16xf32>
          %parallel_loop3A_525 = arith.select %parallel_loop3A_521, %parallel_loop3A_518, %parallel_loop3A_524 : vector<16xi1>, vector<16xf32>
          %parallel_loop3A_526 = arith.mulf %parallel_loop3A_525, %get3A_89 : vector<16xf32>
          %parallel_loop3A_527 = arith.addf %parallel_loop3A_511, %parallel_loop3A_526 : vector<16xf32>
          %parallel_loop3A_528 = arith.index_cast %parallel_loop3A_445 : i32 to index
          %parallel_loop3A_529 = arith.constant 80 : index
          %parallel_loop3A_530 = tpu.vector_load %arg17[%parallel_loop3A_528, %parallel_loop3A_529] {strides = array<i32>} : memref<64x128xf32, #tpu.memory_space<vmem>>, vector<16xf32>,
          %parallel_loop3A_531 = arith.index_cast %parallel_loop3A_445 : i32 to index
          %parallel_loop3A_532 = arith.constant 80 : index
          %parallel_loop3A_533 = tpu.vector_load %arg15[%parallel_loop3A_531, %parallel_loop3A_532] {strides = array<i32>} : memref<64x128xf32, #tpu.memory_space<vmem>>, vector<16xf32>,
          %parallel_loop3A_534 = arith.addf %parallel_loop3A_530, %parallel_loop3A_533 : vector<16xf32>
          %parallel_loop3A_535 = arith.constant 0.000000e+00 : f32
          %parallel_loop3A_536 = vector.broadcast %parallel_loop3A_535 : f32 to vector<16xf32>
          %parallel_loop3A_537 = arith.cmpf oge, %parallel_loop3A_534, %parallel_loop3A_536 : vector<16xf32>
          %parallel_loop3A_538 = arith.constant 2.000000e-01 : f32
          %parallel_loop3A_539 = vector.broadcast %parallel_loop3A_538 : f32 to vector<16xf32>
          %parallel_loop3A_540 = arith.mulf %parallel_loop3A_539, %parallel_loop3A_534 : vector<16xf32>
          %parallel_loop3A_541 = arith.select %parallel_loop3A_537, %parallel_loop3A_534, %parallel_loop3A_540 : vector<16xi1>, vector<16xf32>
          %parallel_loop3A_542 = arith.mulf %parallel_loop3A_541, %get3A_91 : vector<16xf32>
          %parallel_loop3A_543 = arith.addf %parallel_loop3A_527, %parallel_loop3A_542 : vector<16xf32>
          %parallel_loop3A_544 = arith.index_cast %parallel_loop3A_445 : i32 to index
          %parallel_loop3A_545 = arith.constant 96 : index
          %parallel_loop3A_546 = tpu.vector_load %arg17[%parallel_loop3A_544, %parallel_loop3A_545] {strides = array<i32>} : memref<64x128xf32, #tpu.memory_space<vmem>>, vector<16xf32>,
          %parallel_loop3A_547 = arith.index_cast %parallel_loop3A_445 : i32 to index
          %parallel_loop3A_548 = arith.constant 96 : index
          %parallel_loop3A_549 = tpu.vector_load %arg15[%parallel_loop3A_547, %parallel_loop3A_548] {strides = array<i32>} : memref<64x128xf32, #tpu.memory_space<vmem>>, vector<16xf32>,
          %parallel_loop3A_550 = arith.addf %parallel_loop3A_546, %parallel_loop3A_549 : vector<16xf32>
          %parallel_loop3A_551 = arith.constant 0.000000e+00 : f32
          %parallel_loop3A_552 = vector.broadcast %parallel_loop3A_551 : f32 to vector<16xf32>
          %parallel_loop3A_553 = arith.cmpf oge, %parallel_loop3A_550, %parallel_loop3A_552 : vector<16xf32>
          %parallel_loop3A_554 = arith.constant 2.000000e-01 : f32
          %parallel_loop3A_555 = vector.broadcast %parallel_loop3A_554 : f32 to vector<16xf32>
          %parallel_loop3A_556 = arith.mulf %parallel_loop3A_555, %parallel_loop3A_550 : vector<16xf32>
          %parallel_loop3A_557 = arith.select %parallel_loop3A_553, %parallel_loop3A_550, %parallel_loop3A_556 : vector<16xi1>, vector<16xf32>
          %parallel_loop3A_558 = arith.mulf %parallel_loop3A_557, %get3A_93 : vector<16xf32>
          %parallel_loop3A_559 = arith.addf %parallel_loop3A_543, %parallel_loop3A_558 : vector<16xf32>
          %parallel_loop3A_560 = arith.index_cast %parallel_loop3A_445 : i32 to index
          %parallel_loop3A_561 = arith.constant 112 : index
          %parallel_loop3A_562 = tpu.vector_load %arg17[%parallel_loop3A_560, %parallel_loop3A_561] {strides = array<i32>} : memref<64x128xf32, #tpu.memory_space<vmem>>, vector<16xf32>,
          %parallel_loop3A_563 = arith.index_cast %parallel_loop3A_445 : i32 to index
          %parallel_loop3A_564 = arith.constant 112 : index
          %parallel_loop3A_565 = tpu.vector_load %arg15[%parallel_loop3A_563, %parallel_loop3A_564] {strides = array<i32>} : memref<64x128xf32, #tpu.memory_space<vmem>>, vector<16xf32>,
          %parallel_loop3A_566 = arith.addf %parallel_loop3A_562, %parallel_loop3A_565 : vector<16xf32>
          %parallel_loop3A_567 = arith.constant 0.000000e+00 : f32
          %parallel_loop3A_568 = vector.broadcast %parallel_loop3A_567 : f32 to vector<16xf32>
          %parallel_loop3A_569 = arith.cmpf oge, %parallel_loop3A_566, %parallel_loop3A_568 : vector<16xf32>
          %parallel_loop3A_570 = arith.constant 2.000000e-01 : f32
          %parallel_loop3A_571 = vector.broadcast %parallel_loop3A_570 : f32 to vector<16xf32>
          %parallel_loop3A_572 = arith.mulf %parallel_loop3A_571, %parallel_loop3A_566 : vector<16xf32>
          %parallel_loop3A_573 = arith.select %parallel_loop3A_569, %parallel_loop3A_566, %parallel_loop3A_572 : vector<16xi1>, vector<16xf32>
          %parallel_loop3A_574 = arith.mulf %parallel_loop3A_573, %get3A_95 : vector<16xf32>
          %parallel_loop3A_575 = arith.addf %parallel_loop3A_559, %parallel_loop3A_574 : vector<16xf32>
          %parallel_loop3A_576 = arith.constant true
          %parallel_loop3A_577 = vector.broadcast %parallel_loop3A_576 : i1 to vector<16xi1>
          %parallel_loop3A_578 = tpu.scan <sum>, %parallel_loop3A_575 masked %parallel_loop3A_577 : vector<16xf32>, vector<16xi1> -> vector<16xf32>
          %parallel_loop3A_579 = vector.shape_cast %broadcast_in_dim3A_98 : vector<16xi32> to vector<16x1xi32>
          %parallel_loop3A_580 = vector.shape_cast %parallel_loop3A_579 : vector<16x1xi32> to vector<16xi32>
          %parallel_loop3A_581 = tpu.dynamic_gather %parallel_loop3A_578[%parallel_loop3A_580] in [0] : vector<16xf32>, vector<16xi32> -> vector<16xf32>
          %parallel_loop3A_582 = arith.constant 16 : i32
          %parallel_loop3A_583 = arith.divsi %parallel_loop3A_445, %parallel_loop3A_582 : i32
          %parallel_loop3A_584 = arith.constant 0 : i32
          %parallel_loop3A_585 = arith.cmpi sgt, %parallel_loop3A_445, %parallel_loop3A_584 : i32
          %parallel_loop3A_586 = arith.extui %parallel_loop3A_585 : i1 to i32
          %parallel_loop3A_587 = arith.constant 0 : i32
          %parallel_loop3A_588 = arith.cmpi slt, %parallel_loop3A_445, %parallel_loop3A_587 : i32
          %parallel_loop3A_589 = arith.extui %parallel_loop3A_588 : i1 to i32
          %parallel_loop3A_590 = arith.subi %parallel_loop3A_586, %parallel_loop3A_589 : i32
          %parallel_loop3A_591 = arith.constant 0 : i32
          %parallel_loop3A_592 = arith.cmpi sgt, %parallel_loop3A_582, %parallel_loop3A_591 : i32
          %parallel_loop3A_593 = arith.extui %parallel_loop3A_592 : i1 to i32
          %parallel_loop3A_594 = arith.constant 0 : i32
          %parallel_loop3A_595 = arith.cmpi slt, %parallel_loop3A_582, %parallel_loop3A_594 : i32
          %parallel_loop3A_596 = arith.extui %parallel_loop3A_595 : i1 to i32
          %parallel_loop3A_597 = arith.subi %parallel_loop3A_593, %parallel_loop3A_596 : i32
          %parallel_loop3A_598 = arith.cmpi ne, %parallel_loop3A_590, %parallel_loop3A_597 : i32
          %parallel_loop3A_599 = arith.remsi %parallel_loop3A_445, %parallel_loop3A_582 : i32
          %parallel_loop3A_600 = arith.constant 0 : i32
          %parallel_loop3A_601 = arith.cmpi ne, %parallel_loop3A_599, %parallel_loop3A_600 : i32
          %parallel_loop3A_602 = arith.andi %parallel_loop3A_598, %parallel_loop3A_601 : i1
          %parallel_loop3A_603 = arith.constant 1 : i32
          %parallel_loop3A_604 = arith.subi %parallel_loop3A_583, %parallel_loop3A_603 : i32
          %parallel_loop3A_605 = arith.select %parallel_loop3A_602, %parallel_loop3A_604, %parallel_loop3A_583 : i32
          %parallel_loop3A_606 = arith.constant 16 : i32
          %parallel_loop3A_607 = arith.muli %parallel_loop3A_605, %parallel_loop3A_606 : i32
          %parallel_loop3A_608 = arith.index_cast %parallel_loop3A_607 : i32 to index
          %parallel_loop3A_609 = tpu.vector_load %arg19[%parallel_loop3A_608] {strides = array<i32>} : memref<64xf32, #tpu.memory_space<vmem>>, vector<16xf32>,
          %parallel_loop3A_610 = arith.constant 16 : i32
          %parallel_loop3A_611 = arith.remsi %parallel_loop3A_445, %parallel_loop3A_610 : i32
          %parallel_loop3A_612 = vector.broadcast %parallel_loop3A_611 : i32 to vector<16xi32>
          %parallel_loop3A_613 = vector.shape_cast %parallel_loop3A_612 : vector<16xi32> to vector<16x1xi32>
          %parallel_loop3A_614 = vector.shape_cast %parallel_loop3A_613 : vector<16x1xi32> to vector<16xi32>
          %parallel_loop3A_615 = tpu.dynamic_gather %parallel_loop3A_609[%parallel_loop3A_614] in [0] : vector<16xf32>, vector<16xi32> -> vector<16xf32>
          %parallel_loop3A_616 = arith.subf %parallel_loop3A_581, %parallel_loop3A_615 : vector<16xf32>
          %parallel_loop3A_617 = math.exp %parallel_loop3A_616 : vector<16xf32>
          %parallel_loop3A_618 = arith.mulf %parallel_loop3A_450, %parallel_loop3A_617 : vector<16xf32>
          %parallel_loop3A_619 = arith.index_cast %parallel_loop3A_445 : i32 to index
          %parallel_loop3A_620 = arith.constant 0 : index
          %parallel_loop3A_621 = tpu.vector_load %arg15[%parallel_loop3A_619, %parallel_loop3A_620] {strides = array<i32>} : memref<64x128xf32, #tpu.memory_space<vmem>>, vector<16xf32>,
          tpu.vector_store %arg15[%parallel_loop3A_619, %parallel_loop3A_620], %parallel_loop3A_618 {strides = array<i32>} : memref<64x128xf32, #tpu.memory_space<vmem>>, vector<16xf32>,
          %parallel_loop3A_622 = arith.mulf %parallel_loop3A_466, %parallel_loop3A_617 : vector<16xf32>
          %parallel_loop3A_623 = arith.index_cast %parallel_loop3A_445 : i32 to index
          %parallel_loop3A_624 = arith.constant 16 : index
          %parallel_loop3A_625 = tpu.vector_load %arg15[%parallel_loop3A_623, %parallel_loop3A_624] {strides = array<i32>} : memref<64x128xf32, #tpu.memory_space<vmem>>, vector<16xf32>,
          tpu.vector_store %arg15[%parallel_loop3A_623, %parallel_loop3A_624], %parallel_loop3A_622 {strides = array<i32>} : memref<64x128xf32, #tpu.memory_space<vmem>>, vector<16xf32>,
          %parallel_loop3A_626 = arith.mulf %parallel_loop3A_482, %parallel_loop3A_617 : vector<16xf32>
          %parallel_loop3A_627 = arith.index_cast %parallel_loop3A_445 : i32 to index
          %parallel_loop3A_628 = arith.constant 32 : index
          %parallel_loop3A_629 = tpu.vector_load %arg15[%parallel_loop3A_627, %parallel_loop3A_628] {strides = array<i32>} : memref<64x128xf32, #tpu.memory_space<vmem>>, vector<16xf32>,
          tpu.vector_store %arg15[%parallel_loop3A_627, %parallel_loop3A_628], %parallel_loop3A_626 {strides = array<i32>} : memref<64x128xf32, #tpu.memory_space<vmem>>, vector<16xf32>,
          %parallel_loop3A_630 = arith.mulf %parallel_loop3A_498, %parallel_loop3A_617 : vector<16xf32>
          %parallel_loop3A_631 = arith.index_cast %parallel_loop3A_445 : i32 to index
          %parallel_loop3A_632 = arith.constant 48 : index
          %parallel_loop3A_633 = tpu.vector_load %arg15[%parallel_loop3A_631, %parallel_loop3A_632] {strides = array<i32>} : memref<64x128xf32, #tpu.memory_space<vmem>>, vector<16xf32>,
          tpu.vector_store %arg15[%parallel_loop3A_631, %parallel_loop3A_632], %parallel_loop3A_630 {strides = array<i32>} : memref<64x128xf32, #tpu.memory_space<vmem>>, vector<16xf32>,
          %parallel_loop3A_634 = arith.mulf %parallel_loop3A_514, %parallel_loop3A_617 : vector<16xf32>
          %parallel_loop3A_635 = arith.index_cast %parallel_loop3A_445 : i32 to index
          %parallel_loop3A_636 = arith.constant 64 : index
          %parallel_loop3A_637 = tpu.vector_load %arg15[%parallel_loop3A_635, %parallel_loop3A_636] {strides = array<i32>} : memref<64x128xf32, #tpu.memory_space<vmem>>, vector<16xf32>,
          tpu.vector_store %arg15[%parallel_loop3A_635, %parallel_loop3A_636], %parallel_loop3A_634 {strides = array<i32>} : memref<64x128xf32, #tpu.memory_space<vmem>>, vector<16xf32>,
          %parallel_loop3A_638 = arith.mulf %parallel_loop3A_530, %parallel_loop3A_617 : vector<16xf32>
          %parallel_loop3A_639 = arith.index_cast %parallel_loop3A_445 : i32 to index
          %parallel_loop3A_640 = arith.constant 80 : index
          %parallel_loop3A_641 = tpu.vector_load %arg15[%parallel_loop3A_639, %parallel_loop3A_640] {strides = array<i32>} : memref<64x128xf32, #tpu.memory_space<vmem>>, vector<16xf32>,
          tpu.vector_store %arg15[%parallel_loop3A_639, %parallel_loop3A_640], %parallel_loop3A_638 {strides = array<i32>} : memref<64x128xf32, #tpu.memory_space<vmem>>, vector<16xf32>,
          %parallel_loop3A_642 = arith.mulf %parallel_loop3A_546, %parallel_loop3A_617 : vector<16xf32>
          %parallel_loop3A_643 = arith.index_cast %parallel_loop3A_445 : i32 to index
          %parallel_loop3A_644 = arith.constant 96 : index
          %parallel_loop3A_645 = tpu.vector_load %arg15[%parallel_loop3A_643, %parallel_loop3A_644] {strides = array<i32>} : memref<64x128xf32, #tpu.memory_space<vmem>>, vector<16xf32>,
          tpu.vector_store %arg15[%parallel_loop3A_643, %parallel_loop3A_644], %parallel_loop3A_642 {strides = array<i32>} : memref<64x128xf32, #tpu.memory_space<vmem>>, vector<16xf32>,
          %parallel_loop3A_646 = arith.mulf %parallel_loop3A_562, %parallel_loop3A_617 : vector<16xf32>
          %parallel_loop3A_647 = arith.index_cast %parallel_loop3A_445 : i32 to index
          %parallel_loop3A_648 = arith.constant 112 : index
          %parallel_loop3A_649 = tpu.vector_load %arg15[%parallel_loop3A_647, %parallel_loop3A_648] {strides = array<i32>} : memref<64x128xf32, #tpu.memory_space<vmem>>, vector<16xf32>,
          tpu.vector_store %arg15[%parallel_loop3A_647, %parallel_loop3A_648], %parallel_loop3A_646 {strides = array<i32>} : memref<64x128xf32, #tpu.memory_space<vmem>>, vector<16xf32>,
          %parallel_loop3A_650 = vector.broadcast %parallel_loop3A_445 : i32 to vector<16xi32>
          tpu.vector_store_idx %arg21[%parallel_loop3A_650], %parallel_loop3A_617 masked %eq3A_97 : memref<64xf32, #tpu.memory_space<vmem>>[vector<16xi32>], vector<16xf32>, vector<16xi1>
        } {sc.loop_unroll_factor = 2 : i64, sc.parallel_access}
        %dma_wait3A_417 = arith.constant 0 : i32
        %dma_wait3A_418 = arith.constant 0 : i32
        %dma_wait3A_419 = tpu.memref_slice %arg13[%dma_wait3A_417, %dma_wait3A_418] : memref<32x64xi32, #tpu.memory_space<vmem>> -> memref<1x64xi32, #tpu.memory_space<vmem>>
        %dma_wait3A_420 = tpu.memref_squeeze %dma_wait3A_419 : memref<1x64xi32, #tpu.memory_space<vmem>> -> memref<64xi32, #tpu.memory_space<vmem>>
        %dma_wait3A_421 = arith.constant 0 : i32
        %dma_wait3A_422 = arith.constant 0 : i32
        %dma_wait3A_423 = tpu.memref_slice %arg27[%dma_wait3A_421, %dma_wait3A_422] : memref<10240x128xf32, #tpu.memory_space<vmem_shared>> -> memref<10240x128xf32, #tpu.memory_space<vmem_shared>>
        tpu.wait_indirect_dma semaphore(%arg25 : memref<!tpu.dma_semaphore, #tpu.memory_space<semaphore_mem>>) src(%arg14 : memref<64x128xf32, #tpu.memory_space<vmem>>) dst(%dma_wait3A_423 : memref<10240x128xf32, #tpu.memory_space<vmem_shared>>)
        %dma_wait3A_424 = arith.constant 0 : i32
        %dma_wait3A_425 = arith.constant 0 : i32
        %dma_wait3A_426 = tpu.memref_slice %arg13[%dma_wait3A_424, %dma_wait3A_425] : memref<32x64xi32, #tpu.memory_space<vmem>> -> memref<1x64xi32, #tpu.memory_space<vmem>>
        %dma_wait3A_427 = tpu.memref_squeeze %dma_wait3A_426 : memref<1x64xi32, #tpu.memory_space<vmem>> -> memref<64xi32, #tpu.memory_space<vmem>>
        %dma_wait3A_428 = arith.constant 0 : i32
        %dma_wait3A_429 = tpu.memref_slice %arg28[%dma_wait3A_428] : memref<10240xf32, #tpu.memory_space<vmem_shared>> -> memref<10240xf32, #tpu.memory_space<vmem_shared>>
        tpu.wait_indirect_dma semaphore(%arg25 : memref<!tpu.dma_semaphore, #tpu.memory_space<semaphore_mem>>) src(%arg20 : memref<64xf32, #tpu.memory_space<vmem>>) dst(%dma_wait3A_429 : memref<10240xf32, #tpu.memory_space<vmem_shared>>)
        %lt3A = arith.constant 15 : i32
        %lt3A_430 = arith.cmpi slt, %scan3A_337, %lt3A : i32
        %convert_element_type3A_431 = arith.extui %lt3A_430 : i1 to i32
        %cond3A_432 = arith.constant 0 : i32
        %cond3A_433 = arith.cmpi ne, %convert_element_type3A_431, %cond3A_432 : i32
        scf.if %cond3A_433 {
          %add3A_445 = arith.constant 2 : i32
          %add3A_446 = arith.addi %mul3A_339, %add3A_445 : i32
          %dma_start3A_447 = arith.constant 0 : i32
          %dma_start3A_448 = tpu.memref_slice %arg12[%add3A_446, %dma_start3A_447] : memref<32x64xi32, #tpu.memory_space<vmem>> -> memref<1x64xi32, #tpu.memory_space<vmem>>
          %dma_start3A_449 = tpu.memref_squeeze %dma_start3A_448 : memref<1x64xi32, #tpu.memory_space<vmem>> -> memref<64xi32, #tpu.memory_space<vmem>>
          %dma_start3A_450 = arith.constant 0 : i32
          %dma_start3A_451 = arith.constant 0 : i32
          %dma_start3A_452 = tpu.memref_slice %arg2[%dma_start3A_450, %dma_start3A_451] : memref<10240x128xf32, #tpu.memory_space<hbm>> -> memref<10240x128xf32, #tpu.memory_space<hbm>>
          tpu.enqueue_indirect_dma source(%dma_start3A_452 : memref<10240x128xf32, #tpu.memory_space<hbm>>) target(%arg16 : memref<64x128xf32, #tpu.memory_space<vmem>>) offsets(%dma_start3A_449 : memref<64xi32, #tpu.memory_space<vmem>>) semaphore(%arg23 : memref<!tpu.dma_semaphore, #tpu.memory_space<semaphore_mem>>)
          %dma_start3A_453 = arith.constant 0 : i32
          %dma_start3A_454 = tpu.memref_slice %arg13[%add3A_446, %dma_start3A_453] : memref<32x64xi32, #tpu.memory_space<vmem>> -> memref<1x64xi32, #tpu.memory_space<vmem>>
          %dma_start3A_455 = tpu.memref_squeeze %dma_start3A_454 : memref<1x64xi32, #tpu.memory_space<vmem>> -> memref<64xi32, #tpu.memory_space<vmem>>
          %dma_start3A_456 = arith.constant 0 : i32
          %dma_start3A_457 = arith.constant 0 : i32
          %dma_start3A_458 = tpu.memref_slice %arg3[%dma_start3A_456, %dma_start3A_457] : memref<10240x128xf32, #tpu.memory_space<hbm>> -> memref<10240x128xf32, #tpu.memory_space<hbm>>
          tpu.enqueue_indirect_dma source(%dma_start3A_458 : memref<10240x128xf32, #tpu.memory_space<hbm>>) target(%arg14 : memref<64x128xf32, #tpu.memory_space<vmem>>) offsets(%dma_start3A_455 : memref<64xi32, #tpu.memory_space<vmem>>) semaphore(%arg23 : memref<!tpu.dma_semaphore, #tpu.memory_space<semaphore_mem>>)
          %dma_start3A_459 = arith.constant 0 : i32
          %dma_start3A_460 = tpu.memref_slice %arg13[%add3A_446, %dma_start3A_459] : memref<32x64xi32, #tpu.memory_space<vmem>> -> memref<1x64xi32, #tpu.memory_space<vmem>>
          %dma_start3A_461 = tpu.memref_squeeze %dma_start3A_460 : memref<1x64xi32, #tpu.memory_space<vmem>> -> memref<64xi32, #tpu.memory_space<vmem>>
          %dma_start3A_462 = arith.constant 0 : i32
          %dma_start3A_463 = tpu.memref_slice %arg4[%dma_start3A_462] : memref<10240xf32, #tpu.memory_space<hbm>> -> memref<10240xf32, #tpu.memory_space<hbm>>
          tpu.enqueue_indirect_dma source(%dma_start3A_463 : memref<10240xf32, #tpu.memory_space<hbm>>) target(%arg18 : memref<64xf32, #tpu.memory_space<vmem>>) offsets(%dma_start3A_461 : memref<64xi32, #tpu.memory_space<vmem>>) semaphore(%arg23 : memref<!tpu.dma_semaphore, #tpu.memory_space<semaphore_mem>>)
        } else {
        }
        %dma_start3A_434 = arith.constant 0 : i32
        %dma_start3A_435 = tpu.memref_slice %arg13[%add3A_341, %dma_start3A_434] : memref<32x64xi32, #tpu.memory_space<vmem>> -> memref<1x64xi32, #tpu.memory_space<vmem>>
        %dma_start3A_436 = tpu.memref_squeeze %dma_start3A_435 : memref<1x64xi32, #tpu.memory_space<vmem>> -> memref<64xi32, #tpu.memory_space<vmem>>
        %dma_start3A_437 = arith.constant 0 : i32
        %dma_start3A_438 = arith.constant 0 : i32
        %dma_start3A_439 = tpu.memref_slice %arg27[%dma_start3A_437, %dma_start3A_438] : memref<10240x128xf32, #tpu.memory_space<vmem_shared>> -> memref<10240x128xf32, #tpu.memory_space<vmem_shared>>
        tpu.enqueue_indirect_dma source(%arg15 : memref<64x128xf32, #tpu.memory_space<vmem>>) target(%dma_start3A_439 : memref<10240x128xf32, #tpu.memory_space<vmem_shared>>) offsets(%dma_start3A_436 : memref<64xi32, #tpu.memory_space<vmem>>) semaphore(%arg26 : memref<!tpu.dma_semaphore, #tpu.memory_space<semaphore_mem>>) {add = true}
        %dma_start3A_440 = arith.constant 0 : i32
        %dma_start3A_441 = tpu.memref_slice %arg13[%add3A_341, %dma_start3A_440] : memref<32x64xi32, #tpu.memory_space<vmem>> -> memref<1x64xi32, #tpu.memory_space<vmem>>
        %dma_start3A_442 = tpu.memref_squeeze %dma_start3A_441 : memref<1x64xi32, #tpu.memory_space<vmem>> -> memref<64xi32, #tpu.memory_space<vmem>>
        %dma_start3A_443 = arith.constant 0 : i32
        %dma_start3A_444 = tpu.memref_slice %arg28[%dma_start3A_443] : memref<10240xf32, #tpu.memory_space<vmem_shared>> -> memref<10240xf32, #tpu.memory_space<vmem_shared>>
        tpu.enqueue_indirect_dma source(%arg21 : memref<64xf32, #tpu.memory_space<vmem>>) target(%dma_start3A_444 : memref<10240xf32, #tpu.memory_space<vmem_shared>>) offsets(%dma_start3A_442 : memref<64xi32, #tpu.memory_space<vmem>>) semaphore(%arg26 : memref<!tpu.dma_semaphore, #tpu.memory_space<semaphore_mem>>) {add = true}
      }
      %scan3A_324 = arith.constant 16 : i32
      %dma_wait3A = arith.constant 0 : i32
      %dma_wait3A_325 = arith.constant 0 : i32
      %dma_wait3A_326 = tpu.memref_slice %arg13[%dma_wait3A, %dma_wait3A_325] : memref<32x64xi32, #tpu.memory_space<vmem>> -> memref<1x64xi32, #tpu.memory_space<vmem>>
      %dma_wait3A_327 = tpu.memref_squeeze %dma_wait3A_326 : memref<1x64xi32, #tpu.memory_space<vmem>> -> memref<64xi32, #tpu.memory_space<vmem>>
      %dma_wait3A_328 = arith.constant 0 : i32
      %dma_wait3A_329 = arith.constant 0 : i32
      %dma_wait3A_330 = tpu.memref_slice %arg27[%dma_wait3A_328, %dma_wait3A_329] : memref<10240x128xf32, #tpu.memory_space<vmem_shared>> -> memref<10240x128xf32, #tpu.memory_space<vmem_shared>>
      tpu.wait_indirect_dma semaphore(%arg26 : memref<!tpu.dma_semaphore, #tpu.memory_space<semaphore_mem>>) src(%arg15 : memref<64x128xf32, #tpu.memory_space<vmem>>) dst(%dma_wait3A_330 : memref<10240x128xf32, #tpu.memory_space<vmem_shared>>)
      %dma_wait3A_331 = arith.constant 0 : i32
      %dma_wait3A_332 = arith.constant 0 : i32
      %dma_wait3A_333 = tpu.memref_slice %arg13[%dma_wait3A_331, %dma_wait3A_332] : memref<32x64xi32, #tpu.memory_space<vmem>> -> memref<1x64xi32, #tpu.memory_space<vmem>>
      %dma_wait3A_334 = tpu.memref_squeeze %dma_wait3A_333 : memref<1x64xi32, #tpu.memory_space<vmem>> -> memref<64xi32, #tpu.memory_space<vmem>>
      %dma_wait3A_335 = arith.constant 0 : i32
      %dma_wait3A_336 = tpu.memref_slice %arg28[%dma_wait3A_335] : memref<10240xf32, #tpu.memory_space<vmem_shared>> -> memref<10240xf32, #tpu.memory_space<vmem_shared>>
      tpu.wait_indirect_dma semaphore(%arg26 : memref<!tpu.dma_semaphore, #tpu.memory_space<semaphore_mem>>) src(%arg21 : memref<64xf32, #tpu.memory_space<vmem>>) dst(%dma_wait3A_336 : memref<10240xf32, #tpu.memory_space<vmem_shared>>)
    }
    %scan3A_103 = arith.constant 5 : i32
    %barrier3A_104 = arith.constant 0 : index
    tpu.barrier barrier_id(%barrier3A_104)
    %mul3A_105 = arith.constant 640 : i32
    %mul3A_106 = arith.muli %arg1, %mul3A_105 : i32
    %add3A_107 = arith.constant 0 : i32
    %add3A_108 = arith.addi %mul3A_106, %add3A_107 : i32
    "tpu.region"() ({
      %run_scoped3A = tpu.sem_alloc : memref<!tpu.dma_semaphore, #tpu.memory_space<semaphore_mem>>
      %dma_start3A = arith.constant 0 : i32
      %dma_start3A_295 = tpu.memref_slice %arg27[%add3A_108, %dma_start3A] : memref<10240x128xf32, #tpu.memory_space<vmem_shared>> -> memref<64x128xf32, #tpu.memory_space<vmem_shared>>
      %dma_start3A_296 = arith.constant 0 : i32
      %dma_start3A_297 = tpu.memref_slice %arg27[%add3A_108, %dma_start3A_296] : memref<10240x128xf32, #tpu.memory_space<vmem_shared>> -> memref<64x128xf32, #tpu.memory_space<vmem_shared>>
      tpu.enqueue_dma source(%dma_start3A_297 : memref<64x128xf32, #tpu.memory_space<vmem_shared>>) target(%arg14 : memref<64x128xf32, #tpu.memory_space<vmem>>) target_semaphore(%run_scoped3A : memref<!tpu.dma_semaphore, #tpu.memory_space<semaphore_mem>>)
      %dma_wait3A = arith.constant 0 : i32
      %dma_wait3A_298 = tpu.memref_slice %arg27[%add3A_108, %dma_wait3A] : memref<10240x128xf32, #tpu.memory_space<vmem_shared>> -> memref<64x128xf32, #tpu.memory_space<vmem_shared>>
      %dma_wait3A_299 = arith.constant 0 : i32
      %dma_wait3A_300 = tpu.memref_slice %arg27[%add3A_108, %dma_wait3A_299] : memref<10240x128xf32, #tpu.memory_space<vmem_shared>> -> memref<64x128xf32, #tpu.memory_space<vmem_shared>>
      tpu.wait_dma2 semaphore(%run_scoped3A : memref<!tpu.dma_semaphore, #tpu.memory_space<semaphore_mem>>) src(%dma_wait3A_300 : memref<64x128xf32, #tpu.memory_space<vmem_shared>>) dst(%arg14 : memref<64x128xf32, #tpu.memory_space<vmem>>)
      tpu.yield
    }) : () -> ()
    %mul3A_109 = arith.constant 640 : i32
    %mul3A_110 = arith.muli %arg1, %mul3A_109 : i32
    %add3A_111 = arith.constant 0 : i32
    %add3A_112 = arith.addi %mul3A_110, %add3A_111 : i32
    "tpu.region"() ({
      %run_scoped3A = tpu.sem_alloc : memref<!tpu.dma_semaphore, #tpu.memory_space<semaphore_mem>>
      %dma_start3A = arith.constant 0 : i32
      %dma_start3A_295 = tpu.memref_slice %arg10[%arg0, %add3A_112, %dma_start3A] : memref<2x10240x128xf32, #tpu.memory_space<hbm>> -> memref<1x64x128xf32, #tpu.memory_space<hbm>>
      %dma_start3A_296 = tpu.memref_squeeze %dma_start3A_295 : memref<1x64x128xf32, #tpu.memory_space<hbm>> -> memref<64x128xf32, #tpu.memory_space<hbm>>
      %dma_start3A_297 = arith.constant 0 : i32
      %dma_start3A_298 = tpu.memref_slice %arg10[%arg0, %add3A_112, %dma_start3A_297] : memref<2x10240x128xf32, #tpu.memory_space<hbm>> -> memref<1x64x128xf32, #tpu.memory_space<hbm>>
      %dma_start3A_299 = tpu.memref_squeeze %dma_start3A_298 : memref<1x64x128xf32, #tpu.memory_space<hbm>> -> memref<64x128xf32, #tpu.memory_space<hbm>>
      tpu.enqueue_dma source(%arg14 : memref<64x128xf32, #tpu.memory_space<vmem>>) target(%dma_start3A_299 : memref<64x128xf32, #tpu.memory_space<hbm>>) target_semaphore(%run_scoped3A : memref<!tpu.dma_semaphore, #tpu.memory_space<semaphore_mem>>)
      %dma_wait3A = arith.constant 0 : i32
      %dma_wait3A_300 = tpu.memref_slice %arg10[%arg0, %add3A_112, %dma_wait3A] : memref<2x10240x128xf32, #tpu.memory_space<hbm>> -> memref<1x64x128xf32, #tpu.memory_space<hbm>>
      %dma_wait3A_301 = tpu.memref_squeeze %dma_wait3A_300 : memref<1x64x128xf32, #tpu.memory_space<hbm>> -> memref<64x128xf32, #tpu.memory_space<hbm>>
      %dma_wait3A_302 = arith.constant 0 : i32
      %dma_wait3A_303 = tpu.memref_slice %arg10[%arg0, %add3A_112, %dma_wait3A_302] : memref<2x10240x128xf32, #tpu.memory_space<hbm>> -> memref<1x64x128xf32, #tpu.memory_space<hbm>>
      %dma_wait3A_304 = tpu.memref_squeeze %dma_wait3A_303 : memref<1x64x128xf32, #tpu.memory_space<hbm>> -> memref<64x128xf32, #tpu.memory_space<hbm>>
      tpu.wait_dma2 semaphore(%run_scoped3A : memref<!tpu.dma_semaphore, #tpu.memory_space<semaphore_mem>>) src(%arg14 : memref<64x128xf32, #tpu.memory_space<vmem>>) dst(%dma_wait3A_304 : memref<64x128xf32, #tpu.memory_space<hbm>>)
      tpu.yield
    }) : () -> ()
    %mul3A_113 = arith.constant 640 : i32
    %mul3A_114 = arith.muli %arg1, %mul3A_113 : i32
    %add3A_115 = arith.constant 0 : i32
    %add3A_116 = arith.addi %mul3A_114, %add3A_115 : i32
    "tpu.region"() ({
      %run_scoped3A = tpu.sem_alloc : memref<!tpu.dma_semaphore, #tpu.memory_space<semaphore_mem>>
      %dma_start3A = tpu.memref_slice %arg28[%add3A_116] : memref<10240xf32, #tpu.memory_space<vmem_shared>> -> memref<64xf32, #tpu.memory_space<vmem_shared>>
      %dma_start3A_295 = tpu.memref_slice %arg28[%add3A_116] : memref<10240xf32, #tpu.memory_space<vmem_shared>> -> memref<64xf32, #tpu.memory_space<vmem_shared>>
      tpu.enqueue_dma source(%dma_start3A_295 : memref<64xf32, #tpu.memory_space<vmem_shared>>) target(%arg20 : memref<64xf32, #tpu.memory_space<vmem>>) target_semaphore(%run_scoped3A : memref<!tpu.dma_semaphore, #tpu.memory_space<semaphore_mem>>)
      %dma_wait3A = tpu.memref_slice %arg28[%add3A_116] : memref<10240xf32, #tpu.memory_space<vmem_shared>> -> memref<64xf32, #tpu.memory_space<vmem_shared>>
      %dma_wait3A_296 = tpu.memref_slice %arg28[%add3A_116] : memref<10240xf32, #tpu.memory_space<vmem_shared>> -> memref<64xf32, #tpu.memory_space<vmem_shared>>
      tpu.wait_dma2 semaphore(%run_scoped3A : memref<!tpu.dma_semaphore, #tpu.memory_space<semaphore_mem>>) src(%dma_wait3A_296 : memref<64xf32, #tpu.memory_space<vmem_shared>>) dst(%arg20 : memref<64xf32, #tpu.memory_space<vmem>>)
      tpu.yield
    }) : () -> ()
    %mul3A_117 = arith.constant 10240 : i32
    %mul3A_118 = arith.muli %arg0, %mul3A_117 : i32
    %mul3A_119 = arith.constant 640 : i32
    %mul3A_120 = arith.muli %arg1, %mul3A_119 : i32
    %add3A_121 = arith.addi %mul3A_118, %mul3A_120 : i32
    %add3A_122 = arith.constant 0 : i32
    %add3A_123 = arith.addi %add3A_121, %add3A_122 : i32
    "tpu.region"() ({
      %run_scoped3A = tpu.sem_alloc : memref<!tpu.dma_semaphore, #tpu.memory_space<semaphore_mem>>
      %dma_start3A = tpu.memref_slice %arg11[%add3A_123] : memref<20480xf32, #tpu.memory_space<hbm>> -> memref<64xf32, #tpu.memory_space<hbm>>
      %dma_start3A_295 = tpu.memref_slice %arg11[%add3A_123] : memref<20480xf32, #tpu.memory_space<hbm>> -> memref<64xf32, #tpu.memory_space<hbm>>
      tpu.enqueue_dma source(%arg20 : memref<64xf32, #tpu.memory_space<vmem>>) target(%dma_start3A_295 : memref<64xf32, #tpu.memory_space<hbm>>) target_semaphore(%run_scoped3A : memref<!tpu.dma_semaphore, #tpu.memory_space<semaphore_mem>>)
      %dma_wait3A = tpu.memref_slice %arg11[%add3A_123] : memref<20480xf32, #tpu.memory_space<hbm>> -> memref<64xf32, #tpu.memory_space<hbm>>
      %dma_wait3A_296 = tpu.memref_slice %arg11[%add3A_123] : memref<20480xf32, #tpu.memory_space<hbm>> -> memref<64xf32, #tpu.memory_space<hbm>>
      tpu.wait_dma2 semaphore(%run_scoped3A : memref<!tpu.dma_semaphore, #tpu.memory_space<semaphore_mem>>) src(%arg20 : memref<64xf32, #tpu.memory_space<vmem>>) dst(%dma_wait3A_296 : memref<64xf32, #tpu.memory_space<hbm>>)
      tpu.yield
    }) : () -> ()
    %mul3A_124 = arith.constant 640 : i32
    %mul3A_125 = arith.muli %arg1, %mul3A_124 : i32
    %add3A_126 = arith.constant 64 : i32
    %add3A_127 = arith.addi %mul3A_125, %add3A_126 : i32
    "tpu.region"() ({
      %run_scoped3A = tpu.sem_alloc : memref<!tpu.dma_semaphore, #tpu.memory_space<semaphore_mem>>
      %dma_start3A = arith.constant 0 : i32
      %dma_start3A_295 = tpu.memref_slice %arg27[%add3A_127, %dma_start3A] : memref<10240x128xf32, #tpu.memory_space<vmem_shared>> -> memref<64x128xf32, #tpu.memory_space<vmem_shared>>
      %dma_start3A_296 = arith.constant 0 : i32
      %dma_start3A_297 = tpu.memref_slice %arg27[%add3A_127, %dma_start3A_296] : memref<10240x128xf32, #tpu.memory_space<vmem_shared>> -> memref<64x128xf32, #tpu.memory_space<vmem_shared>>
      tpu.enqueue_dma source(%dma_start3A_297 : memref<64x128xf32, #tpu.memory_space<vmem_shared>>) target(%arg14 : memref<64x128xf32, #tpu.memory_space<vmem>>) target_semaphore(%run_scoped3A : memref<!tpu.dma_semaphore, #tpu.memory_space<semaphore_mem>>)
      %dma_wait3A = arith.constant 0 : i32
      %dma_wait3A_298 = tpu.memref_slice %arg27[%add3A_127, %dma_wait3A] : memref<10240x128xf32, #tpu.memory_space<vmem_shared>> -> memref<64x128xf32, #tpu.memory_space<vmem_shared>>
      %dma_wait3A_299 = arith.constant 0 : i32
      %dma_wait3A_300 = tpu.memref_slice %arg27[%add3A_127, %dma_wait3A_299] : memref<10240x128xf32, #tpu.memory_space<vmem_shared>> -> memref<64x128xf32, #tpu.memory_space<vmem_shared>>
      tpu.wait_dma2 semaphore(%run_scoped3A : memref<!tpu.dma_semaphore, #tpu.memory_space<semaphore_mem>>) src(%dma_wait3A_300 : memref<64x128xf32, #tpu.memory_space<vmem_shared>>) dst(%arg14 : memref<64x128xf32, #tpu.memory_space<vmem>>)
      tpu.yield
    }) : () -> ()
    %mul3A_128 = arith.constant 640 : i32
    %mul3A_129 = arith.muli %arg1, %mul3A_128 : i32
    %add3A_130 = arith.constant 64 : i32
    %add3A_131 = arith.addi %mul3A_129, %add3A_130 : i32
    "tpu.region"() ({
      %run_scoped3A = tpu.sem_alloc : memref<!tpu.dma_semaphore, #tpu.memory_space<semaphore_mem>>
      %dma_start3A = arith.constant 0 : i32
      %dma_start3A_295 = tpu.memref_slice %arg10[%arg0, %add3A_131, %dma_start3A] : memref<2x10240x128xf32, #tpu.memory_space<hbm>> -> memref<1x64x128xf32, #tpu.memory_space<hbm>>
      %dma_start3A_296 = tpu.memref_squeeze %dma_start3A_295 : memref<1x64x128xf32, #tpu.memory_space<hbm>> -> memref<64x128xf32, #tpu.memory_space<hbm>>
      %dma_start3A_297 = arith.constant 0 : i32
      %dma_start3A_298 = tpu.memref_slice %arg10[%arg0, %add3A_131, %dma_start3A_297] : memref<2x10240x128xf32, #tpu.memory_space<hbm>> -> memref<1x64x128xf32, #tpu.memory_space<hbm>>
      %dma_start3A_299 = tpu.memref_squeeze %dma_start3A_298 : memref<1x64x128xf32, #tpu.memory_space<hbm>> -> memref<64x128xf32, #tpu.memory_space<hbm>>
      tpu.enqueue_dma source(%arg14 : memref<64x128xf32, #tpu.memory_space<vmem>>) target(%dma_start3A_299 : memref<64x128xf32, #tpu.memory_space<hbm>>) target_semaphore(%run_scoped3A : memref<!tpu.dma_semaphore, #tpu.memory_space<semaphore_mem>>)
      %dma_wait3A = arith.constant 0 : i32
      %dma_wait3A_300 = tpu.memref_slice %arg10[%arg0, %add3A_131, %dma_wait3A] : memref<2x10240x128xf32, #tpu.memory_space<hbm>> -> memref<1x64x128xf32, #tpu.memory_space<hbm>>
      %dma_wait3A_301 = tpu.memref_squeeze %dma_wait3A_300 : memref<1x64x128xf32, #tpu.memory_space<hbm>> -> memref<64x128xf32, #tpu.memory_space<hbm>>
      %dma_wait3A_302 = arith.constant 0 : i32
      %dma_wait3A_303 = tpu.memref_slice %arg10[%arg0, %add3A_131, %dma_wait3A_302] : memref<2x10240x128xf32, #tpu.memory_space<hbm>> -> memref<1x64x128xf32, #tpu.memory_space<hbm>>
      %dma_wait3A_304 = tpu.memref_squeeze %dma_wait3A_303 : memref<1x64x128xf32, #tpu.memory_space<hbm>> -> memref<64x128xf32, #tpu.memory_space<hbm>>
      tpu.wait_dma2 semaphore(%run_scoped3A : memref<!tpu.dma_semaphore, #tpu.memory_space<semaphore_mem>>) src(%arg14 : memref<64x128xf32, #tpu.memory_space<vmem>>) dst(%dma_wait3A_304 : memref<64x128xf32, #tpu.memory_space<hbm>>)
      tpu.yield
    }) : () -> ()
    %mul3A_132 = arith.constant 640 : i32
    %mul3A_133 = arith.muli %arg1, %mul3A_132 : i32
    %add3A_134 = arith.constant 64 : i32
    %add3A_135 = arith.addi %mul3A_133, %add3A_134 : i32
    "tpu.region"() ({
      %run_scoped3A = tpu.sem_alloc : memref<!tpu.dma_semaphore, #tpu.memory_space<semaphore_mem>>
      %dma_start3A = tpu.memref_slice %arg28[%add3A_135] : memref<10240xf32, #tpu.memory_space<vmem_shared>> -> memref<64xf32, #tpu.memory_space<vmem_shared>>
      %dma_start3A_295 = tpu.memref_slice %arg28[%add3A_135] : memref<10240xf32, #tpu.memory_space<vmem_shared>> -> memref<64xf32, #tpu.memory_space<vmem_shared>>
      tpu.enqueue_dma source(%dma_start3A_295 : memref<64xf32, #tpu.memory_space<vmem_shared>>) target(%arg20 : memref<64xf32, #tpu.memory_space<vmem>>) target_semaphore(%run_scoped3A : memref<!tpu.dma_semaphore, #tpu.memory_space<semaphore_mem>>)
      %dma_wait3A = tpu.memref_slice %arg28[%add3A_135] : memref<10240xf32, #tpu.memory_space<vmem_shared>> -> memref<64xf32, #tpu.memory_space<vmem_shared>>
      %dma_wait3A_296 = tpu.memref_slice %arg28[%add3A_135] : memref<10240xf32, #tpu.memory_space<vmem_shared>> -> memref<64xf32, #tpu.memory_space<vmem_shared>>
      tpu.wait_dma2 semaphore(%run_scoped3A : memref<!tpu.dma_semaphore, #tpu.memory_space<semaphore_mem>>) src(%dma_wait3A_296 : memref<64xf32, #tpu.memory_space<vmem_shared>>) dst(%arg20 : memref<64xf32, #tpu.memory_space<vmem>>)
      tpu.yield
    }) : () -> ()
    %mul3A_136 = arith.constant 10240 : i32
    %mul3A_137 = arith.muli %arg0, %mul3A_136 : i32
    %mul3A_138 = arith.constant 640 : i32
    %mul3A_139 = arith.muli %arg1, %mul3A_138 : i32
    %add3A_140 = arith.addi %mul3A_137, %mul3A_139 : i32
    %add3A_141 = arith.constant 64 : i32
    %add3A_142 = arith.addi %add3A_140, %add3A_141 : i32
    "tpu.region"() ({
      %run_scoped3A = tpu.sem_alloc : memref<!tpu.dma_semaphore, #tpu.memory_space<semaphore_mem>>
      %dma_start3A = tpu.memref_slice %arg11[%add3A_142] : memref<20480xf32, #tpu.memory_space<hbm>> -> memref<64xf32, #tpu.memory_space<hbm>>
      %dma_start3A_295 = tpu.memref_slice %arg11[%add3A_142] : memref<20480xf32, #tpu.memory_space<hbm>> -> memref<64xf32, #tpu.memory_space<hbm>>
      tpu.enqueue_dma source(%arg20 : memref<64xf32, #tpu.memory_space<vmem>>) target(%dma_start3A_295 : memref<64xf32, #tpu.memory_space<hbm>>) target_semaphore(%run_scoped3A : memref<!tpu.dma_semaphore, #tpu.memory_space<semaphore_mem>>)
      %dma_wait3A = tpu.memref_slice %arg11[%add3A_142] : memref<20480xf32, #tpu.memory_space<hbm>> -> memref<64xf32, #tpu.memory_space<hbm>>
      %dma_wait3A_296 = tpu.memref_slice %arg11[%add3A_142] : memref<20480xf32, #tpu.memory_space<hbm>> -> memref<64xf32, #tpu.memory_space<hbm>>
      tpu.wait_dma2 semaphore(%run_scoped3A : memref<!tpu.dma_semaphore, #tpu.memory_space<semaphore_mem>>) src(%arg20 : memref<64xf32, #tpu.memory_space<vmem>>) dst(%dma_wait3A_296 : memref<64xf32, #tpu.memory_space<hbm>>)
      tpu.yield
    }) : () -> ()
    %mul3A_143 = arith.constant 640 : i32
    %mul3A_144 = arith.muli %arg1, %mul3A_143 : i32
    %add3A_145 = arith.constant 128 : i32
    %add3A_146 = arith.addi %mul3A_144, %add3A_145 : i32
    "tpu.region"() ({
      %run_scoped3A = tpu.sem_alloc : memref<!tpu.dma_semaphore, #tpu.memory_space<semaphore_mem>>
      %dma_start3A = arith.constant 0 : i32
      %dma_start3A_295 = tpu.memref_slice %arg27[%add3A_146, %dma_start3A] : memref<10240x128xf32, #tpu.memory_space<vmem_shared>> -> memref<64x128xf32, #tpu.memory_space<vmem_shared>>
      %dma_start3A_296 = arith.constant 0 : i32
      %dma_start3A_297 = tpu.memref_slice %arg27[%add3A_146, %dma_start3A_296] : memref<10240x128xf32, #tpu.memory_space<vmem_shared>> -> memref<64x128xf32, #tpu.memory_space<vmem_shared>>
      tpu.enqueue_dma source(%dma_start3A_297 : memref<64x128xf32, #tpu.memory_space<vmem_shared>>) target(%arg14 : memref<64x128xf32, #tpu.memory_space<vmem>>) target_semaphore(%run_scoped3A : memref<!tpu.dma_semaphore, #tpu.memory_space<semaphore_mem>>)
      %dma_wait3A = arith.constant 0 : i32
      %dma_wait3A_298 = tpu.memref_slice %arg27[%add3A_146, %dma_wait3A] : memref<10240x128xf32, #tpu.memory_space<vmem_shared>> -> memref<64x128xf32, #tpu.memory_space<vmem_shared>>
      %dma_wait3A_299 = arith.constant 0 : i32
      %dma_wait3A_300 = tpu.memref_slice %arg27[%add3A_146, %dma_wait3A_299] : memref<10240x128xf32, #tpu.memory_space<vmem_shared>> -> memref<64x128xf32, #tpu.memory_space<vmem_shared>>
      tpu.wait_dma2 semaphore(%run_scoped3A : memref<!tpu.dma_semaphore, #tpu.memory_space<semaphore_mem>>) src(%dma_wait3A_300 : memref<64x128xf32, #tpu.memory_space<vmem_shared>>) dst(%arg14 : memref<64x128xf32, #tpu.memory_space<vmem>>)
      tpu.yield
    }) : () -> ()
    %mul3A_147 = arith.constant 640 : i32
    %mul3A_148 = arith.muli %arg1, %mul3A_147 : i32
    %add3A_149 = arith.constant 128 : i32
    %add3A_150 = arith.addi %mul3A_148, %add3A_149 : i32
    "tpu.region"() ({
      %run_scoped3A = tpu.sem_alloc : memref<!tpu.dma_semaphore, #tpu.memory_space<semaphore_mem>>
      %dma_start3A = arith.constant 0 : i32
      %dma_start3A_295 = tpu.memref_slice %arg10[%arg0, %add3A_150, %dma_start3A] : memref<2x10240x128xf32, #tpu.memory_space<hbm>> -> memref<1x64x128xf32, #tpu.memory_space<hbm>>
      %dma_start3A_296 = tpu.memref_squeeze %dma_start3A_295 : memref<1x64x128xf32, #tpu.memory_space<hbm>> -> memref<64x128xf32, #tpu.memory_space<hbm>>
      %dma_start3A_297 = arith.constant 0 : i32
      %dma_start3A_298 = tpu.memref_slice %arg10[%arg0, %add3A_150, %dma_start3A_297] : memref<2x10240x128xf32, #tpu.memory_space<hbm>> -> memref<1x64x128xf32, #tpu.memory_space<hbm>>
      %dma_start3A_299 = tpu.memref_squeeze %dma_start3A_298 : memref<1x64x128xf32, #tpu.memory_space<hbm>> -> memref<64x128xf32, #tpu.memory_space<hbm>>
      tpu.enqueue_dma source(%arg14 : memref<64x128xf32, #tpu.memory_space<vmem>>) target(%dma_start3A_299 : memref<64x128xf32, #tpu.memory_space<hbm>>) target_semaphore(%run_scoped3A : memref<!tpu.dma_semaphore, #tpu.memory_space<semaphore_mem>>)
      %dma_wait3A = arith.constant 0 : i32
      %dma_wait3A_300 = tpu.memref_slice %arg10[%arg0, %add3A_150, %dma_wait3A] : memref<2x10240x128xf32, #tpu.memory_space<hbm>> -> memref<1x64x128xf32, #tpu.memory_space<hbm>>
      %dma_wait3A_301 = tpu.memref_squeeze %dma_wait3A_300 : memref<1x64x128xf32, #tpu.memory_space<hbm>> -> memref<64x128xf32, #tpu.memory_space<hbm>>
      %dma_wait3A_302 = arith.constant 0 : i32
      %dma_wait3A_303 = tpu.memref_slice %arg10[%arg0, %add3A_150, %dma_wait3A_302] : memref<2x10240x128xf32, #tpu.memory_space<hbm>> -> memref<1x64x128xf32, #tpu.memory_space<hbm>>
      %dma_wait3A_304 = tpu.memref_squeeze %dma_wait3A_303 : memref<1x64x128xf32, #tpu.memory_space<hbm>> -> memref<64x128xf32, #tpu.memory_space<hbm>>
      tpu.wait_dma2 semaphore(%run_scoped3A : memref<!tpu.dma_semaphore, #tpu.memory_space<semaphore_mem>>) src(%arg14 : memref<64x128xf32, #tpu.memory_space<vmem>>) dst(%dma_wait3A_304 : memref<64x128xf32, #tpu.memory_space<hbm>>)
      tpu.yield
    }) : () -> ()
    %mul3A_151 = arith.constant 640 : i32
    %mul3A_152 = arith.muli %arg1, %mul3A_151 : i32
    %add3A_153 = arith.constant 128 : i32
    %add3A_154 = arith.addi %mul3A_152, %add3A_153 : i32
    "tpu.region"() ({
      %run_scoped3A = tpu.sem_alloc : memref<!tpu.dma_semaphore, #tpu.memory_space<semaphore_mem>>
      %dma_start3A = tpu.memref_slice %arg28[%add3A_154] : memref<10240xf32, #tpu.memory_space<vmem_shared>> -> memref<64xf32, #tpu.memory_space<vmem_shared>>
      %dma_start3A_295 = tpu.memref_slice %arg28[%add3A_154] : memref<10240xf32, #tpu.memory_space<vmem_shared>> -> memref<64xf32, #tpu.memory_space<vmem_shared>>
      tpu.enqueue_dma source(%dma_start3A_295 : memref<64xf32, #tpu.memory_space<vmem_shared>>) target(%arg20 : memref<64xf32, #tpu.memory_space<vmem>>) target_semaphore(%run_scoped3A : memref<!tpu.dma_semaphore, #tpu.memory_space<semaphore_mem>>)
      %dma_wait3A = tpu.memref_slice %arg28[%add3A_154] : memref<10240xf32, #tpu.memory_space<vmem_shared>> -> memref<64xf32, #tpu.memory_space<vmem_shared>>
      %dma_wait3A_296 = tpu.memref_slice %arg28[%add3A_154] : memref<10240xf32, #tpu.memory_space<vmem_shared>> -> memref<64xf32, #tpu.memory_space<vmem_shared>>
      tpu.wait_dma2 semaphore(%run_scoped3A : memref<!tpu.dma_semaphore, #tpu.memory_space<semaphore_mem>>) src(%dma_wait3A_296 : memref<64xf32, #tpu.memory_space<vmem_shared>>) dst(%arg20 : memref<64xf32, #tpu.memory_space<vmem>>)
      tpu.yield
    }) : () -> ()
    %mul3A_155 = arith.constant 10240 : i32
    %mul3A_156 = arith.muli %arg0, %mul3A_155 : i32
    %mul3A_157 = arith.constant 640 : i32
    %mul3A_158 = arith.muli %arg1, %mul3A_157 : i32
    %add3A_159 = arith.addi %mul3A_156, %mul3A_158 : i32
    %add3A_160 = arith.constant 128 : i32
    %add3A_161 = arith.addi %add3A_159, %add3A_160 : i32
    "tpu.region"() ({
      %run_scoped3A = tpu.sem_alloc : memref<!tpu.dma_semaphore, #tpu.memory_space<semaphore_mem>>
      %dma_start3A = tpu.memref_slice %arg11[%add3A_161] : memref<20480xf32, #tpu.memory_space<hbm>> -> memref<64xf32, #tpu.memory_space<hbm>>
      %dma_start3A_295 = tpu.memref_slice %arg11[%add3A_161] : memref<20480xf32, #tpu.memory_space<hbm>> -> memref<64xf32, #tpu.memory_space<hbm>>
      tpu.enqueue_dma source(%arg20 : memref<64xf32, #tpu.memory_space<vmem>>) target(%dma_start3A_295 : memref<64xf32, #tpu.memory_space<hbm>>) target_semaphore(%run_scoped3A : memref<!tpu.dma_semaphore, #tpu.memory_space<semaphore_mem>>)
      %dma_wait3A = tpu.memref_slice %arg11[%add3A_161] : memref<20480xf32, #tpu.memory_space<hbm>> -> memref<64xf32, #tpu.memory_space<hbm>>
      %dma_wait3A_296 = tpu.memref_slice %arg11[%add3A_161] : memref<20480xf32, #tpu.memory_space<hbm>> -> memref<64xf32, #tpu.memory_space<hbm>>
      tpu.wait_dma2 semaphore(%run_scoped3A : memref<!tpu.dma_semaphore, #tpu.memory_space<semaphore_mem>>) src(%arg20 : memref<64xf32, #tpu.memory_space<vmem>>) dst(%dma_wait3A_296 : memref<64xf32, #tpu.memory_space<hbm>>)
      tpu.yield
    }) : () -> ()
    %mul3A_162 = arith.constant 640 : i32
    %mul3A_163 = arith.muli %arg1, %mul3A_162 : i32
    %add3A_164 = arith.constant 192 : i32
    %add3A_165 = arith.addi %mul3A_163, %add3A_164 : i32
    "tpu.region"() ({
      %run_scoped3A = tpu.sem_alloc : memref<!tpu.dma_semaphore, #tpu.memory_space<semaphore_mem>>
      %dma_start3A = arith.constant 0 : i32
      %dma_start3A_295 = tpu.memref_slice %arg27[%add3A_165, %dma_start3A] : memref<10240x128xf32, #tpu.memory_space<vmem_shared>> -> memref<64x128xf32, #tpu.memory_space<vmem_shared>>
      %dma_start3A_296 = arith.constant 0 : i32
      %dma_start3A_297 = tpu.memref_slice %arg27[%add3A_165, %dma_start3A_296] : memref<10240x128xf32, #tpu.memory_space<vmem_shared>> -> memref<64x128xf32, #tpu.memory_space<vmem_shared>>
      tpu.enqueue_dma source(%dma_start3A_297 : memref<64x128xf32, #tpu.memory_space<vmem_shared>>) target(%arg14 : memref<64x128xf32, #tpu.memory_space<vmem>>) target_semaphore(%run_scoped3A : memref<!tpu.dma_semaphore, #tpu.memory_space<semaphore_mem>>)
      %dma_wait3A = arith.constant 0 : i32
      %dma_wait3A_298 = tpu.memref_slice %arg27[%add3A_165, %dma_wait3A] : memref<10240x128xf32, #tpu.memory_space<vmem_shared>> -> memref<64x128xf32, #tpu.memory_space<vmem_shared>>
      %dma_wait3A_299 = arith.constant 0 : i32
      %dma_wait3A_300 = tpu.memref_slice %arg27[%add3A_165, %dma_wait3A_299] : memref<10240x128xf32, #tpu.memory_space<vmem_shared>> -> memref<64x128xf32, #tpu.memory_space<vmem_shared>>
      tpu.wait_dma2 semaphore(%run_scoped3A : memref<!tpu.dma_semaphore, #tpu.memory_space<semaphore_mem>>) src(%dma_wait3A_300 : memref<64x128xf32, #tpu.memory_space<vmem_shared>>) dst(%arg14 : memref<64x128xf32, #tpu.memory_space<vmem>>)
      tpu.yield
    }) : () -> ()
    %mul3A_166 = arith.constant 640 : i32
    %mul3A_167 = arith.muli %arg1, %mul3A_166 : i32
    %add3A_168 = arith.constant 192 : i32
    %add3A_169 = arith.addi %mul3A_167, %add3A_168 : i32
    "tpu.region"() ({
      %run_scoped3A = tpu.sem_alloc : memref<!tpu.dma_semaphore, #tpu.memory_space<semaphore_mem>>
      %dma_start3A = arith.constant 0 : i32
      %dma_start3A_295 = tpu.memref_slice %arg10[%arg0, %add3A_169, %dma_start3A] : memref<2x10240x128xf32, #tpu.memory_space<hbm>> -> memref<1x64x128xf32, #tpu.memory_space<hbm>>
      %dma_start3A_296 = tpu.memref_squeeze %dma_start3A_295 : memref<1x64x128xf32, #tpu.memory_space<hbm>> -> memref<64x128xf32, #tpu.memory_space<hbm>>
      %dma_start3A_297 = arith.constant 0 : i32
      %dma_start3A_298 = tpu.memref_slice %arg10[%arg0, %add3A_169, %dma_start3A_297] : memref<2x10240x128xf32, #tpu.memory_space<hbm>> -> memref<1x64x128xf32, #tpu.memory_space<hbm>>
      %dma_start3A_299 = tpu.memref_squeeze %dma_start3A_298 : memref<1x64x128xf32, #tpu.memory_space<hbm>> -> memref<64x128xf32, #tpu.memory_space<hbm>>
      tpu.enqueue_dma source(%arg14 : memref<64x128xf32, #tpu.memory_space<vmem>>) target(%dma_start3A_299 : memref<64x128xf32, #tpu.memory_space<hbm>>) target_semaphore(%run_scoped3A : memref<!tpu.dma_semaphore, #tpu.memory_space<semaphore_mem>>)
      %dma_wait3A = arith.constant 0 : i32
      %dma_wait3A_300 = tpu.memref_slice %arg10[%arg0, %add3A_169, %dma_wait3A] : memref<2x10240x128xf32, #tpu.memory_space<hbm>> -> memref<1x64x128xf32, #tpu.memory_space<hbm>>
      %dma_wait3A_301 = tpu.memref_squeeze %dma_wait3A_300 : memref<1x64x128xf32, #tpu.memory_space<hbm>> -> memref<64x128xf32, #tpu.memory_space<hbm>>
      %dma_wait3A_302 = arith.constant 0 : i32
      %dma_wait3A_303 = tpu.memref_slice %arg10[%arg0, %add3A_169, %dma_wait3A_302] : memref<2x10240x128xf32, #tpu.memory_space<hbm>> -> memref<1x64x128xf32, #tpu.memory_space<hbm>>
      %dma_wait3A_304 = tpu.memref_squeeze %dma_wait3A_303 : memref<1x64x128xf32, #tpu.memory_space<hbm>> -> memref<64x128xf32, #tpu.memory_space<hbm>>
      tpu.wait_dma2 semaphore(%run_scoped3A : memref<!tpu.dma_semaphore, #tpu.memory_space<semaphore_mem>>) src(%arg14 : memref<64x128xf32, #tpu.memory_space<vmem>>) dst(%dma_wait3A_304 : memref<64x128xf32, #tpu.memory_space<hbm>>)
      tpu.yield
    }) : () -> ()
    %mul3A_170 = arith.constant 640 : i32
    %mul3A_171 = arith.muli %arg1, %mul3A_170 : i32
    %add3A_172 = arith.constant 192 : i32
    %add3A_173 = arith.addi %mul3A_171, %add3A_172 : i32
    "tpu.region"() ({
      %run_scoped3A = tpu.sem_alloc : memref<!tpu.dma_semaphore, #tpu.memory_space<semaphore_mem>>
      %dma_start3A = tpu.memref_slice %arg28[%add3A_173] : memref<10240xf32, #tpu.memory_space<vmem_shared>> -> memref<64xf32, #tpu.memory_space<vmem_shared>>
      %dma_start3A_295 = tpu.memref_slice %arg28[%add3A_173] : memref<10240xf32, #tpu.memory_space<vmem_shared>> -> memref<64xf32, #tpu.memory_space<vmem_shared>>
      tpu.enqueue_dma source(%dma_start3A_295 : memref<64xf32, #tpu.memory_space<vmem_shared>>) target(%arg20 : memref<64xf32, #tpu.memory_space<vmem>>) target_semaphore(%run_scoped3A : memref<!tpu.dma_semaphore, #tpu.memory_space<semaphore_mem>>)
      %dma_wait3A = tpu.memref_slice %arg28[%add3A_173] : memref<10240xf32, #tpu.memory_space<vmem_shared>> -> memref<64xf32, #tpu.memory_space<vmem_shared>>
      %dma_wait3A_296 = tpu.memref_slice %arg28[%add3A_173] : memref<10240xf32, #tpu.memory_space<vmem_shared>> -> memref<64xf32, #tpu.memory_space<vmem_shared>>
      tpu.wait_dma2 semaphore(%run_scoped3A : memref<!tpu.dma_semaphore, #tpu.memory_space<semaphore_mem>>) src(%dma_wait3A_296 : memref<64xf32, #tpu.memory_space<vmem_shared>>) dst(%arg20 : memref<64xf32, #tpu.memory_space<vmem>>)
      tpu.yield
    }) : () -> ()
    %mul3A_174 = arith.constant 10240 : i32
    %mul3A_175 = arith.muli %arg0, %mul3A_174 : i32
    %mul3A_176 = arith.constant 640 : i32
    %mul3A_177 = arith.muli %arg1, %mul3A_176 : i32
    %add3A_178 = arith.addi %mul3A_175, %mul3A_177 : i32
    %add3A_179 = arith.constant 192 : i32
    %add3A_180 = arith.addi %add3A_178, %add3A_179 : i32
    "tpu.region"() ({
      %run_scoped3A = tpu.sem_alloc : memref<!tpu.dma_semaphore, #tpu.memory_space<semaphore_mem>>
      %dma_start3A = tpu.memref_slice %arg11[%add3A_180] : memref<20480xf32, #tpu.memory_space<hbm>> -> memref<64xf32, #tpu.memory_space<hbm>>
      %dma_start3A_295 = tpu.memref_slice %arg11[%add3A_180] : memref<20480xf32, #tpu.memory_space<hbm>> -> memref<64xf32, #tpu.memory_space<hbm>>
      tpu.enqueue_dma source(%arg20 : memref<64xf32, #tpu.memory_space<vmem>>) target(%dma_start3A_295 : memref<64xf32, #tpu.memory_space<hbm>>) target_semaphore(%run_scoped3A : memref<!tpu.dma_semaphore, #tpu.memory_space<semaphore_mem>>)
      %dma_wait3A = tpu.memref_slice %arg11[%add3A_180] : memref<20480xf32, #tpu.memory_space<hbm>> -> memref<64xf32, #tpu.memory_space<hbm>>
      %dma_wait3A_296 = tpu.memref_slice %arg11[%add3A_180] : memref<20480xf32, #tpu.memory_space<hbm>> -> memref<64xf32, #tpu.memory_space<hbm>>
      tpu.wait_dma2 semaphore(%run_scoped3A : memref<!tpu.dma_semaphore, #tpu.memory_space<semaphore_mem>>) src(%arg20 : memref<64xf32, #tpu.memory_space<vmem>>) dst(%dma_wait3A_296 : memref<64xf32, #tpu.memory_space<hbm>>)
      tpu.yield
    }) : () -> ()
    %mul3A_181 = arith.constant 640 : i32
    %mul3A_182 = arith.muli %arg1, %mul3A_181 : i32
    %add3A_183 = arith.constant 256 : i32
    %add3A_184 = arith.addi %mul3A_182, %add3A_183 : i32
    "tpu.region"() ({
      %run_scoped3A = tpu.sem_alloc : memref<!tpu.dma_semaphore, #tpu.memory_space<semaphore_mem>>
      %dma_start3A = arith.constant 0 : i32
      %dma_start3A_295 = tpu.memref_slice %arg27[%add3A_184, %dma_start3A] : memref<10240x128xf32, #tpu.memory_space<vmem_shared>> -> memref<64x128xf32, #tpu.memory_space<vmem_shared>>
      %dma_start3A_296 = arith.constant 0 : i32
      %dma_start3A_297 = tpu.memref_slice %arg27[%add3A_184, %dma_start3A_296] : memref<10240x128xf32, #tpu.memory_space<vmem_shared>> -> memref<64x128xf32, #tpu.memory_space<vmem_shared>>
      tpu.enqueue_dma source(%dma_start3A_297 : memref<64x128xf32, #tpu.memory_space<vmem_shared>>) target(%arg14 : memref<64x128xf32, #tpu.memory_space<vmem>>) target_semaphore(%run_scoped3A : memref<!tpu.dma_semaphore, #tpu.memory_space<semaphore_mem>>)
      %dma_wait3A = arith.constant 0 : i32
      %dma_wait3A_298 = tpu.memref_slice %arg27[%add3A_184, %dma_wait3A] : memref<10240x128xf32, #tpu.memory_space<vmem_shared>> -> memref<64x128xf32, #tpu.memory_space<vmem_shared>>
      %dma_wait3A_299 = arith.constant 0 : i32
      %dma_wait3A_300 = tpu.memref_slice %arg27[%add3A_184, %dma_wait3A_299] : memref<10240x128xf32, #tpu.memory_space<vmem_shared>> -> memref<64x128xf32, #tpu.memory_space<vmem_shared>>
      tpu.wait_dma2 semaphore(%run_scoped3A : memref<!tpu.dma_semaphore, #tpu.memory_space<semaphore_mem>>) src(%dma_wait3A_300 : memref<64x128xf32, #tpu.memory_space<vmem_shared>>) dst(%arg14 : memref<64x128xf32, #tpu.memory_space<vmem>>)
      tpu.yield
    }) : () -> ()
    %mul3A_185 = arith.constant 640 : i32
    %mul3A_186 = arith.muli %arg1, %mul3A_185 : i32
    %add3A_187 = arith.constant 256 : i32
    %add3A_188 = arith.addi %mul3A_186, %add3A_187 : i32
    "tpu.region"() ({
      %run_scoped3A = tpu.sem_alloc : memref<!tpu.dma_semaphore, #tpu.memory_space<semaphore_mem>>
      %dma_start3A = arith.constant 0 : i32
      %dma_start3A_295 = tpu.memref_slice %arg10[%arg0, %add3A_188, %dma_start3A] : memref<2x10240x128xf32, #tpu.memory_space<hbm>> -> memref<1x64x128xf32, #tpu.memory_space<hbm>>
      %dma_start3A_296 = tpu.memref_squeeze %dma_start3A_295 : memref<1x64x128xf32, #tpu.memory_space<hbm>> -> memref<64x128xf32, #tpu.memory_space<hbm>>
      %dma_start3A_297 = arith.constant 0 : i32
      %dma_start3A_298 = tpu.memref_slice %arg10[%arg0, %add3A_188, %dma_start3A_297] : memref<2x10240x128xf32, #tpu.memory_space<hbm>> -> memref<1x64x128xf32, #tpu.memory_space<hbm>>
      %dma_start3A_299 = tpu.memref_squeeze %dma_start3A_298 : memref<1x64x128xf32, #tpu.memory_space<hbm>> -> memref<64x128xf32, #tpu.memory_space<hbm>>
      tpu.enqueue_dma source(%arg14 : memref<64x128xf32, #tpu.memory_space<vmem>>) target(%dma_start3A_299 : memref<64x128xf32, #tpu.memory_space<hbm>>) target_semaphore(%run_scoped3A : memref<!tpu.dma_semaphore, #tpu.memory_space<semaphore_mem>>)
      %dma_wait3A = arith.constant 0 : i32
      %dma_wait3A_300 = tpu.memref_slice %arg10[%arg0, %add3A_188, %dma_wait3A] : memref<2x10240x128xf32, #tpu.memory_space<hbm>> -> memref<1x64x128xf32, #tpu.memory_space<hbm>>
      %dma_wait3A_301 = tpu.memref_squeeze %dma_wait3A_300 : memref<1x64x128xf32, #tpu.memory_space<hbm>> -> memref<64x128xf32, #tpu.memory_space<hbm>>
      %dma_wait3A_302 = arith.constant 0 : i32
      %dma_wait3A_303 = tpu.memref_slice %arg10[%arg0, %add3A_188, %dma_wait3A_302] : memref<2x10240x128xf32, #tpu.memory_space<hbm>> -> memref<1x64x128xf32, #tpu.memory_space<hbm>>
      %dma_wait3A_304 = tpu.memref_squeeze %dma_wait3A_303 : memref<1x64x128xf32, #tpu.memory_space<hbm>> -> memref<64x128xf32, #tpu.memory_space<hbm>>
      tpu.wait_dma2 semaphore(%run_scoped3A : memref<!tpu.dma_semaphore, #tpu.memory_space<semaphore_mem>>) src(%arg14 : memref<64x128xf32, #tpu.memory_space<vmem>>) dst(%dma_wait3A_304 : memref<64x128xf32, #tpu.memory_space<hbm>>)
      tpu.yield
    }) : () -> ()
    %mul3A_189 = arith.constant 640 : i32
    %mul3A_190 = arith.muli %arg1, %mul3A_189 : i32
    %add3A_191 = arith.constant 256 : i32
    %add3A_192 = arith.addi %mul3A_190, %add3A_191 : i32
    "tpu.region"() ({
      %run_scoped3A = tpu.sem_alloc : memref<!tpu.dma_semaphore, #tpu.memory_space<semaphore_mem>>
      %dma_start3A = tpu.memref_slice %arg28[%add3A_192] : memref<10240xf32, #tpu.memory_space<vmem_shared>> -> memref<64xf32, #tpu.memory_space<vmem_shared>>
      %dma_start3A_295 = tpu.memref_slice %arg28[%add3A_192] : memref<10240xf32, #tpu.memory_space<vmem_shared>> -> memref<64xf32, #tpu.memory_space<vmem_shared>>
      tpu.enqueue_dma source(%dma_start3A_295 : memref<64xf32, #tpu.memory_space<vmem_shared>>) target(%arg20 : memref<64xf32, #tpu.memory_space<vmem>>) target_semaphore(%run_scoped3A : memref<!tpu.dma_semaphore, #tpu.memory_space<semaphore_mem>>)
      %dma_wait3A = tpu.memref_slice %arg28[%add3A_192] : memref<10240xf32, #tpu.memory_space<vmem_shared>> -> memref<64xf32, #tpu.memory_space<vmem_shared>>
      %dma_wait3A_296 = tpu.memref_slice %arg28[%add3A_192] : memref<10240xf32, #tpu.memory_space<vmem_shared>> -> memref<64xf32, #tpu.memory_space<vmem_shared>>
      tpu.wait_dma2 semaphore(%run_scoped3A : memref<!tpu.dma_semaphore, #tpu.memory_space<semaphore_mem>>) src(%dma_wait3A_296 : memref<64xf32, #tpu.memory_space<vmem_shared>>) dst(%arg20 : memref<64xf32, #tpu.memory_space<vmem>>)
      tpu.yield
    }) : () -> ()
    %mul3A_193 = arith.constant 10240 : i32
    %mul3A_194 = arith.muli %arg0, %mul3A_193 : i32
    %mul3A_195 = arith.constant 640 : i32
    %mul3A_196 = arith.muli %arg1, %mul3A_195 : i32
    %add3A_197 = arith.addi %mul3A_194, %mul3A_196 : i32
    %add3A_198 = arith.constant 256 : i32
    %add3A_199 = arith.addi %add3A_197, %add3A_198 : i32
    "tpu.region"() ({
      %run_scoped3A = tpu.sem_alloc : memref<!tpu.dma_semaphore, #tpu.memory_space<semaphore_mem>>
      %dma_start3A = tpu.memref_slice %arg11[%add3A_199] : memref<20480xf32, #tpu.memory_space<hbm>> -> memref<64xf32, #tpu.memory_space<hbm>>
      %dma_start3A_295 = tpu.memref_slice %arg11[%add3A_199] : memref<20480xf32, #tpu.memory_space<hbm>> -> memref<64xf32, #tpu.memory_space<hbm>>
      tpu.enqueue_dma source(%arg20 : memref<64xf32, #tpu.memory_space<vmem>>) target(%dma_start3A_295 : memref<64xf32, #tpu.memory_space<hbm>>) target_semaphore(%run_scoped3A : memref<!tpu.dma_semaphore, #tpu.memory_space<semaphore_mem>>)
      %dma_wait3A = tpu.memref_slice %arg11[%add3A_199] : memref<20480xf32, #tpu.memory_space<hbm>> -> memref<64xf32, #tpu.memory_space<hbm>>
      %dma_wait3A_296 = tpu.memref_slice %arg11[%add3A_199] : memref<20480xf32, #tpu.memory_space<hbm>> -> memref<64xf32, #tpu.memory_space<hbm>>
      tpu.wait_dma2 semaphore(%run_scoped3A : memref<!tpu.dma_semaphore, #tpu.memory_space<semaphore_mem>>) src(%arg20 : memref<64xf32, #tpu.memory_space<vmem>>) dst(%dma_wait3A_296 : memref<64xf32, #tpu.memory_space<hbm>>)
      tpu.yield
    }) : () -> ()
    %mul3A_200 = arith.constant 640 : i32
    %mul3A_201 = arith.muli %arg1, %mul3A_200 : i32
    %add3A_202 = arith.constant 320 : i32
    %add3A_203 = arith.addi %mul3A_201, %add3A_202 : i32
    "tpu.region"() ({
      %run_scoped3A = tpu.sem_alloc : memref<!tpu.dma_semaphore, #tpu.memory_space<semaphore_mem>>
      %dma_start3A = arith.constant 0 : i32
      %dma_start3A_295 = tpu.memref_slice %arg27[%add3A_203, %dma_start3A] : memref<10240x128xf32, #tpu.memory_space<vmem_shared>> -> memref<64x128xf32, #tpu.memory_space<vmem_shared>>
      %dma_start3A_296 = arith.constant 0 : i32
      %dma_start3A_297 = tpu.memref_slice %arg27[%add3A_203, %dma_start3A_296] : memref<10240x128xf32, #tpu.memory_space<vmem_shared>> -> memref<64x128xf32, #tpu.memory_space<vmem_shared>>
      tpu.enqueue_dma source(%dma_start3A_297 : memref<64x128xf32, #tpu.memory_space<vmem_shared>>) target(%arg14 : memref<64x128xf32, #tpu.memory_space<vmem>>) target_semaphore(%run_scoped3A : memref<!tpu.dma_semaphore, #tpu.memory_space<semaphore_mem>>)
      %dma_wait3A = arith.constant 0 : i32
      %dma_wait3A_298 = tpu.memref_slice %arg27[%add3A_203, %dma_wait3A] : memref<10240x128xf32, #tpu.memory_space<vmem_shared>> -> memref<64x128xf32, #tpu.memory_space<vmem_shared>>
      %dma_wait3A_299 = arith.constant 0 : i32
      %dma_wait3A_300 = tpu.memref_slice %arg27[%add3A_203, %dma_wait3A_299] : memref<10240x128xf32, #tpu.memory_space<vmem_shared>> -> memref<64x128xf32, #tpu.memory_space<vmem_shared>>
      tpu.wait_dma2 semaphore(%run_scoped3A : memref<!tpu.dma_semaphore, #tpu.memory_space<semaphore_mem>>) src(%dma_wait3A_300 : memref<64x128xf32, #tpu.memory_space<vmem_shared>>) dst(%arg14 : memref<64x128xf32, #tpu.memory_space<vmem>>)
      tpu.yield
    }) : () -> ()
    %mul3A_204 = arith.constant 640 : i32
    %mul3A_205 = arith.muli %arg1, %mul3A_204 : i32
    %add3A_206 = arith.constant 320 : i32
    %add3A_207 = arith.addi %mul3A_205, %add3A_206 : i32
    "tpu.region"() ({
      %run_scoped3A = tpu.sem_alloc : memref<!tpu.dma_semaphore, #tpu.memory_space<semaphore_mem>>
      %dma_start3A = arith.constant 0 : i32
      %dma_start3A_295 = tpu.memref_slice %arg10[%arg0, %add3A_207, %dma_start3A] : memref<2x10240x128xf32, #tpu.memory_space<hbm>> -> memref<1x64x128xf32, #tpu.memory_space<hbm>>
      %dma_start3A_296 = tpu.memref_squeeze %dma_start3A_295 : memref<1x64x128xf32, #tpu.memory_space<hbm>> -> memref<64x128xf32, #tpu.memory_space<hbm>>
      %dma_start3A_297 = arith.constant 0 : i32
      %dma_start3A_298 = tpu.memref_slice %arg10[%arg0, %add3A_207, %dma_start3A_297] : memref<2x10240x128xf32, #tpu.memory_space<hbm>> -> memref<1x64x128xf32, #tpu.memory_space<hbm>>
      %dma_start3A_299 = tpu.memref_squeeze %dma_start3A_298 : memref<1x64x128xf32, #tpu.memory_space<hbm>> -> memref<64x128xf32, #tpu.memory_space<hbm>>
      tpu.enqueue_dma source(%arg14 : memref<64x128xf32, #tpu.memory_space<vmem>>) target(%dma_start3A_299 : memref<64x128xf32, #tpu.memory_space<hbm>>) target_semaphore(%run_scoped3A : memref<!tpu.dma_semaphore, #tpu.memory_space<semaphore_mem>>)
      %dma_wait3A = arith.constant 0 : i32
      %dma_wait3A_300 = tpu.memref_slice %arg10[%arg0, %add3A_207, %dma_wait3A] : memref<2x10240x128xf32, #tpu.memory_space<hbm>> -> memref<1x64x128xf32, #tpu.memory_space<hbm>>
      %dma_wait3A_301 = tpu.memref_squeeze %dma_wait3A_300 : memref<1x64x128xf32, #tpu.memory_space<hbm>> -> memref<64x128xf32, #tpu.memory_space<hbm>>
      %dma_wait3A_302 = arith.constant 0 : i32
      %dma_wait3A_303 = tpu.memref_slice %arg10[%arg0, %add3A_207, %dma_wait3A_302] : memref<2x10240x128xf32, #tpu.memory_space<hbm>> -> memref<1x64x128xf32, #tpu.memory_space<hbm>>
      %dma_wait3A_304 = tpu.memref_squeeze %dma_wait3A_303 : memref<1x64x128xf32, #tpu.memory_space<hbm>> -> memref<64x128xf32, #tpu.memory_space<hbm>>
      tpu.wait_dma2 semaphore(%run_scoped3A : memref<!tpu.dma_semaphore, #tpu.memory_space<semaphore_mem>>) src(%arg14 : memref<64x128xf32, #tpu.memory_space<vmem>>) dst(%dma_wait3A_304 : memref<64x128xf32, #tpu.memory_space<hbm>>)
      tpu.yield
    }) : () -> ()
    %mul3A_208 = arith.constant 640 : i32
    %mul3A_209 = arith.muli %arg1, %mul3A_208 : i32
    %add3A_210 = arith.constant 320 : i32
    %add3A_211 = arith.addi %mul3A_209, %add3A_210 : i32
    "tpu.region"() ({
      %run_scoped3A = tpu.sem_alloc : memref<!tpu.dma_semaphore, #tpu.memory_space<semaphore_mem>>
      %dma_start3A = tpu.memref_slice %arg28[%add3A_211] : memref<10240xf32, #tpu.memory_space<vmem_shared>> -> memref<64xf32, #tpu.memory_space<vmem_shared>>
      %dma_start3A_295 = tpu.memref_slice %arg28[%add3A_211] : memref<10240xf32, #tpu.memory_space<vmem_shared>> -> memref<64xf32, #tpu.memory_space<vmem_shared>>
      tpu.enqueue_dma source(%dma_start3A_295 : memref<64xf32, #tpu.memory_space<vmem_shared>>) target(%arg20 : memref<64xf32, #tpu.memory_space<vmem>>) target_semaphore(%run_scoped3A : memref<!tpu.dma_semaphore, #tpu.memory_space<semaphore_mem>>)
      %dma_wait3A = tpu.memref_slice %arg28[%add3A_211] : memref<10240xf32, #tpu.memory_space<vmem_shared>> -> memref<64xf32, #tpu.memory_space<vmem_shared>>
      %dma_wait3A_296 = tpu.memref_slice %arg28[%add3A_211] : memref<10240xf32, #tpu.memory_space<vmem_shared>> -> memref<64xf32, #tpu.memory_space<vmem_shared>>
      tpu.wait_dma2 semaphore(%run_scoped3A : memref<!tpu.dma_semaphore, #tpu.memory_space<semaphore_mem>>) src(%dma_wait3A_296 : memref<64xf32, #tpu.memory_space<vmem_shared>>) dst(%arg20 : memref<64xf32, #tpu.memory_space<vmem>>)
      tpu.yield
    }) : () -> ()
    %mul3A_212 = arith.constant 10240 : i32
    %mul3A_213 = arith.muli %arg0, %mul3A_212 : i32
    %mul3A_214 = arith.constant 640 : i32
    %mul3A_215 = arith.muli %arg1, %mul3A_214 : i32
    %add3A_216 = arith.addi %mul3A_213, %mul3A_215 : i32
    %add3A_217 = arith.constant 320 : i32
    %add3A_218 = arith.addi %add3A_216, %add3A_217 : i32
    "tpu.region"() ({
      %run_scoped3A = tpu.sem_alloc : memref<!tpu.dma_semaphore, #tpu.memory_space<semaphore_mem>>
      %dma_start3A = tpu.memref_slice %arg11[%add3A_218] : memref<20480xf32, #tpu.memory_space<hbm>> -> memref<64xf32, #tpu.memory_space<hbm>>
      %dma_start3A_295 = tpu.memref_slice %arg11[%add3A_218] : memref<20480xf32, #tpu.memory_space<hbm>> -> memref<64xf32, #tpu.memory_space<hbm>>
      tpu.enqueue_dma source(%arg20 : memref<64xf32, #tpu.memory_space<vmem>>) target(%dma_start3A_295 : memref<64xf32, #tpu.memory_space<hbm>>) target_semaphore(%run_scoped3A : memref<!tpu.dma_semaphore, #tpu.memory_space<semaphore_mem>>)
      %dma_wait3A = tpu.memref_slice %arg11[%add3A_218] : memref<20480xf32, #tpu.memory_space<hbm>> -> memref<64xf32, #tpu.memory_space<hbm>>
      %dma_wait3A_296 = tpu.memref_slice %arg11[%add3A_218] : memref<20480xf32, #tpu.memory_space<hbm>> -> memref<64xf32, #tpu.memory_space<hbm>>
      tpu.wait_dma2 semaphore(%run_scoped3A : memref<!tpu.dma_semaphore, #tpu.memory_space<semaphore_mem>>) src(%arg20 : memref<64xf32, #tpu.memory_space<vmem>>) dst(%dma_wait3A_296 : memref<64xf32, #tpu.memory_space<hbm>>)
      tpu.yield
    }) : () -> ()
    %mul3A_219 = arith.constant 640 : i32
    %mul3A_220 = arith.muli %arg1, %mul3A_219 : i32
    %add3A_221 = arith.constant 384 : i32
    %add3A_222 = arith.addi %mul3A_220, %add3A_221 : i32
    "tpu.region"() ({
      %run_scoped3A = tpu.sem_alloc : memref<!tpu.dma_semaphore, #tpu.memory_space<semaphore_mem>>
      %dma_start3A = arith.constant 0 : i32
      %dma_start3A_295 = tpu.memref_slice %arg27[%add3A_222, %dma_start3A] : memref<10240x128xf32, #tpu.memory_space<vmem_shared>> -> memref<64x128xf32, #tpu.memory_space<vmem_shared>>
      %dma_start3A_296 = arith.constant 0 : i32
      %dma_start3A_297 = tpu.memref_slice %arg27[%add3A_222, %dma_start3A_296] : memref<10240x128xf32, #tpu.memory_space<vmem_shared>> -> memref<64x128xf32, #tpu.memory_space<vmem_shared>>
      tpu.enqueue_dma source(%dma_start3A_297 : memref<64x128xf32, #tpu.memory_space<vmem_shared>>) target(%arg14 : memref<64x128xf32, #tpu.memory_space<vmem>>) target_semaphore(%run_scoped3A : memref<!tpu.dma_semaphore, #tpu.memory_space<semaphore_mem>>)
      %dma_wait3A = arith.constant 0 : i32
      %dma_wait3A_298 = tpu.memref_slice %arg27[%add3A_222, %dma_wait3A] : memref<10240x128xf32, #tpu.memory_space<vmem_shared>> -> memref<64x128xf32, #tpu.memory_space<vmem_shared>>
      %dma_wait3A_299 = arith.constant 0 : i32
      %dma_wait3A_300 = tpu.memref_slice %arg27[%add3A_222, %dma_wait3A_299] : memref<10240x128xf32, #tpu.memory_space<vmem_shared>> -> memref<64x128xf32, #tpu.memory_space<vmem_shared>>
      tpu.wait_dma2 semaphore(%run_scoped3A : memref<!tpu.dma_semaphore, #tpu.memory_space<semaphore_mem>>) src(%dma_wait3A_300 : memref<64x128xf32, #tpu.memory_space<vmem_shared>>) dst(%arg14 : memref<64x128xf32, #tpu.memory_space<vmem>>)
      tpu.yield
    }) : () -> ()
    %mul3A_223 = arith.constant 640 : i32
    %mul3A_224 = arith.muli %arg1, %mul3A_223 : i32
    %add3A_225 = arith.constant 384 : i32
    %add3A_226 = arith.addi %mul3A_224, %add3A_225 : i32
    "tpu.region"() ({
      %run_scoped3A = tpu.sem_alloc : memref<!tpu.dma_semaphore, #tpu.memory_space<semaphore_mem>>
      %dma_start3A = arith.constant 0 : i32
      %dma_start3A_295 = tpu.memref_slice %arg10[%arg0, %add3A_226, %dma_start3A] : memref<2x10240x128xf32, #tpu.memory_space<hbm>> -> memref<1x64x128xf32, #tpu.memory_space<hbm>>
      %dma_start3A_296 = tpu.memref_squeeze %dma_start3A_295 : memref<1x64x128xf32, #tpu.memory_space<hbm>> -> memref<64x128xf32, #tpu.memory_space<hbm>>
      %dma_start3A_297 = arith.constant 0 : i32
      %dma_start3A_298 = tpu.memref_slice %arg10[%arg0, %add3A_226, %dma_start3A_297] : memref<2x10240x128xf32, #tpu.memory_space<hbm>> -> memref<1x64x128xf32, #tpu.memory_space<hbm>>
      %dma_start3A_299 = tpu.memref_squeeze %dma_start3A_298 : memref<1x64x128xf32, #tpu.memory_space<hbm>> -> memref<64x128xf32, #tpu.memory_space<hbm>>
      tpu.enqueue_dma source(%arg14 : memref<64x128xf32, #tpu.memory_space<vmem>>) target(%dma_start3A_299 : memref<64x128xf32, #tpu.memory_space<hbm>>) target_semaphore(%run_scoped3A : memref<!tpu.dma_semaphore, #tpu.memory_space<semaphore_mem>>)
      %dma_wait3A = arith.constant 0 : i32
      %dma_wait3A_300 = tpu.memref_slice %arg10[%arg0, %add3A_226, %dma_wait3A] : memref<2x10240x128xf32, #tpu.memory_space<hbm>> -> memref<1x64x128xf32, #tpu.memory_space<hbm>>
      %dma_wait3A_301 = tpu.memref_squeeze %dma_wait3A_300 : memref<1x64x128xf32, #tpu.memory_space<hbm>> -> memref<64x128xf32, #tpu.memory_space<hbm>>
      %dma_wait3A_302 = arith.constant 0 : i32
      %dma_wait3A_303 = tpu.memref_slice %arg10[%arg0, %add3A_226, %dma_wait3A_302] : memref<2x10240x128xf32, #tpu.memory_space<hbm>> -> memref<1x64x128xf32, #tpu.memory_space<hbm>>
      %dma_wait3A_304 = tpu.memref_squeeze %dma_wait3A_303 : memref<1x64x128xf32, #tpu.memory_space<hbm>> -> memref<64x128xf32, #tpu.memory_space<hbm>>
      tpu.wait_dma2 semaphore(%run_scoped3A : memref<!tpu.dma_semaphore, #tpu.memory_space<semaphore_mem>>) src(%arg14 : memref<64x128xf32, #tpu.memory_space<vmem>>) dst(%dma_wait3A_304 : memref<64x128xf32, #tpu.memory_space<hbm>>)
      tpu.yield
    }) : () -> ()
    %mul3A_227 = arith.constant 640 : i32
    %mul3A_228 = arith.muli %arg1, %mul3A_227 : i32
    %add3A_229 = arith.constant 384 : i32
    %add3A_230 = arith.addi %mul3A_228, %add3A_229 : i32
    "tpu.region"() ({
      %run_scoped3A = tpu.sem_alloc : memref<!tpu.dma_semaphore, #tpu.memory_space<semaphore_mem>>
      %dma_start3A = tpu.memref_slice %arg28[%add3A_230] : memref<10240xf32, #tpu.memory_space<vmem_shared>> -> memref<64xf32, #tpu.memory_space<vmem_shared>>
      %dma_start3A_295 = tpu.memref_slice %arg28[%add3A_230] : memref<10240xf32, #tpu.memory_space<vmem_shared>> -> memref<64xf32, #tpu.memory_space<vmem_shared>>
      tpu.enqueue_dma source(%dma_start3A_295 : memref<64xf32, #tpu.memory_space<vmem_shared>>) target(%arg20 : memref<64xf32, #tpu.memory_space<vmem>>) target_semaphore(%run_scoped3A : memref<!tpu.dma_semaphore, #tpu.memory_space<semaphore_mem>>)
      %dma_wait3A = tpu.memref_slice %arg28[%add3A_230] : memref<10240xf32, #tpu.memory_space<vmem_shared>> -> memref<64xf32, #tpu.memory_space<vmem_shared>>
      %dma_wait3A_296 = tpu.memref_slice %arg28[%add3A_230] : memref<10240xf32, #tpu.memory_space<vmem_shared>> -> memref<64xf32, #tpu.memory_space<vmem_shared>>
      tpu.wait_dma2 semaphore(%run_scoped3A : memref<!tpu.dma_semaphore, #tpu.memory_space<semaphore_mem>>) src(%dma_wait3A_296 : memref<64xf32, #tpu.memory_space<vmem_shared>>) dst(%arg20 : memref<64xf32, #tpu.memory_space<vmem>>)
      tpu.yield
    }) : () -> ()
    %mul3A_231 = arith.constant 10240 : i32
    %mul3A_232 = arith.muli %arg0, %mul3A_231 : i32
    %mul3A_233 = arith.constant 640 : i32
    %mul3A_234 = arith.muli %arg1, %mul3A_233 : i32
    %add3A_235 = arith.addi %mul3A_232, %mul3A_234 : i32
    %add3A_236 = arith.constant 384 : i32
    %add3A_237 = arith.addi %add3A_235, %add3A_236 : i32
    "tpu.region"() ({
      %run_scoped3A = tpu.sem_alloc : memref<!tpu.dma_semaphore, #tpu.memory_space<semaphore_mem>>
      %dma_start3A = tpu.memref_slice %arg11[%add3A_237] : memref<20480xf32, #tpu.memory_space<hbm>> -> memref<64xf32, #tpu.memory_space<hbm>>
      %dma_start3A_295 = tpu.memref_slice %arg11[%add3A_237] : memref<20480xf32, #tpu.memory_space<hbm>> -> memref<64xf32, #tpu.memory_space<hbm>>
      tpu.enqueue_dma source(%arg20 : memref<64xf32, #tpu.memory_space<vmem>>) target(%dma_start3A_295 : memref<64xf32, #tpu.memory_space<hbm>>) target_semaphore(%run_scoped3A : memref<!tpu.dma_semaphore, #tpu.memory_space<semaphore_mem>>)
      %dma_wait3A = tpu.memref_slice %arg11[%add3A_237] : memref<20480xf32, #tpu.memory_space<hbm>> -> memref<64xf32, #tpu.memory_space<hbm>>
      %dma_wait3A_296 = tpu.memref_slice %arg11[%add3A_237] : memref<20480xf32, #tpu.memory_space<hbm>> -> memref<64xf32, #tpu.memory_space<hbm>>
      tpu.wait_dma2 semaphore(%run_scoped3A : memref<!tpu.dma_semaphore, #tpu.memory_space<semaphore_mem>>) src(%arg20 : memref<64xf32, #tpu.memory_space<vmem>>) dst(%dma_wait3A_296 : memref<64xf32, #tpu.memory_space<hbm>>)
      tpu.yield
    }) : () -> ()
    %mul3A_238 = arith.constant 640 : i32
    %mul3A_239 = arith.muli %arg1, %mul3A_238 : i32
    %add3A_240 = arith.constant 448 : i32
    %add3A_241 = arith.addi %mul3A_239, %add3A_240 : i32
    "tpu.region"() ({
      %run_scoped3A = tpu.sem_alloc : memref<!tpu.dma_semaphore, #tpu.memory_space<semaphore_mem>>
      %dma_start3A = arith.constant 0 : i32
      %dma_start3A_295 = tpu.memref_slice %arg27[%add3A_241, %dma_start3A] : memref<10240x128xf32, #tpu.memory_space<vmem_shared>> -> memref<64x128xf32, #tpu.memory_space<vmem_shared>>
      %dma_start3A_296 = arith.constant 0 : i32
      %dma_start3A_297 = tpu.memref_slice %arg27[%add3A_241, %dma_start3A_296] : memref<10240x128xf32, #tpu.memory_space<vmem_shared>> -> memref<64x128xf32, #tpu.memory_space<vmem_shared>>
      tpu.enqueue_dma source(%dma_start3A_297 : memref<64x128xf32, #tpu.memory_space<vmem_shared>>) target(%arg14 : memref<64x128xf32, #tpu.memory_space<vmem>>) target_semaphore(%run_scoped3A : memref<!tpu.dma_semaphore, #tpu.memory_space<semaphore_mem>>)
      %dma_wait3A = arith.constant 0 : i32
      %dma_wait3A_298 = tpu.memref_slice %arg27[%add3A_241, %dma_wait3A] : memref<10240x128xf32, #tpu.memory_space<vmem_shared>> -> memref<64x128xf32, #tpu.memory_space<vmem_shared>>
      %dma_wait3A_299 = arith.constant 0 : i32
      %dma_wait3A_300 = tpu.memref_slice %arg27[%add3A_241, %dma_wait3A_299] : memref<10240x128xf32, #tpu.memory_space<vmem_shared>> -> memref<64x128xf32, #tpu.memory_space<vmem_shared>>
      tpu.wait_dma2 semaphore(%run_scoped3A : memref<!tpu.dma_semaphore, #tpu.memory_space<semaphore_mem>>) src(%dma_wait3A_300 : memref<64x128xf32, #tpu.memory_space<vmem_shared>>) dst(%arg14 : memref<64x128xf32, #tpu.memory_space<vmem>>)
      tpu.yield
    }) : () -> ()
    %mul3A_242 = arith.constant 640 : i32
    %mul3A_243 = arith.muli %arg1, %mul3A_242 : i32
    %add3A_244 = arith.constant 448 : i32
    %add3A_245 = arith.addi %mul3A_243, %add3A_244 : i32
    "tpu.region"() ({
      %run_scoped3A = tpu.sem_alloc : memref<!tpu.dma_semaphore, #tpu.memory_space<semaphore_mem>>
      %dma_start3A = arith.constant 0 : i32
      %dma_start3A_295 = tpu.memref_slice %arg10[%arg0, %add3A_245, %dma_start3A] : memref<2x10240x128xf32, #tpu.memory_space<hbm>> -> memref<1x64x128xf32, #tpu.memory_space<hbm>>
      %dma_start3A_296 = tpu.memref_squeeze %dma_start3A_295 : memref<1x64x128xf32, #tpu.memory_space<hbm>> -> memref<64x128xf32, #tpu.memory_space<hbm>>
      %dma_start3A_297 = arith.constant 0 : i32
      %dma_start3A_298 = tpu.memref_slice %arg10[%arg0, %add3A_245, %dma_start3A_297] : memref<2x10240x128xf32, #tpu.memory_space<hbm>> -> memref<1x64x128xf32, #tpu.memory_space<hbm>>
      %dma_start3A_299 = tpu.memref_squeeze %dma_start3A_298 : memref<1x64x128xf32, #tpu.memory_space<hbm>> -> memref<64x128xf32, #tpu.memory_space<hbm>>
      tpu.enqueue_dma source(%arg14 : memref<64x128xf32, #tpu.memory_space<vmem>>) target(%dma_start3A_299 : memref<64x128xf32, #tpu.memory_space<hbm>>) target_semaphore(%run_scoped3A : memref<!tpu.dma_semaphore, #tpu.memory_space<semaphore_mem>>)
      %dma_wait3A = arith.constant 0 : i32
      %dma_wait3A_300 = tpu.memref_slice %arg10[%arg0, %add3A_245, %dma_wait3A] : memref<2x10240x128xf32, #tpu.memory_space<hbm>> -> memref<1x64x128xf32, #tpu.memory_space<hbm>>
      %dma_wait3A_301 = tpu.memref_squeeze %dma_wait3A_300 : memref<1x64x128xf32, #tpu.memory_space<hbm>> -> memref<64x128xf32, #tpu.memory_space<hbm>>
      %dma_wait3A_302 = arith.constant 0 : i32
      %dma_wait3A_303 = tpu.memref_slice %arg10[%arg0, %add3A_245, %dma_wait3A_302] : memref<2x10240x128xf32, #tpu.memory_space<hbm>> -> memref<1x64x128xf32, #tpu.memory_space<hbm>>
      %dma_wait3A_304 = tpu.memref_squeeze %dma_wait3A_303 : memref<1x64x128xf32, #tpu.memory_space<hbm>> -> memref<64x128xf32, #tpu.memory_space<hbm>>
      tpu.wait_dma2 semaphore(%run_scoped3A : memref<!tpu.dma_semaphore, #tpu.memory_space<semaphore_mem>>) src(%arg14 : memref<64x128xf32, #tpu.memory_space<vmem>>) dst(%dma_wait3A_304 : memref<64x128xf32, #tpu.memory_space<hbm>>)
      tpu.yield
    }) : () -> ()
    %mul3A_246 = arith.constant 640 : i32
    %mul3A_247 = arith.muli %arg1, %mul3A_246 : i32
    %add3A_248 = arith.constant 448 : i32
    %add3A_249 = arith.addi %mul3A_247, %add3A_248 : i32
    "tpu.region"() ({
      %run_scoped3A = tpu.sem_alloc : memref<!tpu.dma_semaphore, #tpu.memory_space<semaphore_mem>>
      %dma_start3A = tpu.memref_slice %arg28[%add3A_249] : memref<10240xf32, #tpu.memory_space<vmem_shared>> -> memref<64xf32, #tpu.memory_space<vmem_shared>>
      %dma_start3A_295 = tpu.memref_slice %arg28[%add3A_249] : memref<10240xf32, #tpu.memory_space<vmem_shared>> -> memref<64xf32, #tpu.memory_space<vmem_shared>>
      tpu.enqueue_dma source(%dma_start3A_295 : memref<64xf32, #tpu.memory_space<vmem_shared>>) target(%arg20 : memref<64xf32, #tpu.memory_space<vmem>>) target_semaphore(%run_scoped3A : memref<!tpu.dma_semaphore, #tpu.memory_space<semaphore_mem>>)
      %dma_wait3A = tpu.memref_slice %arg28[%add3A_249] : memref<10240xf32, #tpu.memory_space<vmem_shared>> -> memref<64xf32, #tpu.memory_space<vmem_shared>>
      %dma_wait3A_296 = tpu.memref_slice %arg28[%add3A_249] : memref<10240xf32, #tpu.memory_space<vmem_shared>> -> memref<64xf32, #tpu.memory_space<vmem_shared>>
      tpu.wait_dma2 semaphore(%run_scoped3A : memref<!tpu.dma_semaphore, #tpu.memory_space<semaphore_mem>>) src(%dma_wait3A_296 : memref<64xf32, #tpu.memory_space<vmem_shared>>) dst(%arg20 : memref<64xf32, #tpu.memory_space<vmem>>)
      tpu.yield
    }) : () -> ()
    %mul3A_250 = arith.constant 10240 : i32
    %mul3A_251 = arith.muli %arg0, %mul3A_250 : i32
    %mul3A_252 = arith.constant 640 : i32
    %mul3A_253 = arith.muli %arg1, %mul3A_252 : i32
    %add3A_254 = arith.addi %mul3A_251, %mul3A_253 : i32
    %add3A_255 = arith.constant 448 : i32
    %add3A_256 = arith.addi %add3A_254, %add3A_255 : i32
    "tpu.region"() ({
      %run_scoped3A = tpu.sem_alloc : memref<!tpu.dma_semaphore, #tpu.memory_space<semaphore_mem>>
      %dma_start3A = tpu.memref_slice %arg11[%add3A_256] : memref<20480xf32, #tpu.memory_space<hbm>> -> memref<64xf32, #tpu.memory_space<hbm>>
      %dma_start3A_295 = tpu.memref_slice %arg11[%add3A_256] : memref<20480xf32, #tpu.memory_space<hbm>> -> memref<64xf32, #tpu.memory_space<hbm>>
      tpu.enqueue_dma source(%arg20 : memref<64xf32, #tpu.memory_space<vmem>>) target(%dma_start3A_295 : memref<64xf32, #tpu.memory_space<hbm>>) target_semaphore(%run_scoped3A : memref<!tpu.dma_semaphore, #tpu.memory_space<semaphore_mem>>)
      %dma_wait3A = tpu.memref_slice %arg11[%add3A_256] : memref<20480xf32, #tpu.memory_space<hbm>> -> memref<64xf32, #tpu.memory_space<hbm>>
      %dma_wait3A_296 = tpu.memref_slice %arg11[%add3A_256] : memref<20480xf32, #tpu.memory_space<hbm>> -> memref<64xf32, #tpu.memory_space<hbm>>
      tpu.wait_dma2 semaphore(%run_scoped3A : memref<!tpu.dma_semaphore, #tpu.memory_space<semaphore_mem>>) src(%arg20 : memref<64xf32, #tpu.memory_space<vmem>>) dst(%dma_wait3A_296 : memref<64xf32, #tpu.memory_space<hbm>>)
      tpu.yield
    }) : () -> ()
    %mul3A_257 = arith.constant 640 : i32
    %mul3A_258 = arith.muli %arg1, %mul3A_257 : i32
    %add3A_259 = arith.constant 512 : i32
    %add3A_260 = arith.addi %mul3A_258, %add3A_259 : i32
    "tpu.region"() ({
      %run_scoped3A = tpu.sem_alloc : memref<!tpu.dma_semaphore, #tpu.memory_space<semaphore_mem>>
      %dma_start3A = arith.constant 0 : i32
      %dma_start3A_295 = tpu.memref_slice %arg27[%add3A_260, %dma_start3A] : memref<10240x128xf32, #tpu.memory_space<vmem_shared>> -> memref<64x128xf32, #tpu.memory_space<vmem_shared>>
      %dma_start3A_296 = arith.constant 0 : i32
      %dma_start3A_297 = tpu.memref_slice %arg27[%add3A_260, %dma_start3A_296] : memref<10240x128xf32, #tpu.memory_space<vmem_shared>> -> memref<64x128xf32, #tpu.memory_space<vmem_shared>>
      tpu.enqueue_dma source(%dma_start3A_297 : memref<64x128xf32, #tpu.memory_space<vmem_shared>>) target(%arg14 : memref<64x128xf32, #tpu.memory_space<vmem>>) target_semaphore(%run_scoped3A : memref<!tpu.dma_semaphore, #tpu.memory_space<semaphore_mem>>)
      %dma_wait3A = arith.constant 0 : i32
      %dma_wait3A_298 = tpu.memref_slice %arg27[%add3A_260, %dma_wait3A] : memref<10240x128xf32, #tpu.memory_space<vmem_shared>> -> memref<64x128xf32, #tpu.memory_space<vmem_shared>>
      %dma_wait3A_299 = arith.constant 0 : i32
      %dma_wait3A_300 = tpu.memref_slice %arg27[%add3A_260, %dma_wait3A_299] : memref<10240x128xf32, #tpu.memory_space<vmem_shared>> -> memref<64x128xf32, #tpu.memory_space<vmem_shared>>
      tpu.wait_dma2 semaphore(%run_scoped3A : memref<!tpu.dma_semaphore, #tpu.memory_space<semaphore_mem>>) src(%dma_wait3A_300 : memref<64x128xf32, #tpu.memory_space<vmem_shared>>) dst(%arg14 : memref<64x128xf32, #tpu.memory_space<vmem>>)
      tpu.yield
    }) : () -> ()
    %mul3A_261 = arith.constant 640 : i32
    %mul3A_262 = arith.muli %arg1, %mul3A_261 : i32
    %add3A_263 = arith.constant 512 : i32
    %add3A_264 = arith.addi %mul3A_262, %add3A_263 : i32
    "tpu.region"() ({
      %run_scoped3A = tpu.sem_alloc : memref<!tpu.dma_semaphore, #tpu.memory_space<semaphore_mem>>
      %dma_start3A = arith.constant 0 : i32
      %dma_start3A_295 = tpu.memref_slice %arg10[%arg0, %add3A_264, %dma_start3A] : memref<2x10240x128xf32, #tpu.memory_space<hbm>> -> memref<1x64x128xf32, #tpu.memory_space<hbm>>
      %dma_start3A_296 = tpu.memref_squeeze %dma_start3A_295 : memref<1x64x128xf32, #tpu.memory_space<hbm>> -> memref<64x128xf32, #tpu.memory_space<hbm>>
      %dma_start3A_297 = arith.constant 0 : i32
      %dma_start3A_298 = tpu.memref_slice %arg10[%arg0, %add3A_264, %dma_start3A_297] : memref<2x10240x128xf32, #tpu.memory_space<hbm>> -> memref<1x64x128xf32, #tpu.memory_space<hbm>>
      %dma_start3A_299 = tpu.memref_squeeze %dma_start3A_298 : memref<1x64x128xf32, #tpu.memory_space<hbm>> -> memref<64x128xf32, #tpu.memory_space<hbm>>
      tpu.enqueue_dma source(%arg14 : memref<64x128xf32, #tpu.memory_space<vmem>>) target(%dma_start3A_299 : memref<64x128xf32, #tpu.memory_space<hbm>>) target_semaphore(%run_scoped3A : memref<!tpu.dma_semaphore, #tpu.memory_space<semaphore_mem>>)
      %dma_wait3A = arith.constant 0 : i32
      %dma_wait3A_300 = tpu.memref_slice %arg10[%arg0, %add3A_264, %dma_wait3A] : memref<2x10240x128xf32, #tpu.memory_space<hbm>> -> memref<1x64x128xf32, #tpu.memory_space<hbm>>
      %dma_wait3A_301 = tpu.memref_squeeze %dma_wait3A_300 : memref<1x64x128xf32, #tpu.memory_space<hbm>> -> memref<64x128xf32, #tpu.memory_space<hbm>>
      %dma_wait3A_302 = arith.constant 0 : i32
      %dma_wait3A_303 = tpu.memref_slice %arg10[%arg0, %add3A_264, %dma_wait3A_302] : memref<2x10240x128xf32, #tpu.memory_space<hbm>> -> memref<1x64x128xf32, #tpu.memory_space<hbm>>
      %dma_wait3A_304 = tpu.memref_squeeze %dma_wait3A_303 : memref<1x64x128xf32, #tpu.memory_space<hbm>> -> memref<64x128xf32, #tpu.memory_space<hbm>>
      tpu.wait_dma2 semaphore(%run_scoped3A : memref<!tpu.dma_semaphore, #tpu.memory_space<semaphore_mem>>) src(%arg14 : memref<64x128xf32, #tpu.memory_space<vmem>>) dst(%dma_wait3A_304 : memref<64x128xf32, #tpu.memory_space<hbm>>)
      tpu.yield
    }) : () -> ()
    %mul3A_265 = arith.constant 640 : i32
    %mul3A_266 = arith.muli %arg1, %mul3A_265 : i32
    %add3A_267 = arith.constant 512 : i32
    %add3A_268 = arith.addi %mul3A_266, %add3A_267 : i32
    "tpu.region"() ({
      %run_scoped3A = tpu.sem_alloc : memref<!tpu.dma_semaphore, #tpu.memory_space<semaphore_mem>>
      %dma_start3A = tpu.memref_slice %arg28[%add3A_268] : memref<10240xf32, #tpu.memory_space<vmem_shared>> -> memref<64xf32, #tpu.memory_space<vmem_shared>>
      %dma_start3A_295 = tpu.memref_slice %arg28[%add3A_268] : memref<10240xf32, #tpu.memory_space<vmem_shared>> -> memref<64xf32, #tpu.memory_space<vmem_shared>>
      tpu.enqueue_dma source(%dma_start3A_295 : memref<64xf32, #tpu.memory_space<vmem_shared>>) target(%arg20 : memref<64xf32, #tpu.memory_space<vmem>>) target_semaphore(%run_scoped3A : memref<!tpu.dma_semaphore, #tpu.memory_space<semaphore_mem>>)
      %dma_wait3A = tpu.memref_slice %arg28[%add3A_268] : memref<10240xf32, #tpu.memory_space<vmem_shared>> -> memref<64xf32, #tpu.memory_space<vmem_shared>>
      %dma_wait3A_296 = tpu.memref_slice %arg28[%add3A_268] : memref<10240xf32, #tpu.memory_space<vmem_shared>> -> memref<64xf32, #tpu.memory_space<vmem_shared>>
      tpu.wait_dma2 semaphore(%run_scoped3A : memref<!tpu.dma_semaphore, #tpu.memory_space<semaphore_mem>>) src(%dma_wait3A_296 : memref<64xf32, #tpu.memory_space<vmem_shared>>) dst(%arg20 : memref<64xf32, #tpu.memory_space<vmem>>)
      tpu.yield
    }) : () -> ()
    %mul3A_269 = arith.constant 10240 : i32
    %mul3A_270 = arith.muli %arg0, %mul3A_269 : i32
    %mul3A_271 = arith.constant 640 : i32
    %mul3A_272 = arith.muli %arg1, %mul3A_271 : i32
    %add3A_273 = arith.addi %mul3A_270, %mul3A_272 : i32
    %add3A_274 = arith.constant 512 : i32
    %add3A_275 = arith.addi %add3A_273, %add3A_274 : i32
    "tpu.region"() ({
      %run_scoped3A = tpu.sem_alloc : memref<!tpu.dma_semaphore, #tpu.memory_space<semaphore_mem>>
      %dma_start3A = tpu.memref_slice %arg11[%add3A_275] : memref<20480xf32, #tpu.memory_space<hbm>> -> memref<64xf32, #tpu.memory_space<hbm>>
      %dma_start3A_295 = tpu.memref_slice %arg11[%add3A_275] : memref<20480xf32, #tpu.memory_space<hbm>> -> memref<64xf32, #tpu.memory_space<hbm>>
      tpu.enqueue_dma source(%arg20 : memref<64xf32, #tpu.memory_space<vmem>>) target(%dma_start3A_295 : memref<64xf32, #tpu.memory_space<hbm>>) target_semaphore(%run_scoped3A : memref<!tpu.dma_semaphore, #tpu.memory_space<semaphore_mem>>)
      %dma_wait3A = tpu.memref_slice %arg11[%add3A_275] : memref<20480xf32, #tpu.memory_space<hbm>> -> memref<64xf32, #tpu.memory_space<hbm>>
      %dma_wait3A_296 = tpu.memref_slice %arg11[%add3A_275] : memref<20480xf32, #tpu.memory_space<hbm>> -> memref<64xf32, #tpu.memory_space<hbm>>
      tpu.wait_dma2 semaphore(%run_scoped3A : memref<!tpu.dma_semaphore, #tpu.memory_space<semaphore_mem>>) src(%arg20 : memref<64xf32, #tpu.memory_space<vmem>>) dst(%dma_wait3A_296 : memref<64xf32, #tpu.memory_space<hbm>>)
      tpu.yield
    }) : () -> ()
    %mul3A_276 = arith.constant 640 : i32
    %mul3A_277 = arith.muli %arg1, %mul3A_276 : i32
    %add3A_278 = arith.constant 576 : i32
    %add3A_279 = arith.addi %mul3A_277, %add3A_278 : i32
    "tpu.region"() ({
      %run_scoped3A = tpu.sem_alloc : memref<!tpu.dma_semaphore, #tpu.memory_space<semaphore_mem>>
      %dma_start3A = arith.constant 0 : i32
      %dma_start3A_295 = tpu.memref_slice %arg27[%add3A_279, %dma_start3A] : memref<10240x128xf32, #tpu.memory_space<vmem_shared>> -> memref<64x128xf32, #tpu.memory_space<vmem_shared>>
      %dma_start3A_296 = arith.constant 0 : i32
      %dma_start3A_297 = tpu.memref_slice %arg27[%add3A_279, %dma_start3A_296] : memref<10240x128xf32, #tpu.memory_space<vmem_shared>> -> memref<64x128xf32, #tpu.memory_space<vmem_shared>>
      tpu.enqueue_dma source(%dma_start3A_297 : memref<64x128xf32, #tpu.memory_space<vmem_shared>>) target(%arg14 : memref<64x128xf32, #tpu.memory_space<vmem>>) target_semaphore(%run_scoped3A : memref<!tpu.dma_semaphore, #tpu.memory_space<semaphore_mem>>)
      %dma_wait3A = arith.constant 0 : i32
      %dma_wait3A_298 = tpu.memref_slice %arg27[%add3A_279, %dma_wait3A] : memref<10240x128xf32, #tpu.memory_space<vmem_shared>> -> memref<64x128xf32, #tpu.memory_space<vmem_shared>>
      %dma_wait3A_299 = arith.constant 0 : i32
      %dma_wait3A_300 = tpu.memref_slice %arg27[%add3A_279, %dma_wait3A_299] : memref<10240x128xf32, #tpu.memory_space<vmem_shared>> -> memref<64x128xf32, #tpu.memory_space<vmem_shared>>
      tpu.wait_dma2 semaphore(%run_scoped3A : memref<!tpu.dma_semaphore, #tpu.memory_space<semaphore_mem>>) src(%dma_wait3A_300 : memref<64x128xf32, #tpu.memory_space<vmem_shared>>) dst(%arg14 : memref<64x128xf32, #tpu.memory_space<vmem>>)
      tpu.yield
    }) : () -> ()
    %mul3A_280 = arith.constant 640 : i32
    %mul3A_281 = arith.muli %arg1, %mul3A_280 : i32
    %add3A_282 = arith.constant 576 : i32
    %add3A_283 = arith.addi %mul3A_281, %add3A_282 : i32
    "tpu.region"() ({
      %run_scoped3A = tpu.sem_alloc : memref<!tpu.dma_semaphore, #tpu.memory_space<semaphore_mem>>
      %dma_start3A = arith.constant 0 : i32
      %dma_start3A_295 = tpu.memref_slice %arg10[%arg0, %add3A_283, %dma_start3A] : memref<2x10240x128xf32, #tpu.memory_space<hbm>> -> memref<1x64x128xf32, #tpu.memory_space<hbm>>
      %dma_start3A_296 = tpu.memref_squeeze %dma_start3A_295 : memref<1x64x128xf32, #tpu.memory_space<hbm>> -> memref<64x128xf32, #tpu.memory_space<hbm>>
      %dma_start3A_297 = arith.constant 0 : i32
      %dma_start3A_298 = tpu.memref_slice %arg10[%arg0, %add3A_283, %dma_start3A_297] : memref<2x10240x128xf32, #tpu.memory_space<hbm>> -> memref<1x64x128xf32, #tpu.memory_space<hbm>>
      %dma_start3A_299 = tpu.memref_squeeze %dma_start3A_298 : memref<1x64x128xf32, #tpu.memory_space<hbm>> -> memref<64x128xf32, #tpu.memory_space<hbm>>
      tpu.enqueue_dma source(%arg14 : memref<64x128xf32, #tpu.memory_space<vmem>>) target(%dma_start3A_299 : memref<64x128xf32, #tpu.memory_space<hbm>>) target_semaphore(%run_scoped3A : memref<!tpu.dma_semaphore, #tpu.memory_space<semaphore_mem>>)
      %dma_wait3A = arith.constant 0 : i32
      %dma_wait3A_300 = tpu.memref_slice %arg10[%arg0, %add3A_283, %dma_wait3A] : memref<2x10240x128xf32, #tpu.memory_space<hbm>> -> memref<1x64x128xf32, #tpu.memory_space<hbm>>
      %dma_wait3A_301 = tpu.memref_squeeze %dma_wait3A_300 : memref<1x64x128xf32, #tpu.memory_space<hbm>> -> memref<64x128xf32, #tpu.memory_space<hbm>>
      %dma_wait3A_302 = arith.constant 0 : i32
      %dma_wait3A_303 = tpu.memref_slice %arg10[%arg0, %add3A_283, %dma_wait3A_302] : memref<2x10240x128xf32, #tpu.memory_space<hbm>> -> memref<1x64x128xf32, #tpu.memory_space<hbm>>
      %dma_wait3A_304 = tpu.memref_squeeze %dma_wait3A_303 : memref<1x64x128xf32, #tpu.memory_space<hbm>> -> memref<64x128xf32, #tpu.memory_space<hbm>>
      tpu.wait_dma2 semaphore(%run_scoped3A : memref<!tpu.dma_semaphore, #tpu.memory_space<semaphore_mem>>) src(%arg14 : memref<64x128xf32, #tpu.memory_space<vmem>>) dst(%dma_wait3A_304 : memref<64x128xf32, #tpu.memory_space<hbm>>)
      tpu.yield
    }) : () -> ()
    %mul3A_284 = arith.constant 640 : i32
    %mul3A_285 = arith.muli %arg1, %mul3A_284 : i32
    %add3A_286 = arith.constant 576 : i32
    %add3A_287 = arith.addi %mul3A_285, %add3A_286 : i32
    "tpu.region"() ({
      %run_scoped3A = tpu.sem_alloc : memref<!tpu.dma_semaphore, #tpu.memory_space<semaphore_mem>>
      %dma_start3A = tpu.memref_slice %arg28[%add3A_287] : memref<10240xf32, #tpu.memory_space<vmem_shared>> -> memref<64xf32, #tpu.memory_space<vmem_shared>>
      %dma_start3A_295 = tpu.memref_slice %arg28[%add3A_287] : memref<10240xf32, #tpu.memory_space<vmem_shared>> -> memref<64xf32, #tpu.memory_space<vmem_shared>>
      tpu.enqueue_dma source(%dma_start3A_295 : memref<64xf32, #tpu.memory_space<vmem_shared>>) target(%arg20 : memref<64xf32, #tpu.memory_space<vmem>>) target_semaphore(%run_scoped3A : memref<!tpu.dma_semaphore, #tpu.memory_space<semaphore_mem>>)
      %dma_wait3A = tpu.memref_slice %arg28[%add3A_287] : memref<10240xf32, #tpu.memory_space<vmem_shared>> -> memref<64xf32, #tpu.memory_space<vmem_shared>>
      %dma_wait3A_296 = tpu.memref_slice %arg28[%add3A_287] : memref<10240xf32, #tpu.memory_space<vmem_shared>> -> memref<64xf32, #tpu.memory_space<vmem_shared>>
      tpu.wait_dma2 semaphore(%run_scoped3A : memref<!tpu.dma_semaphore, #tpu.memory_space<semaphore_mem>>) src(%dma_wait3A_296 : memref<64xf32, #tpu.memory_space<vmem_shared>>) dst(%arg20 : memref<64xf32, #tpu.memory_space<vmem>>)
      tpu.yield
    }) : () -> ()
    %mul3A_288 = arith.constant 10240 : i32
    %mul3A_289 = arith.muli %arg0, %mul3A_288 : i32
    %mul3A_290 = arith.constant 640 : i32
    %mul3A_291 = arith.muli %arg1, %mul3A_290 : i32
    %add3A_292 = arith.addi %mul3A_289, %mul3A_291 : i32
    %add3A_293 = arith.constant 576 : i32
    %add3A_294 = arith.addi %add3A_292, %add3A_293 : i32
    "tpu.region"() ({
      %run_scoped3A = tpu.sem_alloc : memref<!tpu.dma_semaphore, #tpu.memory_space<semaphore_mem>>
      %dma_start3A = tpu.memref_slice %arg11[%add3A_294] : memref<20480xf32, #tpu.memory_space<hbm>> -> memref<64xf32, #tpu.memory_space<hbm>>
      %dma_start3A_295 = tpu.memref_slice %arg11[%add3A_294] : memref<20480xf32, #tpu.memory_space<hbm>> -> memref<64xf32, #tpu.memory_space<hbm>>
      tpu.enqueue_dma source(%arg20 : memref<64xf32, #tpu.memory_space<vmem>>) target(%dma_start3A_295 : memref<64xf32, #tpu.memory_space<hbm>>) target_semaphore(%run_scoped3A : memref<!tpu.dma_semaphore, #tpu.memory_space<semaphore_mem>>)
      %dma_wait3A = tpu.memref_slice %arg11[%add3A_294] : memref<20480xf32, #tpu.memory_space<hbm>> -> memref<64xf32, #tpu.memory_space<hbm>>
      %dma_wait3A_296 = tpu.memref_slice %arg11[%add3A_294] : memref<20480xf32, #tpu.memory_space<hbm>> -> memref<64xf32, #tpu.memory_space<hbm>>
      tpu.wait_dma2 semaphore(%run_scoped3A : memref<!tpu.dma_semaphore, #tpu.memory_space<semaphore_mem>>) src(%arg20 : memref<64xf32, #tpu.memory_space<vmem>>) dst(%dma_wait3A_296 : memref<64xf32, #tpu.memory_space<hbm>>)
      tpu.yield
    }) : () -> ()
    return
  }
}

#map = affine_map<(d0, d1) -> (0, 0, 0)>
#map1 = affine_map<(d0, d1) -> (0)>
module attributes {stable_mosaic.version = 14 : i64} {
  func.func @deg_kernel(%arg0: i32, %arg1: i32, %arg2: memref<32x80x128xi32, #tpu.memory_space<hbm>>, %arg3: memref<128xf32, #tpu.memory_space<hbm>>, %arg4: memref<20480xf32, #tpu.memory_space<hbm>>, %arg5: memref<80x128xi32, #tpu.memory_space<vmem>>, %arg6: memref<128xf32, #tpu.memory_space<vmem>>, %arg7: memref<128xf32, #tpu.memory_space<vmem>>, %arg8: memref<10240xf32, #tpu.memory_space<vmem_shared>>) attributes {dimension_semantics = [#tpu.dimension_semantics<core_parallel>, #tpu.dimension_semantics<subcore_parallel>], iteration_bounds = array<i64: 2, 16>, scalar_prefetch = 0 : i64, scratch_operands = 4 : i64, tpu.core_type = #tpu.core_type<sc_vector_subcore>, window_params = [{transform_indices = #map}, {transform_indices = #map1}, {transform_indices = #map1}]} {
    %mul3A = arith.constant 16 : i32
    %mul3A_0 = arith.muli %arg0, %mul3A : i32
    %add3A = arith.addi %mul3A_0, %arg1 : i32
    "tpu.region"() ({
      %run_scoped3A = tpu.sem_alloc : memref<!tpu.dma_semaphore, #tpu.memory_space<semaphore_mem>>
      tpu.enqueue_dma source(%arg3 : memref<128xf32, #tpu.memory_space<hbm>>) target(%arg7 : memref<128xf32, #tpu.memory_space<vmem>>) target_semaphore(%run_scoped3A : memref<!tpu.dma_semaphore, #tpu.memory_space<semaphore_mem>>)
      tpu.wait_dma2 semaphore(%run_scoped3A : memref<!tpu.dma_semaphore, #tpu.memory_space<semaphore_mem>>) src(%arg3 : memref<128xf32, #tpu.memory_space<hbm>>) dst(%arg7 : memref<128xf32, #tpu.memory_space<vmem>>)
      tpu.yield
    }) : () -> ()
    %mul3A_1 = arith.constant 640 : i32
    %mul3A_2 = arith.muli %arg1, %mul3A_1 : i32
    %add3A_3 = arith.constant 0 : i32
    %add3A_4 = arith.addi %mul3A_2, %add3A_3 : i32
    "tpu.region"() ({
      %run_scoped3A = tpu.sem_alloc : memref<!tpu.dma_semaphore, #tpu.memory_space<semaphore_mem>>
      %dma_start3A = tpu.memref_slice %arg8[%add3A_4] : memref<10240xf32, #tpu.memory_space<vmem_shared>> -> memref<128xf32, #tpu.memory_space<vmem_shared>>
      %dma_start3A_128 = tpu.memref_slice %arg8[%add3A_4] : memref<10240xf32, #tpu.memory_space<vmem_shared>> -> memref<128xf32, #tpu.memory_space<vmem_shared>>
      tpu.enqueue_dma source(%arg7 : memref<128xf32, #tpu.memory_space<vmem>>) target(%dma_start3A_128 : memref<128xf32, #tpu.memory_space<vmem_shared>>) target_semaphore(%run_scoped3A : memref<!tpu.dma_semaphore, #tpu.memory_space<semaphore_mem>>)
      %dma_wait3A = tpu.memref_slice %arg8[%add3A_4] : memref<10240xf32, #tpu.memory_space<vmem_shared>> -> memref<128xf32, #tpu.memory_space<vmem_shared>>
      %dma_wait3A_129 = tpu.memref_slice %arg8[%add3A_4] : memref<10240xf32, #tpu.memory_space<vmem_shared>> -> memref<128xf32, #tpu.memory_space<vmem_shared>>
      tpu.wait_dma2 semaphore(%run_scoped3A : memref<!tpu.dma_semaphore, #tpu.memory_space<semaphore_mem>>) src(%arg7 : memref<128xf32, #tpu.memory_space<vmem>>) dst(%dma_wait3A_129 : memref<128xf32, #tpu.memory_space<vmem_shared>>)
      tpu.yield
    }) : () -> ()
    %mul3A_5 = arith.constant 640 : i32
    %mul3A_6 = arith.muli %arg1, %mul3A_5 : i32
    %add3A_7 = arith.constant 128 : i32
    %add3A_8 = arith.addi %mul3A_6, %add3A_7 : i32
    "tpu.region"() ({
      %run_scoped3A = tpu.sem_alloc : memref<!tpu.dma_semaphore, #tpu.memory_space<semaphore_mem>>
      %dma_start3A = tpu.memref_slice %arg8[%add3A_8] : memref<10240xf32, #tpu.memory_space<vmem_shared>> -> memref<128xf32, #tpu.memory_space<vmem_shared>>
      %dma_start3A_128 = tpu.memref_slice %arg8[%add3A_8] : memref<10240xf32, #tpu.memory_space<vmem_shared>> -> memref<128xf32, #tpu.memory_space<vmem_shared>>
      tpu.enqueue_dma source(%arg7 : memref<128xf32, #tpu.memory_space<vmem>>) target(%dma_start3A_128 : memref<128xf32, #tpu.memory_space<vmem_shared>>) target_semaphore(%run_scoped3A : memref<!tpu.dma_semaphore, #tpu.memory_space<semaphore_mem>>)
      %dma_wait3A = tpu.memref_slice %arg8[%add3A_8] : memref<10240xf32, #tpu.memory_space<vmem_shared>> -> memref<128xf32, #tpu.memory_space<vmem_shared>>
      %dma_wait3A_129 = tpu.memref_slice %arg8[%add3A_8] : memref<10240xf32, #tpu.memory_space<vmem_shared>> -> memref<128xf32, #tpu.memory_space<vmem_shared>>
      tpu.wait_dma2 semaphore(%run_scoped3A : memref<!tpu.dma_semaphore, #tpu.memory_space<semaphore_mem>>) src(%arg7 : memref<128xf32, #tpu.memory_space<vmem>>) dst(%dma_wait3A_129 : memref<128xf32, #tpu.memory_space<vmem_shared>>)
      tpu.yield
    }) : () -> ()
    %mul3A_9 = arith.constant 640 : i32
    %mul3A_10 = arith.muli %arg1, %mul3A_9 : i32
    %add3A_11 = arith.constant 256 : i32
    %add3A_12 = arith.addi %mul3A_10, %add3A_11 : i32
    "tpu.region"() ({
      %run_scoped3A = tpu.sem_alloc : memref<!tpu.dma_semaphore, #tpu.memory_space<semaphore_mem>>
      %dma_start3A = tpu.memref_slice %arg8[%add3A_12] : memref<10240xf32, #tpu.memory_space<vmem_shared>> -> memref<128xf32, #tpu.memory_space<vmem_shared>>
      %dma_start3A_128 = tpu.memref_slice %arg8[%add3A_12] : memref<10240xf32, #tpu.memory_space<vmem_shared>> -> memref<128xf32, #tpu.memory_space<vmem_shared>>
      tpu.enqueue_dma source(%arg7 : memref<128xf32, #tpu.memory_space<vmem>>) target(%dma_start3A_128 : memref<128xf32, #tpu.memory_space<vmem_shared>>) target_semaphore(%run_scoped3A : memref<!tpu.dma_semaphore, #tpu.memory_space<semaphore_mem>>)
      %dma_wait3A = tpu.memref_slice %arg8[%add3A_12] : memref<10240xf32, #tpu.memory_space<vmem_shared>> -> memref<128xf32, #tpu.memory_space<vmem_shared>>
      %dma_wait3A_129 = tpu.memref_slice %arg8[%add3A_12] : memref<10240xf32, #tpu.memory_space<vmem_shared>> -> memref<128xf32, #tpu.memory_space<vmem_shared>>
      tpu.wait_dma2 semaphore(%run_scoped3A : memref<!tpu.dma_semaphore, #tpu.memory_space<semaphore_mem>>) src(%arg7 : memref<128xf32, #tpu.memory_space<vmem>>) dst(%dma_wait3A_129 : memref<128xf32, #tpu.memory_space<vmem_shared>>)
      tpu.yield
    }) : () -> ()
    %mul3A_13 = arith.constant 640 : i32
    %mul3A_14 = arith.muli %arg1, %mul3A_13 : i32
    %add3A_15 = arith.constant 384 : i32
    %add3A_16 = arith.addi %mul3A_14, %add3A_15 : i32
    "tpu.region"() ({
      %run_scoped3A = tpu.sem_alloc : memref<!tpu.dma_semaphore, #tpu.memory_space<semaphore_mem>>
      %dma_start3A = tpu.memref_slice %arg8[%add3A_16] : memref<10240xf32, #tpu.memory_space<vmem_shared>> -> memref<128xf32, #tpu.memory_space<vmem_shared>>
      %dma_start3A_128 = tpu.memref_slice %arg8[%add3A_16] : memref<10240xf32, #tpu.memory_space<vmem_shared>> -> memref<128xf32, #tpu.memory_space<vmem_shared>>
      tpu.enqueue_dma source(%arg7 : memref<128xf32, #tpu.memory_space<vmem>>) target(%dma_start3A_128 : memref<128xf32, #tpu.memory_space<vmem_shared>>) target_semaphore(%run_scoped3A : memref<!tpu.dma_semaphore, #tpu.memory_space<semaphore_mem>>)
      %dma_wait3A = tpu.memref_slice %arg8[%add3A_16] : memref<10240xf32, #tpu.memory_space<vmem_shared>> -> memref<128xf32, #tpu.memory_space<vmem_shared>>
      %dma_wait3A_129 = tpu.memref_slice %arg8[%add3A_16] : memref<10240xf32, #tpu.memory_space<vmem_shared>> -> memref<128xf32, #tpu.memory_space<vmem_shared>>
      tpu.wait_dma2 semaphore(%run_scoped3A : memref<!tpu.dma_semaphore, #tpu.memory_space<semaphore_mem>>) src(%arg7 : memref<128xf32, #tpu.memory_space<vmem>>) dst(%dma_wait3A_129 : memref<128xf32, #tpu.memory_space<vmem_shared>>)
      tpu.yield
    }) : () -> ()
    %mul3A_17 = arith.constant 640 : i32
    %mul3A_18 = arith.muli %arg1, %mul3A_17 : i32
    %add3A_19 = arith.constant 512 : i32
    %add3A_20 = arith.addi %mul3A_18, %add3A_19 : i32
    "tpu.region"() ({
      %run_scoped3A = tpu.sem_alloc : memref<!tpu.dma_semaphore, #tpu.memory_space<semaphore_mem>>
      %dma_start3A = tpu.memref_slice %arg8[%add3A_20] : memref<10240xf32, #tpu.memory_space<vmem_shared>> -> memref<128xf32, #tpu.memory_space<vmem_shared>>
      %dma_start3A_128 = tpu.memref_slice %arg8[%add3A_20] : memref<10240xf32, #tpu.memory_space<vmem_shared>> -> memref<128xf32, #tpu.memory_space<vmem_shared>>
      tpu.enqueue_dma source(%arg7 : memref<128xf32, #tpu.memory_space<vmem>>) target(%dma_start3A_128 : memref<128xf32, #tpu.memory_space<vmem_shared>>) target_semaphore(%run_scoped3A : memref<!tpu.dma_semaphore, #tpu.memory_space<semaphore_mem>>)
      %dma_wait3A = tpu.memref_slice %arg8[%add3A_20] : memref<10240xf32, #tpu.memory_space<vmem_shared>> -> memref<128xf32, #tpu.memory_space<vmem_shared>>
      %dma_wait3A_129 = tpu.memref_slice %arg8[%add3A_20] : memref<10240xf32, #tpu.memory_space<vmem_shared>> -> memref<128xf32, #tpu.memory_space<vmem_shared>>
      tpu.wait_dma2 semaphore(%run_scoped3A : memref<!tpu.dma_semaphore, #tpu.memory_space<semaphore_mem>>) src(%arg7 : memref<128xf32, #tpu.memory_space<vmem>>) dst(%dma_wait3A_129 : memref<128xf32, #tpu.memory_space<vmem_shared>>)
      tpu.yield
    }) : () -> ()
    "tpu.region"() ({
      %run_scoped3A = tpu.sem_alloc : memref<!tpu.dma_semaphore, #tpu.memory_space<semaphore_mem>>
      %dma_start3A = arith.constant 0 : i32
      %dma_start3A_128 = arith.constant 0 : i32
      %dma_start3A_129 = tpu.memref_slice %arg2[%add3A, %dma_start3A, %dma_start3A_128] : memref<32x80x128xi32, #tpu.memory_space<hbm>> -> memref<1x80x128xi32, #tpu.memory_space<hbm>>
      %dma_start3A_130 = tpu.memref_squeeze %dma_start3A_129 : memref<1x80x128xi32, #tpu.memory_space<hbm>> -> memref<80x128xi32, #tpu.memory_space<hbm>>
      %dma_start3A_131 = arith.constant 0 : i32
      %dma_start3A_132 = arith.constant 0 : i32
      %dma_start3A_133 = tpu.memref_slice %arg2[%add3A, %dma_start3A_131, %dma_start3A_132] : memref<32x80x128xi32, #tpu.memory_space<hbm>> -> memref<1x80x128xi32, #tpu.memory_space<hbm>>
      %dma_start3A_134 = tpu.memref_squeeze %dma_start3A_133 : memref<1x80x128xi32, #tpu.memory_space<hbm>> -> memref<80x128xi32, #tpu.memory_space<hbm>>
      tpu.enqueue_dma source(%dma_start3A_134 : memref<80x128xi32, #tpu.memory_space<hbm>>) target(%arg5 : memref<80x128xi32, #tpu.memory_space<vmem>>) target_semaphore(%run_scoped3A : memref<!tpu.dma_semaphore, #tpu.memory_space<semaphore_mem>>)
      %dma_wait3A = arith.constant 0 : i32
      %dma_wait3A_135 = arith.constant 0 : i32
      %dma_wait3A_136 = tpu.memref_slice %arg2[%add3A, %dma_wait3A, %dma_wait3A_135] : memref<32x80x128xi32, #tpu.memory_space<hbm>> -> memref<1x80x128xi32, #tpu.memory_space<hbm>>
      %dma_wait3A_137 = tpu.memref_squeeze %dma_wait3A_136 : memref<1x80x128xi32, #tpu.memory_space<hbm>> -> memref<80x128xi32, #tpu.memory_space<hbm>>
      %dma_wait3A_138 = arith.constant 0 : i32
      %dma_wait3A_139 = arith.constant 0 : i32
      %dma_wait3A_140 = tpu.memref_slice %arg2[%add3A, %dma_wait3A_138, %dma_wait3A_139] : memref<32x80x128xi32, #tpu.memory_space<hbm>> -> memref<1x80x128xi32, #tpu.memory_space<hbm>>
      %dma_wait3A_141 = tpu.memref_squeeze %dma_wait3A_140 : memref<1x80x128xi32, #tpu.memory_space<hbm>> -> memref<80x128xi32, #tpu.memory_space<hbm>>
      tpu.wait_dma2 semaphore(%run_scoped3A : memref<!tpu.dma_semaphore, #tpu.memory_space<semaphore_mem>>) src(%dma_wait3A_141 : memref<80x128xi32, #tpu.memory_space<hbm>>) dst(%arg5 : memref<80x128xi32, #tpu.memory_space<vmem>>)
      tpu.yield
    }) : () -> ()
    %broadcast_in_dim3A = arith.constant 1.000000e+00 : f32
    %broadcast_in_dim3A_21 = vector.broadcast %broadcast_in_dim3A : f32 to vector<16xf32>
    %swap3A = arith.constant 0 : index
    %swap3A_22 = tpu.vector_load %arg6[%swap3A] {strides = array<i32>} : memref<128xf32, #tpu.memory_space<vmem>>, vector<16xf32>,
    %swap3A_23 = vector.shape_cast %swap3A_22 : vector<16xf32> to vector<16xf32>
    %swap3A_24 = vector.shape_cast %broadcast_in_dim3A_21 : vector<16xf32> to vector<16xf32>
    tpu.vector_store %arg6[%swap3A], %swap3A_24 {strides = array<i32>} : memref<128xf32, #tpu.memory_space<vmem>>, vector<16xf32>,
    %broadcast_in_dim3A_25 = arith.constant 1.000000e+00 : f32
    %broadcast_in_dim3A_26 = vector.broadcast %broadcast_in_dim3A_25 : f32 to vector<16xf32>
    %swap3A_27 = arith.constant 16 : index
    %swap3A_28 = tpu.vector_load %arg6[%swap3A_27] {strides = array<i32>} : memref<128xf32, #tpu.memory_space<vmem>>, vector<16xf32>,
    %swap3A_29 = vector.shape_cast %swap3A_28 : vector<16xf32> to vector<16xf32>
    %swap3A_30 = vector.shape_cast %broadcast_in_dim3A_26 : vector<16xf32> to vector<16xf32>
    tpu.vector_store %arg6[%swap3A_27], %swap3A_30 {strides = array<i32>} : memref<128xf32, #tpu.memory_space<vmem>>, vector<16xf32>,
    %broadcast_in_dim3A_31 = arith.constant 1.000000e+00 : f32
    %broadcast_in_dim3A_32 = vector.broadcast %broadcast_in_dim3A_31 : f32 to vector<16xf32>
    %swap3A_33 = arith.constant 32 : index
    %swap3A_34 = tpu.vector_load %arg6[%swap3A_33] {strides = array<i32>} : memref<128xf32, #tpu.memory_space<vmem>>, vector<16xf32>,
    %swap3A_35 = vector.shape_cast %swap3A_34 : vector<16xf32> to vector<16xf32>
    %swap3A_36 = vector.shape_cast %broadcast_in_dim3A_32 : vector<16xf32> to vector<16xf32>
    tpu.vector_store %arg6[%swap3A_33], %swap3A_36 {strides = array<i32>} : memref<128xf32, #tpu.memory_space<vmem>>, vector<16xf32>,
    %broadcast_in_dim3A_37 = arith.constant 1.000000e+00 : f32
    %broadcast_in_dim3A_38 = vector.broadcast %broadcast_in_dim3A_37 : f32 to vector<16xf32>
    %swap3A_39 = arith.constant 48 : index
    %swap3A_40 = tpu.vector_load %arg6[%swap3A_39] {strides = array<i32>} : memref<128xf32, #tpu.memory_space<vmem>>, vector<16xf32>,
    %swap3A_41 = vector.shape_cast %swap3A_40 : vector<16xf32> to vector<16xf32>
    %swap3A_42 = vector.shape_cast %broadcast_in_dim3A_38 : vector<16xf32> to vector<16xf32>
    tpu.vector_store %arg6[%swap3A_39], %swap3A_42 {strides = array<i32>} : memref<128xf32, #tpu.memory_space<vmem>>, vector<16xf32>,
    %broadcast_in_dim3A_43 = arith.constant 1.000000e+00 : f32
    %broadcast_in_dim3A_44 = vector.broadcast %broadcast_in_dim3A_43 : f32 to vector<16xf32>
    %swap3A_45 = arith.constant 64 : index
    %swap3A_46 = tpu.vector_load %arg6[%swap3A_45] {strides = array<i32>} : memref<128xf32, #tpu.memory_space<vmem>>, vector<16xf32>,
    %swap3A_47 = vector.shape_cast %swap3A_46 : vector<16xf32> to vector<16xf32>
    %swap3A_48 = vector.shape_cast %broadcast_in_dim3A_44 : vector<16xf32> to vector<16xf32>
    tpu.vector_store %arg6[%swap3A_45], %swap3A_48 {strides = array<i32>} : memref<128xf32, #tpu.memory_space<vmem>>, vector<16xf32>,
    %broadcast_in_dim3A_49 = arith.constant 1.000000e+00 : f32
    %broadcast_in_dim3A_50 = vector.broadcast %broadcast_in_dim3A_49 : f32 to vector<16xf32>
    %swap3A_51 = arith.constant 80 : index
    %swap3A_52 = tpu.vector_load %arg6[%swap3A_51] {strides = array<i32>} : memref<128xf32, #tpu.memory_space<vmem>>, vector<16xf32>,
    %swap3A_53 = vector.shape_cast %swap3A_52 : vector<16xf32> to vector<16xf32>
    %swap3A_54 = vector.shape_cast %broadcast_in_dim3A_50 : vector<16xf32> to vector<16xf32>
    tpu.vector_store %arg6[%swap3A_51], %swap3A_54 {strides = array<i32>} : memref<128xf32, #tpu.memory_space<vmem>>, vector<16xf32>,
    %broadcast_in_dim3A_55 = arith.constant 1.000000e+00 : f32
    %broadcast_in_dim3A_56 = vector.broadcast %broadcast_in_dim3A_55 : f32 to vector<16xf32>
    %swap3A_57 = arith.constant 96 : index
    %swap3A_58 = tpu.vector_load %arg6[%swap3A_57] {strides = array<i32>} : memref<128xf32, #tpu.memory_space<vmem>>, vector<16xf32>,
    %swap3A_59 = vector.shape_cast %swap3A_58 : vector<16xf32> to vector<16xf32>
    %swap3A_60 = vector.shape_cast %broadcast_in_dim3A_56 : vector<16xf32> to vector<16xf32>
    tpu.vector_store %arg6[%swap3A_57], %swap3A_60 {strides = array<i32>} : memref<128xf32, #tpu.memory_space<vmem>>, vector<16xf32>,
    %broadcast_in_dim3A_61 = arith.constant 1.000000e+00 : f32
    %broadcast_in_dim3A_62 = vector.broadcast %broadcast_in_dim3A_61 : f32 to vector<16xf32>
    %swap3A_63 = arith.constant 112 : index
    %swap3A_64 = tpu.vector_load %arg6[%swap3A_63] {strides = array<i32>} : memref<128xf32, #tpu.memory_space<vmem>>, vector<16xf32>,
    %swap3A_65 = vector.shape_cast %swap3A_64 : vector<16xf32> to vector<16xf32>
    %swap3A_66 = vector.shape_cast %broadcast_in_dim3A_62 : vector<16xf32> to vector<16xf32>
    tpu.vector_store %arg6[%swap3A_63], %swap3A_66 {strides = array<i32>} : memref<128xf32, #tpu.memory_space<vmem>>, vector<16xf32>,
    %barrier3A = arith.constant 0 : index
    tpu.barrier barrier_id(%barrier3A)
    %scan3A = arith.constant 0 : i32
    %scan3A_67 = arith.constant 0 : i32
    %scan3A_68 = arith.constant 80 : i32
    %scan3A_69 = arith.addi %scan3A_67, %scan3A_68 : i32
    %scan3A_70 = arith.constant 1 : i32
    scf.for %scan3A_128 = %scan3A_67 to %scan3A_69 step %scan3A_70  : i32 {
      "tpu.region"() ({
        %run_scoped3A = tpu.sem_alloc : memref<!tpu.dma_semaphore, #tpu.memory_space<semaphore_mem>>
        %dma_start3A = arith.constant 0 : i32
        %dma_start3A_129 = tpu.memref_slice %arg5[%scan3A_128, %dma_start3A] : memref<80x128xi32, #tpu.memory_space<vmem>> -> memref<1x128xi32, #tpu.memory_space<vmem>>
        %dma_start3A_130 = tpu.memref_squeeze %dma_start3A_129 : memref<1x128xi32, #tpu.memory_space<vmem>> -> memref<128xi32, #tpu.memory_space<vmem>>
        %dma_start3A_131 = arith.constant 0 : i32
        %dma_start3A_132 = tpu.memref_slice %arg8[%dma_start3A_131] : memref<10240xf32, #tpu.memory_space<vmem_shared>> -> memref<10240xf32, #tpu.memory_space<vmem_shared>>
        tpu.enqueue_indirect_dma source(%arg6 : memref<128xf32, #tpu.memory_space<vmem>>) target(%dma_start3A_132 : memref<10240xf32, #tpu.memory_space<vmem_shared>>) offsets(%dma_start3A_130 : memref<128xi32, #tpu.memory_space<vmem>>) semaphore(%run_scoped3A : memref<!tpu.dma_semaphore, #tpu.memory_space<semaphore_mem>>) {add = true}
        %dma_wait3A = arith.constant 0 : i32
        %dma_wait3A_133 = tpu.memref_slice %arg5[%scan3A_128, %dma_wait3A] : memref<80x128xi32, #tpu.memory_space<vmem>> -> memref<1x128xi32, #tpu.memory_space<vmem>>
        %dma_wait3A_134 = tpu.memref_squeeze %dma_wait3A_133 : memref<1x128xi32, #tpu.memory_space<vmem>> -> memref<128xi32, #tpu.memory_space<vmem>>
        %dma_wait3A_135 = arith.constant 0 : i32
        %dma_wait3A_136 = tpu.memref_slice %arg8[%dma_wait3A_135] : memref<10240xf32, #tpu.memory_space<vmem_shared>> -> memref<10240xf32, #tpu.memory_space<vmem_shared>>
        tpu.wait_indirect_dma semaphore(%run_scoped3A : memref<!tpu.dma_semaphore, #tpu.memory_space<semaphore_mem>>) src(%arg6 : memref<128xf32, #tpu.memory_space<vmem>>) dst(%dma_wait3A_136 : memref<10240xf32, #tpu.memory_space<vmem_shared>>)
        tpu.yield
      }) : () -> ()
    }
    %scan3A_71 = arith.constant 80 : i32
    %barrier3A_72 = arith.constant 0 : index
    tpu.barrier barrier_id(%barrier3A_72)
    %mul3A_73 = arith.constant 640 : i32
    %mul3A_74 = arith.muli %arg1, %mul3A_73 : i32
    %add3A_75 = arith.constant 0 : i32
    %add3A_76 = arith.addi %mul3A_74, %add3A_75 : i32
    "tpu.region"() ({
      %run_scoped3A = tpu.sem_alloc : memref<!tpu.dma_semaphore, #tpu.memory_space<semaphore_mem>>
      %dma_start3A = tpu.memref_slice %arg8[%add3A_76] : memref<10240xf32, #tpu.memory_space<vmem_shared>> -> memref<128xf32, #tpu.memory_space<vmem_shared>>
      %dma_start3A_128 = tpu.memref_slice %arg8[%add3A_76] : memref<10240xf32, #tpu.memory_space<vmem_shared>> -> memref<128xf32, #tpu.memory_space<vmem_shared>>
      tpu.enqueue_dma source(%dma_start3A_128 : memref<128xf32, #tpu.memory_space<vmem_shared>>) target(%arg7 : memref<128xf32, #tpu.memory_space<vmem>>) target_semaphore(%run_scoped3A : memref<!tpu.dma_semaphore, #tpu.memory_space<semaphore_mem>>)
      %dma_wait3A = tpu.memref_slice %arg8[%add3A_76] : memref<10240xf32, #tpu.memory_space<vmem_shared>> -> memref<128xf32, #tpu.memory_space<vmem_shared>>
      %dma_wait3A_129 = tpu.memref_slice %arg8[%add3A_76] : memref<10240xf32, #tpu.memory_space<vmem_shared>> -> memref<128xf32, #tpu.memory_space<vmem_shared>>
      tpu.wait_dma2 semaphore(%run_scoped3A : memref<!tpu.dma_semaphore, #tpu.memory_space<semaphore_mem>>) src(%dma_wait3A_129 : memref<128xf32, #tpu.memory_space<vmem_shared>>) dst(%arg7 : memref<128xf32, #tpu.memory_space<vmem>>)
      tpu.yield
    }) : () -> ()
    %mul3A_77 = arith.constant 10240 : i32
    %mul3A_78 = arith.muli %arg0, %mul3A_77 : i32
    %mul3A_79 = arith.constant 640 : i32
    %mul3A_80 = arith.muli %arg1, %mul3A_79 : i32
    %add3A_81 = arith.addi %mul3A_78, %mul3A_80 : i32
    %add3A_82 = arith.constant 0 : i32
    %add3A_83 = arith.addi %add3A_81, %add3A_82 : i32
    "tpu.region"() ({
      %run_scoped3A = tpu.sem_alloc : memref<!tpu.dma_semaphore, #tpu.memory_space<semaphore_mem>>
      %dma_start3A = tpu.memref_slice %arg4[%add3A_83] : memref<20480xf32, #tpu.memory_space<hbm>> -> memref<128xf32, #tpu.memory_space<hbm>>
      %dma_start3A_128 = tpu.memref_slice %arg4[%add3A_83] : memref<20480xf32, #tpu.memory_space<hbm>> -> memref<128xf32, #tpu.memory_space<hbm>>
      tpu.enqueue_dma source(%arg7 : memref<128xf32, #tpu.memory_space<vmem>>) target(%dma_start3A_128 : memref<128xf32, #tpu.memory_space<hbm>>) target_semaphore(%run_scoped3A : memref<!tpu.dma_semaphore, #tpu.memory_space<semaphore_mem>>)
      %dma_wait3A = tpu.memref_slice %arg4[%add3A_83] : memref<20480xf32, #tpu.memory_space<hbm>> -> memref<128xf32, #tpu.memory_space<hbm>>
      %dma_wait3A_129 = tpu.memref_slice %arg4[%add3A_83] : memref<20480xf32, #tpu.memory_space<hbm>> -> memref<128xf32, #tpu.memory_space<hbm>>
      tpu.wait_dma2 semaphore(%run_scoped3A : memref<!tpu.dma_semaphore, #tpu.memory_space<semaphore_mem>>) src(%arg7 : memref<128xf32, #tpu.memory_space<vmem>>) dst(%dma_wait3A_129 : memref<128xf32, #tpu.memory_space<hbm>>)
      tpu.yield
    }) : () -> ()
    %mul3A_84 = arith.constant 640 : i32
    %mul3A_85 = arith.muli %arg1, %mul3A_84 : i32
    %add3A_86 = arith.constant 128 : i32
    %add3A_87 = arith.addi %mul3A_85, %add3A_86 : i32
    "tpu.region"() ({
      %run_scoped3A = tpu.sem_alloc : memref<!tpu.dma_semaphore, #tpu.memory_space<semaphore_mem>>
      %dma_start3A = tpu.memref_slice %arg8[%add3A_87] : memref<10240xf32, #tpu.memory_space<vmem_shared>> -> memref<128xf32, #tpu.memory_space<vmem_shared>>
      %dma_start3A_128 = tpu.memref_slice %arg8[%add3A_87] : memref<10240xf32, #tpu.memory_space<vmem_shared>> -> memref<128xf32, #tpu.memory_space<vmem_shared>>
      tpu.enqueue_dma source(%dma_start3A_128 : memref<128xf32, #tpu.memory_space<vmem_shared>>) target(%arg7 : memref<128xf32, #tpu.memory_space<vmem>>) target_semaphore(%run_scoped3A : memref<!tpu.dma_semaphore, #tpu.memory_space<semaphore_mem>>)
      %dma_wait3A = tpu.memref_slice %arg8[%add3A_87] : memref<10240xf32, #tpu.memory_space<vmem_shared>> -> memref<128xf32, #tpu.memory_space<vmem_shared>>
      %dma_wait3A_129 = tpu.memref_slice %arg8[%add3A_87] : memref<10240xf32, #tpu.memory_space<vmem_shared>> -> memref<128xf32, #tpu.memory_space<vmem_shared>>
      tpu.wait_dma2 semaphore(%run_scoped3A : memref<!tpu.dma_semaphore, #tpu.memory_space<semaphore_mem>>) src(%dma_wait3A_129 : memref<128xf32, #tpu.memory_space<vmem_shared>>) dst(%arg7 : memref<128xf32, #tpu.memory_space<vmem>>)
      tpu.yield
    }) : () -> ()
    %mul3A_88 = arith.constant 10240 : i32
    %mul3A_89 = arith.muli %arg0, %mul3A_88 : i32
    %mul3A_90 = arith.constant 640 : i32
    %mul3A_91 = arith.muli %arg1, %mul3A_90 : i32
    %add3A_92 = arith.addi %mul3A_89, %mul3A_91 : i32
    %add3A_93 = arith.constant 128 : i32
    %add3A_94 = arith.addi %add3A_92, %add3A_93 : i32
    "tpu.region"() ({
      %run_scoped3A = tpu.sem_alloc : memref<!tpu.dma_semaphore, #tpu.memory_space<semaphore_mem>>
      %dma_start3A = tpu.memref_slice %arg4[%add3A_94] : memref<20480xf32, #tpu.memory_space<hbm>> -> memref<128xf32, #tpu.memory_space<hbm>>
      %dma_start3A_128 = tpu.memref_slice %arg4[%add3A_94] : memref<20480xf32, #tpu.memory_space<hbm>> -> memref<128xf32, #tpu.memory_space<hbm>>
      tpu.enqueue_dma source(%arg7 : memref<128xf32, #tpu.memory_space<vmem>>) target(%dma_start3A_128 : memref<128xf32, #tpu.memory_space<hbm>>) target_semaphore(%run_scoped3A : memref<!tpu.dma_semaphore, #tpu.memory_space<semaphore_mem>>)
      %dma_wait3A = tpu.memref_slice %arg4[%add3A_94] : memref<20480xf32, #tpu.memory_space<hbm>> -> memref<128xf32, #tpu.memory_space<hbm>>
      %dma_wait3A_129 = tpu.memref_slice %arg4[%add3A_94] : memref<20480xf32, #tpu.memory_space<hbm>> -> memref<128xf32, #tpu.memory_space<hbm>>
      tpu.wait_dma2 semaphore(%run_scoped3A : memref<!tpu.dma_semaphore, #tpu.memory_space<semaphore_mem>>) src(%arg7 : memref<128xf32, #tpu.memory_space<vmem>>) dst(%dma_wait3A_129 : memref<128xf32, #tpu.memory_space<hbm>>)
      tpu.yield
    }) : () -> ()
    %mul3A_95 = arith.constant 640 : i32
    %mul3A_96 = arith.muli %arg1, %mul3A_95 : i32
    %add3A_97 = arith.constant 256 : i32
    %add3A_98 = arith.addi %mul3A_96, %add3A_97 : i32
    "tpu.region"() ({
      %run_scoped3A = tpu.sem_alloc : memref<!tpu.dma_semaphore, #tpu.memory_space<semaphore_mem>>
      %dma_start3A = tpu.memref_slice %arg8[%add3A_98] : memref<10240xf32, #tpu.memory_space<vmem_shared>> -> memref<128xf32, #tpu.memory_space<vmem_shared>>
      %dma_start3A_128 = tpu.memref_slice %arg8[%add3A_98] : memref<10240xf32, #tpu.memory_space<vmem_shared>> -> memref<128xf32, #tpu.memory_space<vmem_shared>>
      tpu.enqueue_dma source(%dma_start3A_128 : memref<128xf32, #tpu.memory_space<vmem_shared>>) target(%arg7 : memref<128xf32, #tpu.memory_space<vmem>>) target_semaphore(%run_scoped3A : memref<!tpu.dma_semaphore, #tpu.memory_space<semaphore_mem>>)
      %dma_wait3A = tpu.memref_slice %arg8[%add3A_98] : memref<10240xf32, #tpu.memory_space<vmem_shared>> -> memref<128xf32, #tpu.memory_space<vmem_shared>>
      %dma_wait3A_129 = tpu.memref_slice %arg8[%add3A_98] : memref<10240xf32, #tpu.memory_space<vmem_shared>> -> memref<128xf32, #tpu.memory_space<vmem_shared>>
      tpu.wait_dma2 semaphore(%run_scoped3A : memref<!tpu.dma_semaphore, #tpu.memory_space<semaphore_mem>>) src(%dma_wait3A_129 : memref<128xf32, #tpu.memory_space<vmem_shared>>) dst(%arg7 : memref<128xf32, #tpu.memory_space<vmem>>)
      tpu.yield
    }) : () -> ()
    %mul3A_99 = arith.constant 10240 : i32
    %mul3A_100 = arith.muli %arg0, %mul3A_99 : i32
    %mul3A_101 = arith.constant 640 : i32
    %mul3A_102 = arith.muli %arg1, %mul3A_101 : i32
    %add3A_103 = arith.addi %mul3A_100, %mul3A_102 : i32
    %add3A_104 = arith.constant 256 : i32
    %add3A_105 = arith.addi %add3A_103, %add3A_104 : i32
    "tpu.region"() ({
      %run_scoped3A = tpu.sem_alloc : memref<!tpu.dma_semaphore, #tpu.memory_space<semaphore_mem>>
      %dma_start3A = tpu.memref_slice %arg4[%add3A_105] : memref<20480xf32, #tpu.memory_space<hbm>> -> memref<128xf32, #tpu.memory_space<hbm>>
      %dma_start3A_128 = tpu.memref_slice %arg4[%add3A_105] : memref<20480xf32, #tpu.memory_space<hbm>> -> memref<128xf32, #tpu.memory_space<hbm>>
      tpu.enqueue_dma source(%arg7 : memref<128xf32, #tpu.memory_space<vmem>>) target(%dma_start3A_128 : memref<128xf32, #tpu.memory_space<hbm>>) target_semaphore(%run_scoped3A : memref<!tpu.dma_semaphore, #tpu.memory_space<semaphore_mem>>)
      %dma_wait3A = tpu.memref_slice %arg4[%add3A_105] : memref<20480xf32, #tpu.memory_space<hbm>> -> memref<128xf32, #tpu.memory_space<hbm>>
      %dma_wait3A_129 = tpu.memref_slice %arg4[%add3A_105] : memref<20480xf32, #tpu.memory_space<hbm>> -> memref<128xf32, #tpu.memory_space<hbm>>
      tpu.wait_dma2 semaphore(%run_scoped3A : memref<!tpu.dma_semaphore, #tpu.memory_space<semaphore_mem>>) src(%arg7 : memref<128xf32, #tpu.memory_space<vmem>>) dst(%dma_wait3A_129 : memref<128xf32, #tpu.memory_space<hbm>>)
      tpu.yield
    }) : () -> ()
    %mul3A_106 = arith.constant 640 : i32
    %mul3A_107 = arith.muli %arg1, %mul3A_106 : i32
    %add3A_108 = arith.constant 384 : i32
    %add3A_109 = arith.addi %mul3A_107, %add3A_108 : i32
    "tpu.region"() ({
      %run_scoped3A = tpu.sem_alloc : memref<!tpu.dma_semaphore, #tpu.memory_space<semaphore_mem>>
      %dma_start3A = tpu.memref_slice %arg8[%add3A_109] : memref<10240xf32, #tpu.memory_space<vmem_shared>> -> memref<128xf32, #tpu.memory_space<vmem_shared>>
      %dma_start3A_128 = tpu.memref_slice %arg8[%add3A_109] : memref<10240xf32, #tpu.memory_space<vmem_shared>> -> memref<128xf32, #tpu.memory_space<vmem_shared>>
      tpu.enqueue_dma source(%dma_start3A_128 : memref<128xf32, #tpu.memory_space<vmem_shared>>) target(%arg7 : memref<128xf32, #tpu.memory_space<vmem>>) target_semaphore(%run_scoped3A : memref<!tpu.dma_semaphore, #tpu.memory_space<semaphore_mem>>)
      %dma_wait3A = tpu.memref_slice %arg8[%add3A_109] : memref<10240xf32, #tpu.memory_space<vmem_shared>> -> memref<128xf32, #tpu.memory_space<vmem_shared>>
      %dma_wait3A_129 = tpu.memref_slice %arg8[%add3A_109] : memref<10240xf32, #tpu.memory_space<vmem_shared>> -> memref<128xf32, #tpu.memory_space<vmem_shared>>
      tpu.wait_dma2 semaphore(%run_scoped3A : memref<!tpu.dma_semaphore, #tpu.memory_space<semaphore_mem>>) src(%dma_wait3A_129 : memref<128xf32, #tpu.memory_space<vmem_shared>>) dst(%arg7 : memref<128xf32, #tpu.memory_space<vmem>>)
      tpu.yield
    }) : () -> ()
    %mul3A_110 = arith.constant 10240 : i32
    %mul3A_111 = arith.muli %arg0, %mul3A_110 : i32
    %mul3A_112 = arith.constant 640 : i32
    %mul3A_113 = arith.muli %arg1, %mul3A_112 : i32
    %add3A_114 = arith.addi %mul3A_111, %mul3A_113 : i32
    %add3A_115 = arith.constant 384 : i32
    %add3A_116 = arith.addi %add3A_114, %add3A_115 : i32
    "tpu.region"() ({
      %run_scoped3A = tpu.sem_alloc : memref<!tpu.dma_semaphore, #tpu.memory_space<semaphore_mem>>
      %dma_start3A = tpu.memref_slice %arg4[%add3A_116] : memref<20480xf32, #tpu.memory_space<hbm>> -> memref<128xf32, #tpu.memory_space<hbm>>
      %dma_start3A_128 = tpu.memref_slice %arg4[%add3A_116] : memref<20480xf32, #tpu.memory_space<hbm>> -> memref<128xf32, #tpu.memory_space<hbm>>
      tpu.enqueue_dma source(%arg7 : memref<128xf32, #tpu.memory_space<vmem>>) target(%dma_start3A_128 : memref<128xf32, #tpu.memory_space<hbm>>) target_semaphore(%run_scoped3A : memref<!tpu.dma_semaphore, #tpu.memory_space<semaphore_mem>>)
      %dma_wait3A = tpu.memref_slice %arg4[%add3A_116] : memref<20480xf32, #tpu.memory_space<hbm>> -> memref<128xf32, #tpu.memory_space<hbm>>
      %dma_wait3A_129 = tpu.memref_slice %arg4[%add3A_116] : memref<20480xf32, #tpu.memory_space<hbm>> -> memref<128xf32, #tpu.memory_space<hbm>>
      tpu.wait_dma2 semaphore(%run_scoped3A : memref<!tpu.dma_semaphore, #tpu.memory_space<semaphore_mem>>) src(%arg7 : memref<128xf32, #tpu.memory_space<vmem>>) dst(%dma_wait3A_129 : memref<128xf32, #tpu.memory_space<hbm>>)
      tpu.yield
    }) : () -> ()
    %mul3A_117 = arith.constant 640 : i32
    %mul3A_118 = arith.muli %arg1, %mul3A_117 : i32
    %add3A_119 = arith.constant 512 : i32
    %add3A_120 = arith.addi %mul3A_118, %add3A_119 : i32
    "tpu.region"() ({
      %run_scoped3A = tpu.sem_alloc : memref<!tpu.dma_semaphore, #tpu.memory_space<semaphore_mem>>
      %dma_start3A = tpu.memref_slice %arg8[%add3A_120] : memref<10240xf32, #tpu.memory_space<vmem_shared>> -> memref<128xf32, #tpu.memory_space<vmem_shared>>
      %dma_start3A_128 = tpu.memref_slice %arg8[%add3A_120] : memref<10240xf32, #tpu.memory_space<vmem_shared>> -> memref<128xf32, #tpu.memory_space<vmem_shared>>
      tpu.enqueue_dma source(%dma_start3A_128 : memref<128xf32, #tpu.memory_space<vmem_shared>>) target(%arg7 : memref<128xf32, #tpu.memory_space<vmem>>) target_semaphore(%run_scoped3A : memref<!tpu.dma_semaphore, #tpu.memory_space<semaphore_mem>>)
      %dma_wait3A = tpu.memref_slice %arg8[%add3A_120] : memref<10240xf32, #tpu.memory_space<vmem_shared>> -> memref<128xf32, #tpu.memory_space<vmem_shared>>
      %dma_wait3A_129 = tpu.memref_slice %arg8[%add3A_120] : memref<10240xf32, #tpu.memory_space<vmem_shared>> -> memref<128xf32, #tpu.memory_space<vmem_shared>>
      tpu.wait_dma2 semaphore(%run_scoped3A : memref<!tpu.dma_semaphore, #tpu.memory_space<semaphore_mem>>) src(%dma_wait3A_129 : memref<128xf32, #tpu.memory_space<vmem_shared>>) dst(%arg7 : memref<128xf32, #tpu.memory_space<vmem>>)
      tpu.yield
    }) : () -> ()
    %mul3A_121 = arith.constant 10240 : i32
    %mul3A_122 = arith.muli %arg0, %mul3A_121 : i32
    %mul3A_123 = arith.constant 640 : i32
    %mul3A_124 = arith.muli %arg1, %mul3A_123 : i32
    %add3A_125 = arith.addi %mul3A_122, %mul3A_124 : i32
    %add3A_126 = arith.constant 512 : i32
    %add3A_127 = arith.addi %add3A_125, %add3A_126 : i32
    "tpu.region"() ({
      %run_scoped3A = tpu.sem_alloc : memref<!tpu.dma_semaphore, #tpu.memory_space<semaphore_mem>>
      %dma_start3A = tpu.memref_slice %arg4[%add3A_127] : memref<20480xf32, #tpu.memory_space<hbm>> -> memref<128xf32, #tpu.memory_space<hbm>>
      %dma_start3A_128 = tpu.memref_slice %arg4[%add3A_127] : memref<20480xf32, #tpu.memory_space<hbm>> -> memref<128xf32, #tpu.memory_space<hbm>>
      tpu.enqueue_dma source(%arg7 : memref<128xf32, #tpu.memory_space<vmem>>) target(%dma_start3A_128 : memref<128xf32, #tpu.memory_space<hbm>>) target_semaphore(%run_scoped3A : memref<!tpu.dma_semaphore, #tpu.memory_space<semaphore_mem>>)
      %dma_wait3A = tpu.memref_slice %arg4[%add3A_127] : memref<20480xf32, #tpu.memory_space<hbm>> -> memref<128xf32, #tpu.memory_space<hbm>>
      %dma_wait3A_129 = tpu.memref_slice %arg4[%add3A_127] : memref<20480xf32, #tpu.memory_space<hbm>> -> memref<128xf32, #tpu.memory_space<hbm>>
      tpu.wait_dma2 semaphore(%run_scoped3A : memref<!tpu.dma_semaphore, #tpu.memory_space<semaphore_mem>>) src(%arg7 : memref<128xf32, #tpu.memory_space<vmem>>) dst(%dma_wait3A_129 : memref<128xf32, #tpu.memory_space<hbm>>)
      tpu.yield
    }) : () -> ()
    return
  }
}

module attributes {stable_mosaic.version = 14 : i64} {
  func.func @body(%arg0: i32, %arg1: memref<2560x128xf32, #tpu.memory_space<vmem>>, %arg2: memref<128x128xf32, #tpu.memory_space<vmem>>, %arg3: memref<2560x1xf32, #tpu.memory_space<vmem>>, %arg4: memref<2560x1xf32, #tpu.memory_space<vmem>>, %arg5: memref<2560x128xf32, #tpu.memory_space<vmem>>, %arg6: memref<2560x1xf32, #tpu.memory_space<vmem>>) attributes {dimension_semantics = [#tpu.dimension_semantics<arbitrary>], iteration_bounds = array<i64: 4>, scalar_prefetch = 0 : i64, scratch_operands = 0 : i64, tpu.core_type = #tpu.core_type<tc>, window_params = [{transform_indices = @transform_0, window_bounds = array<i64: 2560, 128>}, {pipeline_mode = #tpu.pipeline_mode<synchronous>, transform_indices = @transform_1, window_bounds = array<i64: 128, 128>}, {transform_indices = @transform_2, window_bounds = array<i64: 2560, 1>}, {transform_indices = @transform_3, window_bounds = array<i64: 2560, 1>}, {transform_indices = @transform_4, window_bounds = array<i64: 2560, 128>}, {transform_indices = @transform_5, window_bounds = array<i64: 2560, 1>}]} {
    %get3A = arith.constant 0 : index
    %get3A_0 = arith.constant 0 : index
    %get3A_1 = vector.load %arg3[%get3A, %get3A_0] : memref<2560x1xf32, #tpu.memory_space<vmem>>, vector<2560x1xf32>
    %get3A_2 = arith.constant 0 : index
    %get3A_3 = arith.constant 0 : index
    %get3A_4 = vector.load %arg4[%get3A_2, %get3A_3] : memref<2560x1xf32, #tpu.memory_space<vmem>>, vector<2560x1xf32>
    %add3A = arith.addf %get3A_1, %get3A_4 : vector<2560x1xf32>
    %add3A_5 = arith.constant 1.000000e+00 : f32
    %add3A_6 = vector.broadcast %add3A_5 : f32 to vector<2560x1xf32>
    %add3A_7 = arith.addf %add3A, %add3A_6 : vector<2560x1xf32>
    %rsqrt3A = math.rsqrt %add3A_7 : vector<2560x1xf32>
    %get3A_8 = arith.constant 0 : index
    %get3A_9 = arith.constant 0 : index
    %get3A_10 = vector.load %arg1[%get3A_8, %get3A_9] : memref<2560x128xf32, #tpu.memory_space<vmem>>, vector<2560x128xf32>
    %get3A_11 = arith.constant 0 : index
    %get3A_12 = arith.constant 0 : index
    %get3A_13 = vector.load %arg2[%get3A_11, %get3A_12] : memref<128x128xf32, #tpu.memory_space<vmem>>, vector<128x128xf32>
    %dot_general3A = arith.constant dense<0.000000e+00> : vector<2560x128xf32>
    %dot_general3A_14 = tpu.matmul %get3A_10, %get3A_13, %dot_general3A {dimension_numbers = #tpu.dot_dimension_numbers<[1], [0], [0], [1], [0, 0, 1, 1], [], []>, transpose_lhs_hint = false} : vector<2560x128xf32>, vector<128x128xf32>, vector<2560x128xf32> -> vector<2560x128xf32>
    %mul3A = vector.broadcast %rsqrt3A : vector<2560x1xf32> to vector<2560x128xf32>
    %mul3A_15 = arith.mulf %dot_general3A_14, %mul3A : vector<2560x128xf32>
    %swap3A = arith.constant 0 : index
    %swap3A_16 = arith.constant 0 : index
    %swap3A_17 = vector.load %arg5[%swap3A, %swap3A_16] : memref<2560x128xf32, #tpu.memory_space<vmem>>, vector<2560x128xf32>
    tpu.vector_store %arg5[%swap3A, %swap3A_16], %mul3A_15 {strides = array<i32>} : memref<2560x128xf32, #tpu.memory_space<vmem>>, vector<2560x128xf32>,
    %swap3A_18 = arith.constant 0 : index
    %swap3A_19 = arith.constant 0 : index
    %swap3A_20 = vector.load %arg6[%swap3A_18, %swap3A_19] : memref<2560x1xf32, #tpu.memory_space<vmem>>, vector<2560x1xf32>
    tpu.vector_store %arg6[%swap3A_18, %swap3A_19], %rsqrt3A {strides = array<i32>} : memref<2560x1xf32, #tpu.memory_space<vmem>>, vector<2560x1xf32>,
    return
  }
  func.func @transform_0(%arg0: i32) -> (i32, i32) {
    %c0_i32 = arith.constant 0 : i32
    %c0_i32_0 = arith.constant 0 : i32
    return %arg0, %c0_i32 : i32, i32
  }
  func.func @transform_1(%arg0: i32) -> (i32, i32) {
    %c0_i32 = arith.constant 0 : i32
    %c0_i32_0 = arith.constant 0 : i32
    %c0_i32_1 = arith.constant 0 : i32
    return %c0_i32, %c0_i32_0 : i32, i32
  }
  func.func @transform_2(%arg0: i32) -> (i32, i32) {
    %c0_i32 = arith.constant 0 : i32
    %c0_i32_0 = arith.constant 0 : i32
    return %arg0, %c0_i32 : i32, i32
  }
  func.func @transform_3(%arg0: i32) -> (i32, i32) {
    %c0_i32 = arith.constant 0 : i32
    %c0_i32_0 = arith.constant 0 : i32
    return %arg0, %c0_i32 : i32, i32
  }
  func.func @transform_4(%arg0: i32) -> (i32, i32) {
    %c0_i32 = arith.constant 0 : i32
    %c0_i32_0 = arith.constant 0 : i32
    return %arg0, %c0_i32 : i32, i32
  }
  func.func @transform_5(%arg0: i32) -> (i32, i32) {
    %c0_i32 = arith.constant 0 : i32
    %c0_i32_0 = arith.constant 0 : i32
    return %arg0, %c0_i32 : i32, i32
  }
}

module attributes {stable_mosaic.version = 14 : i64} {
  func.func @body(%arg0: i32, %arg1: memref<2560x128xf32, #tpu.memory_space<vmem>>, %arg2: memref<2560x128xf32, #tpu.memory_space<vmem>>, %arg3: memref<2560x128xf32, #tpu.memory_space<vmem>>, %arg4: memref<2560x1xf32, #tpu.memory_space<vmem>>, %arg5: memref<1x128xf32, #tpu.memory_space<vmem>>, %arg6: memref<1x128xf32, #tpu.memory_space<vmem>>, %arg7: memref<1x128xf32, #tpu.memory_space<vmem>>, %arg8: memref<128x128xf32, #tpu.memory_space<vmem>>, %arg9: memref<128x128xf32, #tpu.memory_space<vmem>>, %arg10: memref<1x128xf32, #tpu.memory_space<vmem>>, %arg11: memref<2560x128xf32, #tpu.memory_space<vmem>>, %arg12: memref<2560x128xf32, #tpu.memory_space<vmem>>, %arg13: memref<2560x1xf32, #tpu.memory_space<vmem>>) attributes {dimension_semantics = [#tpu.dimension_semantics<arbitrary>], iteration_bounds = array<i64: 4>, scalar_prefetch = 0 : i64, scratch_operands = 0 : i64, tpu.core_type = #tpu.core_type<tc>, window_params = [{transform_indices = @transform_0, window_bounds = array<i64: 2560, 128>}, {transform_indices = @transform_1, window_bounds = array<i64: 2560, 128>}, {transform_indices = @transform_2, window_bounds = array<i64: 2560, 128>}, {transform_indices = @transform_3, window_bounds = array<i64: 2560, 1>}, {pipeline_mode = #tpu.pipeline_mode<synchronous>, transform_indices = @transform_4, window_bounds = array<i64: 1, 128>}, {pipeline_mode = #tpu.pipeline_mode<synchronous>, transform_indices = @transform_5, window_bounds = array<i64: 1, 128>}, {pipeline_mode = #tpu.pipeline_mode<synchronous>, transform_indices = @transform_6, window_bounds = array<i64: 1, 128>}, {pipeline_mode = #tpu.pipeline_mode<synchronous>, transform_indices = @transform_7, window_bounds = array<i64: 128, 128>}, {pipeline_mode = #tpu.pipeline_mode<synchronous>, transform_indices = @transform_8, window_bounds = array<i64: 128, 128>}, {pipeline_mode = #tpu.pipeline_mode<synchronous>, transform_indices = @transform_9, window_bounds = array<i64: 1, 128>}, {transform_indices = @transform_10, window_bounds = array<i64: 2560, 128>}, {transform_indices = @transform_11, window_bounds = array<i64: 2560, 128>}, {transform_indices = @transform_12, window_bounds = array<i64: 2560, 1>}]} {
    %get3A = arith.constant 0 : index
    %get3A_0 = arith.constant 0 : index
    %get3A_1 = vector.load %arg1[%get3A, %get3A_0] : memref<2560x128xf32, #tpu.memory_space<vmem>>, vector<2560x128xf32>
    %get3A_2 = arith.constant 0 : index
    %get3A_3 = arith.constant 0 : index
    %get3A_4 = vector.load %arg2[%get3A_2, %get3A_3] : memref<2560x128xf32, #tpu.memory_space<vmem>>, vector<2560x128xf32>
    %add3A = arith.addf %get3A_1, %get3A_4 : vector<2560x128xf32>
    %get3A_5 = arith.constant 0 : index
    %get3A_6 = arith.constant 0 : index
    %get3A_7 = vector.load %arg3[%get3A_5, %get3A_6] : memref<2560x128xf32, #tpu.memory_space<vmem>>, vector<2560x128xf32>
    %add3A_8 = arith.addf %add3A, %get3A_7 : vector<2560x128xf32>
    %get3A_9 = arith.constant 0 : index
    %get3A_10 = arith.constant 0 : index
    %get3A_11 = vector.load %arg4[%get3A_9, %get3A_10] : memref<2560x1xf32, #tpu.memory_space<vmem>>, vector<2560x1xf32>
    %mul3A = vector.broadcast %get3A_11 : vector<2560x1xf32> to vector<2560x128xf32>
    %mul3A_12 = arith.mulf %add3A_8, %mul3A : vector<2560x128xf32>
    %get3A_13 = arith.constant 0 : index
    %get3A_14 = arith.constant 0 : index
    %get3A_15 = vector.load %arg5[%get3A_13, %get3A_14] : memref<1x128xf32, #tpu.memory_space<vmem>>, vector<1x128xf32>
    %add3A_16 = vector.broadcast %get3A_15 : vector<1x128xf32> to vector<2560x128xf32>
    %add3A_17 = arith.addf %mul3A_12, %add3A_16 : vector<2560x128xf32>
    %max3A = arith.constant 0.000000e+00 : f32
    %max3A_18 = vector.broadcast %max3A : f32 to vector<2560x128xf32>
    %max3A_19 = arith.maximumf %add3A_17, %max3A_18 : vector<2560x128xf32>
    %reduce_sum3A = arith.constant dense<0.000000e+00> : vector<2560xf32>
    %reduce_sum3A_20 = vector.multi_reduction <add>, %max3A_19, %reduce_sum3A [1] : vector<2560x128xf32> to vector<2560xf32>
    %broadcast_in_dim3A = vector.shape_cast %reduce_sum3A_20 : vector<2560xf32> to vector<2560x1xf32>
    %div3A = arith.constant 1.280000e+02 : f32
    %div3A_21 = vector.broadcast %div3A : f32 to vector<2560x1xf32>
    %div3A_22 = arith.divf %broadcast_in_dim3A, %div3A_21 : vector<2560x1xf32>
    %sub3A = vector.broadcast %div3A_22 : vector<2560x1xf32> to vector<2560x128xf32>
    %sub3A_23 = arith.subf %max3A_19, %sub3A : vector<2560x128xf32>
    %mul3A_24 = arith.mulf %sub3A_23, %sub3A_23 : vector<2560x128xf32>
    %reduce_sum3A_25 = arith.constant dense<0.000000e+00> : vector<2560xf32>
    %reduce_sum3A_26 = vector.multi_reduction <add>, %mul3A_24, %reduce_sum3A_25 [1] : vector<2560x128xf32> to vector<2560xf32>
    %broadcast_in_dim3A_27 = vector.shape_cast %reduce_sum3A_26 : vector<2560xf32> to vector<2560x1xf32>
    %div3A_28 = arith.constant 1.280000e+02 : f32
    %div3A_29 = vector.broadcast %div3A_28 : f32 to vector<2560x1xf32>
    %div3A_30 = arith.divf %broadcast_in_dim3A_27, %div3A_29 : vector<2560x1xf32>
    %add3A_31 = arith.constant 9.99999974E-6 : f32
    %add3A_32 = vector.broadcast %add3A_31 : f32 to vector<2560x1xf32>
    %add3A_33 = arith.addf %div3A_30, %add3A_32 : vector<2560x1xf32>
    %rsqrt3A = math.rsqrt %add3A_33 : vector<2560x1xf32>
    %mul3A_34 = vector.broadcast %rsqrt3A : vector<2560x1xf32> to vector<2560x128xf32>
    %mul3A_35 = arith.mulf %sub3A_23, %mul3A_34 : vector<2560x128xf32>
    %get3A_36 = arith.constant 0 : index
    %get3A_37 = arith.constant 0 : index
    %get3A_38 = vector.load %arg6[%get3A_36, %get3A_37] : memref<1x128xf32, #tpu.memory_space<vmem>>, vector<1x128xf32>
    %mul3A_39 = vector.broadcast %get3A_38 : vector<1x128xf32> to vector<2560x128xf32>
    %mul3A_40 = arith.mulf %mul3A_35, %mul3A_39 : vector<2560x128xf32>
    %get3A_41 = arith.constant 0 : index
    %get3A_42 = arith.constant 0 : index
    %get3A_43 = vector.load %arg7[%get3A_41, %get3A_42] : memref<1x128xf32, #tpu.memory_space<vmem>>, vector<1x128xf32>
    %add3A_44 = vector.broadcast %get3A_43 : vector<1x128xf32> to vector<2560x128xf32>
    %add3A_45 = arith.addf %mul3A_40, %add3A_44 : vector<2560x128xf32>
    %get3A_46 = arith.constant 0 : index
    %get3A_47 = arith.constant 0 : index
    %get3A_48 = vector.load %arg8[%get3A_46, %get3A_47] : memref<128x128xf32, #tpu.memory_space<vmem>>, vector<128x128xf32>
    %dot_general3A = arith.constant dense<0.000000e+00> : vector<2560x128xf32>
    %dot_general3A_49 = tpu.matmul %add3A_45, %get3A_48, %dot_general3A {dimension_numbers = #tpu.dot_dimension_numbers<[1], [0], [0], [1], [0, 0, 1, 1], [], []>, transpose_lhs_hint = false} : vector<2560x128xf32>, vector<128x128xf32>, vector<2560x128xf32> -> vector<2560x128xf32>
    %get3A_50 = arith.constant 0 : index
    %get3A_51 = arith.constant 0 : index
    %get3A_52 = vector.load %arg9[%get3A_50, %get3A_51] : memref<128x128xf32, #tpu.memory_space<vmem>>, vector<128x128xf32>
    %dot_general3A_53 = arith.constant dense<0.000000e+00> : vector<2560x128xf32>
    %dot_general3A_54 = tpu.matmul %add3A_45, %get3A_52, %dot_general3A_53 {dimension_numbers = #tpu.dot_dimension_numbers<[1], [0], [0], [1], [0, 0, 1, 1], [], []>, transpose_lhs_hint = false} : vector<2560x128xf32>, vector<128x128xf32>, vector<2560x128xf32> -> vector<2560x128xf32>
    %add3A_55 = arith.addf %dot_general3A_49, %dot_general3A_54 : vector<2560x128xf32>
    %ge3A = arith.constant 0.000000e+00 : f32
    %ge3A_56 = vector.broadcast %ge3A : f32 to vector<2560x128xf32>
    %ge3A_57 = arith.cmpf oge, %add3A_55, %ge3A_56 : vector<2560x128xf32>
    %mul3A_58 = arith.constant 2.000000e-01 : f32
    %mul3A_59 = vector.broadcast %mul3A_58 : f32 to vector<2560x128xf32>
    %mul3A_60 = arith.mulf %mul3A_59, %add3A_55 : vector<2560x128xf32>
    %select_n3A = arith.select %ge3A_57, %add3A_55, %mul3A_60 : vector<2560x128xi1>, vector<2560x128xf32>
    %get3A_61 = arith.constant 0 : index
    %get3A_62 = arith.constant 0 : index
    %get3A_63 = vector.load %arg10[%get3A_61, %get3A_62] : memref<1x128xf32, #tpu.memory_space<vmem>>, vector<1x128xf32>
    %mul3A_64 = vector.broadcast %get3A_63 : vector<1x128xf32> to vector<2560x128xf32>
    %mul3A_65 = arith.mulf %select_n3A, %mul3A_64 : vector<2560x128xf32>
    %reduce_sum3A_66 = arith.constant dense<0.000000e+00> : vector<2560xf32>
    %reduce_sum3A_67 = vector.multi_reduction <add>, %mul3A_65, %reduce_sum3A_66 [1] : vector<2560x128xf32> to vector<2560xf32>
    %broadcast_in_dim3A_68 = vector.shape_cast %reduce_sum3A_67 : vector<2560xf32> to vector<2560x1xf32>
    %swap3A = arith.constant 0 : index
    %swap3A_69 = arith.constant 0 : index
    %swap3A_70 = vector.load %arg13[%swap3A, %swap3A_69] : memref<2560x1xf32, #tpu.memory_space<vmem>>, vector<2560x1xf32>
    tpu.vector_store %arg13[%swap3A, %swap3A_69], %broadcast_in_dim3A_68 {strides = array<i32>} : memref<2560x1xf32, #tpu.memory_space<vmem>>, vector<2560x1xf32>,
    %swap3A_71 = arith.constant 0 : index
    %swap3A_72 = arith.constant 0 : index
    %swap3A_73 = vector.load %arg11[%swap3A_71, %swap3A_72] : memref<2560x128xf32, #tpu.memory_space<vmem>>, vector<2560x128xf32>
    tpu.vector_store %arg11[%swap3A_71, %swap3A_72], %dot_general3A_49 {strides = array<i32>} : memref<2560x128xf32, #tpu.memory_space<vmem>>, vector<2560x128xf32>,
    %swap3A_74 = arith.constant 0 : index
    %swap3A_75 = arith.constant 0 : index
    %swap3A_76 = vector.load %arg12[%swap3A_74, %swap3A_75] : memref<2560x128xf32, #tpu.memory_space<vmem>>, vector<2560x128xf32>
    tpu.vector_store %arg12[%swap3A_74, %swap3A_75], %dot_general3A_54 {strides = array<i32>} : memref<2560x128xf32, #tpu.memory_space<vmem>>, vector<2560x128xf32>,
    return
  }
  func.func @transform_0(%arg0: i32) -> (i32, i32) {
    %c0_i32 = arith.constant 0 : i32
    %c0_i32_0 = arith.constant 0 : i32
    return %arg0, %c0_i32 : i32, i32
  }
  func.func @transform_1(%arg0: i32) -> (i32, i32) {
    %c0_i32 = arith.constant 0 : i32
    %c0_i32_0 = arith.constant 0 : i32
    return %arg0, %c0_i32 : i32, i32
  }
  func.func @transform_2(%arg0: i32) -> (i32, i32) {
    %c0_i32 = arith.constant 0 : i32
    %c0_i32_0 = arith.constant 0 : i32
    return %arg0, %c0_i32 : i32, i32
  }
  func.func @transform_3(%arg0: i32) -> (i32, i32) {
    %c0_i32 = arith.constant 0 : i32
    %c0_i32_0 = arith.constant 0 : i32
    return %arg0, %c0_i32 : i32, i32
  }
  func.func @transform_4(%arg0: i32) -> (i32, i32) {
    %c0_i32 = arith.constant 0 : i32
    %c0_i32_0 = arith.constant 0 : i32
    %c0_i32_1 = arith.constant 0 : i32
    return %c0_i32, %c0_i32_0 : i32, i32
  }
  func.func @transform_5(%arg0: i32) -> (i32, i32) {
    %c0_i32 = arith.constant 0 : i32
    %c0_i32_0 = arith.constant 0 : i32
    %c0_i32_1 = arith.constant 0 : i32
    return %c0_i32, %c0_i32_0 : i32, i32
  }
  func.func @transform_6(%arg0: i32) -> (i32, i32) {
    %c0_i32 = arith.constant 0 : i32
    %c0_i32_0 = arith.constant 0 : i32
    %c0_i32_1 = arith.constant 0 : i32
    return %c0_i32, %c0_i32_0 : i32, i32
  }
  func.func @transform_7(%arg0: i32) -> (i32, i32) {
    %c0_i32 = arith.constant 0 : i32
    %c0_i32_0 = arith.constant 0 : i32
    %c0_i32_1 = arith.constant 0 : i32
    return %c0_i32, %c0_i32_0 : i32, i32
  }
  func.func @transform_8(%arg0: i32) -> (i32, i32) {
    %c0_i32 = arith.constant 0 : i32
    %c0_i32_0 = arith.constant 0 : i32
    %c0_i32_1 = arith.constant 0 : i32
    return %c0_i32, %c0_i32_0 : i32, i32
  }
  func.func @transform_9(%arg0: i32) -> (i32, i32) {
    %c0_i32 = arith.constant 0 : i32
    %c0_i32_0 = arith.constant 0 : i32
    %c0_i32_1 = arith.constant 0 : i32
    return %c0_i32, %c0_i32_0 : i32, i32
  }
  func.func @transform_10(%arg0: i32) -> (i32, i32) {
    %c0_i32 = arith.constant 0 : i32
    %c0_i32_0 = arith.constant 0 : i32
    return %arg0, %c0_i32 : i32, i32
  }
  func.func @transform_11(%arg0: i32) -> (i32, i32) {
    %c0_i32 = arith.constant 0 : i32
    %c0_i32_0 = arith.constant 0 : i32
    return %arg0, %c0_i32 : i32, i32
  }
  func.func @transform_12(%arg0: i32) -> (i32, i32) {
    %c0_i32 = arith.constant 0 : i32
    %c0_i32_0 = arith.constant 0 : i32
    return %arg0, %c0_i32 : i32, i32
  }
}

module attributes {stable_mosaic.version = 14 : i64} {
  func.func @body(%arg0: i32, %arg1: memref<2560x128xf32, #tpu.memory_space<vmem>>, %arg2: memref<2560x128xf32, #tpu.memory_space<vmem>>, %arg3: memref<2560x128xf32, #tpu.memory_space<vmem>>, %arg4: memref<2560x1xf32, #tpu.memory_space<vmem>>, %arg5: memref<2560x1xf32, #tpu.memory_space<vmem>>, %arg6: memref<1x128xf32, #tpu.memory_space<vmem>>, %arg7: memref<2560x128xf32, #tpu.memory_space<vmem>>) attributes {dimension_semantics = [#tpu.dimension_semantics<arbitrary>], iteration_bounds = array<i64: 4>, scalar_prefetch = 0 : i64, scratch_operands = 0 : i64, tpu.core_type = #tpu.core_type<tc>, window_params = [{transform_indices = @transform_0, window_bounds = array<i64: 2560, 128>}, {transform_indices = @transform_1, window_bounds = array<i64: 2560, 128>}, {transform_indices = @transform_2, window_bounds = array<i64: 2560, 128>}, {transform_indices = @transform_3, window_bounds = array<i64: 2560, 1>}, {transform_indices = @transform_4, window_bounds = array<i64: 2560, 1>}, {pipeline_mode = #tpu.pipeline_mode<synchronous>, transform_indices = @transform_5, window_bounds = array<i64: 1, 128>}, {transform_indices = @transform_6, window_bounds = array<i64: 2560, 128>}]} {
    %get3A = arith.constant 0 : index
    %get3A_0 = arith.constant 0 : index
    %get3A_1 = vector.load %arg4[%get3A, %get3A_0] : memref<2560x1xf32, #tpu.memory_space<vmem>>, vector<2560x1xf32>
    %get3A_2 = arith.constant 0 : index
    %get3A_3 = arith.constant 0 : index
    %get3A_4 = vector.load %arg5[%get3A_2, %get3A_3] : memref<2560x1xf32, #tpu.memory_space<vmem>>, vector<2560x1xf32>
    %add3A = arith.addf %get3A_1, %get3A_4 : vector<2560x1xf32>
    %add3A_5 = arith.constant 1.000000e+00 : f32
    %add3A_6 = vector.broadcast %add3A_5 : f32 to vector<2560x1xf32>
    %add3A_7 = arith.addf %add3A, %add3A_6 : vector<2560x1xf32>
    %add3A_8 = arith.constant 1.000000e-16 : f32
    %add3A_9 = vector.broadcast %add3A_8 : f32 to vector<2560x1xf32>
    %add3A_10 = arith.addf %add3A_7, %add3A_9 : vector<2560x1xf32>
    %get3A_11 = arith.constant 0 : index
    %get3A_12 = arith.constant 0 : index
    %get3A_13 = vector.load %arg1[%get3A_11, %get3A_12] : memref<2560x128xf32, #tpu.memory_space<vmem>>, vector<2560x128xf32>
    %get3A_14 = arith.constant 0 : index
    %get3A_15 = arith.constant 0 : index
    %get3A_16 = vector.load %arg2[%get3A_14, %get3A_15] : memref<2560x128xf32, #tpu.memory_space<vmem>>, vector<2560x128xf32>
    %add3A_17 = arith.addf %get3A_13, %get3A_16 : vector<2560x128xf32>
    %get3A_18 = arith.constant 0 : index
    %get3A_19 = arith.constant 0 : index
    %get3A_20 = vector.load %arg3[%get3A_18, %get3A_19] : memref<2560x128xf32, #tpu.memory_space<vmem>>, vector<2560x128xf32>
    %add3A_21 = arith.addf %add3A_17, %get3A_20 : vector<2560x128xf32>
    %div3A = vector.broadcast %add3A_10 : vector<2560x1xf32> to vector<2560x128xf32>
    %div3A_22 = arith.divf %add3A_21, %div3A : vector<2560x128xf32>
    %get3A_23 = arith.constant 0 : index
    %get3A_24 = arith.constant 0 : index
    %get3A_25 = vector.load %arg6[%get3A_23, %get3A_24] : memref<1x128xf32, #tpu.memory_space<vmem>>, vector<1x128xf32>
    %add3A_26 = vector.broadcast %get3A_25 : vector<1x128xf32> to vector<2560x128xf32>
    %add3A_27 = arith.addf %div3A_22, %add3A_26 : vector<2560x128xf32>
    %max3A = arith.constant 0.000000e+00 : f32
    %max3A_28 = vector.broadcast %max3A : f32 to vector<2560x128xf32>
    %max3A_29 = arith.maximumf %add3A_27, %max3A_28 : vector<2560x128xf32>
    %swap3A = arith.constant 0 : index
    %swap3A_30 = arith.constant 0 : index
    %swap3A_31 = vector.load %arg7[%swap3A, %swap3A_30] : memref<2560x128xf32, #tpu.memory_space<vmem>>, vector<2560x128xf32>
    tpu.vector_store %arg7[%swap3A, %swap3A_30], %max3A_29 {strides = array<i32>} : memref<2560x128xf32, #tpu.memory_space<vmem>>, vector<2560x128xf32>,
    return
  }
  func.func @transform_0(%arg0: i32) -> (i32, i32) {
    %c0_i32 = arith.constant 0 : i32
    %c0_i32_0 = arith.constant 0 : i32
    return %arg0, %c0_i32 : i32, i32
  }
  func.func @transform_1(%arg0: i32) -> (i32, i32) {
    %c0_i32 = arith.constant 0 : i32
    %c0_i32_0 = arith.constant 0 : i32
    return %arg0, %c0_i32 : i32, i32
  }
  func.func @transform_2(%arg0: i32) -> (i32, i32) {
    %c0_i32 = arith.constant 0 : i32
    %c0_i32_0 = arith.constant 0 : i32
    return %arg0, %c0_i32 : i32, i32
  }
  func.func @transform_3(%arg0: i32) -> (i32, i32) {
    %c0_i32 = arith.constant 0 : i32
    %c0_i32_0 = arith.constant 0 : i32
    return %arg0, %c0_i32 : i32, i32
  }
  func.func @transform_4(%arg0: i32) -> (i32, i32) {
    %c0_i32 = arith.constant 0 : i32
    %c0_i32_0 = arith.constant 0 : i32
    return %arg0, %c0_i32 : i32, i32
  }
  func.func @transform_5(%arg0: i32) -> (i32, i32) {
    %c0_i32 = arith.constant 0 : i32
    %c0_i32_0 = arith.constant 0 : i32
    %c0_i32_1 = arith.constant 0 : i32
    return %c0_i32, %c0_i32_0 : i32, i32
  }
  func.func @transform_6(%arg0: i32) -> (i32, i32) {
    %c0_i32 = arith.constant 0 : i32
    %c0_i32_0 = arith.constant 0 : i32
    return %arg0, %c0_i32 : i32, i32
  }
}

</mosaic_0001>

<sc_bundles>
// kernel: kernel.11.cloned.1.call-start
scs
__scs_entry_jumppad:
0x0: {  	(pc) =	sbr.rel $0x88, $3  }
0x1: {  	(tag) =	ssettag $0x0;
	lr =	simm.s32 $0x1  }
0x2: {  	[smem:$0x3F97] =	sst lr;
	_ =	strace $0xD0000000  }
0x3: {  	_ = 	snop  }
0x4: {  	_ = 	snop  }
0x5: {  	_ = 	snop  }
0x6: {  	_ = 	snop  }
0x7: {  	_ = 	snop  }
__scs_overlays_trampoline_lowered:
0x8: {  	[smem:$0x3FA6] =	sst s0  }
0x9: {  	[smem:$0x3FA7] =	sst s1  }
0xa: {  	[smem:$0x3FA8] =	sst s2  }
0xb: {  	[smem:$0x3FA9] =	sst s3  }
0xc: {  	[smem:$0x3FAA] =	sst s4  }
0xd: {  	[smem:$0x3FAB] =	sst s5  }
0xe: {  	[smem:$0x3FAC] =	sst s6  }
0xf: {  	[smem:$0x3FAD] =	sst s7  }
0x10: {  	[smem:$0x3FAE] =	sst s8  }
0x11: {  	[smem:$0x3FAF] =	sst s9;
	s0 =	simm.s32 @!p0 $0x0  }
0x12: {  	s1 =	sld [smem:$0x3F95];
	s0 =	simm.s32 @p0 $0x1  }
0x13: {  	[smem:$0x3FB0] =	sst s0;
	s0 =	simm.s32 @!p1 $0x0  }
0x14: {  	s2 =	sld [smem:$0x3F94];
	s0 =	simm.s32 @p1 $0x1  }
0x15: {  	[smem:$0x3FB1] =	sst s0;
	s0 =	simm.s32 @!p2 $0x0  }
0x16: {  	s3 =	sld [smem:$0x3FDB];
	s0 =	simm.s32 @p2 $0x1  }
0x17: {  	s4 =	simm.s32 $0x1BF5;
	[smem:$0x3FB3] =	sst s0  }
0x18: {  	s0 =	sld [smem:$0x3F96];
	_ =	swait.ge [sflag:s4], $0x0  }
0x19: {  	s7 =	sld [smem:$0x3F97]  }
0x1a: {  	s8 =	sadd.s32 $0xFFFFE003, lr  }
0x1b: {  	s9 =	sadd.s32 $0xFFFFFEF7, lr;
	s5 =	simm.s32 $0xFFFFFFFF;
	p2 =	slt.u32 s8, $0xFFFFF086  }
0x1c: {  	p1 =	slt.u32 s9, $0xF7A;
	s5 =	simm.s32 @!p2 $0x0  }
0x1d: {  	s5 =	simm.s32 @p1 $0x1;
	p0 =	seq.s32 s7, s2  }
0x1e: {  	s7 =	smul.u32 @!p0 $0xF7A, s2;
	p2 =	seq.s32 @!p0 s5, $0x0  }
0x1f: {  	s9 =	smul.u32 $0xF7A, s1;
	s8 =	simm.s32 @!p0 $0x1BF5;
	p2 =	por !p2, p0  }
0x20: {  	[sflag:s8] =	ssyncset.s32 @!p0 $0xFFFFF086;
	s6 =	sadd.s32 @!p0 s3, s7;
	s7 =	simm.s32 @!p0 $0x108  }
0x21: {  	s3 =	sadd.s32 s3, s9;
	s6 =	sadd.s32 @!p0 $0x88, s6;
	s7 =	simm.s32 @p2 $0x1082  }
0x22: {  	[simem:s7], [sflag:s8] =	dma.local @!p0 [hbm:s6], $0xF7A  }
0x23: {  	s9 =	sor.u32 $0xD0000000, s2;
	s6 =	simm.s32 $0x108;
	_ =	swait.ge @!p0 [sflag:s8], $0x0  }
0x24: {  	s3 =	sadd.s32 $0x88, s3;
	s6 =	simm.s32 @!p1 $0x1082;
	[sflag:s4] =	ssyncset.s32 $0xFFFFF086  }
0x25: {  	[simem:s6], [sflag:s4] =	dma.local [hbm:s3], $0xF7A  }
0x26: {  	[smem:$0x3F97] =	sst s1;
	(tag) =	ssettag s2;
	_ =	strace s9  }
0x27: {  	s1 =	sld [smem:$0x3FA7]  }
0x28: {  	s2 =	sld [smem:$0x3FA8]  }
0x29: {  	s4 =	sld [smem:$0x3FAA]  }
0x2a: {  	p0 =	seq.s32 s5, $0x0;
	s5 =	sld [smem:$0x3FAB]  }
0x2b: {  	s6 =	sld [smem:$0x3FAC]  }
0x2c: {  	s7 =	sld [smem:$0x3FAD]  }
0x2d: {  	s3 =	simm.s32 $0x108;
	s8 =	sld [smem:$0x3FAE]  }
0x2e: {  	s3 =	simm.s32 @!p0 $0x1082;
	s9 =	sld [smem:$0x3FAF]  }
0x2f: {  	lr =	sadd.s32 s0, s3;
	s0 =	sld [smem:$0x3FA6]  }
0x30: {  	s3 =	sld [smem:$0x3FA9]  }
0x31: {  	[smem:$0x3FB2] =	sst s10  }
0x32: {  	s10 =	sld [smem:$0x3FB0];
	_ =	sdelay $0x3  }
0x33: {  	p0 =	seq.s32 s10, $0x1;
	s10 =	sld [smem:$0x3FB2];
	_ =	sdelay $0x3  }
0x34: {  	[smem:$0x3FB2] =	sst s10  }
0x35: {  	s10 =	sld [smem:$0x3FB1];
	_ =	sdelay $0x3  }
0x36: {  	p1 =	seq.s32 s10, $0x1;
	s10 =	sld [smem:$0x3FB2];
	_ =	sdelay $0x3  }
0x37: {  	[smem:$0x3FB2] =	sst s10  }
0x38: {  	s10 =	sld [smem:$0x3FB3]  }
0x39: {  	_ = 	snop;
	(pc) =	sbr.ind lr, $3  }
0x3a: {  	_ = 	snop  }
0x3b: {  	_ = 	snop  }
0x3c: {  	p2 =	seq.s32 s10, $0x1;
	s10 =	sld [smem:$0x3FB2]  }
0x3d: {  	_ =	shalt  }
0x3e: {  	_ =	shalt  }
0x3f: {  	_ =	shalt  }
0x40: {  	_ =	shalt  }
0x41: {  	_ =	shalt  }
0x42: {  	_ =	shalt  }
0x43: {  	_ =	shalt  }
0x44: {  	_ =	shalt  }
0x45: {  	_ =	shalt  }
0x46: {  	_ =	shalt  }
0x47: {  	_ =	shalt  }
0x48: {  	_ =	shalt  }
0x49: {  	_ =	shalt  }
0x4a: {  	_ =	shalt  }
0x4b: {  	_ =	shalt  }
0x4c: {  	_ =	shalt  }
0x4d: {  	_ =	shalt  }
0x4e: {  	_ =	shalt  }
0x4f: {  	_ =	shalt  }
0x50: {  	_ =	shalt  }
0x51: {  	_ =	shalt  }
0x52: {  	_ =	shalt  }
0x53: {  	_ =	shalt  }
0x54: {  	_ =	shalt  }
0x55: {  	_ =	shalt  }
0x56: {  	_ =	shalt  }
0x57: {  	_ =	shalt  }
0x58: {  	_ =	shalt  }
0x59: {  	_ =	shalt  }
0x5a: {  	_ =	shalt  }
0x5b: {  	_ =	shalt  }
0x5c: {  	_ =	shalt  }
0x5d: {  	_ =	shalt  }
0x5e: {  	_ =	shalt  }
0x5f: {  	_ =	shalt  }
0x60: {  	_ =	shalt  }
0x61: {  	_ =	shalt  }
0x62: {  	_ =	shalt  }
0x63: {  	_ =	shalt  }
0x64: {  	_ =	shalt  }
0x65: {  	_ =	shalt  }
0x66: {  	_ =	shalt  }
0x67: {  	_ =	shalt  }
0x68: {  	_ =	shalt  }
0x69: {  	_ =	shalt  }
0x6a: {  	_ =	shalt  }
0x6b: {  	_ =	shalt  }
0x6c: {  	_ =	shalt  }
0x6d: {  	_ =	shalt  }
0x6e: {  	_ =	shalt  }
0x6f: {  	_ =	shalt  }
0x70: {  	_ =	shalt  }
0x71: {  	_ =	shalt  }
0x72: {  	_ =	shalt  }
0x73: {  	_ =	shalt  }
0x74: {  	_ =	shalt  }
0x75: {  	_ =	shalt  }
0x76: {  	_ =	shalt  }
0x77: {  	_ =	shalt  }
0x78: {  	_ =	shalt  }
0x79: {  	_ =	shalt  }
0x7a: {  	_ =	shalt  }
0x7b: {  	_ =	shalt  }
0x7c: {  	_ =	shalt  }
0x7d: {  	_ =	shalt  }
0x7e: {  	_ =	shalt  }
0x7f: {  	_ =	shalt  }
0x80: {  	_ =	shalt  }
0x81: {  	_ =	shalt  }
0x82: {  	_ =	shalt  }
0x83: {  	_ =	shalt  }
0x84: {  	_ =	shalt  }
0x85: {  	_ =	shalt  }
0x86: {  	_ =	shalt  }
0x87: {  	_ =	shalt  }
.Lfunc_end0:
.L_simem_size_0:
called_computation.1_lowered:
.L_overlay_start_0:
0x88: {  	s2 =	sld [smem:$0x3FD9]  }
0x89: {  	s3 =	sld [smem:$0x3FFE];
	_ =	sdelay $0x1  }
0x8a: {  	s1 =	srdreg.scid  }
0x8b: {  	s0 =	sand.u32 $0x1, s1  }
0x8c: {  	s16 =	sshll.u32 s0, $0xA;
	s2 =	sadd.s32 s3, s2  }
0x8d: {  	s2 =	sadd.s32 s2, s16  }
0x8e: {  	[smem:$0x3FBE] =	sst s2  }
0x8f: {  	_ = 	snop  }
0x90: {  	(tm) =	ssettm $0x1  }
0x91: {  	s17 =	sld [smem:$0x3FFB];
	_ =	sdelay $0x3  }
0x92: {  	_ =	strace s17  }
0x93: {  	s2 =	sld [smem:$0x3FFC];
	_ =	sdelay $0x3  }
0x94: {  	_ =	strace s2  }
0x95: {  	s2 =	sld [smem:$0x3FFD];
	_ =	sdelay $0x3  }
0x96: {  	_ =	strace s2  }
0x97: {  	_ =	strace $0x8FFFFFFF  }
0x98: {  	s18 =	sld [smem:$0x3FDB];
	_ =	sdelay $0x1  }
0x99: {  	s19 =	simm.s32 $_scs_section_size  }
0x9a: {  	s4 =	simm.s32 $_size__tile_overlayer_lowered;
	s5 =	simm.s32 $_tile_overlayer_lowered  }
0x9b: {  	s22 =	simm.s32 $0x1BFF;
	s21 =	sshll.u32 s5, $0x1;
	s2 =	sadd.s32 s19, s18  }
0x9c: {  	s6 =	simm.s32 $0x0;
	s20 =	sshll.u32 s4, $0x1;
	s4 =	sadd.s32 s21, s2  }
0x9d: {  	[timem:s6], [sflag:s22] =	dma.local [hbm:s4], s20  }
0x9e: {  	_ =	swait.ge [sflag:s22], s20  }
0x9f: {  	s3 =	ssub.s32 $0x0, s20;
	[sflag:s22] =	ssyncset.done $0x0  }
0xa0: {  	[sflag:s22] =	ssyncadd.s32 s3;
	_ =	sdelay $0x1  }
0xa1: {  	s23 =	simm.s32 $0x1B8B  }
0xa2: {  	_ =	swait.ge [sflag:s23], $0x1  }
0xa3: {  	[sflag:s23] =	ssyncset.done $0x0  }
0xa4: {  	s25 =	simm.s32 $0x1B8E;
	s24 =	sld [smem:$0x3FFE];
	[sflag:s23] =	ssyncadd.s32 $0xFFFFFFFF  }
0xa5: {  	s26 =	simm.s32 $execute0_lowered;
	[smem:$0x3FD2] =	sst s25  }
0xa6: {  	s4 =	sshll.u32 s26, $0x1;
	_ =	strace $0x80000049;
	[dreg:$0x1] =	wrdreg $0xFFFFFFFF  }
0xa7: {  	s28 =	simm.s32 $_size_execute0_lowered;
	s2 =	sadd.s32 s2, s4;
	[dreg:$0x0] =	wrdreg $0x0  }
0xa8: {  	s4 =	sshll.u32 s28, $0x1;
	[dreg:$0x2] =	wrdreg s2  }
0xa9: {  	[dreg:$0x3] =	wrdreg s4  }
0xaa: {  	[dreg:$0x4] =	wrdreg $0xC0  }
0xab: {  	_ =	task [dreg:s6], $0x5FFFF  }
0xac: {  	[dreg:$0x1] =	wrdreg $0xFFFFFFFF  }
0xad: {  	[dreg:$0x0] =	wrdreg $0x60  }
0xae: {  	[dreg:$0x2] =	wrdreg s24  }
0xaf: {  	[dreg:$0x3] =	wrdreg $0x88000  }
0xb0: {  	[dreg:$0x4] =	wrdreg $0x9  }
0xb1: {  	_ =	task.clear_ibuf [dreg:s6], $0x5FFFF;
	_ =	strace $0x90000049  }
0xb2: {  	s29 =	simm.s32 $0x9;
	_ =	strace $0x8000004B  }
0xb3: {  	_ =	swait.ge [sflag:s29], $0x1  }
0xb4: {  	[sflag:s29] =	ssyncadd.s32 $0xFFFFFFFF  }
0xb5: {  	_ =	strace $0x9000004B  }
0xb6: {  	_ =	sfence  }
0xb7: {  	s30 =	sld [smem:$0x0];
	_ =	sdelay $0x2  }
0xb8: {  	s31 =	sshll.u32 s1, $0xD;
	s1 =	sshrl.u32 s1, $0x2  }
0xb9: {  	s3 =	sand.u32 $0x4000, s31;
	s1 =	sadd.s32 s1, s30  }
0xba: {  	s0 =	sor.u32 s3, s0;
	s1 =	sshll.u32 s1, $0x11  }
0xbb: {  	s0 =	sor.u32 s1, s0  }
0xbc: {  	s0 =	sadd.s32 $0x8F2B, s0  }
0xbd: {  	[sflag:s0] =	ssyncadd.remote.s32 $0x1  }
0xbe: {  	_ =	sfence.sel $0xFFFF  }
0xbf: {  	[dreg:$0x0] =	wrdreg $0xFFFFFFFF;
	(pc) =	sbr.abs _section_cstart, $3  }
0xc0: {  	[dreg:$0x1] =	wrdreg $0xFFFFFFFF  }
0xc1: {  	_ =	task.clear_ibuf [dreg:s6], $0x2FFFF;
	_ =	strace $0x9FFFFFFF  }
0xc2: {  	(tm) =	ssettm $0x7FFFFFFF  }
0xc3: {  	_ =	shalt  }
tec
execute0_lowered:
.L_overlay_start_1:
0x0: {  	(tag) =	ssettag $0x1  }
0x1: {  	s0 =	rddreg [dreg:$0x0]  }
0x2: {  	s1 =	srdreg.scid;
	s2 =	rddreg [dreg:$0x1]  }
0x3: {  	s9 =	stileid.u32;
	s3 =	simm.s32 $0x0;
	s18 =	simm.s32 $0x800  }
0x4: {  	s28 =	simm.s32 $0x480;
	s29 =	simm.s32 $0x4;
	s5 =	smul.u32 $0x2800, s9  }
0x5: {  	s30 =	simm.s32 $0x180;
	s31 =	simm.s32 $0x500;
	s6 =	smul.u32 $0x50000, s9  }
0x6: {  	s16 =	simm.s32 $0x780;
	s1 =	sand.u32 $0x1, s1;
	s9 =	smul.u32 $0x14000, s9  }
0x7: {  	[smem:$0x7FF] =	sst s3;
	s7 =	sadd.s32 $0x67E00, s0;
	s4 =	smul.u32 $0x28000, s1  }
0x8: {  	_ =	strace $0x8000004A;
	[dreg:$0x4] =	wrdreg s7;
	s19 =	ssub.s32 $0x2, s1  }
0x9: {  	s1 =	smul.u32 $0x140000, s1;
	s8 =	sshrl.u32 s19, $0x1;
	s6 =	sshrl.u32 s6, $0x2  }
0xa: {  	s20 =	sadd.s32 $0x4000, s9;
	s21 =	sadd.s32 $0x8000, s9;
	s11 =	sadd.s32 $0xC000, s9  }
0xb: {  	s12 =	sadd.s32 $0x10000, s9;
	s5 =	sadd.s32 s5, s4;
	s4 =	sadd.s32 $0x17E00, s0  }
0xc: {  	s7 =	ssub.s32 s19, s8;
	s6 =	sadd.s32 s6, s2;
	s13 =	sadd.s32 s20, s2  }
0xd: {  	s14 =	sadd.s32 s21, s2;
	s15 =	sadd.s32 s11, s2;
	s9 =	sadd.s32 s9, s1  }
0xe: {  	s10 =	sadd.s32 s12, s2;
	s8 =	sadd.s32 s1, s21;
	s23 =	sadd.s32 s1, s11  }
0xf: {  	s19 =	simm.s32 $0x5;
	s21 =	simm.s32 $0x80;
	s11 =	simm.s32 $0x600  }
0x10: {  	s5 =	sshrl.u32 s5, $0x3;
	[dreg:$0x5] =	wrdreg s6;
	s9 =	sshrl.u32 s9, $0x3  }
0x11: {  	s6 =	sadd.s32 s1, s20;
	s22 =	sshrl.u32 s8, $0x3;
	s24 =	sshrl.u32 s23, $0x3  }
0x12: {  	s8 =	smov.u32 s14;
	s1 =	sadd.s32 s1, s12;
	s26 =	smax.u32 s7, $0x1  }
0x13: {  	s7 =	smov.u32 s13;
	s20 =	simm.s32 $0x400;
	s23 =	simm.s32 $0x4800  }
0x14: {  	s12 =	simm.s32 $0x300;
	s13 =	simm.s32 $0x680;
	[dreg:$0x9] =	wrdreg s10  }
0x15: {  	s14 =	simm.s32 $0x380;
	s5 =	sadd.s32 s5, s0;
	[dreg:$0xf] =	wrdreg s26  }
0x16: {  	s0 =	sadd.s32 $0x68600, s0;
	s6 =	sshrl.u32 s6, $0x3;
	[dreg:$0x6] =	wrdreg s7  }
0x17: {  	s1 =	sshrl.u32 s1, $0x3;
	[dreg:$0x7] =	wrdreg s8;
	s9 =	sadd.s32 s0, s9  }
0x18: {  	s26 =	simm.s32 $0x100;
	s6 =	sadd.s32 s0, s6;
	[dreg:$0xa] =	wrdreg s9  }
0x19: {  	s25 =	sadd.s32 $0xDE00, s5;
	s17 =	sadd.s32 $0x3E00, s5;
	[dreg:$0xb] =	wrdreg s6  }
0x1a: {  	s5 =	simm.s32 $0x280;
	s6 =	sadd.s32 s0, s22;
	[dreg:$0x3] =	wrdreg s25  }
0x1b: {  	s9 =	smov.u32 s15;
	s22 =	simm.s32 $0x1;
	[dreg:$0xc] =	wrdreg s6  }
0x1c: {  	s25 =	simm.s32 $0x3;
	s6 =	sadd.s32 s0, s24;
	[dreg:$0x8] =	wrdreg s9  }
0x1d: {  	s15 =	simm.s32 $0x700;
	s0 =	sadd.s32 s0, s1;
	[dreg:$0xd] =	wrdreg s6  }
0x1e: {  	s24 =	simm.s32 $0x2;
	[dreg:$0xe] =	wrdreg s0;
	s6 =	simm.s32 $0x0  }
0x1f: {  	s1 =	simm.s32 $0x580;
	s0 =	simm.s32 $0x200;
	[dreg:$0x10] =	wrdreg s6  }
.LBB2_1:
0x20: {  	s6 =	rddreg [dreg:$0x4]  }
0x21: {  	[tilespmem:s18], [sflag:$0x5] =	stream.linear.gather [hbm4b:s6+s3], $0x4000, $0x38;
	[tilespmem:$0x1C800] =	vst v63  }
0x22: {  	_ =	swait.ge [sflag:s19], $0x4000  }
0x23: {  	[sflag:s19] =	ssyncset.done $0x0  }
0x24: {  	s6 =	rddreg [dreg:$0x5];
	[sflag:s19] =	ssyncadd.s32 $0xFFFFC000  }
0x25: {  	[spmem:s6] =	stream.linear.scatter [tilespmem:s18], [sflag:$0x5], $0x4000, $0x38;
	[tilespmem:$0x1C800] =	vst v63  }
0x26: {  	_ =	swait.ge [sflag:s19], $0x4000  }
0x27: {  	[sflag:s19] =	ssyncset.done $0x0  }
0x28: {  	[sflag:s19] =	ssyncadd.s32 $0xFFFFC000  }
0x29: {  	[spmem:s7] =	stream.linear.scatter [tilespmem:s18], [sflag:$0x5], $0x4000, $0x38;
	[tilespmem:$0x1C800] =	vst v63  }
0x2a: {  	_ =	swait.ge [sflag:s19], $0x4000  }
0x2b: {  	[sflag:s19] =	ssyncset.done $0x0  }
0x2c: {  	[sflag:s19] =	ssyncadd.s32 $0xFFFFC000  }
0x2d: {  	[spmem:s8] =	stream.linear.scatter [tilespmem:s18], [sflag:$0x5], $0x4000, $0x38;
	[tilespmem:$0x1C800] =	vst v63  }
0x2e: {  	_ =	swait.ge [sflag:s19], $0x4000  }
0x2f: {  	[sflag:s19] =	ssyncset.done $0x0  }
0x30: {  	[sflag:s19] =	ssyncadd.s32 $0xFFFFC000  }
0x31: {  	[spmem:s9] =	stream.linear.scatter [tilespmem:s18], [sflag:$0x5], $0x4000, $0x38;
	[tilespmem:$0x1C800] =	vst v63  }
0x32: {  	_ =	swait.ge [sflag:s19], $0x4000  }
0x33: {  	[sflag:s19] =	ssyncset.done $0x0  }
0x34: {  	[sflag:s19] =	ssyncadd.s32 $0xFFFFC000  }
0x35: {  	[spmem:s10] =	stream.linear.scatter [tilespmem:s18], [sflag:$0x5], $0x4000, $0x38;
	[tilespmem:$0x1C800] =	vst v63  }
0x36: {  	_ =	swait.ge [sflag:s19], $0x4000  }
0x37: {  	[sflag:s19] =	ssyncset.done $0x0  }
0x38: {  	[sflag:s19] =	ssyncadd.s32 $0xFFFFC000  }
0x39: {  	s9 =	sadd.s32 $0x0, s17;
	[bflag:$0x0] =	sbarrier.arrive $0xFFFF  }
0x3a: {  	[tilespmem:s3], [sflag:$0x5] =	stream.linear.gather [hbm4b:s9+s3], $0x400, $0x38;
	[tilespmem:$0x1C800] =	vst v63  }
0x3b: {  	_ =	swait.ge [sflag:s19], $0x400  }
0x3c: {  	s10 =	rddreg [dreg:$0x3];
	[sflag:s19] =	ssyncset.done $0x0  }
0x3d: {  	[sflag:s19] =	ssyncadd.s32 $0xFFFFFC00;
	s7 =	sadd.s32 $0x0, s10  }
0x3e: {  	[tilespmem:s20], [sflag:$0x5] =	stream.linear.gather [hbm4b:s7+s3], $0x400, $0x38;
	[tilespmem:$0x1C800] =	vst v63  }
0x3f: {  	_ =	swait.ge [sflag:s19], $0x400  }
0x40: {  	[sflag:s19] =	ssyncset.done $0x0  }
0x41: {  	[sflag:s19] =	ssyncadd.s32 $0xFFFFFC00  }
0x42: {  	[tilespmem:s18], [sflag:$0x1] =	stream.indirect.gather [hbm4b:s4+s21], $0x80, s3, s21, $0xb8;
	[tilespmem:$0x1C800] =	vst v63  }
0x43: {  	_ =	swait.ge [sflag:s22], $0x4000  }
0x44: {  	[sflag:s22] =	ssyncset.done $0x0  }
0x45: {  	[sflag:s22] =	ssyncadd.s32 $0xFFFFC000  }
0x46: {  	[tilespmem:s23], [sflag:$0x2] =	stream.indirect.gather [hbm4b:s4+s21], $0x80, s21, s21, $0xb8;
	[tilespmem:$0x1C800] =	vst v63  }
0x47: {  	_ = 	snop  }
0x48: {  	[spmem:s2] =	stream.indirect.scatter.add.f32 [tilespmem:s18], [sflag:$0x3], $0x80, s20, s21, $0xb8;
	[tilespmem:$0x1C800] =	vst v63  }
0x49: {  	_ =	swait.ge [sflag:s24], $0x4000  }
0x4a: {  	[sflag:s24] =	ssyncset.done $0x0  }
0x4b: {  	[sflag:s24] =	ssyncadd.s32 $0xFFFFC000  }
0x4c: {  	_ =	swait.ge [sflag:s25], $0x4000  }
0x4d: {  	[sflag:s25] =	ssyncset.done $0x0  }
0x4e: {  	[sflag:s25] =	ssyncadd.s32 $0xFFFFC000  }
0x4f: {  	[tilespmem:s18], [sflag:$0x1] =	stream.indirect.gather [hbm4b:s4+s21], $0x80, s26, s21, $0xb8;
	[tilespmem:$0x1C800] =	vst v63  }
0x50: {  	_ = 	snop  }
0x51: {  	[spmem:s2] =	stream.indirect.scatter.add.f32 [tilespmem:s23], [sflag:$0x4], $0x80, s28, s21, $0xb8;
	[tilespmem:$0x1C800] =	vst v63  }
0x52: {  	_ =	swait.ge [sflag:s22], $0x4000  }
0x53: {  	[sflag:s22] =	ssyncset.done $0x0  }
0x54: {  	[sflag:s22] =	ssyncadd.s32 $0xFFFFC000  }
0x55: {  	_ =	swait.ge [sflag:s29], $0x4000  }
0x56: {  	[sflag:s29] =	ssyncset.done $0x0  }
0x57: {  	[sflag:s29] =	ssyncadd.s32 $0xFFFFC000  }
0x58: {  	[tilespmem:s23], [sflag:$0x2] =	stream.indirect.gather [hbm4b:s4+s21], $0x80, s30, s21, $0xb8;
	[tilespmem:$0x1C800] =	vst v63  }
0x59: {  	_ = 	snop  }
0x5a: {  	[spmem:s2] =	stream.indirect.scatter.add.f32 [tilespmem:s18], [sflag:$0x3], $0x80, s31, s21, $0xb8;
	[tilespmem:$0x1C800] =	vst v63  }
0x5b: {  	_ =	swait.ge [sflag:s24], $0x4000  }
0x5c: {  	[sflag:s24] =	ssyncset.done $0x0  }
0x5d: {  	[sflag:s24] =	ssyncadd.s32 $0xFFFFC000  }
0x5e: {  	_ =	swait.ge [sflag:s25], $0x4000  }
0x5f: {  	[sflag:s25] =	ssyncset.done $0x0  }
0x60: {  	[sflag:s25] =	ssyncadd.s32 $0xFFFFC000  }
0x61: {  	[tilespmem:s18], [sflag:$0x1] =	stream.indirect.gather [hbm4b:s4+s21], $0x80, s0, s21, $0xb8;
	[tilespmem:$0x1C800] =	vst v63  }
0x62: {  	_ = 	snop  }
0x63: {  	[spmem:s2] =	stream.indirect.scatter.add.f32 [tilespmem:s23], [sflag:$0x4], $0x80, s1, s21, $0xb8;
	[tilespmem:$0x1C800] =	vst v63  }
0x64: {  	_ =	swait.ge [sflag:s22], $0x4000  }
0x65: {  	[sflag:s22] =	ssyncset.done $0x0  }
0x66: {  	[sflag:s22] =	ssyncadd.s32 $0xFFFFC000  }
0x67: {  	_ =	swait.ge [sflag:s29], $0x4000  }
0x68: {  	[sflag:s29] =	ssyncset.done $0x0  }
0x69: {  	[sflag:s29] =	ssyncadd.s32 $0xFFFFC000  }
0x6a: {  	[tilespmem:s23], [sflag:$0x2] =	stream.indirect.gather [hbm4b:s4+s21], $0x80, s5, s21, $0xb8;
	[tilespmem:$0x1C800] =	vst v63  }
0x6b: {  	_ = 	snop  }
0x6c: {  	[spmem:s2] =	stream.indirect.scatter.add.f32 [tilespmem:s18], [sflag:$0x3], $0x80, s11, s21, $0xb8;
	[tilespmem:$0x1C800] =	vst v63  }
0x6d: {  	_ =	swait.ge [sflag:s24], $0x4000  }
0x6e: {  	[sflag:s24] =	ssyncset.done $0x0  }
0x6f: {  	[sflag:s24] =	ssyncadd.s32 $0xFFFFC000  }
0x70: {  	_ =	swait.ge [sflag:s25], $0x4000  }
0x71: {  	[sflag:s25] =	ssyncset.done $0x0  }
0x72: {  	[sflag:s25] =	ssyncadd.s32 $0xFFFFC000  }
0x73: {  	[tilespmem:s18], [sflag:$0x1] =	stream.indirect.gather [hbm4b:s4+s21], $0x80, s12, s21, $0xb8;
	[tilespmem:$0x1C800] =	vst v63  }
0x74: {  	_ = 	snop  }
0x75: {  	[spmem:s2] =	stream.indirect.scatter.add.f32 [tilespmem:s23], [sflag:$0x4], $0x80, s13, s21, $0xb8;
	[tilespmem:$0x1C800] =	vst v63  }
0x76: {  	_ =	swait.ge [sflag:s22], $0x4000  }
0x77: {  	[sflag:s22] =	ssyncset.done $0x0  }
0x78: {  	[sflag:s22] =	ssyncadd.s32 $0xFFFFC000  }
0x79: {  	_ =	swait.ge [sflag:s29], $0x4000  }
0x7a: {  	[sflag:s29] =	ssyncset.done $0x0  }
0x7b: {  	[sflag:s29] =	ssyncadd.s32 $0xFFFFC000  }
0x7c: {  	[tilespmem:s23], [sflag:$0x2] =	stream.indirect.gather [hbm4b:s4+s21], $0x80, s14, s21, $0xb8;
	[tilespmem:$0x1C800] =	vst v63  }
0x7d: {  	_ = 	snop  }
0x7e: {  	[spmem:s2] =	stream.indirect.scatter.add.f32 [tilespmem:s18], [sflag:$0x3], $0x80, s15, s21, $0xb8;
	[tilespmem:$0x1C800] =	vst v63  }
0x7f: {  	_ =	swait.ge [sflag:s24], $0x4000  }
0x80: {  	[sflag:s24] =	ssyncset.done $0x0  }
0x81: {  	[sflag:s24] =	ssyncadd.s32 $0xFFFFC000  }
0x82: {  	_ =	swait.ge [sflag:s25], $0x4000  }
0x83: {  	[sflag:s25] =	ssyncset.done $0x0  }
0x84: {  	[sflag:s25] =	ssyncadd.s32 $0xFFFFC000  }
0x85: {  	[spmem:s2] =	stream.indirect.scatter.add.f32 [tilespmem:s23], [sflag:$0x4], $0x80, s16, s21, $0xb8;
	[tilespmem:$0x1C800] =	vst v63  }
0x86: {  	_ =	swait.ge [sflag:s29], $0x4000  }
0x87: {  	s8 =	simm.s32 $0x100;
	s7 =	simm.s32 $0x80;
	[sflag:s29] =	ssyncset.done $0x0  }
.LBB2_2:
0x88: {  	s10 =	sadd.s32 s7, s17;
	[sflag:s29] =	ssyncadd.s32 $0xFFFFC000  }
0x89: {  	[tilespmem:s3], [sflag:$0x5] =	stream.linear.gather [hbm4b:s10+s3], $0x400, $0x38;
	[tilespmem:$0x1C800] =	vst v63  }
0x8a: {  	s6 =	smov.u32 s8;
	_ =	swait.ge [sflag:s19], $0x400  }
0x8b: {  	s9 =	sadd.s32 $0x80, s8;
	s10 =	rddreg [dreg:$0x3];
	[sflag:s19] =	ssyncset.done $0x0  }
0x8c: {  	p0 =	sne.s32 s8, $0x480;
	[sflag:s19] =	ssyncadd.s32 $0xFFFFFC00;
	s8 =	sadd.s32 s7, s10  }
0x8d: {  	[tilespmem:s20], [sflag:$0x5] =	stream.linear.gather [hbm4b:s8+s3], $0x400, $0x38;
	[tilespmem:$0x1C800] =	vst v63  }
0x8e: {  	_ =	swait.ge [sflag:s19], $0x400  }
0x8f: {  	[sflag:s19] =	ssyncset.done $0x0  }
0x90: {  	[sflag:s19] =	ssyncadd.s32 $0xFFFFFC00  }
0x91: {  	[tilespmem:s18], [sflag:$0x1] =	stream.indirect.gather [hbm4b:s4+s21], $0x80, s3, s21, $0xb8;
	[tilespmem:$0x1C800] =	vst v63  }
0x92: {  	_ =	swait.ge [sflag:s22], $0x4000  }
0x93: {  	[sflag:s22] =	ssyncset.done $0x0  }
0x94: {  	[sflag:s22] =	ssyncadd.s32 $0xFFFFC000  }
0x95: {  	[tilespmem:s23], [sflag:$0x2] =	stream.indirect.gather [hbm4b:s4+s21], $0x80, s21, s21, $0xb8;
	[tilespmem:$0x1C800] =	vst v63  }
0x96: {  	_ = 	snop  }
0x97: {  	[spmem:s2] =	stream.indirect.scatter.add.f32 [tilespmem:s18], [sflag:$0x3], $0x80, s20, s21, $0xb8;
	[tilespmem:$0x1C800] =	vst v63  }
0x98: {  	_ =	swait.ge [sflag:s24], $0x4000  }
0x99: {  	[sflag:s24] =	ssyncset.done $0x0  }
0x9a: {  	[sflag:s24] =	ssyncadd.s32 $0xFFFFC000  }
0x9b: {  	_ =	swait.ge [sflag:s25], $0x4000  }
0x9c: {  	[sflag:s25] =	ssyncset.done $0x0  }
0x9d: {  	[sflag:s25] =	ssyncadd.s32 $0xFFFFC000  }
0x9e: {  	[tilespmem:s18], [sflag:$0x1] =	stream.indirect.gather [hbm4b:s4+s21], $0x80, s26, s21, $0xb8;
	[tilespmem:$0x1C800] =	vst v63  }
0x9f: {  	_ = 	snop  }
0xa0: {  	[spmem:s2] =	stream.indirect.scatter.add.f32 [tilespmem:s23], [sflag:$0x4], $0x80, s28, s21, $0xb8;
	[tilespmem:$0x1C800] =	vst v63  }
0xa1: {  	_ =	swait.ge [sflag:s22], $0x4000  }
0xa2: {  	[sflag:s22] =	ssyncset.done $0x0  }
0xa3: {  	[sflag:s22] =	ssyncadd.s32 $0xFFFFC000  }
0xa4: {  	_ =	swait.ge [sflag:s29], $0x4000  }
0xa5: {  	[sflag:s29] =	ssyncset.done $0x0  }
0xa6: {  	[sflag:s29] =	ssyncadd.s32 $0xFFFFC000  }
0xa7: {  	[tilespmem:s23], [sflag:$0x2] =	stream.indirect.gather [hbm4b:s4+s21], $0x80, s30, s21, $0xb8;
	[tilespmem:$0x1C800] =	vst v63  }
0xa8: {  	_ = 	snop  }
0xa9: {  	[spmem:s2] =	stream.indirect.scatter.add.f32 [tilespmem:s18], [sflag:$0x3], $0x80, s31, s21, $0xb8;
	[tilespmem:$0x1C800] =	vst v63  }
0xaa: {  	_ =	swait.ge [sflag:s24], $0x4000  }
0xab: {  	[sflag:s24] =	ssyncset.done $0x0  }
0xac: {  	[sflag:s24] =	ssyncadd.s32 $0xFFFFC000  }
0xad: {  	_ =	swait.ge [sflag:s25], $0x4000  }
0xae: {  	[sflag:s25] =	ssyncset.done $0x0  }
0xaf: {  	[sflag:s25] =	ssyncadd.s32 $0xFFFFC000  }
0xb0: {  	[tilespmem:s18], [sflag:$0x1] =	stream.indirect.gather [hbm4b:s4+s21], $0x80, s0, s21, $0xb8;
	[tilespmem:$0x1C800] =	vst v63  }
0xb1: {  	_ = 	snop  }
0xb2: {  	[spmem:s2] =	stream.indirect.scatter.add.f32 [tilespmem:s23], [sflag:$0x4], $0x80, s1, s21, $0xb8;
	[tilespmem:$0x1C800] =	vst v63  }
0xb3: {  	_ =	swait.ge [sflag:s22], $0x4000  }
0xb4: {  	[sflag:s22] =	ssyncset.done $0x0  }
0xb5: {  	[sflag:s22] =	ssyncadd.s32 $0xFFFFC000  }
0xb6: {  	_ =	swait.ge [sflag:s29], $0x4000  }
0xb7: {  	[sflag:s29] =	ssyncset.done $0x0  }
0xb8: {  	[sflag:s29] =	ssyncadd.s32 $0xFFFFC000  }
0xb9: {  	[tilespmem:s23], [sflag:$0x2] =	stream.indirect.gather [hbm4b:s4+s21], $0x80, s5, s21, $0xb8;
	[tilespmem:$0x1C800] =	vst v63  }
0xba: {  	_ = 	snop  }
0xbb: {  	[spmem:s2] =	stream.indirect.scatter.add.f32 [tilespmem:s18], [sflag:$0x3], $0x80, s11, s21, $0xb8;
	[tilespmem:$0x1C800] =	vst v63  }
0xbc: {  	_ =	swait.ge [sflag:s24], $0x4000  }
0xbd: {  	[sflag:s24] =	ssyncset.done $0x0  }
0xbe: {  	[sflag:s24] =	ssyncadd.s32 $0xFFFFC000  }
0xbf: {  	_ =	swait.ge [sflag:s25], $0x4000  }
0xc0: {  	[sflag:s25] =	ssyncset.done $0x0  }
0xc1: {  	[sflag:s25] =	ssyncadd.s32 $0xFFFFC000  }
0xc2: {  	[tilespmem:s18], [sflag:$0x1] =	stream.indirect.gather [hbm4b:s4+s21], $0x80, s12, s21, $0xb8;
	[tilespmem:$0x1C800] =	vst v63  }
0xc3: {  	_ = 	snop  }
0xc4: {  	[spmem:s2] =	stream.indirect.scatter.add.f32 [tilespmem:s23], [sflag:$0x4], $0x80, s13, s21, $0xb8;
	[tilespmem:$0x1C800] =	vst v63  }
0xc5: {  	_ =	swait.ge [sflag:s22], $0x4000  }
0xc6: {  	[sflag:s22] =	ssyncset.done $0x0  }
0xc7: {  	[sflag:s22] =	ssyncadd.s32 $0xFFFFC000  }
0xc8: {  	_ =	swait.ge [sflag:s29], $0x4000  }
0xc9: {  	[sflag:s29] =	ssyncset.done $0x0  }
0xca: {  	[sflag:s29] =	ssyncadd.s32 $0xFFFFC000  }
0xcb: {  	[tilespmem:s23], [sflag:$0x2] =	stream.indirect.gather [hbm4b:s4+s21], $0x80, s14, s21, $0xb8;
	[tilespmem:$0x1C800] =	vst v63  }
0xcc: {  	_ = 	snop  }
0xcd: {  	[spmem:s2] =	stream.indirect.scatter.add.f32 [tilespmem:s18], [sflag:$0x3], $0x80, s15, s21, $0xb8;
	[tilespmem:$0x1C800] =	vst v63  }
0xce: {  	_ =	swait.ge [sflag:s24], $0x4000  }
0xcf: {  	[sflag:s24] =	ssyncset.done $0x0  }
0xd0: {  	[sflag:s24] =	ssyncadd.s32 $0xFFFFC000  }
0xd1: {  	_ =	swait.ge [sflag:s25], $0x4000  }
.Ltmp0:
0xd2: {  	[sflag:s25] =	ssyncset.done $0x0;
	(pc) =	sbr.rel @p0 .LBB2_2-.Ltmp0, $4  }
0xd3: {  	[sflag:s25] =	ssyncadd.s32 $0xFFFFC000  }
0xd4: {  	[spmem:s2] =	stream.indirect.scatter.add.f32 [tilespmem:s23], [sflag:$0x4], $0x80, s16, s21, $0xb8;
	[tilespmem:$0x1C800] =	vst v63  }
0xd5: {  	_ =	swait.ge [sflag:s29], $0x4000  }
0xd6: {  	s7 =	smov.u32 s6;
	s8 =	smov.u32 s9;
	[sflag:s29] =	ssyncset.done $0x0  }
0xd7: {  	s6 =	sadd.s32 s7, s17;
	[sflag:s29] =	ssyncadd.s32 $0xFFFFC000  }
0xd8: {  	[tilespmem:s3], [sflag:$0x5] =	stream.linear.gather [hbm4b:s6+s3], $0x400, $0x38;
	[tilespmem:$0x1C800] =	vst v63  }
0xd9: {  	_ =	swait.ge [sflag:s19], $0x400  }
0xda: {  	s10 =	rddreg [dreg:$0x3];
	[sflag:s19] =	ssyncset.done $0x0  }
0xdb: {  	s6 =	sadd.s32 s7, s10;
	[sflag:s19] =	ssyncadd.s32 $0xFFFFFC00  }
0xdc: {  	[tilespmem:s20], [sflag:$0x5] =	stream.linear.gather [hbm4b:s6+s3], $0x400, $0x38;
	[tilespmem:$0x1C800] =	vst v63  }
0xdd: {  	_ =	swait.ge [sflag:s19], $0x400  }
0xde: {  	[sflag:s19] =	ssyncset.done $0x0  }
0xdf: {  	[sflag:s19] =	ssyncadd.s32 $0xFFFFFC00  }
0xe0: {  	[tilespmem:s18], [sflag:$0x1] =	stream.indirect.gather [hbm4b:s4+s21], $0x80, s3, s21, $0xb8;
	[tilespmem:$0x1C800] =	vst v63  }
0xe1: {  	_ =	swait.ge [sflag:s22], $0x4000  }
0xe2: {  	[sflag:s22] =	ssyncset.done $0x0  }
0xe3: {  	[sflag:s22] =	ssyncadd.s32 $0xFFFFC000  }
0xe4: {  	[tilespmem:s23], [sflag:$0x2] =	stream.indirect.gather [hbm4b:s4+s21], $0x80, s21, s21, $0xb8;
	[tilespmem:$0x1C800] =	vst v63  }
0xe5: {  	_ = 	snop  }
0xe6: {  	[spmem:s2] =	stream.indirect.scatter.add.f32 [tilespmem:s18], [sflag:$0x3], $0x80, s20, s21, $0xb8;
	[tilespmem:$0x1C800] =	vst v63  }
0xe7: {  	_ =	swait.ge [sflag:s24], $0x4000  }
0xe8: {  	[sflag:s24] =	ssyncset.done $0x0  }
0xe9: {  	[sflag:s24] =	ssyncadd.s32 $0xFFFFC000  }
0xea: {  	_ =	swait.ge [sflag:s25], $0x4000  }
0xeb: {  	[sflag:s25] =	ssyncset.done $0x0  }
0xec: {  	[sflag:s25] =	ssyncadd.s32 $0xFFFFC000  }
0xed: {  	[tilespmem:s18], [sflag:$0x1] =	stream.indirect.gather [hbm4b:s4+s21], $0x80, s26, s21, $0xb8;
	[tilespmem:$0x1C800] =	vst v63  }
0xee: {  	_ = 	snop  }
0xef: {  	[spmem:s2] =	stream.indirect.scatter.add.f32 [tilespmem:s23], [sflag:$0x4], $0x80, s28, s21, $0xb8;
	[tilespmem:$0x1C800] =	vst v63  }
0xf0: {  	_ =	swait.ge [sflag:s22], $0x4000  }
0xf1: {  	[sflag:s22] =	ssyncset.done $0x0  }
0xf2: {  	[sflag:s22] =	ssyncadd.s32 $0xFFFFC000  }
0xf3: {  	_ =	swait.ge [sflag:s29], $0x4000  }
0xf4: {  	[sflag:s29] =	ssyncset.done $0x0  }
0xf5: {  	[sflag:s29] =	ssyncadd.s32 $0xFFFFC000  }
0xf6: {  	[tilespmem:s23], [sflag:$0x2] =	stream.indirect.gather [hbm4b:s4+s21], $0x80, s30, s21, $0xb8;
	[tilespmem:$0x1C800] =	vst v63  }
0xf7: {  	_ = 	snop  }
0xf8: {  	[spmem:s2] =	stream.indirect.scatter.add.f32 [tilespmem:s18], [sflag:$0x3], $0x80, s31, s21, $0xb8;
	[tilespmem:$0x1C800] =	vst v63  }
0xf9: {  	_ =	swait.ge [sflag:s24], $0x4000  }
0xfa: {  	[sflag:s24] =	ssyncset.done $0x0  }
0xfb: {  	[sflag:s24] =	ssyncadd.s32 $0xFFFFC000  }
0xfc: {  	_ =	swait.ge [sflag:s25], $0x4000  }
0xfd: {  	[sflag:s25] =	ssyncset.done $0x0  }
0xfe: {  	[sflag:s25] =	ssyncadd.s32 $0xFFFFC000  }
0xff: {  	[tilespmem:s18], [sflag:$0x1] =	stream.indirect.gather [hbm4b:s4+s21], $0x80, s0, s21, $0xb8;
	[tilespmem:$0x1C800] =	vst v63  }
0x100: {  	_ = 	snop  }
0x101: {  	[spmem:s2] =	stream.indirect.scatter.add.f32 [tilespmem:s23], [sflag:$0x4], $0x80, s1, s21, $0xb8;
	[tilespmem:$0x1C800] =	vst v63  }
0x102: {  	_ =	swait.ge [sflag:s22], $0x4000  }
0x103: {  	[sflag:s22] =	ssyncset.done $0x0  }
0x104: {  	[sflag:s22] =	ssyncadd.s32 $0xFFFFC000  }
0x105: {  	_ =	swait.ge [sflag:s29], $0x4000  }
0x106: {  	[sflag:s29] =	ssyncset.done $0x0  }
0x107: {  	[sflag:s29] =	ssyncadd.s32 $0xFFFFC000  }
0x108: {  	[tilespmem:s23], [sflag:$0x2] =	stream.indirect.gather [hbm4b:s4+s21], $0x80, s5, s21, $0xb8;
	[tilespmem:$0x1C800] =	vst v63  }
0x109: {  	_ = 	snop  }
0x10a: {  	[spmem:s2] =	stream.indirect.scatter.add.f32 [tilespmem:s18], [sflag:$0x3], $0x80, s11, s21, $0xb8;
	[tilespmem:$0x1C800] =	vst v63  }
0x10b: {  	_ =	swait.ge [sflag:s24], $0x4000  }
0x10c: {  	[sflag:s24] =	ssyncset.done $0x0  }
0x10d: {  	[sflag:s24] =	ssyncadd.s32 $0xFFFFC000  }
0x10e: {  	_ =	swait.ge [sflag:s25], $0x4000  }
0x10f: {  	[sflag:s25] =	ssyncset.done $0x0  }
0x110: {  	[sflag:s25] =	ssyncadd.s32 $0xFFFFC000  }
0x111: {  	[tilespmem:s18], [sflag:$0x1] =	stream.indirect.gather [hbm4b:s4+s21], $0x80, s12, s21, $0xb8;
	[tilespmem:$0x1C800] =	vst v63  }
0x112: {  	_ = 	snop  }
0x113: {  	[spmem:s2] =	stream.indirect.scatter.add.f32 [tilespmem:s23], [sflag:$0x4], $0x80, s13, s21, $0xb8;
	[tilespmem:$0x1C800] =	vst v63  }
0x114: {  	_ =	swait.ge [sflag:s22], $0x4000  }
0x115: {  	[sflag:s22] =	ssyncset.done $0x0  }
0x116: {  	[sflag:s22] =	ssyncadd.s32 $0xFFFFC000  }
0x117: {  	_ =	swait.ge [sflag:s29], $0x4000  }
0x118: {  	[sflag:s29] =	ssyncset.done $0x0  }
0x119: {  	[sflag:s29] =	ssyncadd.s32 $0xFFFFC000  }
0x11a: {  	[tilespmem:s23], [sflag:$0x2] =	stream.indirect.gather [hbm4b:s4+s21], $0x80, s14, s21, $0xb8;
	[tilespmem:$0x1C800] =	vst v63  }
0x11b: {  	_ = 	snop  }
0x11c: {  	[spmem:s2] =	stream.indirect.scatter.add.f32 [tilespmem:s18], [sflag:$0x3], $0x80, s15, s21, $0xb8;
	[tilespmem:$0x1C800] =	vst v63  }
0x11d: {  	_ =	swait.ge [sflag:s24], $0x4000  }
0x11e: {  	[sflag:s24] =	ssyncset.done $0x0  }
0x11f: {  	[sflag:s24] =	ssyncadd.s32 $0xFFFFC000  }
0x120: {  	_ =	swait.ge [sflag:s25], $0x4000  }
0x121: {  	[sflag:s25] =	ssyncset.done $0x0  }
0x122: {  	[sflag:s25] =	ssyncadd.s32 $0xFFFFC000  }
0x123: {  	[spmem:s2] =	stream.indirect.scatter.add.f32 [tilespmem:s23], [sflag:$0x4], $0x80, s16, s21, $0xb8;
	[tilespmem:$0x1C800] =	vst v63  }
0x124: {  	_ =	swait.ge [sflag:s29], $0x4000  }
0x125: {  	[sflag:s29] =	ssyncset.done $0x0  }
0x126: {  	[sflag:s29] =	ssyncadd.s32 $0xFFFFC000  }
0x127: {  	[bflag:$0x0] =	sbarrier.arrive $0xFFFF  }
0x128: {  	s8 =	rddreg [dreg:$0x5]  }
0x129: {  	[tilespmem:s18], [sflag:$0x5] =	stream.linear.gather [spmem:s8], $0x4000, $0x38;
	[tilespmem:$0x1C800] =	vst v63  }
0x12a: {  	_ =	swait.ge [sflag:s19], $0x4000  }
0x12b: {  	[sflag:s19] =	ssyncset.done $0x0  }
0x12c: {  	s9 =	rddreg [dreg:$0xa];
	[sflag:s19] =	ssyncadd.s32 $0xFFFFC000  }
0x12d: {  	[hbm4b:s9+s3] =	stream.linear.scatter [tilespmem:s18], [sflag:$0x5], $0x4000, $0x38;
	[tilespmem:$0x1C800] =	vst v63  }
0x12e: {  	_ =	swait.ge [sflag:s19], $0x4000  }
0x12f: {  	[sflag:s19] =	ssyncset.done $0x0  }
0x130: {  	s7 =	rddreg [dreg:$0x6];
	[sflag:s19] =	ssyncadd.s32 $0xFFFFC000  }
0x131: {  	[tilespmem:s18], [sflag:$0x5] =	stream.linear.gather [spmem:s7], $0x4000, $0x38;
	[tilespmem:$0x1C800] =	vst v63  }
0x132: {  	_ =	swait.ge [sflag:s19], $0x4000  }
0x133: {  	[sflag:s19] =	ssyncset.done $0x0  }
0x134: {  	s10 =	rddreg [dreg:$0xb];
	[sflag:s19] =	ssyncadd.s32 $0xFFFFC000  }
0x135: {  	[hbm4b:s10+s3] =	stream.linear.scatter [tilespmem:s18], [sflag:$0x5], $0x4000, $0x38;
	[tilespmem:$0x1C800] =	vst v63  }
0x136: {  	_ =	swait.ge [sflag:s19], $0x4000  }
0x137: {  	[sflag:s19] =	ssyncset.done $0x0  }
0x138: {  	s8 =	rddreg [dreg:$0x7];
	[sflag:s19] =	ssyncadd.s32 $0xFFFFC000  }
0x139: {  	[tilespmem:s18], [sflag:$0x5] =	stream.linear.gather [spmem:s8], $0x4000, $0x38;
	[tilespmem:$0x1C800] =	vst v63  }
0x13a: {  	_ =	swait.ge [sflag:s19], $0x4000  }
0x13b: {  	[sflag:s19] =	ssyncset.done $0x0  }
0x13c: {  	s9 =	rddreg [dreg:$0xc];
	[sflag:s19] =	ssyncadd.s32 $0xFFFFC000  }
0x13d: {  	[hbm4b:s9+s3] =	stream.linear.scatter [tilespmem:s18], [sflag:$0x5], $0x4000, $0x38;
	[tilespmem:$0x1C800] =	vst v63  }
0x13e: {  	_ =	swait.ge [sflag:s19], $0x4000  }
0x13f: {  	[sflag:s19] =	ssyncset.done $0x0  }
0x140: {  	s8 =	rddreg [dreg:$0x8];
	[sflag:s19] =	ssyncadd.s32 $0xFFFFC000  }
0x141: {  	[tilespmem:s18], [sflag:$0x5] =	stream.linear.gather [spmem:s8], $0x4000, $0x38;
	[tilespmem:$0x1C800] =	vst v63  }
0x142: {  	_ =	swait.ge [sflag:s19], $0x4000  }
0x143: {  	[sflag:s19] =	ssyncset.done $0x0  }
0x144: {  	s10 =	rddreg [dreg:$0xd];
	[sflag:s19] =	ssyncadd.s32 $0xFFFFC000  }
0x145: {  	[hbm4b:s10+s3] =	stream.linear.scatter [tilespmem:s18], [sflag:$0x5], $0x4000, $0x38;
	[tilespmem:$0x1C800] =	vst v63  }
0x146: {  	_ =	swait.ge [sflag:s19], $0x4000  }
0x147: {  	[sflag:s19] =	ssyncset.done $0x0  }
0x148: {  	s10 =	rddreg [dreg:$0x9];
	[sflag:s19] =	ssyncadd.s32 $0xFFFFC000  }
0x149: {  	[tilespmem:s18], [sflag:$0x5] =	stream.linear.gather [spmem:s10], $0x4000, $0x38;
	[tilespmem:$0x1C800] =	vst v63  }
0x14a: {  	_ =	swait.ge [sflag:s19], $0x4000  }
0x14b: {  	[sflag:s19] =	ssyncset.done $0x0  }
0x14c: {  	s9 =	rddreg [dreg:$0xe];
	[sflag:s19] =	ssyncadd.s32 $0xFFFFC000  }
0x14d: {  	[hbm4b:s9+s3] =	stream.linear.scatter [tilespmem:s18], [sflag:$0x5], $0x4000, $0x38;
	[tilespmem:$0x1C800] =	vst v63  }
0x14e: {  	_ =	swait.ge [sflag:s19], $0x4000  }
0x14f: {  	s9 =	rddreg [dreg:$0x10]  }
0x150: {  	s6 =	rddreg [dreg:$0xf];
	s9 =	sadd.s32 $0x1, s9  }
0x151: {  	p0 =	sne.s32 s9, s6  }
.Ltmp1:
0x152: {  	_ = 	snop;
	(pc) =	sbr.rel @p0 .LBB2_1-.Ltmp1, $3  }
0x153: {  	_ =	sdelay $0x1  }
0x154: {  	[sflag:s19] =	ssyncset.done $0x0;
	[dreg:$0x10] =	wrdreg s9  }
0x155: {  	[sflag:s19] =	ssyncadd.s32 $0xFFFFC000;
	s9 =	smov.u32 s8;
	s8 =	rddreg [dreg:$0x7]  }
0x156: {  	_ =	sfence.sel $0x180000  }
0x157: {  	[bflag:$0x0] =	sbarrier.arrive $0xFFFF  }
0x158: {  	_ =	strace $0x9000004A  }
0x159: {  	s0 =	stileid.u32;
	[bflag:$0x2] =	sbarrier.arrive $0xFFFF  }
0x15a: {  	p0 =	sne.s32 s0, $0x0;
	s0 =	rddreg [dreg:$0x2]  }
0x15b: {  	s0 =	sadd.s32 @!p0 $0x100000, s0  }
0x15c: {  	[sflag:s0] =	ssyncadd.tile.s32 @!p0 $0x1;
	_ =	shalt  }
.Lfunc_end2:
_tile_overlayer_lowered:
.L_overlay_start_2:
0x15d: {  	(tag) =	ssettag $0x2  }
0x15e: {  	s0 =	rddreg [dreg:$0x0];
	s2 =	stileid.u32  }
0x15f: {  	s1 =	rddreg [dreg:$0x1];
	p0 =	sne.s32 s2, $0x0  }
0x160: {  	s3 =	rddreg [dreg:$0x2];
	[bflag:$0x3] =	sbarrier.arrive $0xFFFF;
	s2 =	simm.s32 @!p0 $0x1C05  }
0x161: {  	[timem:s3], [sflag:s2] =	dma.local @!p0 [hbm:s0], s1  }
0x162: {  	s0 =	simm.s32 @!p0 $0x5  }
0x163: {  	_ =	swait.ge @!p0 [sflag:s0], s1  }
0x164: {  	s1 =	ssub.s32 @!p0 $0x0, s1;
	[sflag:s0] =	ssyncset.done @!p0 $0x0  }
0x165: {  	[sflag:s0] =	ssyncadd.s32 @!p0 s1  }
0x166: {  	[bflag:$0x3] =	sbarrier.arrive $0xFFFF  }
0x167: {  	_ =	shalt  }

// kernel: kernel.14.cloned.1.call-start
scs
__scs_entry_jumppad:
0x0: {  	(pc) =	sbr.rel $0x88, $3  }
0x1: {  	(tag) =	ssettag $0x0;
	lr =	simm.s32 $0x1  }
0x2: {  	[smem:$0x3F97] =	sst lr;
	_ =	strace $0xD0000000  }
0x3: {  	_ = 	snop  }
0x4: {  	_ = 	snop  }
0x5: {  	_ = 	snop  }
0x6: {  	_ = 	snop  }
0x7: {  	_ = 	snop  }
__scs_overlays_trampoline_lowered:
0x8: {  	[smem:$0x3FA6] =	sst s0  }
0x9: {  	[smem:$0x3FA7] =	sst s1  }
0xa: {  	[smem:$0x3FA8] =	sst s2  }
0xb: {  	[smem:$0x3FA9] =	sst s3  }
0xc: {  	[smem:$0x3FAA] =	sst s4  }
0xd: {  	[smem:$0x3FAB] =	sst s5  }
0xe: {  	[smem:$0x3FAC] =	sst s6  }
0xf: {  	[smem:$0x3FAD] =	sst s7  }
0x10: {  	[smem:$0x3FAE] =	sst s8  }
0x11: {  	[smem:$0x3FAF] =	sst s9;
	s0 =	simm.s32 @!p0 $0x0  }
0x12: {  	s1 =	sld [smem:$0x3F95];
	s0 =	simm.s32 @p0 $0x1  }
0x13: {  	[smem:$0x3FB0] =	sst s0;
	s0 =	simm.s32 @!p1 $0x0  }
0x14: {  	s2 =	sld [smem:$0x3F94];
	s0 =	simm.s32 @p1 $0x1  }
0x15: {  	[smem:$0x3FB1] =	sst s0;
	s0 =	simm.s32 @!p2 $0x0  }
0x16: {  	s3 =	sld [smem:$0x3FDB];
	s0 =	simm.s32 @p2 $0x1  }
0x17: {  	s4 =	simm.s32 $0x1BF5;
	[smem:$0x3FB3] =	sst s0  }
0x18: {  	s0 =	sld [smem:$0x3F96];
	_ =	swait.ge [sflag:s4], $0x0  }
0x19: {  	s7 =	sld [smem:$0x3F97]  }
0x1a: {  	s8 =	sadd.s32 $0xFFFFE003, lr  }
0x1b: {  	s9 =	sadd.s32 $0xFFFFFEF7, lr;
	s5 =	simm.s32 $0xFFFFFFFF;
	p2 =	slt.u32 s8, $0xFFFFF086  }
0x1c: {  	p1 =	slt.u32 s9, $0xF7A;
	s5 =	simm.s32 @!p2 $0x0  }
0x1d: {  	s5 =	simm.s32 @p1 $0x1;
	p0 =	seq.s32 s7, s2  }
0x1e: {  	s7 =	smul.u32 @!p0 $0xF7A, s2;
	p2 =	seq.s32 @!p0 s5, $0x0  }
0x1f: {  	s9 =	smul.u32 $0xF7A, s1;
	s8 =	simm.s32 @!p0 $0x1BF5;
	p2 =	por !p2, p0  }
0x20: {  	[sflag:s8] =	ssyncset.s32 @!p0 $0xFFFFF086;
	s6 =	sadd.s32 @!p0 s3, s7;
	s7 =	simm.s32 @!p0 $0x108  }
0x21: {  	s3 =	sadd.s32 s3, s9;
	s6 =	sadd.s32 @!p0 $0x88, s6;
	s7 =	simm.s32 @p2 $0x1082  }
0x22: {  	[simem:s7], [sflag:s8] =	dma.local @!p0 [hbm:s6], $0xF7A  }
0x23: {  	s9 =	sor.u32 $0xD0000000, s2;
	s6 =	simm.s32 $0x108;
	_ =	swait.ge @!p0 [sflag:s8], $0x0  }
0x24: {  	s3 =	sadd.s32 $0x88, s3;
	s6 =	simm.s32 @!p1 $0x1082;
	[sflag:s4] =	ssyncset.s32 $0xFFFFF086  }
0x25: {  	[simem:s6], [sflag:s4] =	dma.local [hbm:s3], $0xF7A  }
0x26: {  	[smem:$0x3F97] =	sst s1;
	(tag) =	ssettag s2;
	_ =	strace s9  }
0x27: {  	s1 =	sld [smem:$0x3FA7]  }
0x28: {  	s2 =	sld [smem:$0x3FA8]  }
0x29: {  	s4 =	sld [smem:$0x3FAA]  }
0x2a: {  	p0 =	seq.s32 s5, $0x0;
	s5 =	sld [smem:$0x3FAB]  }
0x2b: {  	s6 =	sld [smem:$0x3FAC]  }
0x2c: {  	s7 =	sld [smem:$0x3FAD]  }
0x2d: {  	s3 =	simm.s32 $0x108;
	s8 =	sld [smem:$0x3FAE]  }
0x2e: {  	s3 =	simm.s32 @!p0 $0x1082;
	s9 =	sld [smem:$0x3FAF]  }
0x2f: {  	lr =	sadd.s32 s0, s3;
	s0 =	sld [smem:$0x3FA6]  }
0x30: {  	s3 =	sld [smem:$0x3FA9]  }
0x31: {  	[smem:$0x3FB2] =	sst s10  }
0x32: {  	s10 =	sld [smem:$0x3FB0];
	_ =	sdelay $0x3  }
0x33: {  	p0 =	seq.s32 s10, $0x1;
	s10 =	sld [smem:$0x3FB2];
	_ =	sdelay $0x3  }
0x34: {  	[smem:$0x3FB2] =	sst s10  }
0x35: {  	s10 =	sld [smem:$0x3FB1];
	_ =	sdelay $0x3  }
0x36: {  	p1 =	seq.s32 s10, $0x1;
	s10 =	sld [smem:$0x3FB2];
	_ =	sdelay $0x3  }
0x37: {  	[smem:$0x3FB2] =	sst s10  }
0x38: {  	s10 =	sld [smem:$0x3FB3]  }
0x39: {  	_ = 	snop;
	(pc) =	sbr.ind lr, $3  }
0x3a: {  	_ = 	snop  }
0x3b: {  	_ = 	snop  }
0x3c: {  	p2 =	seq.s32 s10, $0x1;
	s10 =	sld [smem:$0x3FB2]  }
0x3d: {  	_ =	shalt  }
0x3e: {  	_ =	shalt  }
0x3f: {  	_ =	shalt  }
0x40: {  	_ =	shalt  }
0x41: {  	_ =	shalt  }
0x42: {  	_ =	shalt  }
0x43: {  	_ =	shalt  }
0x44: {  	_ =	shalt  }
0x45: {  	_ =	shalt  }
0x46: {  	_ =	shalt  }
0x47: {  	_ =	shalt  }
0x48: {  	_ =	shalt  }
0x49: {  	_ =	shalt  }
0x4a: {  	_ =	shalt  }
0x4b: {  	_ =	shalt  }
0x4c: {  	_ =	shalt  }
0x4d: {  	_ =	shalt  }
0x4e: {  	_ =	shalt  }
0x4f: {  	_ =	shalt  }
0x50: {  	_ =	shalt  }
0x51: {  	_ =	shalt  }
0x52: {  	_ =	shalt  }
0x53: {  	_ =	shalt  }
0x54: {  	_ =	shalt  }
0x55: {  	_ =	shalt  }
0x56: {  	_ =	shalt  }
0x57: {  	_ =	shalt  }
0x58: {  	_ =	shalt  }
0x59: {  	_ =	shalt  }
0x5a: {  	_ =	shalt  }
0x5b: {  	_ =	shalt  }
0x5c: {  	_ =	shalt  }
0x5d: {  	_ =	shalt  }
0x5e: {  	_ =	shalt  }
0x5f: {  	_ =	shalt  }
0x60: {  	_ =	shalt  }
0x61: {  	_ =	shalt  }
0x62: {  	_ =	shalt  }
0x63: {  	_ =	shalt  }
0x64: {  	_ =	shalt  }
0x65: {  	_ =	shalt  }
0x66: {  	_ =	shalt  }
0x67: {  	_ =	shalt  }
0x68: {  	_ =	shalt  }
0x69: {  	_ =	shalt  }
0x6a: {  	_ =	shalt  }
0x6b: {  	_ =	shalt  }
0x6c: {  	_ =	shalt  }
0x6d: {  	_ =	shalt  }
0x6e: {  	_ =	shalt  }
0x6f: {  	_ =	shalt  }
0x70: {  	_ =	shalt  }
0x71: {  	_ =	shalt  }
0x72: {  	_ =	shalt  }
0x73: {  	_ =	shalt  }
0x74: {  	_ =	shalt  }
0x75: {  	_ =	shalt  }
0x76: {  	_ =	shalt  }
0x77: {  	_ =	shalt  }
0x78: {  	_ =	shalt  }
0x79: {  	_ =	shalt  }
0x7a: {  	_ =	shalt  }
0x7b: {  	_ =	shalt  }
0x7c: {  	_ =	shalt  }
0x7d: {  	_ =	shalt  }
0x7e: {  	_ =	shalt  }
0x7f: {  	_ =	shalt  }
0x80: {  	_ =	shalt  }
0x81: {  	_ =	shalt  }
0x82: {  	_ =	shalt  }
0x83: {  	_ =	shalt  }
0x84: {  	_ =	shalt  }
0x85: {  	_ =	shalt  }
0x86: {  	_ =	shalt  }
0x87: {  	_ =	shalt  }
.Lfunc_end0:
.L_simem_size_0:
called_computation.2_lowered:
.L_overlay_start_0:
0x88: {  	s2 =	sld [smem:$0x3FD9]  }
0x89: {  	s3 =	sld [smem:$0x3FFE];
	_ =	sdelay $0x1  }
0x8a: {  	s1 =	srdreg.scid  }
0x8b: {  	s0 =	sand.u32 $0x1, s1  }
0x8c: {  	s17 =	sshll.u32 s0, $0xA;
	s2 =	sadd.s32 s3, s2  }
0x8d: {  	s2 =	sadd.s32 s2, s17  }
0x8e: {  	[smem:$0x3FBE] =	sst s2  }
0x8f: {  	_ = 	snop  }
0x90: {  	s2 =	sld [smem:$0x3FC1]  }
0x91: {  	s18 =	sld [smem:$0x3FD0];
	(tm) =	ssettm $0x1  }
0x92: {  	s4 =	sld [smem:$0x3FFB];
	_ =	sdelay $0x3  }
0x93: {  	_ =	strace s4  }
0x94: {  	s4 =	sld [smem:$0x3FFC];
	_ =	sdelay $0x3  }
0x95: {  	_ =	strace s4  }
0x96: {  	s4 =	sld [smem:$0x3FFD];
	_ =	sdelay $0x3  }
0x97: {  	_ =	strace s4  }
0x98: {  	_ =	strace $0x8FFFFFFF  }
0x99: {  	s19 =	sld [smem:$0x3FDB];
	_ =	sdelay $0x1  }
0x9a: {  	s5 =	simm.s32 $_scs_section_size  }
0x9b: {  	s6 =	simm.s32 $_size__tile_overlayer_lowered;
	s7 =	simm.s32 $_tile_overlayer_lowered  }
0x9c: {  	s22 =	simm.s32 $0x1BFF;
	s21 =	sshll.u32 s7, $0x1;
	s4 =	sadd.s32 s5, s19  }
0x9d: {  	s8 =	simm.s32 $0x0;
	s20 =	sshll.u32 s6, $0x1;
	s6 =	sadd.s32 s21, s4  }
0x9e: {  	[timem:s8], [sflag:s22] =	dma.local [hbm:s6], s20  }
0x9f: {  	_ =	swait.ge [sflag:s22], s20  }
0xa0: {  	s5 =	ssub.s32 $0x0, s20;
	[sflag:s22] =	ssyncset.done $0x0  }
0xa1: {  	[sflag:s22] =	ssyncadd.s32 s5;
	_ =	sdelay $0x1  }
0xa2: {  	s23 =	simm.s32 $0x1B8B  }
0xa3: {  	_ =	swait.ge [sflag:s23], $0x1  }
0xa4: {  	[sflag:s23] =	ssyncset.done $0x0  }
0xa5: {  	s25 =	simm.s32 $0x1B8E;
	s24 =	sld [smem:$0x3FFE];
	[sflag:s23] =	ssyncadd.s32 $0xFFFFFFFF  }
0xa6: {  	s26 =	simm.s32 $execute0_lowered;
	[smem:$0x3FD2] =	sst s25  }
0xa7: {  	s6 =	sshll.u32 s26, $0x1;
	_ =	strace $0x8000004C;
	[dreg:$0x1] =	wrdreg $0xFFFFFFFF  }
0xa8: {  	s28 =	simm.s32 $_size_execute0_lowered;
	s4 =	sadd.s32 s4, s6;
	[dreg:$0x0] =	wrdreg $0x0  }
0xa9: {  	s6 =	sshll.u32 s28, $0x1;
	[dreg:$0x2] =	wrdreg s4  }
0xaa: {  	[dreg:$0x3] =	wrdreg s6  }
0xab: {  	[dreg:$0x4] =	wrdreg $0xC0  }
0xac: {  	_ =	task [dreg:s8], $0x5FFFF  }
0xad: {  	[dreg:$0x1] =	wrdreg $0xFFFFFFFF  }
0xae: {  	[dreg:$0x0] =	wrdreg $0x60  }
0xaf: {  	[dreg:$0x2] =	wrdreg s24  }
0xb0: {  	[dreg:$0x3] =	wrdreg s2  }
0xb1: {  	[dreg:$0x4] =	wrdreg s18  }
0xb2: {  	[dreg:$0x5] =	wrdreg $0xA2800  }
0xb3: {  	[dreg:$0x6] =	wrdreg $0x1E2800  }
0xb4: {  	[dreg:$0x7] =	wrdreg $0x9  }
0xb5: {  	_ =	task.clear_ibuf [dreg:s8], $0x8FFFF;
	_ =	strace $0x9000004C  }
0xb6: {  	s29 =	simm.s32 $0x9;
	_ =	strace $0x8000004E  }
0xb7: {  	_ =	swait.ge [sflag:s29], $0x1  }
0xb8: {  	[sflag:s29] =	ssyncadd.s32 $0xFFFFFFFF  }
0xb9: {  	_ =	strace $0x9000004E  }
0xba: {  	_ =	sfence  }
0xbb: {  	s30 =	sld [smem:$0x0];
	_ =	sdelay $0x2  }
0xbc: {  	s31 =	sshll.u32 s1, $0xD;
	s1 =	sshrl.u32 s1, $0x2  }
0xbd: {  	s3 =	sand.u32 $0x4000, s31;
	s1 =	sadd.s32 s1, s30  }
0xbe: {  	s0 =	sor.u32 s3, s0;
	s1 =	sshll.u32 s1, $0x11  }
0xbf: {  	s0 =	sor.u32 s1, s0  }
0xc0: {  	s0 =	sadd.s32 $0x8F2B, s0  }
0xc1: {  	[sflag:s0] =	ssyncadd.remote.s32 $0x1  }
0xc2: {  	_ =	sfence.sel $0xFFFF  }
0xc3: {  	[dreg:$0x0] =	wrdreg $0xFFFFFFFF;
	(pc) =	sbr.abs _section_cstart, $3  }
0xc4: {  	[dreg:$0x1] =	wrdreg $0xFFFFFFFF  }
0xc5: {  	_ =	task.clear_ibuf [dreg:s8], $0x2FFFF;
	_ =	strace $0x9FFFFFFF  }
0xc6: {  	(tm) =	ssettm $0x7FFFFFFF  }
0xc7: {  	_ =	shalt  }
tec
execute0_lowered:
.L_overlay_start_1:
0x0: {  	(tag) =	ssettag $0x1  }
0x1: {  	s0 =	srdreg.scid;
	s1 =	rddreg [dreg:$0x0]  }
0x2: {  	s30 =	stileid.u32;
	s3 =	simm.s32 $0x0;
	s11 =	sand.u32 $0x1, s0  }
0x3: {  	s2 =	smul.u32 $0x280, s30;
	[smem:$0x7FF] =	sst s3;
	s16 =	sadd.s32 $0x54A00, s1  }
0x4: {  	s17 =	smul.u32 $0x14000, s30;
	s31 =	sadd.s32 $0xB8600, s1;
	s0 =	ssub.s32 $0x2, s11  }
0x5: {  	s14 =	smul.u32 $0x140000, s11;
	s22 =	sshrl.u32 s0, $0x1;
	s4 =	sor.u32 $0x40, s2  }
0x6: {  	s3 =	sadd.s32 $0x80, s2;
	s6 =	sadd.s32 $0xC0, s2;
	s5 =	sadd.s32 $0x100, s2  }
0x7: {  	s8 =	sadd.s32 $0x140, s2;
	s9 =	sadd.s32 $0x180, s2;
	s0 =	ssub.s32 s0, s22  }
0x8: {  	s10 =	sshll.u32 s4, $0x7;
	s7 =	sshll.u32 s3, $0x7;
	s15 =	sshll.u32 s6, $0x7  }
0x9: {  	s12 =	sshll.u32 s5, $0x7;
	s13 =	sshll.u32 s8, $0x7;
	s17 =	sadd.s32 s17, s14  }
0xa: {  	s20 =	sshll.u32 s9, $0x7;
	s17 =	sshrl.u32 s17, $0x3;
	s18 =	sadd.s32 s14, s10  }
0xb: {  	s24 =	sadd.s32 s14, s7;
	s26 =	sadd.s32 s14, s15;
	s19 =	sadd.s32 s14, s12  }
0xc: {  	s22 =	sadd.s32 s14, s13;
	s17 =	sadd.s32 s16, s17;
	s23 =	sshrl.u32 s18, $0x3  }
0xd: {  	s25 =	sshrl.u32 s24, $0x3;
	[dreg:$0x6] =	wrdreg s17;
	s17 =	sadd.s32 s16, s23  }
0xe: {  	s18 =	sshrl.u32 s26, $0x3;
	[dreg:$0x7] =	wrdreg s17;
	s17 =	sadd.s32 s16, s25  }
0xf: {  	s21 =	sshrl.u32 s19, $0x3;
	[dreg:$0x8] =	wrdreg s17;
	s17 =	sadd.s32 s16, s18  }
0x10: {  	s24 =	sadd.s32 s14, s20;
	[dreg:$0x9] =	wrdreg s17;
	s17 =	sadd.s32 s16, s21  }
0x11: {  	s23 =	sshrl.u32 s22, $0x3;
	s21 =	sadd.s32 $0x1C0, s2;
	[dreg:$0xa] =	wrdreg s17  }
0x12: {  	s17 =	sadd.s32 s16, s23;
	s22 =	sshll.u32 s21, $0x7;
	s23 =	sadd.s32 $0x200, s2  }
0x13: {  	[dreg:$0xb] =	wrdreg s17;
	s17 =	sshrl.u32 s24, $0x3;
	s25 =	sadd.s32 s14, s22  }
0x14: {  	s24 =	sshll.u32 s23, $0x7;
	s17 =	sadd.s32 s16, s17;
	s26 =	sshrl.u32 s25, $0x3  }
0x15: {  	s25 =	sadd.s32 $0x240, s2;
	[dreg:$0xc] =	wrdreg s17;
	s17 =	sadd.s32 s16, s26  }
0x16: {  	s18 =	sadd.s32 s14, s24;
	s26 =	sshll.u32 s25, $0x7;
	[dreg:$0xd] =	wrdreg s17  }
0x17: {  	s17 =	sshrl.u32 s18, $0x3;
	s14 =	sadd.s32 s14, s26;
	s18 =	smul.u32 $0x2800, s11  }
0x18: {  	s17 =	sadd.s32 s16, s17;
	s19 =	sshrl.u32 s14, $0x3;
	s14 =	rddreg [dreg:$0x3]  }
0x19: {  	s0 =	smax.u32 s0, $0x1;
	[dreg:$0xe] =	wrdreg s17;
	s16 =	sadd.s32 s16, s19  }
0x1a: {  	s18 =	sadd.s32 s2, s18;
	s19 =	smul.u32 $0x50000, s30;
	[dreg:$0xf] =	wrdreg s16  }
0x1b: {  	s7 =	sadd.s32 s7, s14;
	s16 =	rddreg [dreg:$0x4];
	s17 =	sshrl.u32 s18, $0x3  }
0x1c: {  	s18 =	sadd.s32 $0x3E00, s1;
	_ =	strace $0x8000004D;
	[dreg:$0x10] =	wrdreg s31  }
0x1d: {  	s28 =	sadd.s32 s17, s1;
	s29 =	sshrl.u32 s19, $0x2;
	[dreg:$0x17] =	wrdreg s7  }
0x1e: {  	s17 =	sadd.s32 $0x2BE00, s1;
	s31 =	sadd.s32 $0x54400, s1;
	[smem:$0x7F5] =	sst s0  }
0x1f: {  	s19 =	sadd.s32 $0x53E00, s1;
	s1 =	sadd.s32 $0x54800, s1;
	[dreg:$0x11] =	wrdreg s31  }
0x20: {  	s11 =	sshll.u32 s11, $0x4;
	s2 =	sadd.s32 s2, s16;
	[dreg:$0x12] =	wrdreg s1  }
0x21: {  	s13 =	sadd.s32 s13, s14;
	s4 =	sadd.s32 s4, s16;
	[dreg:$0x14] =	wrdreg s2  }
0x22: {  	s7 =	sadd.s32 s21, s16;
	s21 =	smov.u32 s13;
	[dreg:$0x16] =	wrdreg s4  }
0x23: {  	s1 =	sor.u32 s30, s11;
	s11 =	sadd.s32 s29, s14;
	[dreg:$0x1d] =	wrdreg s21  }
0x24: {  	s2 =	sadd.s32 s12, s14;
	s12 =	sadd.s32 s8, s16;
	[smem:$0x7F9] =	sst s7  }
0x25: {  	s8 =	sadd.s32 s23, s16;
	s23 =	sadd.s32 $0xA4A08, s28;
	[dreg:$0x13] =	wrdreg s11  }
0x26: {  	s4 =	sadd.s32 s9, s16;
	s9 =	sadd.s32 $0xA4A18, s28;
	[smem:$0x7EC] =	sst s23  }
0x27: {  	s13 =	sadd.s32 $0xA4A30, s28;
	[smem:$0x7EE] =	sst s9  }
0x28: {  	[smem:$0x7F1] =	sst s13  }
0x29: {  	[smem:$0x7F7] =	sst s4  }
0x2a: {  	s11 =	sadd.s32 s10, s14;
	s10 =	sadd.s32 s3, s16;
	[smem:$0x7FB] =	sst s8  }
0x2b: {  	s3 =	sadd.s32 s5, s16;
	s5 =	sadd.s32 s24, s14;
	[dreg:$0x15] =	wrdreg s11  }
0x2c: {  	s24 =	smov.u32 s12;
	s12 =	sadd.s32 $0xA4A28, s28;
	[dreg:$0x18] =	wrdreg s10  }
0x2d: {  	s23 =	sadd.s32 $0xA4A40, s28;
	[smem:$0x7F0] =	sst s12  }
0x2e: {  	[smem:$0x7F3] =	sst s23  }
0x2f: {  	[dreg:$0x1e] =	wrdreg s24  }
0x30: {  	s11 =	sadd.s32 s15, s14;
	[smem:$0x7FA] =	sst s5  }
0x31: {  	s1 =	smul.u32 $0x5000, s1;
	s15 =	sadd.s32 s6, s16;
	[dreg:$0x19] =	wrdreg s11  }
0x32: {  	s20 =	sadd.s32 s20, s14;
	[dreg:$0x1a] =	wrdreg s15  }
0x33: {  	s6 =	sadd.s32 s22, s14;
	s22 =	sadd.s32 $0xA4A00, s28;
	[smem:$0x7EA] =	sst s1  }
0x34: {  	s0 =	simm.s32 $0x2;
	s10 =	sadd.s32 $0xA4A20, s28;
	[smem:$0x7EB] =	sst s22  }
0x35: {  	s12 =	simm.s32 $0x0;
	s11 =	sadd.s32 s26, s14;
	[smem:$0x7EF] =	sst s10  }
0x36: {  	s26 =	smov.u32 s20;
	s20 =	smov.u32 s3;
	[smem:$0x7F6] =	sst s12  }
0x37: {  	s3 =	sadd.s32 s25, s16;
	s25 =	sadd.s32 $0xA4A10, s28;
	[smem:$0x7F8] =	sst s6  }
0x38: {  	s29 =	simm.s32 $0x1;
	s22 =	sadd.s32 $0xA4A38, s28;
	[smem:$0x7ED] =	sst s25  }
0x39: {  	s30 =	simm.s32 $0x8000;
	s15 =	smov.u32 s2;
	[smem:$0x7F2] =	sst s22  }
0x3a: {  	s31 =	simm.s32 $0x4000;
	s9 =	simm.s32 $0x5;
	[dreg:$0x1b] =	wrdreg s15  }
.Ltmp0:
0x3b: {  	s13 =	simm.s32 $0xA080;
	[dreg:$0x1c] =	wrdreg s20;
	(pc) =	sbr.rel .LBB2_1-.Ltmp0, $4  }
0x3c: {  	s23 =	simm.s32 $0xA100;
	s1 =	simm.s32 $0x0;
	[dreg:$0x1f] =	wrdreg s26  }
0x3d: {  	s10 =	simm.s32 $0xA180;
	s2 =	simm.s32 $0x3;
	[smem:$0x7FC] =	sst s11  }
0x3e: {  	s25 =	sadd.s32 $0xA4A48, s28;
	s22 =	simm.s32 $0x2000;
	[smem:$0x7FD] =	sst s3  }
0x3f: {  	v0 =	vimm.s32 $0xF;
	s28 =	simm.s32 $0xA000;
	[smem:$0x7F4] =	sst s25;
	s25 =	simm.s32 $0x40  }
.LBB2_22:
0x40: {  	[bflag:$0x0] =	sbarrier.arrive $0xFFFF  }
0x41: {  	s1 =	rddreg [dreg:$0x13]  }
0x42: {  	[tilespmem:s22], [sflag:$0x5] =	stream.linear.gather [spmem:s1], $0x2000, $0x38;
	[tilespmem:$0x1E500] =	vst v63  }
0x43: {  	_ =	swait.ge [sflag:s9], $0x2000  }
0x44: {  	[sflag:s9] =	ssyncset.done $0x0  }
0x45: {  	s1 =	simm.s32 $0x0;
	s3 =	rddreg [dreg:$0x6];
	[sflag:s9] =	ssyncadd.s32 $0xFFFFE000  }
0x46: {  	[hbm4b:s3+s1] =	stream.linear.scatter [tilespmem:s22], [sflag:$0x5], $0x2000, $0x38;
	[tilespmem:$0x1E500] =	vst v63  }
0x47: {  	_ =	swait.ge [sflag:s9], $0x2000  }
0x48: {  	[sflag:s9] =	ssyncset.done $0x0  }
0x49: {  	s24 =	rddreg [dreg:$0x14];
	[sflag:s9] =	ssyncadd.s32 $0xFFFFE000  }
0x4a: {  	[tilespmem:s23], [sflag:$0x5] =	stream.linear.gather [spmem:s24], $0x40, $0x38;
	[tilespmem:$0x1E500] =	vst v63  }
0x4b: {  	_ =	swait.ge [sflag:s9], $0x40  }
0x4c: {  	s26 =	sld [smem:$0x7EB]  }
0x4d: {  	[sflag:s9] =	ssyncset.done $0x0  }
0x4e: {  	[sflag:s9] =	ssyncadd.s32 $0xFFFFFFC0  }
0x4f: {  	[hbm4b:s26+s1] =	stream.linear.scatter [tilespmem:s23], [sflag:$0x5], $0x40, $0x38;
	[tilespmem:$0x1E500] =	vst v63  }
0x50: {  	_ =	swait.ge [sflag:s9], $0x40  }
0x51: {  	[sflag:s9] =	ssyncset.done $0x0  }
0x52: {  	s4 =	rddreg [dreg:$0x15];
	[sflag:s9] =	ssyncadd.s32 $0xFFFFFFC0  }
0x53: {  	[tilespmem:s22], [sflag:$0x5] =	stream.linear.gather [spmem:s4], $0x2000, $0x38;
	[tilespmem:$0x1E500] =	vst v63  }
0x54: {  	_ =	swait.ge [sflag:s9], $0x2000  }
0x55: {  	[sflag:s9] =	ssyncset.done $0x0  }
0x56: {  	s5 =	rddreg [dreg:$0x7];
	[sflag:s9] =	ssyncadd.s32 $0xFFFFE000  }
0x57: {  	[hbm4b:s5+s1] =	stream.linear.scatter [tilespmem:s22], [sflag:$0x5], $0x2000, $0x38;
	[tilespmem:$0x1E500] =	vst v63  }
0x58: {  	_ =	swait.ge [sflag:s9], $0x2000  }
0x59: {  	[sflag:s9] =	ssyncset.done $0x0  }
0x5a: {  	s6 =	rddreg [dreg:$0x16];
	[sflag:s9] =	ssyncadd.s32 $0xFFFFE000  }
0x5b: {  	[tilespmem:s23], [sflag:$0x5] =	stream.linear.gather [spmem:s6], $0x40, $0x38;
	[tilespmem:$0x1E500] =	vst v63  }
0x5c: {  	_ =	swait.ge [sflag:s9], $0x40  }
0x5d: {  	s7 =	sld [smem:$0x7EC]  }
0x5e: {  	[sflag:s9] =	ssyncset.done $0x0  }
0x5f: {  	[sflag:s9] =	ssyncadd.s32 $0xFFFFFFC0  }
0x60: {  	[hbm4b:s7+s1] =	stream.linear.scatter [tilespmem:s23], [sflag:$0x5], $0x40, $0x38;
	[tilespmem:$0x1E500] =	vst v63  }
0x61: {  	_ =	swait.ge [sflag:s9], $0x40  }
0x62: {  	[sflag:s9] =	ssyncset.done $0x0  }
0x63: {  	s8 =	rddreg [dreg:$0x17];
	[sflag:s9] =	ssyncadd.s32 $0xFFFFFFC0  }
0x64: {  	[tilespmem:s22], [sflag:$0x5] =	stream.linear.gather [spmem:s8], $0x2000, $0x38;
	[tilespmem:$0x1E500] =	vst v63  }
0x65: {  	_ =	swait.ge [sflag:s9], $0x2000  }
0x66: {  	[sflag:s9] =	ssyncset.done $0x0  }
0x67: {  	s11 =	rddreg [dreg:$0x8];
	[sflag:s9] =	ssyncadd.s32 $0xFFFFE000  }
0x68: {  	[hbm4b:s11+s1] =	stream.linear.scatter [tilespmem:s22], [sflag:$0x5], $0x2000, $0x38;
	[tilespmem:$0x1E500] =	vst v63  }
0x69: {  	_ =	swait.ge [sflag:s9], $0x2000  }
0x6a: {  	[sflag:s9] =	ssyncset.done $0x0  }
0x6b: {  	s12 =	rddreg [dreg:$0x18];
	[sflag:s9] =	ssyncadd.s32 $0xFFFFE000  }
0x6c: {  	[tilespmem:s23], [sflag:$0x5] =	stream.linear.gather [spmem:s12], $0x40, $0x38;
	[tilespmem:$0x1E500] =	vst v63  }
0x6d: {  	_ =	swait.ge [sflag:s9], $0x40  }
0x6e: {  	s15 =	sld [smem:$0x7ED]  }
0x6f: {  	[sflag:s9] =	ssyncset.done $0x0  }
0x70: {  	[sflag:s9] =	ssyncadd.s32 $0xFFFFFFC0  }
0x71: {  	[hbm4b:s15+s1] =	stream.linear.scatter [tilespmem:s23], [sflag:$0x5], $0x40, $0x38;
	[tilespmem:$0x1E500] =	vst v63  }
0x72: {  	_ =	swait.ge [sflag:s9], $0x40  }
0x73: {  	[sflag:s9] =	ssyncset.done $0x0  }
0x74: {  	s20 =	rddreg [dreg:$0x19];
	[sflag:s9] =	ssyncadd.s32 $0xFFFFFFC0  }
0x75: {  	[tilespmem:s22], [sflag:$0x5] =	stream.linear.gather [spmem:s20], $0x2000, $0x38;
	[tilespmem:$0x1E500] =	vst v63  }
0x76: {  	_ =	swait.ge [sflag:s9], $0x2000  }
0x77: {  	[sflag:s9] =	ssyncset.done $0x0  }
0x78: {  	s21 =	rddreg [dreg:$0x9];
	[sflag:s9] =	ssyncadd.s32 $0xFFFFE000  }
0x79: {  	[hbm4b:s21+s1] =	stream.linear.scatter [tilespmem:s22], [sflag:$0x5], $0x2000, $0x38;
	[tilespmem:$0x1E500] =	vst v63  }
0x7a: {  	_ =	swait.ge [sflag:s9], $0x2000  }
0x7b: {  	[sflag:s9] =	ssyncset.done $0x0  }
0x7c: {  	s24 =	rddreg [dreg:$0x1a];
	[sflag:s9] =	ssyncadd.s32 $0xFFFFE000  }
0x7d: {  	[tilespmem:s23], [sflag:$0x5] =	stream.linear.gather [spmem:s24], $0x40, $0x38;
	[tilespmem:$0x1E500] =	vst v63  }
0x7e: {  	_ =	swait.ge [sflag:s9], $0x40  }
0x7f: {  	s26 =	sld [smem:$0x7EE]  }
0x80: {  	[sflag:s9] =	ssyncset.done $0x0  }
0x81: {  	[sflag:s9] =	ssyncadd.s32 $0xFFFFFFC0  }
0x82: {  	[hbm4b:s26+s1] =	stream.linear.scatter [tilespmem:s23], [sflag:$0x5], $0x40, $0x38;
	[tilespmem:$0x1E500] =	vst v63  }
0x83: {  	_ =	swait.ge [sflag:s9], $0x40  }
0x84: {  	[sflag:s9] =	ssyncset.done $0x0  }
0x85: {  	s4 =	rddreg [dreg:$0x1b];
	[sflag:s9] =	ssyncadd.s32 $0xFFFFFFC0  }
0x86: {  	[tilespmem:s22], [sflag:$0x5] =	stream.linear.gather [spmem:s4], $0x2000, $0x38;
	[tilespmem:$0x1E500] =	vst v63  }
0x87: {  	_ =	swait.ge [sflag:s9], $0x2000  }
0x88: {  	[sflag:s9] =	ssyncset.done $0x0  }
0x89: {  	s5 =	rddreg [dreg:$0xa];
	[sflag:s9] =	ssyncadd.s32 $0xFFFFE000  }
0x8a: {  	[hbm4b:s5+s1] =	stream.linear.scatter [tilespmem:s22], [sflag:$0x5], $0x2000, $0x38;
	[tilespmem:$0x1E500] =	vst v63  }
0x8b: {  	_ =	swait.ge [sflag:s9], $0x2000  }
0x8c: {  	[sflag:s9] =	ssyncset.done $0x0  }
0x8d: {  	s20 =	rddreg [dreg:$0x1c];
	[sflag:s9] =	ssyncadd.s32 $0xFFFFE000  }
0x8e: {  	[tilespmem:s23], [sflag:$0x5] =	stream.linear.gather [spmem:s20], $0x40, $0x38;
	[tilespmem:$0x1E500] =	vst v63  }
0x8f: {  	_ =	swait.ge [sflag:s9], $0x40  }
0x90: {  	s6 =	sld [smem:$0x7EF]  }
0x91: {  	[sflag:s9] =	ssyncset.done $0x0  }
0x92: {  	[sflag:s9] =	ssyncadd.s32 $0xFFFFFFC0  }
0x93: {  	[hbm4b:s6+s1] =	stream.linear.scatter [tilespmem:s23], [sflag:$0x5], $0x40, $0x38;
	[tilespmem:$0x1E500] =	vst v63  }
0x94: {  	_ =	swait.ge [sflag:s9], $0x40  }
0x95: {  	[sflag:s9] =	ssyncset.done $0x0  }
0x96: {  	s21 =	rddreg [dreg:$0x1d];
	[sflag:s9] =	ssyncadd.s32 $0xFFFFFFC0  }
0x97: {  	[tilespmem:s22], [sflag:$0x5] =	stream.linear.gather [spmem:s21], $0x2000, $0x38;
	[tilespmem:$0x1E500] =	vst v63  }
0x98: {  	_ =	swait.ge [sflag:s9], $0x2000  }
0x99: {  	[sflag:s9] =	ssyncset.done $0x0  }
0x9a: {  	s7 =	rddreg [dreg:$0xb];
	[sflag:s9] =	ssyncadd.s32 $0xFFFFE000  }
0x9b: {  	[hbm4b:s7+s1] =	stream.linear.scatter [tilespmem:s22], [sflag:$0x5], $0x2000, $0x38;
	[tilespmem:$0x1E500] =	vst v63  }
0x9c: {  	_ =	swait.ge [sflag:s9], $0x2000  }
0x9d: {  	[sflag:s9] =	ssyncset.done $0x0  }
0x9e: {  	s24 =	rddreg [dreg:$0x1e];
	[sflag:s9] =	ssyncadd.s32 $0xFFFFE000  }
0x9f: {  	[tilespmem:s23], [sflag:$0x5] =	stream.linear.gather [spmem:s24], $0x40, $0x38;
	[tilespmem:$0x1E500] =	vst v63  }
0xa0: {  	_ =	swait.ge [sflag:s9], $0x40  }
0xa1: {  	s8 =	sld [smem:$0x7F0]  }
0xa2: {  	[sflag:s9] =	ssyncset.done $0x0  }
0xa3: {  	[sflag:s9] =	ssyncadd.s32 $0xFFFFFFC0  }
0xa4: {  	[hbm4b:s8+s1] =	stream.linear.scatter [tilespmem:s23], [sflag:$0x5], $0x40, $0x38;
	[tilespmem:$0x1E500] =	vst v63  }
0xa5: {  	_ =	swait.ge [sflag:s9], $0x40  }
0xa6: {  	[sflag:s9] =	ssyncset.done $0x0  }
0xa7: {  	s26 =	rddreg [dreg:$0x1f];
	[sflag:s9] =	ssyncadd.s32 $0xFFFFFFC0  }
0xa8: {  	[tilespmem:s22], [sflag:$0x5] =	stream.linear.gather [spmem:s26], $0x2000, $0x38;
	[tilespmem:$0x1E500] =	vst v63  }
0xa9: {  	_ =	swait.ge [sflag:s9], $0x2000  }
0xaa: {  	[sflag:s9] =	ssyncset.done $0x0  }
0xab: {  	s11 =	rddreg [dreg:$0xc];
	[sflag:s9] =	ssyncadd.s32 $0xFFFFE000  }
0xac: {  	[hbm4b:s11+s1] =	stream.linear.scatter [tilespmem:s22], [sflag:$0x5], $0x2000, $0x38;
	[tilespmem:$0x1E500] =	vst v63  }
0xad: {  	_ =	swait.ge [sflag:s9], $0x2000  }
0xae: {  	s4 =	sld [smem:$0x7F7]  }
0xaf: {  	[sflag:s9] =	ssyncset.done $0x0  }
0xb0: {  	[sflag:s9] =	ssyncadd.s32 $0xFFFFE000  }
0xb1: {  	[tilespmem:s23], [sflag:$0x5] =	stream.linear.gather [spmem:s4], $0x40, $0x38;
	[tilespmem:$0x1E500] =	vst v63  }
0xb2: {  	_ =	swait.ge [sflag:s9], $0x40  }
0xb3: {  	s12 =	sld [smem:$0x7F1]  }
0xb4: {  	[sflag:s9] =	ssyncset.done $0x0  }
0xb5: {  	[sflag:s9] =	ssyncadd.s32 $0xFFFFFFC0  }
0xb6: {  	[hbm4b:s12+s1] =	stream.linear.scatter [tilespmem:s23], [sflag:$0x5], $0x40, $0x38;
	[tilespmem:$0x1E500] =	vst v63  }
0xb7: {  	_ =	swait.ge [sflag:s9], $0x40  }
0xb8: {  	s6 =	sld [smem:$0x7F8]  }
0xb9: {  	[sflag:s9] =	ssyncset.done $0x0  }
0xba: {  	[sflag:s9] =	ssyncadd.s32 $0xFFFFFFC0  }
0xbb: {  	[tilespmem:s22], [sflag:$0x5] =	stream.linear.gather [spmem:s6], $0x2000, $0x38;
	[tilespmem:$0x1E500] =	vst v63  }
0xbc: {  	_ =	swait.ge [sflag:s9], $0x2000  }
0xbd: {  	[sflag:s9] =	ssyncset.done $0x0  }
0xbe: {  	s15 =	rddreg [dreg:$0xd];
	[sflag:s9] =	ssyncadd.s32 $0xFFFFE000  }
0xbf: {  	[hbm4b:s15+s1] =	stream.linear.scatter [tilespmem:s22], [sflag:$0x5], $0x2000, $0x38;
	[tilespmem:$0x1E500] =	vst v63  }
0xc0: {  	_ =	swait.ge [sflag:s9], $0x2000  }
0xc1: {  	s7 =	sld [smem:$0x7F9]  }
0xc2: {  	[sflag:s9] =	ssyncset.done $0x0  }
0xc3: {  	[sflag:s9] =	ssyncadd.s32 $0xFFFFE000  }
0xc4: {  	[tilespmem:s23], [sflag:$0x5] =	stream.linear.gather [spmem:s7], $0x40, $0x38;
	[tilespmem:$0x1E500] =	vst v63  }
0xc5: {  	_ =	swait.ge [sflag:s9], $0x40  }
0xc6: {  	s5 =	sld [smem:$0x7F2]  }
0xc7: {  	[sflag:s9] =	ssyncset.done $0x0  }
0xc8: {  	[sflag:s9] =	ssyncadd.s32 $0xFFFFFFC0  }
0xc9: {  	[hbm4b:s5+s1] =	stream.linear.scatter [tilespmem:s23], [sflag:$0x5], $0x40, $0x38;
	[tilespmem:$0x1E500] =	vst v63  }
0xca: {  	_ =	swait.ge [sflag:s9], $0x40  }
0xcb: {  	s5 =	sld [smem:$0x7FA]  }
0xcc: {  	[sflag:s9] =	ssyncset.done $0x0  }
0xcd: {  	[sflag:s9] =	ssyncadd.s32 $0xFFFFFFC0  }
0xce: {  	[tilespmem:s22], [sflag:$0x5] =	stream.linear.gather [spmem:s5], $0x2000, $0x38;
	[tilespmem:$0x1E500] =	vst v63  }
0xcf: {  	_ =	swait.ge [sflag:s9], $0x2000  }
0xd0: {  	[sflag:s9] =	ssyncset.done $0x0  }
0xd1: {  	s8 =	rddreg [dreg:$0xe];
	[sflag:s9] =	ssyncadd.s32 $0xFFFFE000  }
0xd2: {  	[hbm4b:s8+s1] =	stream.linear.scatter [tilespmem:s22], [sflag:$0x5], $0x2000, $0x38;
	[tilespmem:$0x1E500] =	vst v63  }
0xd3: {  	_ =	swait.ge [sflag:s9], $0x2000  }
0xd4: {  	s8 =	sld [smem:$0x7FB]  }
0xd5: {  	[sflag:s9] =	ssyncset.done $0x0  }
0xd6: {  	[sflag:s9] =	ssyncadd.s32 $0xFFFFE000  }
0xd7: {  	[tilespmem:s23], [sflag:$0x5] =	stream.linear.gather [spmem:s8], $0x40, $0x38;
	[tilespmem:$0x1E500] =	vst v63  }
0xd8: {  	_ =	swait.ge [sflag:s9], $0x40  }
0xd9: {  	s11 =	sld [smem:$0x7F3]  }
0xda: {  	[sflag:s9] =	ssyncset.done $0x0  }
0xdb: {  	[sflag:s9] =	ssyncadd.s32 $0xFFFFFFC0  }
0xdc: {  	[hbm4b:s11+s1] =	stream.linear.scatter [tilespmem:s23], [sflag:$0x5], $0x40, $0x38;
	[tilespmem:$0x1E500] =	vst v63  }
0xdd: {  	_ =	swait.ge [sflag:s9], $0x40  }
0xde: {  	s11 =	sld [smem:$0x7FC]  }
0xdf: {  	[sflag:s9] =	ssyncset.done $0x0  }
0xe0: {  	[sflag:s9] =	ssyncadd.s32 $0xFFFFFFC0  }
0xe1: {  	[tilespmem:s22], [sflag:$0x5] =	stream.linear.gather [spmem:s11], $0x2000, $0x38;
	[tilespmem:$0x1E500] =	vst v63  }
0xe2: {  	_ =	swait.ge [sflag:s9], $0x2000  }
0xe3: {  	[sflag:s9] =	ssyncset.done $0x0  }
0xe4: {  	s12 =	rddreg [dreg:$0xf];
	[sflag:s9] =	ssyncadd.s32 $0xFFFFE000  }
0xe5: {  	[hbm4b:s12+s1] =	stream.linear.scatter [tilespmem:s22], [sflag:$0x5], $0x2000, $0x38;
	[tilespmem:$0x1E500] =	vst v63  }
0xe6: {  	_ =	swait.ge [sflag:s9], $0x2000  }
0xe7: {  	s3 =	sld [smem:$0x7FD]  }
0xe8: {  	[sflag:s9] =	ssyncset.done $0x0  }
0xe9: {  	[sflag:s9] =	ssyncadd.s32 $0xFFFFE000  }
0xea: {  	[tilespmem:s23], [sflag:$0x5] =	stream.linear.gather [spmem:s3], $0x40, $0x38;
	[tilespmem:$0x1E500] =	vst v63  }
0xeb: {  	_ =	swait.ge [sflag:s9], $0x40  }
0xec: {  	s15 =	sld [smem:$0x7F4]  }
0xed: {  	[sflag:s9] =	ssyncset.done $0x0  }
0xee: {  	s12 =	simm.s32 $0x5;
	[sflag:s9] =	ssyncadd.s32 $0xFFFFFFC0  }
0xef: {  	[hbm4b:s15+s1] =	stream.linear.scatter [tilespmem:s23], [sflag:$0x5], $0x40, $0x38;
	[tilespmem:$0x1E500] =	vst v63  }
0xf0: {  	_ =	swait.ge [sflag:s12], $0x40  }
0xf1: {  	s15 =	sld [smem:$0x7F6]  }
0xf2: {  	[sflag:s12] =	ssyncset.done $0x0;
	s12 =	sld [smem:$0x7F5];
	_ =	sdelay $0x1  }
0xf3: {  	s15 =	sadd.s32 $0x1, s15  }
0xf4: {  	p0 =	sne.s32 s15, s12  }
.Ltmp1:
0xf5: {  	_ = 	snop;
	(pc) =	sbr.rel @!p0 .LBB2_23-.Ltmp1, $3  }
0xf6: {  	_ =	sdelay $0x1  }
0xf7: {  	s9 =	simm.s32 $0x5;
	[smem:$0x7F6] =	sst s15  }
0xf8: {  	[sflag:s9] =	ssyncadd.s32 $0xFFFFFFC0;
	s15 =	rddreg [dreg:$0x1b]  }
.LBB2_1:
0xf9: {  	s12 =	smov.u32 s3;
	s3 =	rddreg [dreg:$0x11]  }
0xfa: {  	[tilespmem:s22], [sflag:$0x5] =	stream.linear.gather [hbm4b:s3+s1], $0x2000, $0x38;
	[tilespmem:$0x1E500] =	vst v63  }
0xfb: {  	_ =	swait.ge [sflag:s9], $0x2000  }
0xfc: {  	[sflag:s9] =	ssyncset.done $0x0  }
0xfd: {  	s3 =	rddreg [dreg:$0x12];
	[sflag:s9] =	ssyncadd.s32 $0xFFFFE000  }
0xfe: {  	[tilespmem:s23], [sflag:$0x5] =	stream.linear.gather [hbm4b:s3+s1], $0x80, $0x38;
	[tilespmem:$0x1E500] =	vst v63  }
0xff: {  	_ =	swait.ge [sflag:s9], $0x80  }
0x100: {  	[sflag:s9] =	ssyncset.done $0x0  }
0x101: {  	s3 =	rddreg [dreg:$0x13];
	[sflag:s9] =	ssyncadd.s32 $0xFFFFFF80  }
0x102: {  	[spmem:s3] =	stream.linear.scatter [tilespmem:s22], [sflag:$0x5], $0x2000, $0x38;
	[tilespmem:$0x1E500] =	vst v63  }
0x103: {  	_ =	swait.ge [sflag:s9], $0x2000  }
0x104: {  	[sflag:s9] =	ssyncset.done $0x0  }
0x105: {  	s3 =	rddreg [dreg:$0x14];
	[sflag:s9] =	ssyncadd.s32 $0xFFFFE000  }
0x106: {  	[spmem:s3] =	stream.linear.scatter [tilespmem:s23], [sflag:$0x5], $0x40, $0x38;
	[tilespmem:$0x1E500] =	vst v63  }
0x107: {  	_ =	swait.ge [sflag:s9], $0x40  }
0x108: {  	[sflag:s9] =	ssyncset.done $0x0  }
0x109: {  	s3 =	rddreg [dreg:$0x15];
	[sflag:s9] =	ssyncadd.s32 $0xFFFFFFC0  }
0x10a: {  	[spmem:s3] =	stream.linear.scatter [tilespmem:s22], [sflag:$0x5], $0x2000, $0x38;
	[tilespmem:$0x1E500] =	vst v63  }
0x10b: {  	_ =	swait.ge [sflag:s9], $0x2000  }
0x10c: {  	[sflag:s9] =	ssyncset.done $0x0  }
0x10d: {  	s3 =	rddreg [dreg:$0x16];
	[sflag:s9] =	ssyncadd.s32 $0xFFFFE000  }
0x10e: {  	[spmem:s3] =	stream.linear.scatter [tilespmem:s23], [sflag:$0x5], $0x40, $0x38;
	[tilespmem:$0x1E500] =	vst v63  }
0x10f: {  	_ =	swait.ge [sflag:s9], $0x40  }
0x110: {  	[sflag:s9] =	ssyncset.done $0x0  }
0x111: {  	s3 =	rddreg [dreg:$0x17];
	[sflag:s9] =	ssyncadd.s32 $0xFFFFFFC0  }
0x112: {  	[spmem:s3] =	stream.linear.scatter [tilespmem:s22], [sflag:$0x5], $0x2000, $0x38;
	[tilespmem:$0x1E500] =	vst v63  }
0x113: {  	_ =	swait.ge [sflag:s9], $0x2000  }
0x114: {  	[sflag:s9] =	ssyncset.done $0x0  }
0x115: {  	s3 =	rddreg [dreg:$0x18];
	[sflag:s9] =	ssyncadd.s32 $0xFFFFE000  }
0x116: {  	[spmem:s3] =	stream.linear.scatter [tilespmem:s23], [sflag:$0x5], $0x40, $0x38;
	[tilespmem:$0x1E500] =	vst v63  }
0x117: {  	_ =	swait.ge [sflag:s9], $0x40  }
0x118: {  	[sflag:s9] =	ssyncset.done $0x0  }
0x119: {  	s3 =	rddreg [dreg:$0x19];
	[sflag:s9] =	ssyncadd.s32 $0xFFFFFFC0  }
0x11a: {  	[spmem:s3] =	stream.linear.scatter [tilespmem:s22], [sflag:$0x5], $0x2000, $0x38;
	[tilespmem:$0x1E500] =	vst v63  }
0x11b: {  	_ =	swait.ge [sflag:s9], $0x2000  }
0x11c: {  	[sflag:s9] =	ssyncset.done $0x0  }
0x11d: {  	s3 =	rddreg [dreg:$0x1a];
	[sflag:s9] =	ssyncadd.s32 $0xFFFFE000  }
0x11e: {  	[spmem:s3] =	stream.linear.scatter [tilespmem:s23], [sflag:$0x5], $0x40, $0x38;
	[tilespmem:$0x1E500] =	vst v63  }
0x11f: {  	_ =	swait.ge [sflag:s9], $0x40  }
0x120: {  	[sflag:s9] =	ssyncset.done $0x0  }
0x121: {  	[sflag:s9] =	ssyncadd.s32 $0xFFFFFFC0  }
0x122: {  	[spmem:s15] =	stream.linear.scatter [tilespmem:s22], [sflag:$0x5], $0x2000, $0x38;
	[tilespmem:$0x1E500] =	vst v63  }
0x123: {  	_ =	swait.ge [sflag:s9], $0x2000  }
0x124: {  	[sflag:s9] =	ssyncset.done $0x0  }
0x125: {  	[sflag:s9] =	ssyncadd.s32 $0xFFFFE000  }
0x126: {  	[spmem:s20] =	stream.linear.scatter [tilespmem:s23], [sflag:$0x5], $0x40, $0x38;
	[tilespmem:$0x1E500] =	vst v63  }
0x127: {  	_ =	swait.ge [sflag:s9], $0x40  }
0x128: {  	[sflag:s9] =	ssyncset.done $0x0  }
0x129: {  	[sflag:s9] =	ssyncadd.s32 $0xFFFFFFC0  }
0x12a: {  	[spmem:s21] =	stream.linear.scatter [tilespmem:s22], [sflag:$0x5], $0x2000, $0x38;
	[tilespmem:$0x1E500] =	vst v63  }
0x12b: {  	_ =	swait.ge [sflag:s9], $0x2000  }
0x12c: {  	[sflag:s9] =	ssyncset.done $0x0  }
0x12d: {  	[sflag:s9] =	ssyncadd.s32 $0xFFFFE000  }
0x12e: {  	[spmem:s24] =	stream.linear.scatter [tilespmem:s23], [sflag:$0x5], $0x40, $0x38;
	[tilespmem:$0x1E500] =	vst v63  }
0x12f: {  	_ =	swait.ge [sflag:s9], $0x40  }
0x130: {  	[sflag:s9] =	ssyncset.done $0x0  }
0x131: {  	[sflag:s9] =	ssyncadd.s32 $0xFFFFFFC0  }
0x132: {  	[spmem:s26] =	stream.linear.scatter [tilespmem:s22], [sflag:$0x5], $0x2000, $0x38;
	[tilespmem:$0x1E500] =	vst v63  }
0x133: {  	_ =	swait.ge [sflag:s9], $0x2000  }
0x134: {  	[sflag:s9] =	ssyncset.done $0x0  }
0x135: {  	[sflag:s9] =	ssyncadd.s32 $0xFFFFE000  }
0x136: {  	[spmem:s4] =	stream.linear.scatter [tilespmem:s23], [sflag:$0x5], $0x40, $0x38;
	[tilespmem:$0x1E500] =	vst v63  }
0x137: {  	_ =	swait.ge [sflag:s9], $0x40  }
0x138: {  	[sflag:s9] =	ssyncset.done $0x0  }
0x139: {  	[sflag:s9] =	ssyncadd.s32 $0xFFFFFFC0  }
0x13a: {  	[spmem:s6] =	stream.linear.scatter [tilespmem:s22], [sflag:$0x5], $0x2000, $0x38;
	[tilespmem:$0x1E500] =	vst v63  }
0x13b: {  	_ =	swait.ge [sflag:s9], $0x2000  }
0x13c: {  	[sflag:s9] =	ssyncset.done $0x0  }
0x13d: {  	[sflag:s9] =	ssyncadd.s32 $0xFFFFE000  }
0x13e: {  	[spmem:s7] =	stream.linear.scatter [tilespmem:s23], [sflag:$0x5], $0x40, $0x38;
	[tilespmem:$0x1E500] =	vst v63  }
0x13f: {  	_ =	swait.ge [sflag:s9], $0x40  }
0x140: {  	[sflag:s9] =	ssyncset.done $0x0  }
0x141: {  	[sflag:s9] =	ssyncadd.s32 $0xFFFFFFC0  }
0x142: {  	[spmem:s5] =	stream.linear.scatter [tilespmem:s22], [sflag:$0x5], $0x2000, $0x38;
	[tilespmem:$0x1E500] =	vst v63  }
0x143: {  	_ =	swait.ge [sflag:s9], $0x2000  }
0x144: {  	[sflag:s9] =	ssyncset.done $0x0  }
0x145: {  	[sflag:s9] =	ssyncadd.s32 $0xFFFFE000  }
0x146: {  	[spmem:s8] =	stream.linear.scatter [tilespmem:s23], [sflag:$0x5], $0x40, $0x38;
	[tilespmem:$0x1E500] =	vst v63  }
0x147: {  	_ =	swait.ge [sflag:s9], $0x40  }
0x148: {  	[sflag:s9] =	ssyncset.done $0x0  }
0x149: {  	[sflag:s9] =	ssyncadd.s32 $0xFFFFFFC0  }
0x14a: {  	[spmem:s11] =	stream.linear.scatter [tilespmem:s22], [sflag:$0x5], $0x2000, $0x38;
	[tilespmem:$0x1E500] =	vst v63  }
0x14b: {  	_ =	swait.ge [sflag:s9], $0x2000  }
0x14c: {  	[sflag:s9] =	ssyncset.done $0x0  }
0x14d: {  	[sflag:s9] =	ssyncadd.s32 $0xFFFFE000  }
0x14e: {  	[spmem:s12] =	stream.linear.scatter [tilespmem:s23], [sflag:$0x5], $0x40, $0x38;
	[tilespmem:$0x1E500] =	vst v63  }
0x14f: {  	_ =	swait.ge [sflag:s9], $0x40  }
0x150: {  	[sflag:s9] =	ssyncset.done $0x0  }
0x151: {  	[sflag:s9] =	ssyncadd.s32 $0xFFFFFFC0  }
0x152: {  	s26 =	simm.s32 $0xA200;
	s24 =	rddreg [dreg:$0x1]  }
0x153: {  	[tilespmem:s26], [sflag:$0x5] =	stream.linear.gather [hbm4b:s24+s1], $0x80, $0x38;
	[tilespmem:$0x1E500] =	vst v63  }
0x154: {  	_ =	swait.ge [sflag:s9], $0x80  }
0x155: {  	[sflag:s9] =	ssyncset.done $0x0  }
0x156: {  	[sflag:s9] =	ssyncadd.s32 $0xFFFFFF80  }
0x157: {  	[bflag:$0x0] =	sbarrier.arrive $0xFFFF  }
0x158: {  	v1 =	vld [tilespmem:$0xA200]  }
0x159: {  	v2 =	vld [tilespmem:$0xA210]  }
0x15a: {  	v3 =	vld [tilespmem:$0xA220]  }
.Ltmp2:
0x15b: {  	v8 =	vld [tilespmem:$0xA270];
	(pc) =	sbr.rel .LBB2_2-.Ltmp2, $4  }
0x15c: {  	v4 =	vld [tilespmem:$0xA230]  }
0x15d: {  	v5 =	vld [tilespmem:$0xA240]  }
0x15e: {  	v6 =	vld [tilespmem:$0xA250]  }
0x15f: {  	s3 =	simm.s32 $0x0;
	v7 =	vld [tilespmem:$0xA260]  }
.LBB2_21:
0x160: {  	[spmem:s14] =	stream.indirect.scatter.add.f32 [tilespmem:s31], [sflag:$0x4], $0x80, s8, s25, $0xb8;
	[tilespmem:$0x1E500] =	vst v63  }
0x161: {  	s1 =	simm.s32 $0x4  }
0x162: {  	[spmem:s16] =	stream.indirect.scatter.add.f32 [tilespmem:s10], [sflag:$0x4], $0x1, s8, s25, $0xb8;
	[tilespmem:$0x1E500] =	vst v63  }
0x163: {  	_ =	swait.ge [sflag:s1], $0x2000  }
0x164: {  	[sflag:s1] =	ssyncset.done $0x0  }
0x165: {  	[sflag:s1] =	ssyncadd.s32 $0xFFFFE000  }
0x166: {  	_ =	swait.ge [sflag:s1], $0x40  }
0x167: {  	s3 =	sld [smem:$0x7E9];
	_ =	sdelay $0x2  }
0x168: {  	s3 =	sadd.s32 $0x1, s3  }
0x169: {  	p0 =	sne.s32 s3, $0x5  }
.Ltmp3:
0x16a: {  	_ = 	snop;
	(pc) =	sbr.rel @!p0 .LBB2_22-.Ltmp3, $3  }
0x16b: {  	_ =	sdelay $0x1  }
0x16c: {  	[sflag:s1] =	ssyncset.done $0x0  }
0x16d: {  	s9 =	simm.s32 $0x5;
	[sflag:s1] =	ssyncadd.s32 $0xFFFFFFC0  }
.LBB2_2:
0x16e: {  	s15 =	sld [smem:$0x7EA];
	_ =	sdelay $0x1  }
0x16f: {  	s1 =	sshll.u32 s3, $0xC  }
0x170: {  	s1 =	sadd.s32 s15, s1  }
0x171: {  	s20 =	rddreg [dreg:$0x2];
	s1 =	sshrl.u32 s1, $0x3  }
0x172: {  	[smem:$0x7E9] =	sst s3;
	s6 =	simm.s32 $0x0;
	s3 =	sadd.s32 s20, s1  }
0x173: {  	[tilespmem:s6], [sflag:$0x5] =	stream.linear.gather [hbm4b:s3+s6], $0x1000, $0x38;
	[tilespmem:$0x1E500] =	vst v63  }
0x174: {  	_ =	swait.ge [sflag:s9], $0x1000  }
0x175: {  	[sflag:s9] =	ssyncset.done $0x0;
	s21 =	rddreg [dreg:$0x10]  }
0x176: {  	s24 =	simm.s32 $0x1000;
	[sflag:s9] =	ssyncadd.s32 $0xFFFFF000;
	s1 =	sadd.s32 s21, s1  }
0x177: {  	[tilespmem:s24], [sflag:$0x5] =	stream.linear.gather [hbm4b:s1+s6], $0x1000, $0x38;
	[tilespmem:$0x1E500] =	vst v63  }
0x178: {  	_ =	swait.ge [sflag:s9], $0x1000  }
0x179: {  	[sflag:s9] =	ssyncset.done $0x0  }
0x17a: {  	s26 =	simm.s32 $0x6000;
	[sflag:s9] =	ssyncadd.s32 $0xFFFFF000  }
0x17b: {  	[tilespmem:s26], [sflag:$0x1] =	stream.indirect.gather [hbm4b:s17+s25], $0x80, s6, s25, $0xb8;
	[tilespmem:$0x1E500] =	vst v63  }
0x17c: {  	_ = 	snop  }
0x17d: {  	[tilespmem:s22], [sflag:$0x1] =	stream.indirect.gather [hbm4b:s18+s25], $0x80, s24, s25, $0xb8;
	[tilespmem:$0x1E500] =	vst v63  }
0x17e: {  	s7 =	simm.s32 $0x0  }
0x17f: {  	[tilespmem:s28], [sflag:$0x1] =	stream.indirect.gather [hbm4b:s19+s25], $0x1, s24, s25, $0xb8;
	[tilespmem:$0x1E500] =	vst v63  }
.LBB2_3:
0x180: {  	_ =	swait.ge [sflag:s29], $0x2000  }
0x181: {  	[sflag:s29] =	ssyncset.done $0x0  }
0x182: {  	[sflag:s29] =	ssyncadd.s32 $0xFFFFE000  }
0x183: {  	_ =	swait.ge [sflag:s29], $0x2000  }
0x184: {  	[sflag:s29] =	ssyncset.done $0x0  }
0x185: {  	[sflag:s29] =	ssyncadd.s32 $0xFFFFE000  }
0x186: {  	_ =	swait.ge [sflag:s29], $0x40  }
0x187: {  	p0 =	seq.s32 s7, $0x0;
	[sflag:s29] =	ssyncset.done $0x0  }
0x188: {  	s1 =	simm.s32 @!p0 $0x4;
	[sflag:s29] =	ssyncadd.s32 $0xFFFFFFC0  }
0x189: {  	_ =	swait.ge @!p0 [sflag:s1], $0x2000  }
0x18a: {  	[sflag:s1] =	ssyncset.done @!p0 $0x0  }
0x18b: {  	[sflag:s1] =	ssyncadd.s32 @!p0 $0xFFFFE000  }
0x18c: {  	_ =	swait.ge @!p0 [sflag:s1], $0x40  }
0x18d: {  	s9 =	sshll.u32 s7, $0x8;
	[sflag:s1] =	ssyncset.done @!p0 $0x0  }
0x18e: {  	s21 =	sor.u32 $0x80, s9;
	[sflag:s1] =	ssyncadd.s32 @!p0 $0xFFFFFFC0  }
0x18f: {  	[tilespmem:s30], [sflag:$0x2] =	stream.indirect.gather [hbm4b:s17+s25], $0x80, s21, s25, $0xb8;
	[tilespmem:$0x1E500] =	vst v63  }
0x190: {  	s8 =	sadd.s32 $0x1080, s9  }
0x191: {  	[tilespmem:s31], [sflag:$0x2] =	stream.indirect.gather [hbm4b:s18+s25], $0x80, s8, s25, $0xb8;
	[tilespmem:$0x1E500] =	vst v63  }
0x192: {  	s3 =	simm.s32 $0x6080  }
0x193: {  	[tilespmem:s13], [sflag:$0x2] =	stream.indirect.gather [hbm4b:s19+s25], $0x1, s8, s25, $0xb8;
	[tilespmem:$0x1E500] =	vst v63  }
0x194: {  	s1 =	simm.s32 $0x2080;
	v24 =	vld [tilespmem:s3+$0x0]  }
0x195: {  	v9 =	vld [tilespmem:s1+$0x0]  }
0x196: {  	v22 =	vld [tilespmem:s3+$0x10]  }
0x197: {  	v10 =	vld [tilespmem:s1+$0x10]  }
0x198: {  	v20 =	vld [tilespmem:s3+$0x20]  }
0x199: {  	v11 =	vld [tilespmem:s1+$0x20]  }
0x19a: {  	v19 =	vld [tilespmem:s3+$0x30]  }
0x19b: {  	v12 =	vld [tilespmem:s1+$0x30]  }
0x19c: {  	v18 =	vld [tilespmem:s3+$0x40];
	v9 =	vadd.f32 v9, v24  }
0x19d: {  	v14 =	vld [tilespmem:s1+$0x40]  }
0x19e: {  	v23 =	vld [tilespmem:s3+$0x50];
	v10 =	vadd.f32 v10, v22;
	v13 =	vmul.f32 $2.000000030e-01, v9  }
0x19f: {  	v15 =	vld [tilespmem:s1+$0x50];
	vm0 =	vge.f32 v9, $0.0e+00  }
0x1a0: {  	v25 =	vld [tilespmem:s3+$0x60];
	v11 =	vadd.f32 v11, v20;
	v9 =	vsel vm0, v9, v13;
	v13 =	vmul.f32 $2.000000030e-01, v10  }
0x1a1: {  	v16 =	vld [tilespmem:s1+$0x60];
	v12 =	vadd.f32 v12, v19;
	vm13 =	vge.f32 v10, $0.0e+00;
	v9 =	vmul.f32 v9, v1  }
0x1a2: {  	v26 =	vld [tilespmem:s3+$0x70];
	v14 =	vadd.f32 v14, v18;
	v10 =	vsel vm13, v10, v13;
	v13 =	vmul.f32 $2.000000030e-01, v11  }
0x1a3: {  	v17 =	vld [tilespmem:s1+$0x70];
	vm14 =	vge.f32 v11, $0.0e+00;
	v9 =	vadd.f32 $0.0e+00, v9;
	v10 =	vmul.f32 v10, v2  }
0x1a4: {  	v15 =	vadd.f32 v15, v23;
	v11 =	vsel vm14, v11, v13;
	v13 =	vmul.f32 $2.000000030e-01, v12  }
0x1a5: {  	v21 =	vld [tilespmem:s1+$0xFFFFFF80];
	vm15 =	vge.f32 v12, $0.0e+00;
	v9 =	vadd.f32 v10, v9;
	v11 =	vmul.f32 v11, v3  }
0x1a6: {  	v16 =	vadd.f32 v16, v25;
	v10 =	vld [tilespmem:s3+$0xFFFFFF80];
	v12 =	vsel vm15, v12, v13;
	v13 =	vmul.f32 $2.000000030e-01, v14  }
0x1a7: {  	v27 =	vld [tilespmem:s1+$0xFFFFFF90];
	vm4 =	vge.f32 v14, $0.0e+00;
	v9 =	vadd.f32 v11, v9;
	v12 =	vmul.f32 v12, v4  }
0x1a8: {  	v17 =	vadd.f32 v17, v26;
	v11 =	vld [tilespmem:s3+$0xFFFFFF90];
	v13 =	vsel vm4, v14, v13;
	v14 =	vmul.f32 $2.000000030e-01, v15  }
0x1a9: {  	v28 =	vld [tilespmem:s1+$0xFFFFFFA0];
	vm5 =	vge.f32 v15, $0.0e+00;
	v9 =	vadd.f32 v12, v9;
	v13 =	vmul.f32 v13, v5  }
0x1aa: {  	vm6 =	vge.f32 v16, $0.0e+00;
	v12 =	vld [tilespmem:s3+$0xFFFFFFA0];
	v14 =	vsel vm5, v15, v14;
	v15 =	vmul.f32 $2.000000030e-01, v16  }
0x1ab: {  	vm7 =	vge.f32 v17, $0.0e+00;
	v21 =	vadd.f32 v21, v10;
	v9 =	vadd.f32 v13, v9  }
0x1ac: {  	v29 =	vld [tilespmem:s1+$0xFFFFFFB0];
	v14 =	vmul.f32 v14, v6;
	v15 =	vsel vm6, v16, v15;
	v16 =	vmul.f32 $2.000000030e-01, v17  }
0x1ad: {  	v13 =	vld [tilespmem:s3+$0xFFFFFFB0];
	v30 =	vmul.f32 $2.000000030e-01, v21;
	v27 =	vadd.f32 v27, v11;
	vm8 =	vge.f32 v21, $0.0e+00  }
0x1ae: {  	v31 =	vld [tilespmem:s1+$0xFFFFFFC0];
	v9 =	vadd.f32 v14, v9;
	v15 =	vmul.f32 v15, v7;
	v16 =	vsel vm7, v17, v16  }
0x1af: {  	v14 =	vld [tilespmem:s3+$0xFFFFFFC0];
	v17 =	vsel vm8, v21, v30;
	v21 =	vmul.f32 $2.000000030e-01, v27;
	v28 =	vadd.f32 v28, v12  }
0x1b0: {  	v55 =	vld [tilespmem:s1+$0xFFFFFFD0];
	vm9 =	vge.f32 v27, $0.0e+00;
	v9 =	vadd.f32 v15, v9;
	v16 =	vmul.f32 v16, v8  }
0x1b1: {  	v15 =	vld [tilespmem:s3+$0xFFFFFFD0];
	v17 =	vmul.f32 v17, v1;
	v21 =	vsel vm9, v27, v21  }
0x1b2: {  	v27 =	vmul.f32 $2.000000030e-01, v28;
	v29 =	vadd.f32 v29, v13;
	v9 =	vadd.f32 v16, v9  }
0x1b3: {  	vm10 =	vge.f32 v28, $0.0e+00;
	v33 =	vadd.f32 $0.0e+00, v17;
	v21 =	vmul.f32 v21, v2  }
0x1b4: {  	v32 =	vld [tilespmem:s1+$0xFFFFFFE0];
	v56 =	vadd.f32 v31, v14;
	(xrf2) =	vadd.scan.msk.f32 $0xffff, v9;
	v9 =	vsel vm10, v28, v27;
	v27 =	vmul.f32 $2.000000030e-01, v29  }
0x1b5: {  	v16 =	vld [tilespmem:s3+$0xFFFFFFE0];
	vm11 =	vge.f32 v29, $0.0e+00;
	v21 =	vadd.f32 v21, v33;
	v9 =	vmul.f32 v9, v3  }
0x1b6: {  	v57 =	vld [tilespmem:s1+$0xFFFFFFF0];
	v58 =	vmul.f32 $2.000000030e-01, v56;
	v30 =	vadd.f32 v55, v15;
	v27 =	vsel vm11, v29, v27  }
0x1b7: {  	v17 =	vld [tilespmem:s3+$0xFFFFFFF0];
	vm12 =	vge.f32 v56, $0.0e+00;
	v9 =	vadd.f32 v9, v21;
	v21 =	vmul.f32 v27, v4  }
0x1b8: {  	v27 =	vsel vm12, v56, v58;
	v59 =	vmul.f32 $2.000000030e-01, v30  }
0x1b9: {  	s24 =	sand.u32 $0xC0, s6;
	vm13 =	vge.f32 v30, $0.0e+00;
	v9 =	vadd.f32 v21, v9;
	v21 =	vmul.f32 v27, v5  }
0x1ba: {  	s3 =	sshrl.u32 s24, $0x2;
	v60 =	vadd.f32 v32, v16;
	v27 =	vsel vm13, v30, v59  }
0x1bb: {  	p1 =	por $0x1, $0x1;
	v44 =	vld [tilespmem:s3+$0xA000];
	v9 =	vadd.f32 v21, v9;
	v21 =	vmul.f32 v27, v6  }
.Ltmp4:
0x1bc: {  	v62 =	vadd.f32 v57, v17;
	v61 =	vmul.f32 $2.000000030e-01, v60;
	(pc) =	sbr.rel @!p1 .LBB2_4-.Ltmp4, $4  }
0x1bd: {  	vm14 =	vge.f32 v60, $0.0e+00  }
0x1be: {  	s26 =	simm.s32 $0x1;
	vm15 =	vge.f32 v62, $0.0e+00;
	v63 =	vmul.f32 $2.000000030e-01, v62;
	v27 =	vsel vm14, v60, v61  }
0x1bf: {  	s12 =	simm.s32 $0x0;
	p2 =	por $0x0, $0x0;
	v50 =	vmul.f32 v27, v7;
	v49 =	vadd.f32 v21, v9;
	v9 =	vmov s26;
	v21, _, _ =	vpop (xrf2)  }
0x1c0: {  	p0 =	por $0x0, $0x0;
	s3 =	simm.s32 $0x6180;
	v51 =	vsel vm15, v62, v63;
	s26 =	sand.u32 $0xE, s12;
	v53 =	vperm.xlane v44, v9;
	v52 =	vperm.xlane v21, v0  }
0x1c1: {  	v45 =	vld [tilespmem:s3+$0x40]  }
0x1c2: {  	v46 =	vld [tilespmem:s3+$0x30]  }
0x1c3: {  	v54 =	vld [tilespmem:s3+$0x20]  }
0x1c4: {  	v55 =	vld [tilespmem:s3+$0x10]  }
0x1c5: {  	v56 =	vld [tilespmem:s3+$0x0]  }
0x1c6: {  	v57 =	vld [tilespmem:s3+$0x50]  }
0x1c7: {  	v47 =	vld [tilespmem:s3+$0x60]  }
0x1c8: {  	s11 =	simm.s32 $0x2180;
	v48 =	vld [tilespmem:s3+$0x70]  }
0x1c9: {  	v21 =	vld [tilespmem:s11+$0x40];
	v27 =	vsub.f32 v52, v53  }
0x1ca: {  	v28 =	vld [tilespmem:s11+$0x30]  }
0x1cb: {  	v29 =	vld [tilespmem:s11+$0x20];
	v27 =	vmul.f32 $1.442695020e+00, v27  }
0x1cc: {  	v30 =	vld [tilespmem:s11+$0x10]  }
0x1cd: {  	(erf) = vpow2.f32 v27;
	v27 =	vld [tilespmem:s11+$0x0]  }
0x1ce: {  	v34 =	vld [tilespmem:s11+$0x50]  }
0x1cf: {  	v31 =	vadd.f32 v50, v49;
	v32 =	vmul.f32 v51, v8;
	v36 =	vld [tilespmem:s11+$0x60]  }
0x1d0: {  	v33 =	vmov s26;
	v38 =	vld [tilespmem:s11+$0x70]  }
0x1d1: {  	v52 =	vadd.f32 v32, v31;
	v31 =	vmov s12;
	v53 =	vadd.f32 v21, v45  }
0x1d2: {  	v21 =	vand.u32 $0xFFFFFFFE, v31;
	v31 =	vadd.f32 v28, v46;
	v27 =	vadd.f32 v27, v56  }
0x1d3: {  	v37 =	vperm.xlane v44, v33;
	v28 =	vadd.f32 v30, v55;
	v29 =	vadd.f32 v29, v54  }
0x1d4: {  	v34 =	vadd.f32 v34, v57;
	v36 =	vadd.f32 v36, v47;
	v30 =	vmul.f32 $2.000000030e-01, v27  }
0x1d5: {  	v38 =	vadd.f32 v38, v48;
	vm0 =	vge.f32 v31, $0.0e+00;
	vm1 =	vge.f32 v27, $0.0e+00  }
0x1d6: {  	vm2 =	vge.f32 v29, $0.0e+00;
	v27 =	vsel vm1, v27, v30;
	v30 =	vmul.f32 $2.000000030e-01, v28  }
0x1d7: {  	vm15 =	vge.f32 v28, $0.0e+00;
	vm4 =	vge.f32 v53, $0.0e+00;
	v27 =	vmul.f32 v27, v1  }
0x1d8: {  	v60 =	vmul.f32 $2.000000030e-01, v34;
	v28 =	vsel vm15, v28, v30;
	v30 =	vmul.f32 $2.000000030e-01, v29  }
0x1d9: {  	vm5 =	vge.f32 v34, $0.0e+00;
	v27 =	vadd.f32 $0.0e+00, v27;
	v28 =	vmul.f32 v28, v2  }
0x1da: {  	v39 =	vld [tilespmem:s11+$0xFFFFFF80];
	v61 =	vmul.f32 $2.000000030e-01, v36;
	vm6 =	vge.f32 v36, $0.0e+00;
	v29 =	vsel vm2, v29, v30  }
0x1db: {  	v40 =	vld [tilespmem:s11+$0xFFFFFF90];
	v30 =	vmul.f32 $2.000000030e-01, v31;
	v27 =	vadd.f32 v28, v27;
	v29 =	vmul.f32 v29, v3  }
0x1dc: {  	v62 =	vmul.f32 $2.000000030e-01, v38;
	vm7 =	vge.f32 v38, $0.0e+00;
	v32 =	vsel vm5, v34, v60;
	v28 =	vld [tilespmem:s3+$0xFFFFFF80]  }
0x1dd: {  	v30 =	vsel vm0, v31, v30;
	v31 =	vmul.f32 $2.000000030e-01, v53;
	v29 =	vadd.f32 v29, v27;
	v27 =	vld [tilespmem:s3+$0xFFFFFF90]  }
0x1de: {  	v34 =	vsel vm6, v36, v61;
	v36 =	vsel vm7, v38, v62;
	v30 =	vmul.f32 v30, v4  }
0x1df: {  	v41 =	vld [tilespmem:s11+$0xFFFFFFA0];
	v32 =	vmul.f32 v32, v6;
	v34 =	vmul.f32 v34, v7;
	v31 =	vsel vm4, v53, v31  }
0x1e0: {  	v36 =	vmul.f32 v36, v8;
	v35 =	vpop (erf);
	v30 =	vadd.f32 v30, v29;
	v31 =	vmul.f32 v31, v5;
	v29 =	vld [tilespmem:s3+$0xFFFFFFA0]  }
0x1e1: {  	v42 =	vld [tilespmem:s11+$0xFFFFFFB0];
	v24 =	vmul.f32 v35, v24;
	v22 =	vmul.f32 v35, v22;
	v39 =	vadd.f32 v39, v28  }
0x1e2: {  	v20 =	vmul.f32 v35, v20;
	v31 =	vadd.f32 v31, v30;
	v30 =	vld [tilespmem:s3+$0xFFFFFFB0];
	v40 =	vadd.f32 v40, v27  }
0x1e3: {  	v63 =	vld [tilespmem:s11+$0xFFFFFFC0];
	v19 =	vmul.f32 v35, v19;
	v43 =	vmul.f32 $2.000000030e-01, v39  }
0x1e4: {  	vm8 =	vge.f32 v39, $0.0e+00;
	v32 =	vadd.f32 v32, v31;
	v31 =	vld [tilespmem:s3+$0xFFFFFFC0];
	v49 =	vmul.f32 $2.000000030e-01, v40  }
0x1e5: {  	v39 =	vsel vm8, v39, v43;
	v41 =	vadd.f32 v41, v29;
	vm9 =	vge.f32 v40, $0.0e+00  }
0x1e6: {  	v34 =	vadd.f32 v34, v32;
	v39 =	vmul.f32 v39, v1;
	v51 =	vsel vm9, v40, v49  }
0x1e7: {  	v50 =	vld [tilespmem:s11+$0xFFFFFFD0];
	(xrf2) =	vadd.scan.msk.f32 $0xffff, v52;
	v52 =	vmul.f32 $2.000000030e-01, v41;
	v42 =	vadd.f32 v42, v30;
	vm10 =	vge.f32 v41, $0.0e+00  }
0x1e8: {  	v32 =	vld [tilespmem:s3+$0xFFFFFFD0];
	v34 =	vadd.f32 v36, v34;
	v39 =	vadd.f32 $0.0e+00, v39;
	v36 =	vmul.f32 v51, v2  }
0x1e9: {  	v33 =	vld [tilespmem:s3+$0xFFFFFFE0];
	[tilespmem:s1+$0x0] =	vst v24;
	v40 =	vsel vm10, v41, v52;
	v58 =	vmul.f32 $2.000000030e-01, v42;
	v38 =	vadd.f32 v63, v31  }
0x1ea: {  	v53 =	vld [tilespmem:s11+$0xFFFFFFE0];
	vm11 =	vge.f32 v42, $0.0e+00;
	(xrf2) =	vadd.scan.msk.f32 $0xffff, v34;
	v24 =	vadd.f32 v36, v39;
	v60 =	vmul.f32 v40, v3  }
0x1eb: {  	v59 =	vld [tilespmem:s11+$0xFFFFFFF0];
	v18 =	vmul.f32 v35, v18;
	[tilespmem:s1+$0x10] =	vst v22;
	v22 =	vsel vm11, v42, v58;
	v61 =	vmul.f32 $2.000000030e-01, v38  }
0x1ec: {  	[tilespmem:s1+$0x20] =	vst v20;
	v34 =	vld [tilespmem:s3+$0xFFFFFFF0];
	vm12 =	vge.f32 v38, $0.0e+00;
	v20 =	vadd.f32 v60, v24;
	v22 =	vmul.f32 v22, v4  }
0x1ed: {  	s20 =	simm.s32 $0x8;
	[tilespmem:s1+$0x30] =	vst v19;
	v62 =	vadd.f32 v50, v32;
	v19 =	vsel vm12, v38, v61  }
0x1ee: {  	v23 =	vmul.f32 v35, v23;
	[tilespmem:s1+$0x40] =	vst v18;
	s3 =	sand.u32 $0xC0, s20;
	v18 =	vadd.f32 v22, v20;
	v19 =	vmul.f32 v19, v5  }
0x1ef: {  	v25 =	vmul.f32 v35, v25;
	v63 =	vadd.f32 v53, v33;
	s3 =	sshrl.u32 s3, $0x2;
	v24 =	vmul.f32 $2.000000030e-01, v62  }
0x1f0: {  	p3 =	por $0x1, $0x1;
	v26 =	vmul.f32 v35, v26;
	[tilespmem:s1+$0x50] =	vst v23;
	v44 =	vld [tilespmem:s3+$0xA000];
	vm13 =	vge.f32 v62, $0.0e+00;
	v18 =	vadd.f32 v19, v18  }
.Ltmp5:
0x1f1: {  	[tilespmem:s1+$0x60] =	vst v25;
	v22 =	vmul.f32 $2.000000030e-01, v63;
	v20 =	vsel vm13, v62, v24;
	v23 =	vadd.f32 v59, v34;
	(pc) =	sbr.rel @!p3 .LBB2_6-.Ltmp5, $4  }
0x1f2: {  	s21 =	simm.s32 $0x3;
	v21 =	vbroadcast v21, $0x0;
	[tilespmem:s1+$0x70] =	vst v26;
	vm14 =	vge.f32 v63, $0.0e+00;
	v19 =	vmul.f32 v20, v6  }
0x1f3: {  	[tilespmem:v9+s23+$0x0] =	vst.idx.msk $0x1, v35;
	v35 =	vmov s21;
	v39, _, _ =	vpop (xrf2);
	v20 =	vsel vm14, v63, v22;
	v22 =	vmul.f32 $2.000000030e-01, v23  }
0x1f4: {  	s24 =	simm.s32 $0x2;
	vm15 =	vge.f32 v23, $0.0e+00;
	v50 =	vmul.f32 v20, v7;
	v49 =	vadd.f32 v19, v18;
	v18, _, _ =	vpop (xrf2)  }
0x1f5: {  	p2 =	por $0x1, $0x1;
	s4 =	sand.u32 $0xE, s24;
	s3 =	simm.s32 $0x6280;
	v53 =	vperm.xlane v44, v35;
	v51 =	vsel vm15, v23, v22;
	v52 =	vperm.xlane v18, v0  }
0x1f6: {  	v18 =	vld [tilespmem:s3+$0x40]  }
0x1f7: {  	v19 =	vld [tilespmem:s3+$0x30]  }
0x1f8: {  	s20 =	simm.s32 $0x2280;
	v24 =	vld [tilespmem:s3+$0x0]  }
0x1f9: {  	v23 =	vld [tilespmem:s20+$0x40]  }
0x1fa: {  	v20 =	vsub.f32 v52, v53;
	v25 =	vld [tilespmem:s20+$0x30]  }
0x1fb: {  	v26 =	vld [tilespmem:s20+$0x20]  }
0x1fc: {  	v36 =	vperm.xlane v39, v0;
	v38 =	vld [tilespmem:s20+$0x0];
	v22 =	vmul.f32 $1.442695020e+00, v20  }
0x1fd: {  	v60 =	vld [tilespmem:s20+$0x10]  }
0x1fe: {  	v36 =	vsub.f32 v36, v37;
	v20 =	vld [tilespmem:s3+$0x20];
	(erf) = vpow2.f32 v22  }
0x1ff: {  	v40 =	vadd.f32 v50, v49;
	v41 =	vmul.f32 v51, v8;
	v42 =	vmov s24;
	v22 =	vld [tilespmem:s3+$0x10]  }
0x200: {  	v61 =	vmov s4;
	v62 =	vand.u32 $0xFFFFFFFE, v42;
	v36 =	vmul.f32 $1.442695020e+00, v36  }
0x201: {  	v37 =	vperm.xlane v44, v61;
	v42 =	vadd.f32 v23, v18;
	v23 =	vadd.f32 v38, v24  }
0x202: {  	v44 =	vadd.f32 v41, v40;
	(erf) = vpow2.f32 v36;
	v63 =	vadd.f32 v25, v19  }
0x203: {  	v36 =	vbroadcast v62, $0x0;
	v26 =	vadd.f32 v26, v20;
	v43 =	vmul.f32 $2.000000030e-01, v23  }
0x204: {  	vm0 =	vge.f32 v63, $0.0e+00;
	vm1 =	vge.f32 v23, $0.0e+00;
	v25 =	vadd.f32 v60, v22  }
0x205: {  	v62 =	vmul.f32 $2.000000030e-01, v42;
	vm4 =	vge.f32 v42, $0.0e+00;
	vm2 =	vge.f32 v26, $0.0e+00  }
0x206: {  	v39 =	vsel vm1, v23, v43;
	v23 =	vld [tilespmem:s3+$0x50];
	v59 =	vmul.f32 $2.000000030e-01, v26;
	v58 =	vmul.f32 $2.000000030e-01, v25  }
0x207: {  	v43 =	vld [tilespmem:s20+$0x50];
	v60 =	vmul.f32 $2.000000030e-01, v63;
	v39 =	vmul.f32 v39, v1;
	vm15 =	vge.f32 v25, $0.0e+00;
	v49 =	vpop (erf)  }
0x208: {  	v41 =	vsel vm2, v26, v59;
	v40 =	vsel vm15, v25, v58;
	v25 =	vld [tilespmem:s3+$0x60];
	v52 =	vmul.f32 v49, v54  }
0x209: {  	v39 =	vadd.f32 $0.0e+00, v39;
	v54 =	vmul.f32 v49, v45;
	v40 =	vmul.f32 v40, v2;
	v45 =	vld [tilespmem:s20+$0x60]  }
0x20a: {  	v42 =	vsel vm4, v42, v62;
	v26 =	vld [tilespmem:s3+$0x70];
	v38 =	vsel vm0, v63, v60;
	v61 =	vmul.f32 v41, v3  }
0x20b: {  	v50 =	vmul.f32 v49, v56;
	v56 =	vmul.f32 v49, v47;
	v47 =	vld [tilespmem:s20+$0x70];
	v39 =	vadd.f32 v40, v39  }
0x20c: {  	v63 =	vld [tilespmem:s20+$0xFFFFFF80];
	v38 =	vmul.f32 v38, v4;
	v51 =	vmul.f32 v49, v55;
	v43 =	vadd.f32 v43, v23  }
0x20d: {  	v41 =	vld [tilespmem:s3+$0xFFFFFF80];
	v53 =	vmul.f32 v49, v46;
	v55 =	vmul.f32 v49, v57;
	v39 =	vadd.f32 v61, v39  }
0x20e: {  	v58 =	vld [tilespmem:s20+$0xFFFFFF90];
	v57 =	vmul.f32 v49, v48;
	v60 =	vmul.f32 $2.000000030e-01, v43;
	v45 =	vadd.f32 v45, v25  }
0x20f: {  	v40 =	vld [tilespmem:s3+$0xFFFFFF90];
	vm5 =	vge.f32 v43, $0.0e+00;
	v61 =	vmul.f32 v42, v5;
	v38 =	vadd.f32 v38, v39  }
0x210: {  	v59 =	vld [tilespmem:s20+$0xFFFFFFA0];
	v43 =	vsel vm5, v43, v60;
	v47 =	vadd.f32 v47, v26;
	v62 =	vmul.f32 $2.000000030e-01, v45  }
0x211: {  	v42 =	vld [tilespmem:s3+$0xFFFFFFA0];
	v39 =	vmul.f32 v43, v6;
	vm6 =	vge.f32 v45, $0.0e+00;
	v38 =	vadd.f32 v61, v38  }
0x212: {  	v48 =	vadd.f32 v63, v41;
	v60 =	vld [tilespmem:s20+$0xFFFFFFB0];
	v46 =	vmul.f32 $2.000000030e-01, v47;
	v45 =	vsel vm6, v45, v62  }
0x213: {  	v43 =	vld [tilespmem:s3+$0xFFFFFFB0];
	vm7 =	vge.f32 v47, $0.0e+00;
	v38 =	vadd.f32 v39, v38;
	v39 =	vmul.f32 v45, v7  }
0x214: {  	v58 =	vadd.f32 v58, v40;
	v61 =	vmul.f32 $2.000000030e-01, v48;
	v46 =	vsel vm7, v47, v46;
	v62 =	vld [tilespmem:s20+$0xFFFFFFC0]  }
0x215: {  	vm8 =	vge.f32 v48, $0.0e+00;
	v45 =	vld [tilespmem:s3+$0xFFFFFFC0];
	v38 =	vadd.f32 v39, v38;
	v39 =	vmul.f32 v46, v8  }
0x216: {  	v59 =	vadd.f32 v59, v42;
	v63 =	vsel vm8, v48, v61;
	v48 =	vmul.f32 $2.000000030e-01, v58;
	v46 =	vld [tilespmem:s3+$0xFFFFFFD0]  }
0x217: {  	vm9 =	vge.f32 v58, $0.0e+00;
	v61 =	vmul.f32 v63, v1;
	v38 =	vadd.f32 v39, v38;
	v39 =	vld [tilespmem:s20+$0xFFFFFFD0]  }
0x218: {  	v60 =	vadd.f32 v60, v43;
	v48 =	vsel vm9, v58, v48;
	v58 =	vmul.f32 $2.000000030e-01, v59  }
0x219: {  	(xrf2) =	vadd.scan.msk.f32 $0xffff, v44;
	v47 =	vld [tilespmem:s3+$0xFFFFFFE0];
	vm10 =	vge.f32 v59, $0.0e+00;
	v61 =	vadd.f32 $0.0e+00, v61;
	v44 =	vmul.f32 v48, v2  }
0x21a: {  	[tilespmem:s11+$0x0] =	vst v50;
	v50 =	vsel vm10, v59, v58;
	v58 =	vmul.f32 $2.000000030e-01, v60;
	(xrf2) =	vadd.scan.msk.f32 $0xffff, v38;
	v38 =	vld [tilespmem:s20+$0xFFFFFFE0]  }
0x21b: {  	[tilespmem:s11+$0x10] =	vst v51;
	v51 =	vld [tilespmem:s20+$0xFFFFFFF0];
	v63 =	vadd.f32 v62, v45;
	v44 =	vadd.f32 v44, v61;
	v50 =	vmul.f32 v50, v3  }
0x21c: {  	v48 =	vld [tilespmem:s3+$0xFFFFFFF0];
	vm11 =	vge.f32 v60, $0.0e+00;
	v39 =	vadd.f32 v39, v46  }
0x21d: {  	s15 =	simm.s32 $0x10;
	v60 =	vsel vm11, v60, v58;
	v61 =	vmul.f32 $2.000000030e-01, v63;
	v44 =	vadd.f32 v50, v44  }
0x21e: {  	s24 =	sand.u32 $0xC0, s15;
	[tilespmem:s11+$0x20] =	vst v52;
	v62 =	vmul.f32 v60, v4;
	vm12 =	vge.f32 v63, $0.0e+00;
	v58 =	vmul.f32 $2.000000030e-01, v39  }
0x21f: {  	[tilespmem:s11+$0x30] =	vst v53;
	s3 =	sshrl.u32 s24, $0x2;
	v63 =	vsel vm12, v63, v61;
	v38 =	vadd.f32 v38, v47;
	vm13 =	vge.f32 v39, $0.0e+00  }
0x220: {  	p4 =	por $0x1, $0x1;
	[tilespmem:s11+$0x40] =	vst v54;
	v50 =	vadd.f32 v62, v44;
	v44 =	vld [tilespmem:s3+$0xA000];
	v52 =	vmul.f32 v63, v5;
	v39 =	vsel vm13, v39, v58  }
.Ltmp6:
0x221: {  	[tilespmem:s11+$0x50] =	vst v55;
	v51 =	vadd.f32 v51, v48;
	v59 =	vmul.f32 $2.000000030e-01, v38;
	(pc) =	sbr.rel @!p4 .LBB2_8-.Ltmp6, $4  }
0x222: {  	[tilespmem:s11+$0x60] =	vst v56;
	v50 =	vadd.f32 v52, v50;
	vm14 =	vge.f32 v38, $0.0e+00;
	v60 =	vmul.f32 v39, v6  }
0x223: {  	[tilespmem:s11+$0x70] =	vst v57;
	s3 =	simm.s32 $0x5;
	vm15 =	vge.f32 v51, $0.0e+00;
	v62 =	vmul.f32 $2.000000030e-01, v51;
	v61 =	vsel vm14, v38, v59;
	v39, _, _ =	vpop (xrf2)  }
0x224: {  	s21 =	simm.s32 $0x6380;
	[tilespmem:v35+s23+$0x0] =	vst.idx.msk $0x1, v49;
	s24 =	simm.s32 $0x4;
	v35 =	vmov s3;
	v49 =	vadd.f32 v60, v50;
	v50 =	vmul.f32 v61, v7;
	v63, _, _ =	vpop (xrf2)  }
0x225: {  	p3 =	por $0x1, $0x1;
	s5 =	simm.s32 $0x2280;
	s4 =	sand.u32 $0xE, s24;
	v51 =	vsel vm15, v51, v62;
	v53 =	vperm.xlane v44, v35;
	v38 =	vpop (erf);
	v52 =	vperm.xlane v63, v0  }
.LBB2_9:
0x226: {  	v54 =	vld [tilespmem:s21+$0x40];
	v49 =	vadd.f32 v50, v49;
	v50 =	vmul.f32 v51, v8;
	v51 =	vmov s4;
	s5 =	sadd.s32 $0x100, s5  }
0x227: {  	v39 =	vperm.xlane v39, v0;
	v55 =	vld [tilespmem:s5+$0x40];
	v44 =	vperm.xlane v44, v51;
	v51 =	vsub.f32 v52, v53  }
0x228: {  	v53 =	vmul.f32 v38, v10;
	v10 =	vmovc v28;
	v28 =	vmovc v41;
	v52 =	vld [tilespmem:s21+$0x30];
	v49 =	vadd.f32 v50, v49;
	v50 =	vmov s24  }
0x229: {  	v39 =	vsub.f32 v39, v37;
	v56 =	vld [tilespmem:s5+$0x30];
	v41 =	vand.u32 $0xFFFFFFFE, v50;
	v50 =	vmul.f32 $1.442695020e+00, v51;
	v37 =	vmovc v44  }
0x22a: {  	v51 =	vmul.f32 v38, v11;
	v11 =	vmovc v27;
	v27 =	vmov v40;
	v44 =	vld [tilespmem:s21+$0x20];
	[tilespmem:s1+$0xFFFFFF80] =	vst v53;
	v53 =	vmul.f32 v38, v12  }
0x22b: {  	v39 =	vmul.f32 $1.442695020e+00, v39;
	v12 =	vmovc v29;
	v29 =	vmov v42;
	v57 =	vld [tilespmem:s5+$0x20];
	(xrf2) =	vadd.scan.msk.f32 $0xffff, v49;
	(erf) = vpow2.f32 v50  }
0x22c: {  	v40 =	vmul.f32 v38, v13;
	v13 =	vmovc v30;
	v30 =	vmov v43;
	v42 =	vmul.f32 v38, v14;
	v49 =	vld [tilespmem:s21+$0x10];
	[tilespmem:s1+$0xFFFFFF90] =	vst v51  }
0x22d: {  	v14 =	vmovc v31;
	v31 =	vmovc v45;
	v50 =	vld [tilespmem:s21+$0x0];
	(erf) = vpow2.f32 v39;
	[tilespmem:s1+$0xFFFFFFA0] =	vst v53;
	v39 =	vmul.f32 v38, v15;
	v15 =	vmov v32  }
0x22e: {  	v45 =	vmul.f32 v38, v17;
	v32 =	vmovc v46;
	v43 =	vld [tilespmem:s5+$0x0];
	[tilespmem:s1+$0xFFFFFFB0] =	vst v40;
	v40 =	vmul.f32 v38, v16;
	v16 =	vmov v33  }
0x22f: {  	v17 =	vmovc v34;
	v34 =	vmov v48;
	v51 =	vbroadcast v41, $0x0;
	v33 =	vmov v47;
	v46 =	vld [tilespmem:s5+$0x10];
	[tilespmem:s1+$0xFFFFFFC0] =	vst v42  }
0x230: {  	v41 =	vld [tilespmem:s21+$0xFFFFFF80];
	[tilespmem:s1+$0xFFFFFFD0] =	vst v39  }
0x231: {  	v48 =	vld [tilespmem:s5+$0xFFFFFF80];
	[tilespmem:s1+$0xFFFFFFE0] =	vst v40  }
0x232: {  	v47 =	vadd.f32 v55, v54;
	v40 =	vld [tilespmem:s21+$0xFFFFFF90];
	[tilespmem:s1+$0xFFFFFFF0] =	vst v45;
	s1 =	smov.u32 s11;
	s11 =	smov.u32 s20;
	s20 =	smov.u32 s5  }
0x233: {  	v55 =	vadd.f32 v56, v52;
	v53 =	vld [tilespmem:s5+$0xFFFFFF90];
	v45 =	vadd.f32 v43, v50;
	[tilespmem:v21+s23+$0x0] =	vst.idx.msk $0x1, v38;
	v21 =	vmov v36  }
0x234: {  	v56 =	vadd.f32 v57, v44;
	v36 =	vmov v51;
	v42 =	vld [tilespmem:s21+$0xFFFFFFA0];
	v46 =	vadd.f32 v46, v49;
	v57 =	vpop (erf)  }
0x235: {  	vm0 =	vge.f32 v55, $0.0e+00;
	v51 =	vld [tilespmem:s5+$0xFFFFFFA0];
	v58 =	vmul.f32 $2.000000030e-01, v45;
	v24 =	vmul.f32 v57, v24;
	v39, _, _ =	vpop (xrf2)  }
0x236: {  	vm2 =	vge.f32 v56, $0.0e+00;
	vm1 =	vge.f32 v45, $0.0e+00;
	v22 =	vmul.f32 v57, v22;
	v43 =	vld [tilespmem:s21+$0xFFFFFFB0];
	v38 =	vpop (erf)  }
0x237: {  	v45 =	vsel vm1, v45, v58;
	v58 =	vmul.f32 $2.000000030e-01, v46;
	v59 =	vld [tilespmem:s21+$0x50];
	[tilespmem:s11+$0x0] =	vst v24;
	v24 =	vmul.f32 v57, v20;
	v20 =	vmovc v44  }
0x238: {  	v60 =	vmul.f32 v57, v19;
	v19 =	vmovc v52;
	vm1 =	vge.f32 v46, $0.0e+00;
	v44 =	vmul.f32 v45, v1;
	v45 =	vld [tilespmem:s5+$0x50];
	[tilespmem:s11+$0x10] =	vst v22  }
0x239: {  	v52 =	vmul.f32 $2.000000030e-01, v56;
	v61 =	vmul.f32 v57, v18;
	v18 =	vmovc v54;
	v46 =	vsel vm1, v46, v58;
	v58 =	vld [tilespmem:s21+$0x60];
	[tilespmem:s11+$0x20] =	vst v24  }
0x23a: {  	v62 =	vmul.f32 v57, v23;
	v22 =	vmovc v49;
	v44 =	vadd.f32 $0.0e+00, v44;
	v46 =	vmul.f32 v46, v2;
	v54 =	vld [tilespmem:s5+$0x60];
	[tilespmem:s11+$0x30] =	vst v60  }
0x23b: {  	v49 =	vsel vm2, v56, v52;
	v52 =	vmul.f32 $2.000000030e-01, v55;
	v56 =	vld [tilespmem:s21+$0x70];
	[tilespmem:s11+$0x40] =	vst v61;
	v61 =	vmul.f32 v57, v25;
	v24 =	vmovc v50  }
0x23c: {  	v26 =	vmul.f32 v57, v26;
	v44 =	vadd.f32 v46, v44;
	v46 =	vmul.f32 v49, v3;
	v49 =	vld [tilespmem:s5+$0x70];
	[tilespmem:s11+$0x50] =	vst v62  }
0x23d: {  	v52 =	vsel vm0, v55, v52;
	v55 =	vmul.f32 $2.000000030e-01, v47;
	v23 =	vmovc v59;
	v50 =	vld [tilespmem:s5+$0xFFFFFFB0];
	v60 =	vadd.f32 v45, v59;
	[tilespmem:s11+$0x60] =	vst v61  }
0x23e: {  	vm0 =	vge.f32 v47, $0.0e+00;
	v52 =	vmul.f32 v52, v4;
	v45 =	vld [tilespmem:s21+$0xFFFFFFC0];
	v44 =	vadd.f32 v46, v44;
	[tilespmem:s11+$0x70] =	vst v26;
	v25 =	vmovc v58  }
0x23f: {  	v55 =	vsel vm0, v47, v55;
	v58 =	vld [tilespmem:s5+$0xFFFFFFC0];
	v47 =	vmul.f32 $2.000000030e-01, v60;
	v54 =	vadd.f32 v54, v25;
	[tilespmem:v35+s23+$0x0] =	vst.idx.msk $0x1, v57  }
0x240: {  	vm0 =	vge.f32 v60, $0.0e+00;
	v46 =	vld [tilespmem:s21+$0xFFFFFFD0];
	v35 =	vadd.f32 v52, v44;
	v44 =	vmul.f32 v55, v5;
	v26 =	vmovc v56  }
0x241: {  	v52 =	vld [tilespmem:s5+$0xFFFFFFD0];
	v55 =	vsel vm0, v60, v47;
	v56 =	vmul.f32 $2.000000030e-01, v54;
	v49 =	vadd.f32 v49, v26  }
0x242: {  	vm0 =	vge.f32 v54, $0.0e+00;
	v47 =	vld [tilespmem:s21+$0xFFFFFFE0];
	v35 =	vadd.f32 v44, v35;
	v44 =	vmul.f32 v55, v6  }
0x243: {  	v55 =	vadd.f32 v48, v41;
	v57 =	vld [tilespmem:s5+$0xFFFFFFE0];
	v54 =	vsel vm0, v54, v56;
	v56 =	vmul.f32 $2.000000030e-01, v49  }
0x244: {  	vm0 =	vge.f32 v49, $0.0e+00;
	v48 =	vld [tilespmem:s21+$0xFFFFFFF0];
	v35 =	vadd.f32 v44, v35;
	v44 =	vmul.f32 v54, v7  }
0x245: {  	v53 =	vadd.f32 v53, v40;
	v54 =	vmul.f32 $2.000000030e-01, v55;
	v59 =	vld [tilespmem:s5+$0xFFFFFFF0];
	v49 =	vsel vm0, v49, v56  }
0x246: {  	vm0 =	vge.f32 v55, $0.0e+00;
	v35 =	vadd.f32 v44, v35;
	v44 =	vmul.f32 v49, v8  }
0x247: {  	v51 =	vadd.f32 v51, v42;
	v49 =	vsel vm0, v55, v54;
	v54 =	vmul.f32 $2.000000030e-01, v53  }
0x248: {  	vm0 =	vge.f32 v53, $0.0e+00;
	v49 =	vmul.f32 v49, v1;
	v35 =	vadd.f32 v44, v35  }
0x249: {  	v50 =	vadd.f32 v50, v43;
	v44 =	vsel vm0, v53, v54;
	v53 =	vmul.f32 $2.000000030e-01, v51  }
0x24a: {  	vm0 =	vge.f32 v51, $0.0e+00;
	v49 =	vadd.f32 $0.0e+00, v49;
	v44 =	vmul.f32 v44, v2;
	(xrf2) =	vadd.scan.msk.f32 $0xffff, v35  }
0x24b: {  	v35 =	vsel vm0, v51, v53;
	v51 =	vmul.f32 $2.000000030e-01, v50;
	v53 =	vadd.f32 v58, v45  }
0x24c: {  	vm0 =	vge.f32 v50, $0.0e+00;
	v44 =	vadd.f32 v44, v49;
	v35 =	vmul.f32 v35, v3  }
0x24d: {  	s15 =	sadd.s32 $0x8, s15;
	v49 =	vsel vm0, v50, v51;
	v50 =	vmul.f32 $2.000000030e-01, v53;
	v51 =	vadd.f32 v52, v46  }
0x24e: {  	s3 =	sadd.s32 $0x2, s3;
	s4 =	sand.u32 $0xC0, s15;
	vm0 =	vge.f32 v53, $0.0e+00;
	v35 =	vadd.f32 v35, v44;
	v44 =	vmul.f32 v49, v4  }
0x24f: {  	s4 =	sshrl.u32 s4, $0x2;
	s24 =	sadd.s32 $0xFFFFFFFF, s3;
	v52 =	vadd.f32 v57, v47;
	v49 =	vsel vm0, v53, v50;
	v50 =	vmul.f32 $2.000000030e-01, v51  }
0x250: {  	p4 =	slt.u32 s24, $0x3E;
	vm0 =	vge.f32 v51, $0.0e+00;
	v35 =	vadd.f32 v44, v35;
	v49 =	vmul.f32 v49, v5;
	v44 =	vld [tilespmem:s4+$0xA000]  }
.Ltmp7:
0x251: {  	v53 =	vadd.f32 v59, v48;
	v50 =	vsel vm0, v51, v50;
	v51 =	vmul.f32 $2.000000030e-01, v52;
	(pc) =	sbr.rel @p4 .LBB2_9-.Ltmp7, $4  }
0x252: {  	vm0 =	vge.f32 v52, $0.0e+00;
	v35 =	vadd.f32 v49, v35;
	v49 =	vmul.f32 v50, v6  }
0x253: {  	v50 =	vsel vm0, v52, v51;
	vm0 =	vge.f32 v53, $0.0e+00;
	v51 =	vmul.f32 $2.000000030e-01, v53  }
0x254: {  	v49 =	vadd.f32 v49, v35;
	v50 =	vmul.f32 v50, v7;
	v35 =	vmov s3;
	v52, _, _ =	vpop (xrf2)  }
0x255: {  	s21 =	sadd.s32 $0x100, s21;
	s4 =	sand.u32 $0xE, s24;
	v51 =	vsel vm0, v53, v51;
	v52 =	vperm.xlane v52, v0;
	v53 =	vperm.xlane v44, v35  }
0x256: {  	v62 =	vmov v10  }
0x257: {  	v63 =	vmovc v11;
	v54 =	vmovc v12;
	v55 =	vmov v13;
	v56 =	vmov v14;
	v57 =	vmov v15  }
0x258: {  	v58 =	vmovc v16;
	v59 =	vmovc v17;
	v60 =	vmov v21;
	v10 =	vmov v41;
	v41 =	vmov v27  }
0x259: {  	v11 =	vmovc v40;
	v40 =	vmovc v29;
	v12 =	vmov v42;
	v42 =	vmov v30;
	v13 =	vmov v43  }
0x25a: {  	v43 =	vmovc v31;
	v14 =	vmovc v45;
	v45 =	vmov v32;
	v15 =	vmov v46;
	v46 =	vmov v33  }
0x25b: {  	s3 =	smov.u32 s1;
	v16 =	vmovc v47;
	v61 =	vmovc v34;
	v17 =	vmov v48;
	s1 =	smov.u32 s20;
	v21 =	vmov v36;
	v36 =	vmov v28  }
.LBB2_11:
0x25c: {  	v27 =	vsub.f32 v52, v53  }
0x25d: {  	v28 =	vadd.f32 v50, v49;
	v29 =	vmul.f32 v51, v8  }
0x25e: {  	v27 =	vmul.f32 $1.442695020e+00, v27  }
0x25f: {  	v28 =	vadd.f32 v29, v28  }
0x260: {  	(erf) = vpow2.f32 v27  }
0x261: {  	v29 =	vmul.f32 @p3 v38, v63;
	(xrf2) =	vadd.scan.msk.f32 $0xffff, v28  }
0x262: {  	v27 =	vmul.f32 @p3 v38, v62;
	v28 =	vperm.xlane @p2 v39, v0  }
0x263: {  	[tilespmem:s3+$0xFFFFFF90] =	vst @p3 v29;
	v29 =	vmul.f32 @p3 v38, v55  }
0x264: {  	[tilespmem:s3+$0xFFFFFF80] =	vst @p3 v27;
	v27 =	vmul.f32 @p3 v38, v54;
	v28 =	vsub.f32 @p2 v28, v37  }
0x265: {  	v30 =	vmul.f32 @p3 v38, v56;
	[tilespmem:s3+$0xFFFFFFB0] =	vst @p3 v29  }
0x266: {  	v29 =	vmul.f32 @p3 v38, v58;
	[tilespmem:s3+$0xFFFFFFA0] =	vst @p3 v27;
	v27 =	vmul.f32 @p2 $1.442695020e+00, v28  }
0x267: {  	[tilespmem:s3+$0xFFFFFFC0] =	vst @p3 v30;
	v28 =	vmul.f32 @p3 v38, v57  }
0x268: {  	[tilespmem:s3+$0xFFFFFFE0] =	vst @p3 v29;
	(erf) = vpow2.f32 @p2 v27;
	v27 =	vmul.f32 @p3 v38, v59  }
0x269: {  	[tilespmem:s3+$0xFFFFFFD0] =	vst @p3 v28;
	v37 =	vpop (erf)  }
0x26a: {  	v39 =	vmov s4;
	[tilespmem:s3+$0xFFFFFFF0] =	vst @p3 v27;
	v24 =	vmul.f32 v37, v24  }
0x26b: {  	v27 =	vperm.xlane v44, v39;
	[tilespmem:v60+s23+$0x0] =	vst.idx.msk @p3 $0x1, v38;
	v44, _, _ =	vpop (xrf2);
	v22 =	vmul.f32 v37, v22  }
0x26c: {  	v20 =	vmul.f32 v37, v20;
	[tilespmem:s1+$0x0] =	vst v24;
	v24 =	vperm.xlane v44, v0  }
0x26d: {  	v19 =	vmul.f32 v37, v19;
	[tilespmem:s1+$0x10] =	vst v22  }
0x26e: {  	v18 =	vmul.f32 v37, v18;
	[tilespmem:s1+$0x20] =	vst v20;
	v20 =	vsub.f32 v24, v27  }
0x26f: {  	[tilespmem:s1+$0x30] =	vst v19;
	v19 =	vmul.f32 v37, v23  }
0x270: {  	[tilespmem:s1+$0x40] =	vst v18;
	v18 =	vmul.f32 v37, v25;
	v20 =	vmul.f32 $1.442695020e+00, v20  }
0x271: {  	[tilespmem:s1+$0x50] =	vst v19;
	v19 =	vmul.f32 v37, v26  }
0x272: {  	v22 =	vmov @p2 v36;
	[tilespmem:s1+$0x60] =	vst v18;
	v23 =	vpop @p2 (erf)  }
0x273: {  	v18 =	vpsel p2, v22, v0;
	v24 =	vmov @p2 v41;
	v22 =	vpsel p2, v23, v0;
	[tilespmem:s1+$0x70] =	vst v19  }
0x274: {  	s3 =	smov.u32 @p2 s11;
	v23 =	vmovc @p2 v42;
	v19 =	vpsel p2, v24, v0;
	v18 =	vmul.f32 @p2 v22, v18;
	(erf) = vpow2.f32 v20;
	v20 =	vmovc @p2 v40  }
0x275: {  	s3 =	smov.u32 @p2 s3;
	v23 =	vpsel p2, v23, v0;
	v19 =	vmul.f32 @p2 v22, v19;
	v20 =	vpsel p2, v20, v0  }
0x276: {  	[tilespmem:s3+$0xFFFFFF80] =	vst @p2 v18;
	v18 =	vmul.f32 @p2 v22, v20  }
0x277: {  	v25 =	vmov @p2 v46;
	v24 =	vmov @p2 v43;
	[tilespmem:s3+$0xFFFFFF90] =	vst @p2 v19;
	v19 =	vmul.f32 @p2 v22, v23  }
0x278: {  	v24 =	vpsel p2, v24, v0;
	v23 =	vmov @p2 v61;
	[tilespmem:s3+$0xFFFFFFA0] =	vst @p2 v18;
	v18 =	vpsel p2, v25, v0  }
0x279: {  	v24 =	vmul.f32 @p2 v22, v24;
	[tilespmem:s3+$0xFFFFFFB0] =	vst @p2 v19;
	v19 =	vpsel p2, v23, v0;
	v18 =	vmul.f32 @p2 v22, v18  }
0x27a: {  	v21 =	vpsel p2, v21, v0;
	[tilespmem:v35+s23+$0x0] =	vst.idx.msk $0x1, v37;
	v19 =	vmul.f32 @p2 v22, v19;
	v20 =	vmov @p2 v45  }
0x27b: {  	[tilespmem:s3+$0xFFFFFFC0] =	vst @p2 v24;
	v20 =	vpsel p2, v20, v0  }
0x27c: {  	[tilespmem:s3+$0xFFFFFFF0] =	vst @p2 v19;
	v20 =	vmul.f32 @p2 v22, v20  }
0x27d: {  	[tilespmem:s3+$0xFFFFFFE0] =	vst @p2 v18;
	v18 =	vpop (erf)  }
0x27e: {  	[tilespmem:s3+$0xFFFFFFD0] =	vst @p2 v20;
	v10 =	vmul.f32 v18, v10  }
0x27f: {  	[tilespmem:v21+s23+$0x0] =	vst.idx.msk @p2 $0x1, v22;
	v11 =	vmul.f32 v18, v11  }
0x280: {  	v19 =	vmov s24;
	[tilespmem:s1+$0xFFFFFF80] =	vst v10;
	v10 =	vmul.f32 v18, v12  }
0x281: {  	v12 =	vand.u32 $0xFFFFFFFE, v19;
	[tilespmem:s1+$0xFFFFFF90] =	vst v11;
	v11 =	vmul.f32 v18, v13  }
0x282: {  	v13 =	vmul.f32 v18, v14;
	v12 =	vbroadcast v12, $0x0;
	[tilespmem:s1+$0xFFFFFFA0] =	vst v10  }
0x283: {  	v10 =	vmul.f32 v18, v15;
	[tilespmem:s1+$0xFFFFFFB0] =	vst v11  }
0x284: {  	v11 =	vmul.f32 v18, v16;
	[tilespmem:s1+$0xFFFFFFC0] =	vst v13  }
0x285: {  	v13 =	vmul.f32 v18, v17;
	[tilespmem:s1+$0xFFFFFFD0] =	vst v10  }
0x286: {  	[tilespmem:s1+$0xFFFFFFE0] =	vst v11  }
0x287: {  	s20 =	sand.u32 $0x3FFFFF00, s9;
	[tilespmem:s1+$0xFFFFFFF0] =	vst v13  }
0x288: {  	s1 =	sadd.s32 $0x1000, s20;
	[tilespmem:v12+s23+$0x0] =	vst.idx.msk $0x1, v18  }
0x289: {  	[spmem:s14] =	stream.indirect.scatter.add.f32 [tilespmem:s22], [sflag:$0x3], $0x80, s1, s25, $0xb8;
	[tilespmem:$0x1E500] =	vst v63  }
0x28a: {  	_ = 	snop  }
0x28b: {  	[spmem:s16] =	stream.indirect.scatter.add.f32 [tilespmem:s23], [sflag:$0x3], $0x1, s1, s25, $0xb8;
	[tilespmem:$0x1E500] =	vst v63  }
0x28c: {  	_ =	swait.ge [sflag:s0], $0x2000  }
0x28d: {  	[sflag:s0] =	ssyncset.done $0x0  }
0x28e: {  	[sflag:s0] =	ssyncadd.s32 $0xFFFFE000  }
0x28f: {  	_ =	swait.ge [sflag:s0], $0x2000  }
0x290: {  	[sflag:s0] =	ssyncset.done $0x0  }
0x291: {  	[sflag:s0] =	ssyncadd.s32 $0xFFFFE000  }
0x292: {  	_ =	swait.ge [sflag:s0], $0x40  }
0x293: {  	[sflag:s0] =	ssyncset.done $0x0  }
0x294: {  	s21 =	simm.s32 $0x8080;
	[sflag:s0] =	ssyncadd.s32 $0xFFFFFFC0  }
0x295: {  	s1 =	simm.s32 $0x4080;
	v24 =	vld [tilespmem:s21+$0x0]  }
0x296: {  	v10 =	vld [tilespmem:s1+$0x0]  }
0x297: {  	v22 =	vld [tilespmem:s21+$0x10]  }
0x298: {  	v11 =	vld [tilespmem:s1+$0x10]  }
0x299: {  	v20 =	vld [tilespmem:s21+$0x20]  }
0x29a: {  	v12 =	vld [tilespmem:s1+$0x20]  }
0x29b: {  	v19 =	vld [tilespmem:s21+$0x30]  }
0x29c: {  	v13 =	vld [tilespmem:s1+$0x30];
	v10 =	vadd.f32 v10, v24  }
0x29d: {  	v18 =	vld [tilespmem:s21+$0x40]  }
0x29e: {  	v15 =	vld [tilespmem:s1+$0x40];
	v11 =	vadd.f32 v11, v22;
	v14 =	vmul.f32 $2.000000030e-01, v10  }
0x29f: {  	v23 =	vld [tilespmem:s21+$0x50];
	vm0 =	vge.f32 v10, $0.0e+00  }
0x2a0: {  	v16 =	vld [tilespmem:s1+$0x50];
	v12 =	vadd.f32 v12, v20;
	v10 =	vsel vm0, v10, v14;
	v14 =	vmul.f32 $2.000000030e-01, v11  }
0x2a1: {  	v25 =	vld [tilespmem:s21+$0x60];
	vm13 =	vge.f32 v11, $0.0e+00;
	v10 =	vmul.f32 v10, v1  }
0x2a2: {  	v17 =	vld [tilespmem:s1+$0x60];
	v13 =	vadd.f32 v13, v19;
	v11 =	vsel vm13, v11, v14;
	v14 =	vmul.f32 $2.000000030e-01, v12  }
0x2a3: {  	v26 =	vld [tilespmem:s21+$0x70];
	vm14 =	vge.f32 v12, $0.0e+00;
	v10 =	vadd.f32 $0.0e+00, v10;
	v11 =	vmul.f32 v11, v2  }
0x2a4: {  	v21 =	vld [tilespmem:s1+$0x70];
	v15 =	vadd.f32 v15, v18;
	v12 =	vsel vm14, v12, v14;
	v14 =	vmul.f32 $2.000000030e-01, v13  }
0x2a5: {  	v27 =	vld [tilespmem:s1+$0xFFFFFF80];
	vm15 =	vge.f32 v13, $0.0e+00;
	v11 =	vadd.f32 v11, v10;
	v12 =	vmul.f32 v12, v3  }
0x2a6: {  	v16 =	vadd.f32 v16, v23;
	v10 =	vld [tilespmem:s21+$0xFFFFFF80];
	v13 =	vsel vm15, v13, v14;
	v14 =	vmul.f32 $2.000000030e-01, v15  }
0x2a7: {  	v46 =	vld [tilespmem:s1+$0xFFFFFF90];
	vm4 =	vge.f32 v15, $0.0e+00;
	v12 =	vadd.f32 v12, v11;
	v13 =	vmul.f32 v13, v4  }
0x2a8: {  	v17 =	vadd.f32 v17, v25;
	v11 =	vld [tilespmem:s21+$0xFFFFFF90];
	v14 =	vsel vm4, v15, v14;
	v15 =	vmul.f32 $2.000000030e-01, v16  }
0x2a9: {  	v21 =	vadd.f32 v21, v26;
	vm5 =	vge.f32 v16, $0.0e+00;
	v13 =	vadd.f32 v13, v12  }
0x2aa: {  	v47 =	vld [tilespmem:s1+$0xFFFFFFA0];
	v14 =	vmul.f32 v14, v5;
	v15 =	vsel vm5, v16, v15;
	v16 =	vmul.f32 $2.000000030e-01, v17  }
0x2ab: {  	vm6 =	vge.f32 v17, $0.0e+00;
	vm7 =	vge.f32 v21, $0.0e+00;
	v12 =	vld [tilespmem:s21+$0xFFFFFFA0];
	v27 =	vadd.f32 v27, v10  }
0x2ac: {  	v48 =	vld [tilespmem:s1+$0xFFFFFFB0];
	v14 =	vadd.f32 v14, v13;
	v15 =	vmul.f32 v15, v6;
	v16 =	vsel vm6, v17, v16  }
0x2ad: {  	v13 =	vld [tilespmem:s21+$0xFFFFFFB0];
	v17 =	vmul.f32 $2.000000030e-01, v21;
	v31 =	vmul.f32 $2.000000030e-01, v27;
	v28 =	vadd.f32 v46, v11  }
0x2ae: {  	vm8 =	vge.f32 v27, $0.0e+00;
	v15 =	vadd.f32 v15, v14;
	v16 =	vmul.f32 v16, v7;
	v14 =	vld [tilespmem:s21+$0xFFFFFFC0]  }
0x2af: {  	v17 =	vsel vm7, v21, v17;
	v21 =	vld [tilespmem:s1+$0xFFFFFFC0];
	v27 =	vsel vm8, v27, v31;
	v49 =	vmul.f32 $2.000000030e-01, v28  }
0x2b0: {  	v29 =	vadd.f32 v47, v12;
	vm9 =	vge.f32 v28, $0.0e+00;
	v16 =	vadd.f32 v16, v15  }
0x2b1: {  	v17 =	vmul.f32 v17, v8;
	v27 =	vmul.f32 v27, v1;
	v28 =	vsel vm9, v28, v49  }
0x2b2: {  	v32 =	vld [tilespmem:s1+$0xFFFFFFD0];
	v50 =	vmul.f32 $2.000000030e-01, v29;
	v30 =	vadd.f32 v48, v13;
	vm10 =	vge.f32 v29, $0.0e+00  }
0x2b3: {  	v15 =	vld [tilespmem:s21+$0xFFFFFFD0];
	v17 =	vadd.f32 v17, v16;
	v27 =	vadd.f32 $0.0e+00, v27;
	v28 =	vmul.f32 v28, v2  }
0x2b4: {  	v33 =	vld [tilespmem:s1+$0xFFFFFFE0];
	v29 =	vsel vm10, v29, v50;
	v51 =	vmul.f32 $2.000000030e-01, v30;
	v21 =	vadd.f32 v21, v14  }
0x2b5: {  	v34 =	vld [tilespmem:s1+$0xFFFFFFF0];
	vm11 =	vge.f32 v30, $0.0e+00;
	(xrf2) =	vadd.scan.msk.f32 $0xffff, v17;
	v27 =	vadd.f32 v28, v27;
	v52 =	vmul.f32 v29, v3  }
0x2b6: {  	s24 =	simm.s32 $0x0;
	v16 =	vld [tilespmem:s21+$0xFFFFFFE0];
	v53 =	vsel vm11, v30, v51;
	v54 =	vmul.f32 $2.000000030e-01, v21  }
0x2b7: {  	s3 =	sand.u32 $0xC0, s24;
	v17 =	vld [tilespmem:s21+$0xFFFFFFF0];
	v27 =	vadd.f32 v52, v27;
	v56 =	vmul.f32 v53, v4;
	vm12 =	vge.f32 v21, $0.0e+00  }
0x2b8: {  	s3 =	sshrl.u32 s3, $0x2;
	v55 =	vadd.f32 v32, v15;
	v21 =	vsel vm12, v21, v54  }
0x2b9: {  	v43 =	vld [tilespmem:s3+$0xA080];
	v27 =	vadd.f32 v56, v27;
	v21 =	vmul.f32 v21, v5  }
0x2ba: {  	v57 =	vmul.f32 $2.000000030e-01, v55  }
0x2bb: {  	v58 =	vadd.f32 v33, v16;
	vm13 =	vge.f32 v55, $0.0e+00;
	v21 =	vadd.f32 v21, v27  }
.Ltmp8:
0x2bc: {  	v59 =	vsel vm13, v55, v57;
	v61 =	vadd.f32 v34, v17;
	(pc) =	sbr.rel @!p1 .LBB2_12-.Ltmp8, $4  }
0x2bd: {  	v60 =	vmul.f32 $2.000000030e-01, v58;
	v27 =	vmul.f32 v59, v6  }
0x2be: {  	v52 =	vperm.xlane v43, v9;
	vm14 =	vge.f32 v58, $0.0e+00;
	v63 =	vmul.f32 $2.000000030e-01, v61  }
0x2bf: {  	v62 =	vsel vm14, v58, v60;
	vm15 =	vge.f32 v61, $0.0e+00;
	v48 =	vadd.f32 v27, v21;
	v21, _, _ =	vpop (xrf2)  }
0x2c0: {  	s3 =	simm.s32 $0x8180;
	v49 =	vmul.f32 v62, v7;
	v50 =	vsel vm15, v61, v63;
	v51 =	vperm.xlane v21, v0  }
0x2c1: {  	v53 =	vld [tilespmem:s3+$0x40]  }
0x2c2: {  	v54 =	vld [tilespmem:s3+$0x30]  }
0x2c3: {  	v55 =	vld [tilespmem:s3+$0x20]  }
0x2c4: {  	v56 =	vld [tilespmem:s3+$0x10]  }
0x2c5: {  	v57 =	vld [tilespmem:s3+$0x0]  }
0x2c6: {  	v45 =	vld [tilespmem:s3+$0x50]  }
0x2c7: {  	v46 =	vld [tilespmem:s3+$0x60]  }
0x2c8: {  	s11 =	simm.s32 $0x4180;
	v47 =	vld [tilespmem:s3+$0x70]  }
0x2c9: {  	v21 =	vld [tilespmem:s11+$0x40];
	v27 =	vsub.f32 v51, v52  }
0x2ca: {  	v28 =	vld [tilespmem:s11+$0x30]  }
0x2cb: {  	v29 =	vld [tilespmem:s11+$0x20];
	v27 =	vmul.f32 $1.442695020e+00, v27  }
0x2cc: {  	v30 =	vld [tilespmem:s11+$0x10]  }
0x2cd: {  	(erf) = vpow2.f32 v27;
	v27 =	vld [tilespmem:s11+$0x0]  }
0x2ce: {  	v34 =	vld [tilespmem:s11+$0x50]  }
0x2cf: {  	v32 =	vmul.f32 v50, v8;
	v33 =	vmov s26;
	v31 =	vadd.f32 v49, v48;
	v37 =	vld [tilespmem:s11+$0x60]  }
0x2d0: {  	v36 =	vperm.xlane v43, v33;
	v38 =	vld [tilespmem:s11+$0x70]  }
0x2d1: {  	v63 =	vadd.f32 v32, v31;
	v31 =	vmov s12;
	v43 =	vadd.f32 v21, v53  }
0x2d2: {  	v21 =	vand.u32 $0xFFFFFFFE, v31;
	v31 =	vadd.f32 v28, v54;
	v27 =	vadd.f32 v27, v57  }
0x2d3: {  	v28 =	vadd.f32 v30, v56;
	v29 =	vadd.f32 v29, v55  }
0x2d4: {  	v34 =	vadd.f32 v34, v45;
	v37 =	vadd.f32 v37, v46;
	v30 =	vmul.f32 $2.000000030e-01, v27  }
0x2d5: {  	v38 =	vadd.f32 v38, v47;
	vm0 =	vge.f32 v31, $0.0e+00;
	vm1 =	vge.f32 v27, $0.0e+00  }
0x2d6: {  	vm2 =	vge.f32 v29, $0.0e+00;
	v27 =	vsel vm1, v27, v30;
	v30 =	vmul.f32 $2.000000030e-01, v28  }
0x2d7: {  	vm15 =	vge.f32 v28, $0.0e+00;
	vm4 =	vge.f32 v43, $0.0e+00;
	v27 =	vmul.f32 v27, v1  }
0x2d8: {  	v48 =	vmul.f32 $2.000000030e-01, v34;
	v28 =	vsel vm15, v28, v30;
	v30 =	vmul.f32 $2.000000030e-01, v29  }
0x2d9: {  	vm5 =	vge.f32 v34, $0.0e+00;
	v27 =	vadd.f32 $0.0e+00, v27;
	v28 =	vmul.f32 v28, v2  }
0x2da: {  	v39 =	vld [tilespmem:s11+$0xFFFFFF80];
	v49 =	vmul.f32 $2.000000030e-01, v37;
	vm6 =	vge.f32 v37, $0.0e+00;
	v29 =	vsel vm2, v29, v30  }
0x2db: {  	v40 =	vld [tilespmem:s11+$0xFFFFFF90];
	v30 =	vmul.f32 $2.000000030e-01, v31;
	v27 =	vadd.f32 v28, v27;
	v29 =	vmul.f32 v29, v3  }
0x2dc: {  	v50 =	vmul.f32 $2.000000030e-01, v38;
	vm7 =	vge.f32 v38, $0.0e+00;
	v32 =	vsel vm5, v34, v48;
	v28 =	vld [tilespmem:s3+$0xFFFFFF80]  }
0x2dd: {  	v30 =	vsel vm0, v31, v30;
	v31 =	vmul.f32 $2.000000030e-01, v43;
	v29 =	vadd.f32 v29, v27;
	v27 =	vld [tilespmem:s3+$0xFFFFFF90]  }
0x2de: {  	v34 =	vsel vm6, v37, v49;
	v37 =	vsel vm7, v38, v50;
	v30 =	vmul.f32 v30, v4  }
0x2df: {  	v41 =	vld [tilespmem:s11+$0xFFFFFFA0];
	v32 =	vmul.f32 v32, v6;
	v34 =	vmul.f32 v34, v7;
	v31 =	vsel vm4, v43, v31  }
0x2e0: {  	v37 =	vmul.f32 v37, v8;
	v35 =	vpop (erf);
	v30 =	vadd.f32 v30, v29;
	v31 =	vmul.f32 v31, v5;
	v29 =	vld [tilespmem:s3+$0xFFFFFFA0]  }
0x2e1: {  	v42 =	vld [tilespmem:s11+$0xFFFFFFB0];
	v24 =	vmul.f32 v35, v24;
	v22 =	vmul.f32 v35, v22;
	v39 =	vadd.f32 v39, v28  }
0x2e2: {  	v20 =	vmul.f32 v35, v20;
	v31 =	vadd.f32 v31, v30;
	v30 =	vld [tilespmem:s3+$0xFFFFFFB0];
	v40 =	vadd.f32 v40, v27  }
0x2e3: {  	v52 =	vld [tilespmem:s11+$0xFFFFFFC0];
	v19 =	vmul.f32 v35, v19;
	v51 =	vmul.f32 $2.000000030e-01, v39  }
0x2e4: {  	vm8 =	vge.f32 v39, $0.0e+00;
	v32 =	vadd.f32 v32, v31;
	v31 =	vld [tilespmem:s3+$0xFFFFFFC0];
	v58 =	vmul.f32 $2.000000030e-01, v40  }
0x2e5: {  	v39 =	vsel vm8, v39, v51;
	v41 =	vadd.f32 v41, v29;
	vm9 =	vge.f32 v40, $0.0e+00  }
0x2e6: {  	v34 =	vadd.f32 v34, v32;
	v39 =	vmul.f32 v39, v1;
	v40 =	vsel vm9, v40, v58  }
0x2e7: {  	v59 =	vld [tilespmem:s11+$0xFFFFFFD0];
	(xrf2) =	vadd.scan.msk.f32 $0xffff, v63;
	v60 =	vmul.f32 $2.000000030e-01, v41;
	v42 =	vadd.f32 v42, v30;
	vm10 =	vge.f32 v41, $0.0e+00  }
0x2e8: {  	[tilespmem:s1+$0x0] =	vst v24;
	v32 =	vld [tilespmem:s3+$0xFFFFFFD0];
	v34 =	vadd.f32 v37, v34;
	v39 =	vadd.f32 $0.0e+00, v39;
	v40 =	vmul.f32 v40, v2  }
0x2e9: {  	v33 =	vld [tilespmem:s3+$0xFFFFFFE0];
	[tilespmem:s1+$0x10] =	vst v22;
	v24 =	vsel vm10, v41, v60;
	v61 =	vmul.f32 $2.000000030e-01, v42;
	v38 =	vadd.f32 v52, v31  }
0x2ea: {  	v44 =	vld [tilespmem:s11+$0xFFFFFFE0];
	vm11 =	vge.f32 v42, $0.0e+00;
	(xrf2) =	vadd.scan.msk.f32 $0xffff, v34;
	v22 =	vadd.f32 v40, v39;
	v24 =	vmul.f32 v24, v3  }
0x2eb: {  	v62 =	vld [tilespmem:s11+$0xFFFFFFF0];
	v18 =	vmul.f32 v35, v18;
	[tilespmem:s1+$0x20] =	vst v20;
	v20 =	vsel vm11, v42, v61;
	v63 =	vmul.f32 $2.000000030e-01, v38  }
0x2ec: {  	[tilespmem:s1+$0x30] =	vst v19;
	v34 =	vld [tilespmem:s3+$0xFFFFFFF0];
	vm12 =	vge.f32 v38, $0.0e+00;
	v19 =	vadd.f32 v24, v22;
	v20 =	vmul.f32 v20, v4  }
0x2ed: {  	s24 =	simm.s32 $0x8;
	[tilespmem:s1+$0x40] =	vst v18;
	v37 =	vadd.f32 v59, v32;
	v18 =	vsel vm12, v38, v63  }
0x2ee: {  	v23 =	vmul.f32 v35, v23;
	s3 =	sand.u32 $0xC0, s24;
	v19 =	vadd.f32 v20, v19;
	v18 =	vmul.f32 v18, v5  }
0x2ef: {  	v25 =	vmul.f32 v35, v25;
	s3 =	sshrl.u32 s3, $0x2;
	v24 =	vadd.f32 v44, v33;
	v22 =	vmul.f32 $2.000000030e-01, v37  }
0x2f0: {  	p2 =	por $0x1, $0x1;
	v26 =	vmul.f32 v35, v26;
	[tilespmem:s1+$0x50] =	vst v23;
	v43 =	vld [tilespmem:s3+$0xA080];
	vm13 =	vge.f32 v37, $0.0e+00;
	v18 =	vadd.f32 v18, v19  }
.Ltmp9:
0x2f1: {  	[tilespmem:s1+$0x60] =	vst v25;
	v20 =	vsel vm13, v37, v22;
	v22 =	vmul.f32 $2.000000030e-01, v24;
	v23 =	vadd.f32 v62, v34;
	(pc) =	sbr.rel @!p2 .LBB2_14-.Ltmp9, $4  }
0x2f2: {  	v21 =	vbroadcast v21, $0x0;
	[tilespmem:s1+$0x70] =	vst v26;
	vm14 =	vge.f32 v24, $0.0e+00;
	v19 =	vmul.f32 v20, v6  }
0x2f3: {  	s26 =	simm.s32 $0x3;
	[tilespmem:v9+s10+$0x0] =	vst.idx.msk $0x1, v35;
	v38, _, _ =	vpop (xrf2);
	v9 =	vsel vm14, v24, v22;
	vm15 =	vge.f32 v23, $0.0e+00;
	v20 =	vmul.f32 $2.000000030e-01, v23  }
0x2f4: {  	s12 =	simm.s32 $0x2;
	v48 =	vadd.f32 v19, v18;
	v49 =	vmul.f32 v9, v7;
	v9 =	vmov s26;
	v18, _, _ =	vpop (xrf2)  }
0x2f5: {  	p1 =	por $0x1, $0x1;
	s3 =	simm.s32 $0x8280;
	s26 =	sand.u32 $0xE, s12;
	v50 =	vsel vm15, v23, v20;
	v52 =	vperm.xlane v43, v9;
	v51 =	vperm.xlane v18, v0  }
0x2f6: {  	v18 =	vld [tilespmem:s3+$0x40]  }
0x2f7: {  	v19 =	vld [tilespmem:s3+$0x30]  }
0x2f8: {  	s20 =	simm.s32 $0x4280;
	v24 =	vld [tilespmem:s3+$0x0]  }
0x2f9: {  	v23 =	vld [tilespmem:s20+$0x40]  }
0x2fa: {  	v20 =	vsub.f32 v51, v52;
	v25 =	vld [tilespmem:s20+$0x30]  }
0x2fb: {  	v26 =	vld [tilespmem:s20+$0x20]  }
0x2fc: {  	v35 =	vperm.xlane v38, v0;
	v37 =	vld [tilespmem:s20+$0x0];
	v22 =	vmul.f32 $1.442695020e+00, v20  }
0x2fd: {  	v39 =	vadd.f32 v49, v48;
	v40 =	vmul.f32 v50, v8;
	v58 =	vmov s26;
	v20 =	vld [tilespmem:s3+$0x20]  }
0x2fe: {  	v41 =	vmov s12;
	v52 =	vld [tilespmem:s20+$0x10];
	v35 =	vsub.f32 v35, v36;
	(erf) = vpow2.f32 v22  }
0x2ff: {  	v59 =	vand.u32 $0xFFFFFFFE, v41;
	v36 =	vperm.xlane v43, v58;
	v22 =	vld [tilespmem:s3+$0x10]  }
0x300: {  	v43 =	vadd.f32 v40, v39;
	v35 =	vmul.f32 $1.442695020e+00, v35;
	v41 =	vadd.f32 v23, v18  }
0x301: {  	v23 =	vadd.f32 v37, v24;
	v37 =	vadd.f32 v25, v19  }
0x302: {  	(erf) = vpow2.f32 v35;
	v35 =	vbroadcast v59, $0x0;
	v26 =	vadd.f32 v26, v20  }
0x303: {  	v60 =	vmul.f32 $2.000000030e-01, v23;
	vm0 =	vge.f32 v37, $0.0e+00;
	v63 =	vmul.f32 $2.000000030e-01, v37  }
0x304: {  	v42 =	vld [tilespmem:s20+$0x50];
	vm1 =	vge.f32 v23, $0.0e+00;
	v25 =	vadd.f32 v52, v22;
	v62 =	vmul.f32 $2.000000030e-01, v26  }
0x305: {  	vm2 =	vge.f32 v26, $0.0e+00;
	v38 =	vsel vm1, v23, v60;
	v23 =	vld [tilespmem:s3+$0x50];
	v37 =	vsel vm0, v37, v63  }
0x306: {  	v44 =	vld [tilespmem:s20+$0x60];
	v38 =	vmul.f32 v38, v1;
	v61 =	vmul.f32 $2.000000030e-01, v25;
	v40 =	vsel vm2, v26, v62  }
0x307: {  	v37 =	vmul.f32 v37, v4;
	vm15 =	vge.f32 v25, $0.0e+00;
	v26 =	vld [tilespmem:s3+$0x70];
	v60 =	vmul.f32 v40, v3;
	v48 =	vpop (erf)  }
0x308: {  	v40 =	vld [tilespmem:s3+$0xFFFFFF80];
	v39 =	vsel vm15, v25, v61;
	v61 =	vmul.f32 $2.000000030e-01, v41;
	v49 =	vmul.f32 v48, v57  }
0x309: {  	v38 =	vadd.f32 $0.0e+00, v38;
	v25 =	vld [tilespmem:s3+$0x60];
	v50 =	vmul.f32 v48, v56;
	v39 =	vmul.f32 v39, v2  }
0x30a: {  	v51 =	vmul.f32 v48, v55;
	v55 =	vmul.f32 v48, v46;
	v46 =	vld [tilespmem:s20+$0x70];
	v42 =	vadd.f32 v42, v23  }
0x30b: {  	v52 =	vmul.f32 v48, v54;
	v56 =	vmul.f32 v48, v47;
	v47 =	vld [tilespmem:s20+$0xFFFFFF80];
	v38 =	vadd.f32 v39, v38  }
0x30c: {  	vm4 =	vge.f32 v41, $0.0e+00;
	v54 =	vmul.f32 v48, v45;
	v57 =	vld [tilespmem:s20+$0xFFFFFF90];
	v62 =	vmul.f32 $2.000000030e-01, v42  }
0x30d: {  	v41 =	vsel vm4, v41, v61;
	v39 =	vld [tilespmem:s3+$0xFFFFFF90];
	vm5 =	vge.f32 v42, $0.0e+00;
	v38 =	vadd.f32 v60, v38  }
0x30e: {  	v63 =	vmul.f32 v41, v5;
	v44 =	vadd.f32 v44, v25;
	v42 =	vsel vm5, v42, v62  }
0x30f: {  	v58 =	vld [tilespmem:s20+$0xFFFFFFA0];
	v46 =	vadd.f32 v46, v26;
	v61 =	vmul.f32 v42, v6;
	v37 =	vadd.f32 v37, v38  }
0x310: {  	v59 =	vld [tilespmem:s20+$0xFFFFFFB0];
	v47 =	vadd.f32 v47, v40;
	v60 =	vmul.f32 $2.000000030e-01, v44;
	vm6 =	vge.f32 v44, $0.0e+00  }
0x311: {  	v41 =	vld [tilespmem:s3+$0xFFFFFFA0];
	v45 =	vmul.f32 $2.000000030e-01, v46;
	vm7 =	vge.f32 v46, $0.0e+00;
	v37 =	vadd.f32 v63, v37  }
0x312: {  	v42 =	vld [tilespmem:s3+$0xFFFFFFB0];
	v57 =	vadd.f32 v57, v39;
	v44 =	vsel vm6, v44, v60;
	v60 =	vmul.f32 $2.000000030e-01, v47  }
0x313: {  	v38 =	vmul.f32 v44, v7;
	v44 =	vld [tilespmem:s3+$0xFFFFFFC0];
	v45 =	vsel vm7, v46, v45;
	v37 =	vadd.f32 v61, v37  }
0x314: {  	v53 =	vmul.f32 v48, v53;
	vm8 =	vge.f32 v47, $0.0e+00;
	v61 =	vld [tilespmem:s20+$0xFFFFFFC0];
	v62 =	vmul.f32 v45, v8  }
0x315: {  	v45 =	vld [tilespmem:s3+$0xFFFFFFD0];
	v63 =	vsel vm8, v47, v60;
	v47 =	vmul.f32 $2.000000030e-01, v57;
	v37 =	vadd.f32 v38, v37  }
0x316: {  	v58 =	vadd.f32 v58, v41;
	vm9 =	vge.f32 v57, $0.0e+00;
	v60 =	vmul.f32 v63, v1;
	v38 =	vld [tilespmem:s20+$0xFFFFFFD0]  }
0x317: {  	v59 =	vadd.f32 v59, v42;
	v47 =	vsel vm9, v57, v47;
	v37 =	vadd.f32 v62, v37  }
0x318: {  	(xrf2) =	vadd.scan.msk.f32 $0xffff, v43;
	v46 =	vld [tilespmem:s3+$0xFFFFFFE0];
	v57 =	vmul.f32 $2.000000030e-01, v58;
	v60 =	vadd.f32 $0.0e+00, v60;
	v43 =	vmul.f32 v47, v2  }
0x319: {  	vm10 =	vge.f32 v58, $0.0e+00;
	v63 =	vmul.f32 $2.000000030e-01, v59;
	vm11 =	vge.f32 v59, $0.0e+00;
	(xrf2) =	vadd.scan.msk.f32 $0xffff, v37;
	v37 =	vld [tilespmem:s20+$0xFFFFFFE0]  }
0x31a: {  	[tilespmem:s11+$0x10] =	vst v50;
	v50 =	vld [tilespmem:s20+$0xFFFFFFF0];
	v62 =	vsel vm10, v58, v57;
	v58 =	vadd.f32 v61, v44;
	v43 =	vadd.f32 v43, v60  }
0x31b: {  	[tilespmem:s11+$0x0] =	vst v49;
	v47 =	vld [tilespmem:s3+$0xFFFFFFF0];
	v49 =	vmul.f32 v62, v3;
	v61 =	vsel vm11, v59, v63;
	v38 =	vadd.f32 v38, v45  }
0x31c: {  	s15 =	simm.s32 $0x10;
	[tilespmem:s11+$0x20] =	vst v51;
	v63 =	vmul.f32 v61, v4;
	v62 =	vmul.f32 $2.000000030e-01, v58  }
0x31d: {  	s26 =	sand.u32 $0xC0, s15;
	[tilespmem:s11+$0x30] =	vst v52;
	v43 =	vadd.f32 v49, v43;
	vm12 =	vge.f32 v58, $0.0e+00;
	v59 =	vmul.f32 $2.000000030e-01, v38  }
0x31e: {  	[tilespmem:s11+$0x40] =	vst v53;
	s3 =	sshrl.u32 s26, $0x2;
	v58 =	vsel vm12, v58, v62;
	vm13 =	vge.f32 v38, $0.0e+00;
	v37 =	vadd.f32 v37, v46  }
0x31f: {  	p2 =	por $0x1, $0x1;
	[tilespmem:s11+$0x50] =	vst v54;
	v49 =	vadd.f32 v63, v43;
	v43 =	vld [tilespmem:s3+$0xA080];
	v51 =	vmul.f32 v58, v5;
	v38 =	vsel vm13, v38, v59  }
.Ltmp10:
0x320: {  	[tilespmem:s11+$0x60] =	vst v55;
	v50 =	vadd.f32 v50, v47;
	v60 =	vmul.f32 $2.000000030e-01, v37;
	(pc) =	sbr.rel @!p2 .LBB2_16-.Ltmp10, $4  }
0x321: {  	[tilespmem:s11+$0x70] =	vst v56;
	v49 =	vadd.f32 v51, v49;
	v61 =	vmul.f32 v38, v6;
	vm14 =	vge.f32 v37, $0.0e+00  }
0x322: {  	[tilespmem:v9+s10+$0x0] =	vst.idx.msk $0x1, v48;
	s3 =	simm.s32 $0x5;
	vm15 =	vge.f32 v50, $0.0e+00;
	v62 =	vmul.f32 $2.000000030e-01, v50;
	v38, _, _ =	vpop (xrf2);
	v9 =	vsel vm14, v37, v60  }
0x323: {  	s12 =	simm.s32 $0x4;
	s21 =	simm.s32 $0x8380;
	v48 =	vadd.f32 v61, v49;
	v49 =	vmul.f32 v9, v7;
	v9 =	vmov s3;
	v63, _, _ =	vpop (xrf2)  }
0x324: {  	p0 =	por $0x1, $0x1;
	s5 =	simm.s32 $0x4280;
	s26 =	sand.u32 $0xE, s12;
	v50 =	vsel vm15, v50, v62;
	v37 =	vpop (erf);
	v51 =	vperm.xlane v63, v0;
	v52 =	vperm.xlane v43, v9  }
.LBB2_17:
0x325: {  	v53 =	vld [tilespmem:s21+$0x40];
	v48 =	vadd.f32 v49, v48;
	v49 =	vmul.f32 v50, v8;
	v50 =	vmov s26;
	s5 =	sadd.s32 $0x100, s5  }
0x326: {  	v38 =	vperm.xlane v38, v0;
	v54 =	vld [tilespmem:s5+$0x40];
	v43 =	vperm.xlane v43, v50;
	v50 =	vsub.f32 v51, v52  }
0x327: {  	v52 =	vmul.f32 v37, v10;
	v10 =	vmovc v28;
	v28 =	vmovc v40;
	v51 =	vld [tilespmem:s21+$0x30];
	v48 =	vadd.f32 v49, v48;
	v49 =	vmov s12  }
0x328: {  	v38 =	vsub.f32 v38, v36;
	v55 =	vld [tilespmem:s5+$0x30];
	v40 =	vand.u32 $0xFFFFFFFE, v49;
	v49 =	vmul.f32 $1.442695020e+00, v50;
	v36 =	vmovc v43  }
0x329: {  	v50 =	vmul.f32 v37, v11;
	v11 =	vmovc v27;
	v27 =	vmov v39;
	v43 =	vld [tilespmem:s21+$0x20];
	[tilespmem:s1+$0xFFFFFF80] =	vst v52;
	v52 =	vmul.f32 v37, v12  }
0x32a: {  	v38 =	vmul.f32 $1.442695020e+00, v38;
	v12 =	vmovc v29;
	v29 =	vmov v41;
	v56 =	vld [tilespmem:s5+$0x20];
	(xrf2) =	vadd.scan.msk.f32 $0xffff, v48;
	(erf) = vpow2.f32 v49  }
0x32b: {  	v39 =	vmul.f32 v37, v13;
	v13 =	vmovc v30;
	v30 =	vmov v42;
	v41 =	vmul.f32 v37, v14;
	v48 =	vld [tilespmem:s21+$0x10];
	[tilespmem:s1+$0xFFFFFF90] =	vst v50  }
0x32c: {  	v14 =	vmovc v31;
	v31 =	vmovc v44;
	v49 =	vld [tilespmem:s21+$0x0];
	(erf) = vpow2.f32 v38;
	[tilespmem:s1+$0xFFFFFFA0] =	vst v52;
	v38 =	vmul.f32 v37, v15;
	v15 =	vmov v32  }
0x32d: {  	v44 =	vmul.f32 v37, v17;
	v32 =	vmovc v45;
	v42 =	vld [tilespmem:s5+$0x0];
	[tilespmem:s1+$0xFFFFFFB0] =	vst v39;
	v39 =	vmul.f32 v37, v16;
	v16 =	vmov v33  }
0x32e: {  	v17 =	vmovc v34;
	v34 =	vmov v47;
	v50 =	vbroadcast v40, $0x0;
	v33 =	vmov v46;
	v45 =	vld [tilespmem:s5+$0x10];
	[tilespmem:s1+$0xFFFFFFC0] =	vst v41  }
0x32f: {  	v40 =	vld [tilespmem:s21+$0xFFFFFF80];
	[tilespmem:s1+$0xFFFFFFD0] =	vst v38  }
0x330: {  	v47 =	vld [tilespmem:s5+$0xFFFFFF80];
	[tilespmem:s1+$0xFFFFFFE0] =	vst v39  }
0x331: {  	v46 =	vadd.f32 v54, v53;
	v39 =	vld [tilespmem:s21+$0xFFFFFF90];
	[tilespmem:s1+$0xFFFFFFF0] =	vst v44;
	s1 =	smov.u32 s11;
	s11 =	smov.u32 s20;
	s20 =	smov.u32 s5  }
0x332: {  	v54 =	vadd.f32 v55, v51;
	v52 =	vld [tilespmem:s5+$0xFFFFFF90];
	v44 =	vadd.f32 v42, v49;
	[tilespmem:v21+s10+$0x0] =	vst.idx.msk $0x1, v37;
	v21 =	vmov v35  }
0x333: {  	v55 =	vadd.f32 v56, v43;
	v35 =	vmov v50;
	v41 =	vld [tilespmem:s21+$0xFFFFFFA0];
	v45 =	vadd.f32 v45, v48;
	v56 =	vpop (erf)  }
0x334: {  	vm0 =	vge.f32 v54, $0.0e+00;
	v50 =	vld [tilespmem:s5+$0xFFFFFFA0];
	v57 =	vmul.f32 $2.000000030e-01, v44;
	v24 =	vmul.f32 v56, v24;
	v38, _, _ =	vpop (xrf2)  }
0x335: {  	vm2 =	vge.f32 v55, $0.0e+00;
	vm1 =	vge.f32 v44, $0.0e+00;
	v22 =	vmul.f32 v56, v22;
	v42 =	vld [tilespmem:s21+$0xFFFFFFB0];
	v37 =	vpop (erf)  }
0x336: {  	v44 =	vsel vm1, v44, v57;
	v57 =	vmul.f32 $2.000000030e-01, v45;
	v58 =	vld [tilespmem:s21+$0x50];
	[tilespmem:s11+$0x0] =	vst v24;
	v24 =	vmul.f32 v56, v20;
	v20 =	vmovc v43  }
0x337: {  	v59 =	vmul.f32 v56, v19;
	v19 =	vmovc v51;
	vm1 =	vge.f32 v45, $0.0e+00;
	v43 =	vmul.f32 v44, v1;
	v44 =	vld [tilespmem:s5+$0x50];
	[tilespmem:s11+$0x10] =	vst v22  }
0x338: {  	v51 =	vmul.f32 $2.000000030e-01, v55;
	v60 =	vmul.f32 v56, v18;
	v18 =	vmovc v53;
	v45 =	vsel vm1, v45, v57;
	v57 =	vld [tilespmem:s21+$0x60];
	[tilespmem:s11+$0x20] =	vst v24  }
0x339: {  	v61 =	vmul.f32 v56, v23;
	v22 =	vmovc v48;
	v43 =	vadd.f32 $0.0e+00, v43;
	v45 =	vmul.f32 v45, v2;
	v53 =	vld [tilespmem:s5+$0x60];
	[tilespmem:s11+$0x30] =	vst v59  }
0x33a: {  	v48 =	vsel vm2, v55, v51;
	v51 =	vmul.f32 $2.000000030e-01, v54;
	v55 =	vld [tilespmem:s21+$0x70];
	[tilespmem:s11+$0x40] =	vst v60;
	v60 =	vmul.f32 v56, v25;
	v24 =	vmovc v49  }
0x33b: {  	v26 =	vmul.f32 v56, v26;
	v43 =	vadd.f32 v45, v43;
	v45 =	vmul.f32 v48, v3;
	v48 =	vld [tilespmem:s5+$0x70];
	[tilespmem:s11+$0x50] =	vst v61  }
0x33c: {  	v51 =	vsel vm0, v54, v51;
	v54 =	vmul.f32 $2.000000030e-01, v46;
	v23 =	vmovc v58;
	v49 =	vld [tilespmem:s5+$0xFFFFFFB0];
	v59 =	vadd.f32 v44, v58;
	[tilespmem:s11+$0x60] =	vst v60  }
0x33d: {  	vm0 =	vge.f32 v46, $0.0e+00;
	v51 =	vmul.f32 v51, v4;
	v44 =	vld [tilespmem:s21+$0xFFFFFFC0];
	v43 =	vadd.f32 v45, v43;
	[tilespmem:s11+$0x70] =	vst v26;
	v25 =	vmovc v57  }
0x33e: {  	v54 =	vsel vm0, v46, v54;
	v57 =	vld [tilespmem:s5+$0xFFFFFFC0];
	v46 =	vmul.f32 $2.000000030e-01, v59;
	v53 =	vadd.f32 v53, v25;
	[tilespmem:v9+s10+$0x0] =	vst.idx.msk $0x1, v56  }
0x33f: {  	vm0 =	vge.f32 v59, $0.0e+00;
	v45 =	vld [tilespmem:s21+$0xFFFFFFD0];
	v9 =	vadd.f32 v51, v43;
	v43 =	vmul.f32 v54, v5;
	v26 =	vmovc v55  }
0x340: {  	v51 =	vld [tilespmem:s5+$0xFFFFFFD0];
	v54 =	vsel vm0, v59, v46;
	v55 =	vmul.f32 $2.000000030e-01, v53;
	v48 =	vadd.f32 v48, v26  }
0x341: {  	vm0 =	vge.f32 v53, $0.0e+00;
	v46 =	vld [tilespmem:s21+$0xFFFFFFE0];
	v9 =	vadd.f32 v43, v9;
	v43 =	vmul.f32 v54, v6  }
0x342: {  	v54 =	vadd.f32 v47, v40;
	v56 =	vld [tilespmem:s5+$0xFFFFFFE0];
	v53 =	vsel vm0, v53, v55;
	v55 =	vmul.f32 $2.000000030e-01, v48  }
0x343: {  	vm0 =	vge.f32 v48, $0.0e+00;
	v47 =	vld [tilespmem:s21+$0xFFFFFFF0];
	v9 =	vadd.f32 v43, v9;
	v43 =	vmul.f32 v53, v7  }
0x344: {  	v52 =	vadd.f32 v52, v39;
	v53 =	vmul.f32 $2.000000030e-01, v54;
	v58 =	vld [tilespmem:s5+$0xFFFFFFF0];
	v48 =	vsel vm0, v48, v55  }
0x345: {  	vm0 =	vge.f32 v54, $0.0e+00;
	v9 =	vadd.f32 v43, v9;
	v43 =	vmul.f32 v48, v8  }
0x346: {  	v50 =	vadd.f32 v50, v41;
	v48 =	vsel vm0, v54, v53;
	v53 =	vmul.f32 $2.000000030e-01, v52  }
0x347: {  	vm0 =	vge.f32 v52, $0.0e+00;
	v48 =	vmul.f32 v48, v1;
	v9 =	vadd.f32 v43, v9  }
0x348: {  	v49 =	vadd.f32 v49, v42;
	v43 =	vsel vm0, v52, v53;
	v52 =	vmul.f32 $2.000000030e-01, v50  }
0x349: {  	vm0 =	vge.f32 v50, $0.0e+00;
	v48 =	vadd.f32 $0.0e+00, v48;
	v43 =	vmul.f32 v43, v2;
	(xrf2) =	vadd.scan.msk.f32 $0xffff, v9  }
0x34a: {  	v9 =	vsel vm0, v50, v52;
	v50 =	vmul.f32 $2.000000030e-01, v49;
	v52 =	vadd.f32 v57, v44  }
0x34b: {  	vm0 =	vge.f32 v49, $0.0e+00;
	v43 =	vadd.f32 v43, v48;
	v9 =	vmul.f32 v9, v3  }
0x34c: {  	s15 =	sadd.s32 $0x8, s15;
	v48 =	vsel vm0, v49, v50;
	v49 =	vmul.f32 $2.000000030e-01, v52;
	v50 =	vadd.f32 v51, v45  }
0x34d: {  	s3 =	sadd.s32 $0x2, s3;
	s4 =	sand.u32 $0xC0, s15;
	vm0 =	vge.f32 v52, $0.0e+00;
	v9 =	vadd.f32 v9, v43;
	v43 =	vmul.f32 v48, v4  }
0x34e: {  	s4 =	sshrl.u32 s4, $0x2;
	s12 =	sadd.s32 $0xFFFFFFFF, s3;
	v51 =	vadd.f32 v56, v46;
	v48 =	vsel vm0, v52, v49;
	v49 =	vmul.f32 $2.000000030e-01, v50  }
0x34f: {  	p2 =	slt.u32 s12, $0x3E;
	vm0 =	vge.f32 v50, $0.0e+00;
	v9 =	vadd.f32 v43, v9;
	v48 =	vmul.f32 v48, v5;
	v43 =	vld [tilespmem:s4+$0xA080]  }
.Ltmp11:
0x350: {  	v52 =	vadd.f32 v58, v47;
	v49 =	vsel vm0, v50, v49;
	v50 =	vmul.f32 $2.000000030e-01, v51;
	(pc) =	sbr.rel @p2 .LBB2_17-.Ltmp11, $4  }
0x351: {  	vm0 =	vge.f32 v51, $0.0e+00;
	v9 =	vadd.f32 v48, v9;
	v48 =	vmul.f32 v49, v6  }
0x352: {  	v49 =	vsel vm0, v51, v50;
	vm0 =	vge.f32 v52, $0.0e+00;
	v50 =	vmul.f32 $2.000000030e-01, v52  }
0x353: {  	v48 =	vadd.f32 v48, v9;
	v49 =	vmul.f32 v49, v7;
	v9 =	vmov s3;
	v51, _, _ =	vpop (xrf2)  }
0x354: {  	s26 =	sand.u32 $0xE, s12;
	s21 =	sadd.s32 $0x100, s21;
	v50 =	vsel vm0, v52, v50;
	v51 =	vperm.xlane v51, v0;
	v52 =	vperm.xlane v43, v9  }
0x355: {  	v61 =	vmov v10  }
0x356: {  	v62 =	vmovc v11;
	v63 =	vmovc v12;
	v53 =	vmov v13;
	v54 =	vmov v14;
	v55 =	vmov v15  }
0x357: {  	v56 =	vmovc v16;
	v57 =	vmovc v17;
	v58 =	vmov v21;
	v10 =	vmov v40;
	v40 =	vmov v27  }
0x358: {  	v11 =	vmovc v39;
	v39 =	vmovc v29;
	v12 =	vmov v41;
	v41 =	vmov v30;
	v13 =	vmov v42  }
0x359: {  	v42 =	vmovc v31;
	v14 =	vmovc v44;
	v44 =	vmov v32;
	v15 =	vmov v45;
	v59 =	vmov v33  }
0x35a: {  	s3 =	smov.u32 s1;
	v16 =	vmovc v46;
	v60 =	vmovc v34;
	v17 =	vmov v47;
	s1 =	smov.u32 s20;
	v21 =	vmov v35;
	v35 =	vmov v28  }
.LBB2_19:
0x35b: {  	v27 =	vsub.f32 v51, v52;
	_ =	sdelay $0x1  }
0x35c: {  	v28 =	vadd.f32 v49, v48;
	v29 =	vmul.f32 v50, v8;
	v27 =	vmul.f32 $1.442695020e+00, v27;
	_ =	sdelay $0x1  }
0x35d: {  	v28 =	vadd.f32 v29, v28;
	(erf) = vpow2.f32 v27  }
0x35e: {  	v29 =	vmul.f32 @p0 v37, v62  }
0x35f: {  	v27 =	vmul.f32 @p0 v37, v61;
	(xrf2) =	vadd.scan.msk.f32 $0xffff, v28;
	v28 =	vperm.xlane @p1 v38, v0  }
0x360: {  	[tilespmem:s3+$0xFFFFFF90] =	vst @p0 v29;
	v29 =	vmul.f32 @p0 v37, v53  }
0x361: {  	[tilespmem:s3+$0xFFFFFF80] =	vst @p0 v27;
	v27 =	vmul.f32 @p0 v37, v63;
	v28 =	vsub.f32 @p1 v28, v36  }
0x362: {  	v30 =	vmul.f32 @p0 v37, v54;
	[tilespmem:s3+$0xFFFFFFB0] =	vst @p0 v29  }
0x363: {  	v29 =	vmul.f32 @p0 v37, v56;
	[tilespmem:s3+$0xFFFFFFA0] =	vst @p0 v27;
	v27 =	vmul.f32 @p1 $1.442695020e+00, v28  }
0x364: {  	[tilespmem:s3+$0xFFFFFFC0] =	vst @p0 v30;
	v28 =	vmul.f32 @p0 v37, v55  }
0x365: {  	[tilespmem:s3+$0xFFFFFFE0] =	vst @p0 v29;
	(erf) = vpow2.f32 @p1 v27;
	v27 =	vmul.f32 @p0 v37, v57  }
0x366: {  	[tilespmem:s3+$0xFFFFFFD0] =	vst @p0 v28;
	v50 =	vpop (erf)  }
0x367: {  	[tilespmem:s3+$0xFFFFFFF0] =	vst @p0 v27;
	v24 =	vmul.f32 v50, v24  }
0x368: {  	v51 =	vmov s26;
	[tilespmem:v58+s10+$0x0] =	vst.idx.msk @p0 $0x1, v37;
	v22 =	vmul.f32 v50, v22  }
0x369: {  	v52 =	vperm.xlane v43, v51;
	v53, _, _ =	vpop (xrf2);
	v20 =	vmul.f32 v50, v20;
	[tilespmem:s1+$0x0] =	vst v24  }
0x36a: {  	v19 =	vmul.f32 v50, v19;
	v54 =	vperm.xlane v53, v0;
	[tilespmem:s1+$0x10] =	vst v22  }
0x36b: {  	v18 =	vmul.f32 v50, v18;
	[tilespmem:s1+$0x20] =	vst v20  }
0x36c: {  	v56 =	vmul.f32 v50, v23;
	[tilespmem:s1+$0x30] =	vst v19;
	v55 =	vsub.f32 v54, v52  }
0x36d: {  	v57 =	vmul.f32 v50, v25;
	[tilespmem:s1+$0x40] =	vst v18  }
0x36e: {  	v58 =	vmul.f32 v50, v26;
	[tilespmem:s1+$0x50] =	vst v56;
	v20 =	vmul.f32 $1.442695020e+00, v55  }
0x36f: {  	[tilespmem:s1+$0x60] =	vst v57;
	v22 =	vmov @p1 v35;
	v24 =	vmov @p1 v40;
	v23 =	vpop @p1 (erf)  }
0x370: {  	[tilespmem:s1+$0x70] =	vst v58;
	v18 =	vpsel p1, v22, v0;
	v19 =	vpsel p1, v24, v0;
	v22 =	vpsel p1, v23, v0  }
0x371: {  	s3 =	smov.u32 @p1 s11;
	[tilespmem:v9+s10+$0x0] =	vst.idx.msk $0x1, v50;
	v23 =	vmov @p1 v41;
	v19 =	vmul.f32 @p1 v22, v19  }
0x372: {  	s3 =	smov.u32 @p1 s3;
	(erf) = vpow2.f32 v20;
	v18 =	vmul.f32 @p1 v22, v18;
	v23 =	vpsel p1, v23, v0;
	v20 =	vmovc @p1 v39  }
0x373: {  	[tilespmem:s3+$0xFFFFFF90] =	vst @p1 v19;
	v19 =	vmul.f32 @p1 v22, v23;
	v9 =	vpsel p1, v20, v0  }
0x374: {  	[tilespmem:s3+$0xFFFFFF80] =	vst @p1 v18;
	v9 =	vmul.f32 @p1 v22, v9  }
0x375: {  	v24 =	vmov @p1 v59;
	v23 =	vmov @p1 v60;
	[tilespmem:s3+$0xFFFFFFB0] =	vst @p1 v19  }
0x376: {  	v18 =	vmov @p1 v44;
	v19 =	vpsel p1, v23, v0;
	[tilespmem:s3+$0xFFFFFFA0] =	vst @p1 v9;
	v9 =	vpsel p1, v24, v0  }
0x377: {  	v18 =	vpsel p1, v18, v0;
	v19 =	vmul.f32 @p1 v22, v19;
	v9 =	vmul.f32 @p1 v22, v9  }
0x378: {  	v21 =	vpsel p1, v21, v0;
	v20 =	vmov @p1 v42;
	v18 =	vmul.f32 @p1 v22, v18  }
0x379: {  	v20 =	vpsel p1, v20, v0;
	[tilespmem:s3+$0xFFFFFFF0] =	vst @p1 v19  }
0x37a: {  	v20 =	vmul.f32 @p1 v22, v20;
	[tilespmem:s3+$0xFFFFFFD0] =	vst @p1 v18  }
0x37b: {  	[tilespmem:s3+$0xFFFFFFE0] =	vst @p1 v9;
	v9 =	vpop (erf)  }
0x37c: {  	[tilespmem:s3+$0xFFFFFFC0] =	vst @p1 v20;
	v10 =	vmul.f32 v9, v10  }
0x37d: {  	[tilespmem:v21+s10+$0x0] =	vst.idx.msk @p1 $0x1, v22;
	v11 =	vmul.f32 v9, v11  }
0x37e: {  	v60 =	vmov s12;
	v62 =	vmul.f32 v9, v14;
	[tilespmem:s1+$0xFFFFFF80] =	vst v10  }
0x37f: {  	v61 =	vand.u32 $0xFFFFFFFE, v60;
	v63 =	vmul.f32 v9, v17;
	[tilespmem:s1+$0xFFFFFF90] =	vst v11  }
0x380: {  	v10 =	vmul.f32 v9, v12;
	v12 =	vbroadcast v61, $0x0;
	[tilespmem:s1+$0xFFFFFFC0] =	vst v62  }
0x381: {  	v11 =	vmul.f32 v9, v13;
	[tilespmem:s1+$0xFFFFFFF0] =	vst v63  }
0x382: {  	[tilespmem:s1+$0xFFFFFFA0] =	vst v10;
	v10 =	vmul.f32 v9, v15  }
0x383: {  	[tilespmem:s1+$0xFFFFFFB0] =	vst v11;
	v11 =	vmul.f32 v9, v16  }
0x384: {  	[tilespmem:s1+$0xFFFFFFD0] =	vst v10  }
0x385: {  	[tilespmem:s1+$0xFFFFFFE0] =	vst v11  }
0x386: {  	[tilespmem:v12+s10+$0x0] =	vst.idx.msk $0x1, v9  }
0x387: {  	p0 =	seq.s32 s7, $0xF;
	_ =	swait.ge [sflag:s2], $0x2000  }
.Ltmp12:
0x388: {  	[sflag:s2] =	ssyncset.done $0x0;
	(pc) =	sbr.rel @p0 .LBB2_21-.Ltmp12, $4  }
0x389: {  	[sflag:s2] =	ssyncadd.s32 $0xFFFFE000  }
0x38a: {  	_ =	swait.ge [sflag:s2], $0x40  }
0x38b: {  	[sflag:s2] =	ssyncset.done $0x0  }
0x38c: {  	[sflag:s2] =	ssyncadd.s32 $0xFFFFFFC0  }
0x38d: {  	s1 =	sadd.s32 $0x100, s9;
	s3 =	simm.s32 $0x6000  }
0x38e: {  	[tilespmem:s3], [sflag:$0x1] =	stream.indirect.gather [hbm4b:s17+s25], $0x80, s1, s25, $0xb8;
	[tilespmem:$0x1E500] =	vst v63  }
0x38f: {  	s26 =	sadd.s32 $0x1100, s9  }
0x390: {  	[tilespmem:s22], [sflag:$0x1] =	stream.indirect.gather [hbm4b:s18+s25], $0x80, s26, s25, $0xb8;
	[tilespmem:$0x1E500] =	vst v63  }
0x391: {  	_ = 	snop  }
0x392: {  	[tilespmem:s28], [sflag:$0x1] =	stream.indirect.gather [hbm4b:s19+s25], $0x1, s26, s25, $0xb8;
	[tilespmem:$0x1E500] =	vst v63  }
.Ltmp13:
0x393: {  	_ = 	snop;
	(pc) =	sbr.rel .LBB2_3-.Ltmp13, $4  }
0x394: {  	_ = 	snop  }
0x395: {  	[spmem:s14] =	stream.indirect.scatter.add.f32 [tilespmem:s31], [sflag:$0x4], $0x80, s8, s25, $0xb8;
	[tilespmem:$0x1E500] =	vst v63  }
0x396: {  	s7 =	sadd.s32 $0x1, s7  }
0x397: {  	[spmem:s16] =	stream.indirect.scatter.add.f32 [tilespmem:s10], [sflag:$0x4], $0x1, s8, s25, $0xb8;
	[tilespmem:$0x1E500] =	vst v63  }
.LBB2_4:
.Ltmp14:
0x398: {  	(pc) =	sbr.rel .LBB2_11-.Ltmp14, $2  }
0x399: {  	_ =	sdelay $0x2  }
0x39a: {  	s4 =	smov.u32 s26;
	s24 =	simm.s32 $0x0;
	v35 =	vmov v9;
	p3 =	por $0x0, $0x0  }
.LBB2_12:
.Ltmp15:
0x39b: {  	(pc) =	sbr.rel .LBB2_19-.Ltmp15, $2  }
0x39c: {  	_ =	sdelay $0x2  }
0x39d: {  	p1 =	por $0x0, $0x0  }
.LBB2_6:
.Ltmp16:
0x39e: {  	v36 =	vmovc v10;
	v41 =	vmov v11;
	v40 =	vmov v12;
	v42 =	vmov v13;
	(pc) =	sbr.rel .LBB2_11-.Ltmp16, $4  }
0x39f: {  	v43 =	vmovc v14;
	v18 =	vmovc v45;
	v45 =	vmov v15;
	v19 =	vmov v46;
	v46 =	vmov v16  }
0x3a0: {  	v61 =	vmovc v17;
	v10 =	vmovc v28;
	v20 =	vmov v54;
	v11 =	vmov v27;
	v12 =	vmov v29  }
0x3a1: {  	v22 =	vmovc v55;
	v24 =	vmovc v56;
	v13 =	vmov v30;
	v23 =	vmov v57;
	v14 =	vmov v31  }
0x3a2: {  	v15 =	vmovc v32;
	v16 =	vmovc v33;
	v17 =	vmov v34;
	s11 =	simm.s32 $0x2080;
	s1 =	simm.s32 $0x2180;
	v25 =	vmov v47;
	v26 =	vmov v48;
	p3 =	por $0x0, $0x0  }
.LBB2_14:
.Ltmp17:
0x3a3: {  	v35 =	vmovc v10;
	v40 =	vmov v11;
	v39 =	vmov v12;
	v41 =	vmov v13;
	(pc) =	sbr.rel .LBB2_19-.Ltmp17, $4  }
0x3a4: {  	v42 =	vmovc v14;
	v44 =	vmovc v15;
	v59 =	vmov v16;
	v60 =	vmov v17;
	v10 =	vmov v28  }
0x3a5: {  	v11 =	vmovc v27;
	v12 =	vmovc v29;
	v18 =	vmov v53;
	v19 =	vmov v54;
	v13 =	vmov v30  }
0x3a6: {  	v20 =	vmovc v55;
	v14 =	vmovc v31;
	v22 =	vmov v56;
	v24 =	vmov v57;
	v15 =	vmov v32  }
0x3a7: {  	v16 =	vmovc v33;
	v17 =	vmovc v34;
	s11 =	simm.s32 $0x4080;
	s1 =	simm.s32 $0x4180;
	v23 =	vmov v45;
	v25 =	vmov v46;
	v26 =	vmov v47  }
.LBB2_8:
0x3a8: {  	v62 =	vmov v10  }
.Ltmp18:
0x3a9: {  	v63 =	vmovc v11;
	v54 =	vmovc v12;
	v55 =	vmov v13;
	v56 =	vmov v14;
	v57 =	vmov v15;
	(pc) =	sbr.rel .LBB2_11-.Ltmp18, $4  }
0x3aa: {  	v58 =	vmovc v16;
	v59 =	vmovc v17;
	v60 =	vmov v21;
	v10 =	vmov v41;
	v41 =	vmov v27  }
0x3ab: {  	v11 =	vmovc v40;
	v40 =	vmovc v29;
	v12 =	vmov v42;
	v42 =	vmov v30;
	v13 =	vmov v43  }
0x3ac: {  	v43 =	vmovc v31;
	v14 =	vmovc v45;
	v45 =	vmov v32;
	v15 =	vmov v46;
	v46 =	vmov v33  }
0x3ad: {  	s3 =	simm.s32 $0x2080;
	v16 =	vmovc v47;
	v61 =	vmovc v34;
	v17 =	vmov v48;
	s1 =	simm.s32 $0x2280;
	v21 =	vmov v36;
	v36 =	vmov v28  }
.LBB2_16:
0x3ae: {  	v61 =	vmov v10  }
.Ltmp19:
0x3af: {  	v62 =	vmovc v11;
	v63 =	vmovc v12;
	v53 =	vmov v13;
	v54 =	vmov v14;
	v55 =	vmov v15;
	(pc) =	sbr.rel .LBB2_19-.Ltmp19, $4  }
0x3b0: {  	v56 =	vmovc v16;
	v57 =	vmovc v17;
	v58 =	vmov v21;
	v10 =	vmov v40;
	v40 =	vmov v27  }
0x3b1: {  	v11 =	vmovc v39;
	v39 =	vmovc v29;
	v12 =	vmov v41;
	v41 =	vmov v30;
	v13 =	vmov v42  }
0x3b2: {  	v42 =	vmovc v31;
	v14 =	vmovc v44;
	v44 =	vmov v32;
	v15 =	vmov v45;
	v59 =	vmov v33  }
0x3b3: {  	s3 =	simm.s32 $0x4080;
	v16 =	vmovc v46;
	v60 =	vmovc v34;
	v17 =	vmov v47;
	s1 =	simm.s32 $0x4280;
	v21 =	vmov v35;
	v35 =	vmov v28  }
.LBB2_23:
0x3b4: {  	_ =	sfence.sel $0x180000  }
0x3b5: {  	[bflag:$0x0] =	sbarrier.arrive $0xFFFF  }
0x3b6: {  	_ =	strace $0x9000004D  }
0x3b7: {  	s0 =	stileid.u32;
	[bflag:$0x2] =	sbarrier.arrive $0xFFFF  }
0x3b8: {  	p0 =	sne.s32 s0, $0x0;
	s0 =	rddreg [dreg:$0x5]  }
0x3b9: {  	s0 =	sadd.s32 @!p0 $0x100000, s0  }
0x3ba: {  	[sflag:s0] =	ssyncadd.tile.s32 @!p0 $0x1;
	_ =	shalt  }
.Lfunc_end2:
_tile_overlayer_lowered:
.L_overlay_start_2:
0x3bb: {  	(tag) =	ssettag $0x2  }
0x3bc: {  	s0 =	rddreg [dreg:$0x0];
	s2 =	stileid.u32  }
0x3bd: {  	s1 =	rddreg [dreg:$0x1];
	p0 =	sne.s32 s2, $0x0  }
0x3be: {  	s3 =	rddreg [dreg:$0x2];
	[bflag:$0x3] =	sbarrier.arrive $0xFFFF;
	s2 =	simm.s32 @!p0 $0x1C05  }
0x3bf: {  	[timem:s3], [sflag:s2] =	dma.local @!p0 [hbm:s0], s1  }
0x3c0: {  	s0 =	simm.s32 @!p0 $0x5  }
0x3c1: {  	_ =	swait.ge @!p0 [sflag:s0], s1  }
0x3c2: {  	s1 =	ssub.s32 @!p0 $0x0, s1;
	[sflag:s0] =	ssyncset.done @!p0 $0x0  }
0x3c3: {  	[sflag:s0] =	ssyncadd.s32 @!p0 s1  }
0x3c4: {  	[bflag:$0x3] =	sbarrier.arrive $0xFFFF  }
0x3c5: {  	_ =	shalt  }

// kernel: kernel.8.cloned.1.call-start
scs
__scs_entry_jumppad:
0x0: {  	(pc) =	sbr.rel $0x88, $3  }
0x1: {  	(tag) =	ssettag $0x0;
	lr =	simm.s32 $0x1  }
0x2: {  	[smem:$0x3F97] =	sst lr;
	_ =	strace $0xD0000000  }
0x3: {  	_ = 	snop  }
0x4: {  	_ = 	snop  }
0x5: {  	_ = 	snop  }
0x6: {  	_ = 	snop  }
0x7: {  	_ = 	snop  }
__scs_overlays_trampoline_lowered:
0x8: {  	[smem:$0x3FA6] =	sst s0  }
0x9: {  	[smem:$0x3FA7] =	sst s1  }
0xa: {  	[smem:$0x3FA8] =	sst s2  }
0xb: {  	[smem:$0x3FA9] =	sst s3  }
0xc: {  	[smem:$0x3FAA] =	sst s4  }
0xd: {  	[smem:$0x3FAB] =	sst s5  }
0xe: {  	[smem:$0x3FAC] =	sst s6  }
0xf: {  	[smem:$0x3FAD] =	sst s7  }
0x10: {  	[smem:$0x3FAE] =	sst s8  }
0x11: {  	[smem:$0x3FAF] =	sst s9;
	s0 =	simm.s32 @!p0 $0x0  }
0x12: {  	s1 =	sld [smem:$0x3F95];
	s0 =	simm.s32 @p0 $0x1  }
0x13: {  	[smem:$0x3FB0] =	sst s0;
	s0 =	simm.s32 @!p1 $0x0  }
0x14: {  	s2 =	sld [smem:$0x3F94];
	s0 =	simm.s32 @p1 $0x1  }
0x15: {  	[smem:$0x3FB1] =	sst s0;
	s0 =	simm.s32 @!p2 $0x0  }
0x16: {  	s3 =	sld [smem:$0x3FDB];
	s0 =	simm.s32 @p2 $0x1  }
0x17: {  	s4 =	simm.s32 $0x1BF5;
	[smem:$0x3FB3] =	sst s0  }
0x18: {  	s0 =	sld [smem:$0x3F96];
	_ =	swait.ge [sflag:s4], $0x0  }
0x19: {  	s7 =	sld [smem:$0x3F97]  }
0x1a: {  	s8 =	sadd.s32 $0xFFFFE003, lr  }
0x1b: {  	s9 =	sadd.s32 $0xFFFFFEF7, lr;
	s5 =	simm.s32 $0xFFFFFFFF;
	p2 =	slt.u32 s8, $0xFFFFF086  }
0x1c: {  	p1 =	slt.u32 s9, $0xF7A;
	s5 =	simm.s32 @!p2 $0x0  }
0x1d: {  	s5 =	simm.s32 @p1 $0x1;
	p0 =	seq.s32 s7, s2  }
0x1e: {  	s7 =	smul.u32 @!p0 $0xF7A, s2;
	p2 =	seq.s32 @!p0 s5, $0x0  }
0x1f: {  	s9 =	smul.u32 $0xF7A, s1;
	s8 =	simm.s32 @!p0 $0x1BF5;
	p2 =	por !p2, p0  }
0x20: {  	[sflag:s8] =	ssyncset.s32 @!p0 $0xFFFFF086;
	s6 =	sadd.s32 @!p0 s3, s7;
	s7 =	simm.s32 @!p0 $0x108  }
0x21: {  	s3 =	sadd.s32 s3, s9;
	s6 =	sadd.s32 @!p0 $0x88, s6;
	s7 =	simm.s32 @p2 $0x1082  }
0x22: {  	[simem:s7], [sflag:s8] =	dma.local @!p0 [hbm:s6], $0xF7A  }
0x23: {  	s9 =	sor.u32 $0xD0000000, s2;
	s6 =	simm.s32 $0x108;
	_ =	swait.ge @!p0 [sflag:s8], $0x0  }
0x24: {  	s3 =	sadd.s32 $0x88, s3;
	s6 =	simm.s32 @!p1 $0x1082;
	[sflag:s4] =	ssyncset.s32 $0xFFFFF086  }
0x25: {  	[simem:s6], [sflag:s4] =	dma.local [hbm:s3], $0xF7A  }
0x26: {  	[smem:$0x3F97] =	sst s1;
	(tag) =	ssettag s2;
	_ =	strace s9  }
0x27: {  	s1 =	sld [smem:$0x3FA7]  }
0x28: {  	s2 =	sld [smem:$0x3FA8]  }
0x29: {  	s4 =	sld [smem:$0x3FAA]  }
0x2a: {  	p0 =	seq.s32 s5, $0x0;
	s5 =	sld [smem:$0x3FAB]  }
0x2b: {  	s6 =	sld [smem:$0x3FAC]  }
0x2c: {  	s7 =	sld [smem:$0x3FAD]  }
0x2d: {  	s3 =	simm.s32 $0x108;
	s8 =	sld [smem:$0x3FAE]  }
0x2e: {  	s3 =	simm.s32 @!p0 $0x1082;
	s9 =	sld [smem:$0x3FAF]  }
0x2f: {  	lr =	sadd.s32 s0, s3;
	s0 =	sld [smem:$0x3FA6]  }
0x30: {  	s3 =	sld [smem:$0x3FA9]  }
0x31: {  	[smem:$0x3FB2] =	sst s10  }
0x32: {  	s10 =	sld [smem:$0x3FB0];
	_ =	sdelay $0x3  }
0x33: {  	p0 =	seq.s32 s10, $0x1;
	s10 =	sld [smem:$0x3FB2];
	_ =	sdelay $0x3  }
0x34: {  	[smem:$0x3FB2] =	sst s10  }
0x35: {  	s10 =	sld [smem:$0x3FB1];
	_ =	sdelay $0x3  }
0x36: {  	p1 =	seq.s32 s10, $0x1;
	s10 =	sld [smem:$0x3FB2];
	_ =	sdelay $0x3  }
0x37: {  	[smem:$0x3FB2] =	sst s10  }
0x38: {  	s10 =	sld [smem:$0x3FB3]  }
0x39: {  	_ = 	snop;
	(pc) =	sbr.ind lr, $3  }
0x3a: {  	_ = 	snop  }
0x3b: {  	_ = 	snop  }
0x3c: {  	p2 =	seq.s32 s10, $0x1;
	s10 =	sld [smem:$0x3FB2]  }
0x3d: {  	_ =	shalt  }
0x3e: {  	_ =	shalt  }
0x3f: {  	_ =	shalt  }
0x40: {  	_ =	shalt  }
0x41: {  	_ =	shalt  }
0x42: {  	_ =	shalt  }
0x43: {  	_ =	shalt  }
0x44: {  	_ =	shalt  }
0x45: {  	_ =	shalt  }
0x46: {  	_ =	shalt  }
0x47: {  	_ =	shalt  }
0x48: {  	_ =	shalt  }
0x49: {  	_ =	shalt  }
0x4a: {  	_ =	shalt  }
0x4b: {  	_ =	shalt  }
0x4c: {  	_ =	shalt  }
0x4d: {  	_ =	shalt  }
0x4e: {  	_ =	shalt  }
0x4f: {  	_ =	shalt  }
0x50: {  	_ =	shalt  }
0x51: {  	_ =	shalt  }
0x52: {  	_ =	shalt  }
0x53: {  	_ =	shalt  }
0x54: {  	_ =	shalt  }
0x55: {  	_ =	shalt  }
0x56: {  	_ =	shalt  }
0x57: {  	_ =	shalt  }
0x58: {  	_ =	shalt  }
0x59: {  	_ =	shalt  }
0x5a: {  	_ =	shalt  }
0x5b: {  	_ =	shalt  }
0x5c: {  	_ =	shalt  }
0x5d: {  	_ =	shalt  }
0x5e: {  	_ =	shalt  }
0x5f: {  	_ =	shalt  }
0x60: {  	_ =	shalt  }
0x61: {  	_ =	shalt  }
0x62: {  	_ =	shalt  }
0x63: {  	_ =	shalt  }
0x64: {  	_ =	shalt  }
0x65: {  	_ =	shalt  }
0x66: {  	_ =	shalt  }
0x67: {  	_ =	shalt  }
0x68: {  	_ =	shalt  }
0x69: {  	_ =	shalt  }
0x6a: {  	_ =	shalt  }
0x6b: {  	_ =	shalt  }
0x6c: {  	_ =	shalt  }
0x6d: {  	_ =	shalt  }
0x6e: {  	_ =	shalt  }
0x6f: {  	_ =	shalt  }
0x70: {  	_ =	shalt  }
0x71: {  	_ =	shalt  }
0x72: {  	_ =	shalt  }
0x73: {  	_ =	shalt  }
0x74: {  	_ =	shalt  }
0x75: {  	_ =	shalt  }
0x76: {  	_ =	shalt  }
0x77: {  	_ =	shalt  }
0x78: {  	_ =	shalt  }
0x79: {  	_ =	shalt  }
0x7a: {  	_ =	shalt  }
0x7b: {  	_ =	shalt  }
0x7c: {  	_ =	shalt  }
0x7d: {  	_ =	shalt  }
0x7e: {  	_ =	shalt  }
0x7f: {  	_ =	shalt  }
0x80: {  	_ =	shalt  }
0x81: {  	_ =	shalt  }
0x82: {  	_ =	shalt  }
0x83: {  	_ =	shalt  }
0x84: {  	_ =	shalt  }
0x85: {  	_ =	shalt  }
0x86: {  	_ =	shalt  }
0x87: {  	_ =	shalt  }
.Lfunc_end0:
.L_simem_size_0:
called_computation_lowered:
.L_overlay_start_0:
0x88: {  	s2 =	sld [smem:$0x3FD9]  }
0x89: {  	s3 =	sld [smem:$0x3FFE];
	_ =	sdelay $0x1  }
0x8a: {  	s1 =	srdreg.scid  }
0x8b: {  	s0 =	sand.u32 $0x1, s1  }
0x8c: {  	s17 =	sshll.u32 s0, $0xA;
	s2 =	sadd.s32 s3, s2  }
0x8d: {  	s2 =	sadd.s32 s2, s17  }
0x8e: {  	[smem:$0x3FBE] =	sst s2  }
0x8f: {  	_ = 	snop  }
0x90: {  	s2 =	sld [smem:$0x3FD0];
	(tm) =	ssettm $0x1  }
0x91: {  	s18 =	sld [smem:$0x3FFB];
	_ =	sdelay $0x3  }
0x92: {  	_ =	strace s18  }
0x93: {  	s3 =	sld [smem:$0x3FFC];
	_ =	sdelay $0x3  }
0x94: {  	_ =	strace s3  }
0x95: {  	s3 =	sld [smem:$0x3FFD];
	_ =	sdelay $0x3  }
0x96: {  	_ =	strace s3  }
0x97: {  	_ =	strace $0x8FFFFFFF  }
0x98: {  	s19 =	sld [smem:$0x3FDB];
	_ =	sdelay $0x1  }
0x99: {  	s4 =	simm.s32 $_scs_section_size  }
0x9a: {  	s5 =	simm.s32 $_size__tile_overlayer_lowered;
	s6 =	simm.s32 $_tile_overlayer_lowered  }
0x9b: {  	s22 =	simm.s32 $0x1BFF;
	s21 =	sshll.u32 s6, $0x1;
	s3 =	sadd.s32 s4, s19  }
0x9c: {  	s7 =	simm.s32 $0x0;
	s20 =	sshll.u32 s5, $0x1;
	s5 =	sadd.s32 s21, s3  }
0x9d: {  	[timem:s7], [sflag:s22] =	dma.local [hbm:s5], s20  }
0x9e: {  	_ =	swait.ge [sflag:s22], s20  }
0x9f: {  	s4 =	ssub.s32 $0x0, s20;
	[sflag:s22] =	ssyncset.done $0x0  }
0xa0: {  	[sflag:s22] =	ssyncadd.s32 s4;
	_ =	sdelay $0x1  }
0xa1: {  	s23 =	simm.s32 $0x1B8B  }
0xa2: {  	_ =	swait.ge [sflag:s23], $0x1  }
0xa3: {  	[sflag:s23] =	ssyncset.done $0x0  }
0xa4: {  	s25 =	simm.s32 $0x1B8E;
	s24 =	sld [smem:$0x3FFE];
	[sflag:s23] =	ssyncadd.s32 $0xFFFFFFFF  }
0xa5: {  	s26 =	simm.s32 $execute0_lowered;
	[smem:$0x3FD2] =	sst s25  }
0xa6: {  	s5 =	sshll.u32 s26, $0x1;
	_ =	strace $0x80000046;
	[dreg:$0x1] =	wrdreg $0xFFFFFFFF  }
0xa7: {  	s28 =	simm.s32 $_size_execute0_lowered;
	s3 =	sadd.s32 s3, s5;
	[dreg:$0x0] =	wrdreg $0x0  }
0xa8: {  	s5 =	sshll.u32 s28, $0x1;
	[dreg:$0x2] =	wrdreg s3  }
0xa9: {  	[dreg:$0x3] =	wrdreg s5  }
0xaa: {  	[dreg:$0x4] =	wrdreg $0xC0  }
0xab: {  	_ =	task [dreg:s7], $0x5FFFF  }
0xac: {  	[dreg:$0x1] =	wrdreg $0xFFFFFFFF  }
0xad: {  	[dreg:$0x0] =	wrdreg $0x60  }
0xae: {  	[dreg:$0x2] =	wrdreg s24  }
0xaf: {  	[dreg:$0x3] =	wrdreg s2  }
0xb0: {  	[dreg:$0x4] =	wrdreg $0x29000  }
0xb1: {  	[dreg:$0x5] =	wrdreg $0x9  }
0xb2: {  	_ =	task.clear_ibuf [dreg:s7], $0x6FFFF;
	_ =	strace $0x90000046  }
0xb3: {  	s29 =	simm.s32 $0x9;
	_ =	strace $0x80000048  }
0xb4: {  	_ =	swait.ge [sflag:s29], $0x1  }
0xb5: {  	[sflag:s29] =	ssyncadd.s32 $0xFFFFFFFF  }
0xb6: {  	_ =	strace $0x90000048  }
0xb7: {  	_ =	sfence  }
0xb8: {  	s30 =	sld [smem:$0x0];
	_ =	sdelay $0x2  }
0xb9: {  	s31 =	sshll.u32 s1, $0xD;
	s1 =	sshrl.u32 s1, $0x2  }
0xba: {  	s3 =	sand.u32 $0x4000, s31;
	s1 =	sadd.s32 s1, s30  }
0xbb: {  	s0 =	sor.u32 s3, s0;
	s1 =	sshll.u32 s1, $0x11  }
0xbc: {  	s0 =	sor.u32 s1, s0  }
0xbd: {  	s0 =	sadd.s32 $0x8F2B, s0  }
0xbe: {  	[sflag:s0] =	ssyncadd.remote.s32 $0x1  }
0xbf: {  	_ =	sfence.sel $0xFFFF  }
0xc0: {  	[dreg:$0x0] =	wrdreg $0xFFFFFFFF;
	(pc) =	sbr.abs _section_cstart, $3  }
0xc1: {  	[dreg:$0x1] =	wrdreg $0xFFFFFFFF  }
0xc2: {  	_ =	task.clear_ibuf [dreg:s7], $0x2FFFF;
	_ =	strace $0x9FFFFFFF  }
0xc3: {  	(tm) =	ssettm $0x7FFFFFFF  }
tec
execute0_lowered:
.L_overlay_start_1:
0x0: {  	(tag) =	ssettag $0x1  }
0x1: {  	s4 =	rddreg [dreg:$0x0]  }
0x2: {  	s0 =	srdreg.scid;
	s9 =	rddreg [dreg:$0x1]  }
0x3: {  	s2 =	rddreg [dreg:$0x2];
	s3 =	simm.s32 $0x0;
	s17 =	simm.s32 $0x2880  }
0x4: {  	s18 =	simm.s32 $0x1;
	s19 =	simm.s32 $0x80;
	s20 =	simm.s32 $0x2800  }
0x5: {  	s21 =	simm.s32 $0x0;
	s5 =	sand.u32 $0x1, s0;
	s0 =	stileid.u32  }
0x6: {  	[smem:$0x7FF] =	sst s3;
	s1 =	sshll.u32 s5, $0x4;
	s7 =	smul.u32 $0x280, s0  }
0x7: {  	s8 =	smul.u32 $0x2800, s5;
	s30 =	ssub.s32 $0x2, s5;
	s6 =	sor.u32 s0, s1  }
0x8: {  	s1 =	rddreg [dreg:$0x3];
	_ =	strace $0x80000047;
	s10 =	sshrl.u32 s30, $0x1  }
0x9: {  	s6 =	smul.u32 $0x500, s6;
	s5 =	sadd.s32 s7, s2;
	s7 =	sadd.s32 s7, s8  }
0xa: {  	s16 =	ssub.s32 s30, s10;
	s31 =	sshrl.u32 s7, $0x3;
	s7 =	sadd.s32 $0x100, s5  }
0xb: {  	s8 =	sadd.s32 $0x180, s5;
	s10 =	sadd.s32 $0x200, s5;
	s16 =	smax.u32 s16, $0x1  }
0xc: {  	s11 =	sadd.s32 s6, s4;
	s4 =	sadd.s32 $0x17E00, s4;
	s9 =	sadd.s32 s9, s31  }
0xd: {  	s6 =	sadd.s32 $0x80, s5;
	s11 =	sadd.s32 $0xDE00, s11;
	s12 =	sadd.s32 $0x10, s9  }
0xe: {  	v0 =	vimm.f32 $1.000000000e+00;
	s13 =	sadd.s32 $0x20, s9;
	s14 =	sadd.s32 $0x30, s9;
	s15 =	sadd.s32 $0x40, s9  }
.LBB2_1:
0xf: {  	[tilespmem:s17], [sflag:$0x1] =	stream.linear.gather [hbm4b:s4+s3], $0x80, $0x38;
	[tilespmem:$0x2B80] =	vst v63  }
0x10: {  	_ =	swait.ge [sflag:s18], $0x80  }
0x11: {  	[sflag:s18] =	ssyncset.done $0x0  }
0x12: {  	[sflag:s18] =	ssyncadd.s32 $0xFFFFFF80  }
0x13: {  	[spmem:s5] =	stream.linear.scatter [tilespmem:s17], [sflag:$0x1], $0x80, $0x38;
	[tilespmem:$0x2B80] =	vst v63  }
0x14: {  	_ =	swait.ge [sflag:s18], $0x80  }
0x15: {  	[sflag:s18] =	ssyncset.done $0x0  }
0x16: {  	[sflag:s18] =	ssyncadd.s32 $0xFFFFFF80  }
0x17: {  	[spmem:s6] =	stream.linear.scatter [tilespmem:s17], [sflag:$0x1], $0x80, $0x38;
	[tilespmem:$0x2B80] =	vst v63  }
0x18: {  	_ =	swait.ge [sflag:s18], $0x80  }
0x19: {  	[sflag:s18] =	ssyncset.done $0x0  }
0x1a: {  	[sflag:s18] =	ssyncadd.s32 $0xFFFFFF80  }
0x1b: {  	[spmem:s7] =	stream.linear.scatter [tilespmem:s17], [sflag:$0x1], $0x80, $0x38;
	[tilespmem:$0x2B80] =	vst v63  }
0x1c: {  	_ =	swait.ge [sflag:s18], $0x80  }
0x1d: {  	[sflag:s18] =	ssyncset.done $0x0  }
0x1e: {  	[sflag:s18] =	ssyncadd.s32 $0xFFFFFF80  }
0x1f: {  	[spmem:s8] =	stream.linear.scatter [tilespmem:s17], [sflag:$0x1], $0x80, $0x38;
	[tilespmem:$0x2B80] =	vst v63  }
0x20: {  	_ =	swait.ge [sflag:s18], $0x80  }
0x21: {  	[sflag:s18] =	ssyncset.done $0x0  }
0x22: {  	[sflag:s18] =	ssyncadd.s32 $0xFFFFFF80  }
0x23: {  	[spmem:s10] =	stream.linear.scatter [tilespmem:s17], [sflag:$0x1], $0x80, $0x38;
	[tilespmem:$0x2B80] =	vst v63  }
0x24: {  	_ =	swait.ge [sflag:s18], $0x80  }
0x25: {  	[sflag:s18] =	ssyncset.done $0x0  }
0x26: {  	[sflag:s18] =	ssyncadd.s32 $0xFFFFFF80  }
0x27: {  	[tilespmem:s3], [sflag:$0x1] =	stream.linear.gather [hbm4b:s11+s3], $0x2800, $0x38;
	[tilespmem:$0x2B80] =	vst v63  }
0x28: {  	_ =	swait.ge [sflag:s18], $0x2800  }
0x29: {  	[sflag:s18] =	ssyncset.done $0x0  }
0x2a: {  	[sflag:s18] =	ssyncadd.s32 $0xFFFFD800  }
0x2b: {  	[tilespmem:$0x2800] =	vst v0  }
0x2c: {  	[tilespmem:$0x2810] =	vst v0  }
0x2d: {  	[tilespmem:$0x2820] =	vst v0  }
0x2e: {  	[tilespmem:$0x2830] =	vst v0  }
0x2f: {  	[tilespmem:$0x2840] =	vst v0  }
0x30: {  	[tilespmem:$0x2850] =	vst v0  }
0x31: {  	[tilespmem:$0x2860] =	vst v0  }
0x32: {  	[tilespmem:$0x2870] =	vst v0  }
0x33: {  	s22 =	simm.s32 $0x0;
	[bflag:$0x0] =	sbarrier.arrive $0xFFFF  }
0x34: {  	[spmem:s2] =	stream.indirect.scatter.add.f32 [tilespmem:s20], [sflag:$0x1], $0x1, s22, s19, $0xb8;
	[tilespmem:$0x2B80] =	vst v63  }
0x35: {  	_ =	swait.ge [sflag:s18], $0x80  }
0x36: {  	s22 =	simm.s32 $0x200;
	[sflag:s18] =	ssyncset.done $0x0  }
.LBB2_2:
0x37: {  	s23 =	sshra.s32 s22, $0x2;
	[sflag:s18] =	ssyncadd.s32 $0xFFFFFF80;
	p0 =	sne.s32 s22, $0x9E00  }
0x38: {  	[spmem:s2] =	stream.indirect.scatter.add.f32 [tilespmem:s20], [sflag:$0x1], $0x1, s23, s19, $0xb8;
	[tilespmem:$0x2B80] =	vst v63  }
.Ltmp0:
0x39: {  	_ = 	snop;
	(pc) =	sbr.rel @p0 .LBB2_2-.Ltmp0, $4  }
0x3a: {  	_ = 	snop  }
0x3b: {  	s22 =	sadd.s32 $0x200, s22  }
0x3c: {  	_ =	swait.ge [sflag:s18], $0x80  }
0x3d: {  	[sflag:s18] =	ssyncset.done $0x0  }
0x3e: {  	[sflag:s18] =	ssyncadd.s32 $0xFFFFFF80  }
0x3f: {  	[bflag:$0x0] =	sbarrier.arrive $0xFFFF  }
0x40: {  	[tilespmem:s17], [sflag:$0x1] =	stream.linear.gather [spmem:s5], $0x80, $0x38;
	[tilespmem:$0x2B80] =	vst v63  }
0x41: {  	_ =	swait.ge [sflag:s18], $0x80  }
0x42: {  	[sflag:s18] =	ssyncset.done $0x0  }
0x43: {  	[sflag:s18] =	ssyncadd.s32 $0xFFFFFF80  }
0x44: {  	[hbm4b:s9+s3] =	stream.linear.scatter [tilespmem:s17], [sflag:$0x1], $0x80, $0x38;
	[tilespmem:$0x2B80] =	vst v63  }
0x45: {  	_ =	swait.ge [sflag:s18], $0x80  }
0x46: {  	[sflag:s18] =	ssyncset.done $0x0  }
0x47: {  	[sflag:s18] =	ssyncadd.s32 $0xFFFFFF80  }
0x48: {  	[tilespmem:s17], [sflag:$0x1] =	stream.linear.gather [spmem:s6], $0x80, $0x38;
	[tilespmem:$0x2B80] =	vst v63  }
0x49: {  	_ =	swait.ge [sflag:s18], $0x80  }
0x4a: {  	[sflag:s18] =	ssyncset.done $0x0  }
0x4b: {  	[sflag:s18] =	ssyncadd.s32 $0xFFFFFF80  }
0x4c: {  	[hbm4b:s12+s3] =	stream.linear.scatter [tilespmem:s17], [sflag:$0x1], $0x80, $0x38;
	[tilespmem:$0x2B80] =	vst v63  }
0x4d: {  	_ =	swait.ge [sflag:s18], $0x80  }
0x4e: {  	[sflag:s18] =	ssyncset.done $0x0  }
0x4f: {  	[sflag:s18] =	ssyncadd.s32 $0xFFFFFF80  }
0x50: {  	[tilespmem:s17], [sflag:$0x1] =	stream.linear.gather [spmem:s7], $0x80, $0x38;
	[tilespmem:$0x2B80] =	vst v63  }
0x51: {  	_ =	swait.ge [sflag:s18], $0x80  }
0x52: {  	[sflag:s18] =	ssyncset.done $0x0  }
0x53: {  	[sflag:s18] =	ssyncadd.s32 $0xFFFFFF80  }
0x54: {  	[hbm4b:s13+s3] =	stream.linear.scatter [tilespmem:s17], [sflag:$0x1], $0x80, $0x38;
	[tilespmem:$0x2B80] =	vst v63  }
0x55: {  	_ =	swait.ge [sflag:s18], $0x80  }
0x56: {  	[sflag:s18] =	ssyncset.done $0x0  }
0x57: {  	[sflag:s18] =	ssyncadd.s32 $0xFFFFFF80  }
0x58: {  	[tilespmem:s17], [sflag:$0x1] =	stream.linear.gather [spmem:s8], $0x80, $0x38;
	[tilespmem:$0x2B80] =	vst v63  }
0x59: {  	_ =	swait.ge [sflag:s18], $0x80  }
0x5a: {  	[sflag:s18] =	ssyncset.done $0x0  }
0x5b: {  	[sflag:s18] =	ssyncadd.s32 $0xFFFFFF80  }
0x5c: {  	[hbm4b:s14+s3] =	stream.linear.scatter [tilespmem:s17], [sflag:$0x1], $0x80, $0x38;
	[tilespmem:$0x2B80] =	vst v63  }
0x5d: {  	_ =	swait.ge [sflag:s18], $0x80  }
0x5e: {  	[sflag:s18] =	ssyncset.done $0x0  }
0x5f: {  	[sflag:s18] =	ssyncadd.s32 $0xFFFFFF80  }
0x60: {  	[tilespmem:s17], [sflag:$0x1] =	stream.linear.gather [spmem:s10], $0x80, $0x38;
	[tilespmem:$0x2B80] =	vst v63  }
0x61: {  	s21 =	sadd.s32 $0x1, s21;
	_ =	swait.ge [sflag:s18], $0x80  }
0x62: {  	p0 =	sne.s32 s21, s16;
	[sflag:s18] =	ssyncset.done $0x0  }
.Ltmp1:
0x63: {  	[sflag:s18] =	ssyncadd.s32 $0xFFFFFF80;
	(pc) =	sbr.rel @p0 .LBB2_1-.Ltmp1, $4  }
0x64: {  	[hbm4b:s15+s3] =	stream.linear.scatter [tilespmem:s17], [sflag:$0x1], $0x80, $0x38;
	[tilespmem:$0x2B80] =	vst v63  }
0x65: {  	_ =	swait.ge [sflag:s18], $0x80  }
0x66: {  	[sflag:s18] =	ssyncset.done $0x0  }
0x67: {  	[sflag:s18] =	ssyncadd.s32 $0xFFFFFF80  }
0x68: {  	_ =	sfence.sel $0x180000  }
0x69: {  	[bflag:$0x0] =	sbarrier.arrive $0xFFFF  }
0x6a: {  	p0 =	sne.s32 s0, $0x0;
	_ =	strace $0x90000047  }
0x6b: {  	s0 =	sadd.s32 @!p0 $0x100000, s1;
	[bflag:$0x2] =	sbarrier.arrive $0xFFFF  }
0x6c: {  	[sflag:s0] =	ssyncadd.tile.s32 @!p0 $0x1;
	_ =	shalt  }
.Lfunc_end2:
_tile_overlayer_lowered:
.L_overlay_start_2:
0x6d: {  	(tag) =	ssettag $0x2  }
0x6e: {  	s0 =	rddreg [dreg:$0x0];
	s2 =	stileid.u32  }
0x6f: {  	s1 =	rddreg [dreg:$0x1];
	p0 =	sne.s32 s2, $0x0  }
0x70: {  	s3 =	rddreg [dreg:$0x2];
	[bflag:$0x3] =	sbarrier.arrive $0xFFFF;
	s2 =	simm.s32 @!p0 $0x1C01  }
0x71: {  	[timem:s3], [sflag:s2] =	dma.local @!p0 [hbm:s0], s1  }
0x72: {  	s0 =	simm.s32 @!p0 $0x1  }
0x73: {  	_ =	swait.ge @!p0 [sflag:s0], s1  }
0x74: {  	s1 =	ssub.s32 @!p0 $0x0, s1;
	[sflag:s0] =	ssyncset.done @!p0 $0x0  }
0x75: {  	[sflag:s0] =	ssyncadd.s32 @!p0 s1  }
0x76: {  	[bflag:$0x3] =	sbarrier.arrive $0xFFFF  }
0x77: {  	_ =	shalt  }

</sc_bundles>
